<compile_context>
chip_gen: v7x
topology: tpu7x:2x2x1
jax: 0.10.2.dev20260603
libtpu: 0.0.44.dev20260713+nightly
codegen_flags: <defaults>
</compile_context>

<pallas_src>
import functools

import jax
import jax.numpy as jnp
import numpy as np
from jax import lax
from jax.experimental import pallas as pl
from jax.experimental.pallas import tpu as pltpu
from jax.experimental.pallas import tpu_sc as plsc

_ALPHA = 4


def kernel(frames):
    B, T, C, H, W = frames.shape
    S = T // _ALPHA

    idx = np.linspace(0.0, T - 1, S).astype(np.int64)
    assert np.array_equal(idx, (np.arange(S) * (T - 1)) // (S - 1))

    NW = 32
    n_fast_planes = B * T * C
    fast_per_w = n_fast_planes // NW
    NBUF = 2

    mesh = plsc.VectorSubcoreMesh(core_axis_name="c", subcore_axis_name="s")

    @functools.partial(
        pl.kernel,
        out_type=jax.ShapeDtypeStruct((B, T, C, H, W), jnp.float32),
        mesh=mesh,
        scratch_types=[
            pltpu.VMEM((H, W), jnp.float32),
            pltpu.VMEM((H, W), jnp.float32),
            pltpu.SemaphoreType.DMA,
            pltpu.SemaphoreType.DMA,
            pltpu.SemaphoreType.DMA,
            pltpu.SemaphoreType.DMA,
        ],
    )
    def fast_copy(src_hbm, fast_hbm, b0, b1, l0, l1, s0, s1):
        buf = (b0, b1)
        lsem = (l0, l1)
        ssem = (s0, s1)
        wid = lax.axis_index("s") * 2 + lax.axis_index("c")

        def unit(i):
            p = wid * fast_per_w + i
            f, c = divmod(p, C)
            b, t = divmod(f, T)
            return src_hbm.at[b, t, c], fast_hbm.at[b, t, c]

        loads = [None] * NBUF
        stores = [None] * NBUF

        def start_load(i):
            src, _ = unit(i)
            loads[i % NBUF] = pltpu.async_copy(src, buf[i % NBUF], lsem[i % NBUF])

        def start_store(i):
            _, dst = unit(i)
            stores[i % NBUF] = pltpu.async_copy(buf[i % NBUF], dst, ssem[i % NBUF])

        start_load(0)
        for i in range(fast_per_w):
            nxt = i + 1
            if nxt < fast_per_w:
                if stores[nxt % NBUF] is not None:
                    stores[nxt % NBUF].wait()
                start_load(nxt)
            loads[i % NBUF].wait()
            start_store(i)
        for i in range(fast_per_w - NBUF, fast_per_w):
            stores[i % NBUF].wait()

    def gather_body(x_ref, o_ref):
        o_ref[...] = x_ref[...]

    slow_gather = pl.pallas_call(
        gather_body,
        grid=(B, S),
        in_specs=[
            pl.BlockSpec(
                (1, 1, C, H, W),
                lambda b, j: (b, (j * (T - 1)) // (S - 1), 0, 0, 0),
            )
        ],
        out_specs=pl.BlockSpec((1, 1, C, H, W), lambda b, j: (b, j, 0, 0, 0)),
        out_shape=jax.ShapeDtypeStruct((B, S, C, H, W), jnp.float32),
    )

    fast = fast_copy(frames)
    slow = slow_gather(frames)
    return slow, fast

# --- scband reference (transcript-rebuilt; emitter-appended) ---
"""Pipeline reference for scband-path-way-5308579578183 (READ-ONLY COPY).

The authoritative reference and input builder live on the scoring server;
editing this copy changes nothing except your own understanding.
"""

import jax, jax.numpy as jnp
import numpy as np

ALPHA = 4

def setup_inputs(seed: int = 0) -> dict:
    key = jax.random.key(seed)
    frames = jax.random.normal(key, (8, 32, 3, 224, 224), dtype=jnp.float32)
    return {"frames": frames}

def reference(frames):
    # Faithful translation of PathWay.forward:
    #   fast_way = frames
    #   slow_way = index_select(frames, dim=1, linspace(0, T-1, T//alpha).long())
    T = frames.shape[1]
    idx = jnp.asarray(np.linspace(0.0, T - 1, T // ALPHA).astype(np.int64))
    slow_way = jnp.take(frames, idx, axis=1)
    fast_way = frames
    return (slow_way, fast_way)

if __name__ == "__main__":
    import jax
    _d = setup_inputs()
    print(jax.jit(kernel)(*tuple(_d.values())))

</pallas_src>

<mosaic_0001>
#map = affine_map<(d0, d1) -> (0, 0, 0, 0, 0)>
module attributes {stable_mosaic.version = 14 : i64} {
  func.func @fast_copy(%arg0: i32, %arg1: i32, %arg2: memref<8x32x3x224x224xf32, #tpu.memory_space<hbm>>, %arg3: memref<8x32x3x224x224xf32, #tpu.memory_space<hbm>>, %arg4: memref<224x224xf32, #tpu.memory_space<vmem>>, %arg5: memref<224x224xf32, #tpu.memory_space<vmem>>, %arg6: memref<!tpu.dma_semaphore, #tpu.memory_space<semaphore_mem>>, %arg7: memref<!tpu.dma_semaphore, #tpu.memory_space<semaphore_mem>>, %arg8: memref<!tpu.dma_semaphore, #tpu.memory_space<semaphore_mem>>, %arg9: memref<!tpu.dma_semaphore, #tpu.memory_space<semaphore_mem>>) attributes {dimension_semantics = [#tpu.dimension_semantics<core_parallel>, #tpu.dimension_semantics<subcore_parallel>], iteration_bounds = array<i64: 2, 16>, scalar_prefetch = 0 : i64, scratch_operands = 6 : i64, tpu.core_type = #tpu.core_type<sc_vector_subcore>, window_params = [{transform_indices = #map}, {transform_indices = #map}]} {
    %mul3A = arith.constant 2 : i32
    %mul3A_0 = arith.muli %arg1, %mul3A : i32
    %add3A = arith.addi %mul3A_0, %arg0 : i32
    %mul3A_1 = arith.constant 24 : i32
    %mul3A_2 = arith.muli %add3A, %mul3A_1 : i32
    %add3A_3 = arith.constant 0 : i32
    %add3A_4 = arith.addi %mul3A_2, %add3A_3 : i32
    %jit3A = arith.constant 3 : i32
    %div3A = arith.divsi %add3A_4, %jit3A : i32
    %sign3A = arith.constant 0 : i32
    %sign3A_5 = arith.cmpi sgt, %add3A_4, %sign3A : i32
    %sign3A_6 = arith.extui %sign3A_5 : i1 to i32
    %sign3A_7 = arith.constant 0 : i32
    %sign3A_8 = arith.cmpi slt, %add3A_4, %sign3A_7 : i32
    %sign3A_9 = arith.extui %sign3A_8 : i1 to i32
    %sign3A_10 = arith.subi %sign3A_6, %sign3A_9 : i32
    %sign3A_11 = arith.constant 0 : i32
    %sign3A_12 = arith.cmpi sgt, %jit3A, %sign3A_11 : i32
    %sign3A_13 = arith.extui %sign3A_12 : i1 to i32
    %sign3A_14 = arith.constant 0 : i32
    %sign3A_15 = arith.cmpi slt, %jit3A, %sign3A_14 : i32
    %sign3A_16 = arith.extui %sign3A_15 : i1 to i32
    %sign3A_17 = arith.subi %sign3A_13, %sign3A_16 : i32
    %ne3A = arith.cmpi ne, %sign3A_10, %sign3A_17 : i32
    %rem3A = arith.remsi %add3A_4, %jit3A : i32
    %ne3A_18 = arith.constant 0 : i32
    %ne3A_19 = arith.cmpi ne, %rem3A, %ne3A_18 : i32
    %and3A = arith.andi %ne3A, %ne3A_19 : i1
    %sub3A = arith.constant 1 : i32
    %sub3A_20 = arith.subi %div3A, %sub3A : i32
    %select_n3A = arith.select %and3A, %sub3A_20, %div3A : i32
    %eq3A = arith.constant 0 : i32
    %eq3A_21 = arith.cmpi eq, %jit3A, %eq3A : i32
    %jit3A_22 = arith.constant 1 : i32
    %select_n3A_23 = arith.select %eq3A_21, %jit3A_22, %jit3A : i32
    %rem3A_24 = arith.remsi %add3A_4, %select_n3A_23 : i32
    %ne3A_25 = arith.constant 0 : i32
    %ne3A_26 = arith.cmpi ne, %rem3A_24, %ne3A_25 : i32
    %lt3A = arith.constant 0 : i32
    %lt3A_27 = arith.cmpi slt, %rem3A_24, %lt3A : i32
    %lt3A_28 = arith.constant 0 : i32
    %lt3A_29 = arith.cmpi slt, %select_n3A_23, %lt3A_28 : i32
    %ne3A_30 = arith.xori %lt3A_27, %lt3A_29 : i1
    %and3A_31 = arith.andi %ne3A_30, %ne3A_26 : i1
    %add3A_32 = arith.addi %rem3A_24, %select_n3A_23 : i32
    %select_n3A_33 = arith.select %and3A_31, %add3A_32, %rem3A_24 : i32
    %jit3A_34 = arith.constant 32 : i32
    %div3A_35 = arith.divsi %select_n3A, %jit3A_34 : i32
    %sign3A_36 = arith.constant 0 : i32
    %sign3A_37 = arith.cmpi sgt, %select_n3A, %sign3A_36 : i32
    %sign3A_38 = arith.extui %sign3A_37 : i1 to i32
    %sign3A_39 = arith.constant 0 : i32
    %sign3A_40 = arith.cmpi slt, %select_n3A, %sign3A_39 : i32
    %sign3A_41 = arith.extui %sign3A_40 : i1 to i32
    %sign3A_42 = arith.subi %sign3A_38, %sign3A_41 : i32
    %sign3A_43 = arith.constant 0 : i32
    %sign3A_44 = arith.cmpi sgt, %jit3A_34, %sign3A_43 : i32
    %sign3A_45 = arith.extui %sign3A_44 : i1 to i32
    %sign3A_46 = arith.constant 0 : i32
    %sign3A_47 = arith.cmpi slt, %jit3A_34, %sign3A_46 : i32
    %sign3A_48 = arith.extui %sign3A_47 : i1 to i32
    %sign3A_49 = arith.subi %sign3A_45, %sign3A_48 : i32
    %ne3A_50 = arith.cmpi ne, %sign3A_42, %sign3A_49 : i32
    %rem3A_51 = arith.remsi %select_n3A, %jit3A_34 : i32
    %ne3A_52 = arith.constant 0 : i32
    %ne3A_53 = arith.cmpi ne, %rem3A_51, %ne3A_52 : i32
    %and3A_54 = arith.andi %ne3A_50, %ne3A_53 : i1
    %sub3A_55 = arith.constant 1 : i32
    %sub3A_56 = arith.subi %div3A_35, %sub3A_55 : i32
    %select_n3A_57 = arith.select %and3A_54, %sub3A_56, %div3A_35 : i32
    %eq3A_58 = arith.constant 0 : i32
    %eq3A_59 = arith.cmpi eq, %jit3A_34, %eq3A_58 : i32
    %jit3A_60 = arith.constant 1 : i32
    %select_n3A_61 = arith.select %eq3A_59, %jit3A_60, %jit3A_34 : i32
    %rem3A_62 = arith.remsi %select_n3A, %select_n3A_61 : i32
    %ne3A_63 = arith.constant 0 : i32
    %ne3A_64 = arith.cmpi ne, %rem3A_62, %ne3A_63 : i32
    %lt3A_65 = arith.constant 0 : i32
    %lt3A_66 = arith.cmpi slt, %rem3A_62, %lt3A_65 : i32
    %lt3A_67 = arith.constant 0 : i32
    %lt3A_68 = arith.cmpi slt, %select_n3A_61, %lt3A_67 : i32
    %ne3A_69 = arith.xori %lt3A_66, %lt3A_68 : i1
    %and3A_70 = arith.andi %ne3A_69, %ne3A_64 : i1
    %add3A_71 = arith.addi %rem3A_62, %select_n3A_61 : i32
    %select_n3A_72 = arith.select %and3A_70, %add3A_71, %rem3A_62 : i32
    %dma_start3A = arith.constant 0 : i32
    %dma_start3A_73 = arith.constant 0 : i32
    %dma_start3A_74 = tpu.memref_slice %arg2[%select_n3A_57, %select_n3A_72, %select_n3A_33, %dma_start3A, %dma_start3A_73] : memref<8x32x3x224x224xf32, #tpu.memory_space<hbm>> -> memref<1x1x1x224x224xf32, #tpu.memory_space<hbm>>
    %dma_start3A_75 = tpu.memref_squeeze %dma_start3A_74 : memref<1x1x1x224x224xf32, #tpu.memory_space<hbm>> -> memref<224x224xf32, #tpu.memory_space<hbm>>
    %dma_start3A_76 = arith.constant 0 : i32
    %dma_start3A_77 = arith.constant 0 : i32
    %dma_start3A_78 = tpu.memref_slice %arg2[%select_n3A_57, %select_n3A_72, %select_n3A_33, %dma_start3A_76, %dma_start3A_77] : memref<8x32x3x224x224xf32, #tpu.memory_space<hbm>> -> memref<1x1x1x224x224xf32, #tpu.memory_space<hbm>>
    %dma_start3A_79 = tpu.memref_squeeze %dma_start3A_78 : memref<1x1x1x224x224xf32, #tpu.memory_space<hbm>> -> memref<224x224xf32, #tpu.memory_space<hbm>>
    tpu.enqueue_dma source(%dma_start3A_79 : memref<224x224xf32, #tpu.memory_space<hbm>>) target(%arg4 : memref<224x224xf32, #tpu.memory_space<vmem>>) target_semaphore(%arg6 : memref<!tpu.dma_semaphore, #tpu.memory_space<semaphore_mem>>)
    %mul3A_80 = arith.constant 24 : i32
    %mul3A_81 = arith.muli %add3A, %mul3A_80 : i32
    %add3A_82 = arith.constant 1 : i32
    %add3A_83 = arith.addi %mul3A_81, %add3A_82 : i32
    %jit3A_84 = arith.constant 3 : i32
    %div3A_85 = arith.divsi %add3A_83, %jit3A_84 : i32
    %sign3A_86 = arith.constant 0 : i32
    %sign3A_87 = arith.cmpi sgt, %add3A_83, %sign3A_86 : i32
    %sign3A_88 = arith.extui %sign3A_87 : i1 to i32
    %sign3A_89 = arith.constant 0 : i32
    %sign3A_90 = arith.cmpi slt, %add3A_83, %sign3A_89 : i32
    %sign3A_91 = arith.extui %sign3A_90 : i1 to i32
    %sign3A_92 = arith.subi %sign3A_88, %sign3A_91 : i32
    %sign3A_93 = arith.constant 0 : i32
    %sign3A_94 = arith.cmpi sgt, %jit3A_84, %sign3A_93 : i32
    %sign3A_95 = arith.extui %sign3A_94 : i1 to i32
    %sign3A_96 = arith.constant 0 : i32
    %sign3A_97 = arith.cmpi slt, %jit3A_84, %sign3A_96 : i32
    %sign3A_98 = arith.extui %sign3A_97 : i1 to i32
    %sign3A_99 = arith.subi %sign3A_95, %sign3A_98 : i32
    %ne3A_100 = arith.cmpi ne, %sign3A_92, %sign3A_99 : i32
    %rem3A_101 = arith.remsi %add3A_83, %jit3A_84 : i32
    %ne3A_102 = arith.constant 0 : i32
    %ne3A_103 = arith.cmpi ne, %rem3A_101, %ne3A_102 : i32
    %and3A_104 = arith.andi %ne3A_100, %ne3A_103 : i1
    %sub3A_105 = arith.constant 1 : i32
    %sub3A_106 = arith.subi %div3A_85, %sub3A_105 : i32
    %select_n3A_107 = arith.select %and3A_104, %sub3A_106, %div3A_85 : i32
    %eq3A_108 = arith.constant 0 : i32
    %eq3A_109 = arith.cmpi eq, %jit3A_84, %eq3A_108 : i32
    %jit3A_110 = arith.constant 1 : i32
    %select_n3A_111 = arith.select %eq3A_109, %jit3A_110, %jit3A_84 : i32
    %rem3A_112 = arith.remsi %add3A_83, %select_n3A_111 : i32
    %ne3A_113 = arith.constant 0 : i32
    %ne3A_114 = arith.cmpi ne, %rem3A_112, %ne3A_113 : i32
    %lt3A_115 = arith.constant 0 : i32
    %lt3A_116 = arith.cmpi slt, %rem3A_112, %lt3A_115 : i32
    %lt3A_117 = arith.constant 0 : i32
    %lt3A_118 = arith.cmpi slt, %select_n3A_111, %lt3A_117 : i32
    %ne3A_119 = arith.xori %lt3A_116, %lt3A_118 : i1
    %and3A_120 = arith.andi %ne3A_119, %ne3A_114 : i1
    %add3A_121 = arith.addi %rem3A_112, %select_n3A_111 : i32
    %select_n3A_122 = arith.select %and3A_120, %add3A_121, %rem3A_112 : i32
    %jit3A_123 = arith.constant 32 : i32
    %div3A_124 = arith.divsi %select_n3A_107, %jit3A_123 : i32
    %sign3A_125 = arith.constant 0 : i32
    %sign3A_126 = arith.cmpi sgt, %select_n3A_107, %sign3A_125 : i32
    %sign3A_127 = arith.extui %sign3A_126 : i1 to i32
    %sign3A_128 = arith.constant 0 : i32
    %sign3A_129 = arith.cmpi slt, %select_n3A_107, %sign3A_128 : i32
    %sign3A_130 = arith.extui %sign3A_129 : i1 to i32
    %sign3A_131 = arith.subi %sign3A_127, %sign3A_130 : i32
    %sign3A_132 = arith.constant 0 : i32
    %sign3A_133 = arith.cmpi sgt, %jit3A_123, %sign3A_132 : i32
    %sign3A_134 = arith.extui %sign3A_133 : i1 to i32
    %sign3A_135 = arith.constant 0 : i32
    %sign3A_136 = arith.cmpi slt, %jit3A_123, %sign3A_135 : i32
    %sign3A_137 = arith.extui %sign3A_136 : i1 to i32
    %sign3A_138 = arith.subi %sign3A_134, %sign3A_137 : i32
    %ne3A_139 = arith.cmpi ne, %sign3A_131, %sign3A_138 : i32
    %rem3A_140 = arith.remsi %select_n3A_107, %jit3A_123 : i32
    %ne3A_141 = arith.constant 0 : i32
    %ne3A_142 = arith.cmpi ne, %rem3A_140, %ne3A_141 : i32
    %and3A_143 = arith.andi %ne3A_139, %ne3A_142 : i1
    %sub3A_144 = arith.constant 1 : i32
    %sub3A_145 = arith.subi %div3A_124, %sub3A_144 : i32
    %select_n3A_146 = arith.select %and3A_143, %sub3A_145, %div3A_124 : i32
    %eq3A_147 = arith.constant 0 : i32
    %eq3A_148 = arith.cmpi eq, %jit3A_123, %eq3A_147 : i32
    %jit3A_149 = arith.constant 1 : i32
    %select_n3A_150 = arith.select %eq3A_148, %jit3A_149, %jit3A_123 : i32
    %rem3A_151 = arith.remsi %select_n3A_107, %select_n3A_150 : i32
    %ne3A_152 = arith.constant 0 : i32
    %ne3A_153 = arith.cmpi ne, %rem3A_151, %ne3A_152 : i32
    %lt3A_154 = arith.constant 0 : i32
    %lt3A_155 = arith.cmpi slt, %rem3A_151, %lt3A_154 : i32
    %lt3A_156 = arith.constant 0 : i32
    %lt3A_157 = arith.cmpi slt, %select_n3A_150, %lt3A_156 : i32
    %ne3A_158 = arith.xori %lt3A_155, %lt3A_157 : i1
    %and3A_159 = arith.andi %ne3A_158, %ne3A_153 : i1
    %add3A_160 = arith.addi %rem3A_151, %select_n3A_150 : i32
    %select_n3A_161 = arith.select %and3A_159, %add3A_160, %rem3A_151 : i32
    %dma_start3A_162 = arith.constant 0 : i32
    %dma_start3A_163 = arith.constant 0 : i32
    %dma_start3A_164 = tpu.memref_slice %arg2[%select_n3A_146, %select_n3A_161, %select_n3A_122, %dma_start3A_162, %dma_start3A_163] : memref<8x32x3x224x224xf32, #tpu.memory_space<hbm>> -> memref<1x1x1x224x224xf32, #tpu.memory_space<hbm>>
    %dma_start3A_165 = tpu.memref_squeeze %dma_start3A_164 : memref<1x1x1x224x224xf32, #tpu.memory_space<hbm>> -> memref<224x224xf32, #tpu.memory_space<hbm>>
    %dma_start3A_166 = arith.constant 0 : i32
    %dma_start3A_167 = arith.constant 0 : i32
    %dma_start3A_168 = tpu.memref_slice %arg2[%select_n3A_146, %select_n3A_161, %select_n3A_122, %dma_start3A_166, %dma_start3A_167] : memref<8x32x3x224x224xf32, #tpu.memory_space<hbm>> -> memref<1x1x1x224x224xf32, #tpu.memory_space<hbm>>
    %dma_start3A_169 = tpu.memref_squeeze %dma_start3A_168 : memref<1x1x1x224x224xf32, #tpu.memory_space<hbm>> -> memref<224x224xf32, #tpu.memory_space<hbm>>
    tpu.enqueue_dma source(%dma_start3A_169 : memref<224x224xf32, #tpu.memory_space<hbm>>) target(%arg5 : memref<224x224xf32, #tpu.memory_space<vmem>>) target_semaphore(%arg7 : memref<!tpu.dma_semaphore, #tpu.memory_space<semaphore_mem>>)
    %dma_wait3A = arith.constant 0 : i32
    %dma_wait3A_170 = arith.constant 0 : i32
    %dma_wait3A_171 = tpu.memref_slice %arg2[%select_n3A_57, %select_n3A_72, %select_n3A_33, %dma_wait3A, %dma_wait3A_170] : memref<8x32x3x224x224xf32, #tpu.memory_space<hbm>> -> memref<1x1x1x224x224xf32, #tpu.memory_space<hbm>>
    %dma_wait3A_172 = tpu.memref_squeeze %dma_wait3A_171 : memref<1x1x1x224x224xf32, #tpu.memory_space<hbm>> -> memref<224x224xf32, #tpu.memory_space<hbm>>
    %dma_wait3A_173 = arith.constant 0 : i32
    %dma_wait3A_174 = arith.constant 0 : i32
    %dma_wait3A_175 = tpu.memref_slice %arg2[%select_n3A_57, %select_n3A_72, %select_n3A_33, %dma_wait3A_173, %dma_wait3A_174] : memref<8x32x3x224x224xf32, #tpu.memory_space<hbm>> -> memref<1x1x1x224x224xf32, #tpu.memory_space<hbm>>
    %dma_wait3A_176 = tpu.memref_squeeze %dma_wait3A_175 : memref<1x1x1x224x224xf32, #tpu.memory_space<hbm>> -> memref<224x224xf32, #tpu.memory_space<hbm>>
    tpu.wait_dma2 semaphore(%arg6 : memref<!tpu.dma_semaphore, #tpu.memory_space<semaphore_mem>>) src(%dma_wait3A_176 : memref<224x224xf32, #tpu.memory_space<hbm>>) dst(%arg4 : memref<224x224xf32, #tpu.memory_space<vmem>>)
    %mul3A_177 = arith.constant 24 : i32
    %mul3A_178 = arith.muli %add3A, %mul3A_177 : i32
    %add3A_179 = arith.constant 0 : i32
    %add3A_180 = arith.addi %mul3A_178, %add3A_179 : i32
    %jit3A_181 = arith.constant 3 : i32
    %div3A_182 = arith.divsi %add3A_180, %jit3A_181 : i32
    %sign3A_183 = arith.constant 0 : i32
    %sign3A_184 = arith.cmpi sgt, %add3A_180, %sign3A_183 : i32
    %sign3A_185 = arith.extui %sign3A_184 : i1 to i32
    %sign3A_186 = arith.constant 0 : i32
    %sign3A_187 = arith.cmpi slt, %add3A_180, %sign3A_186 : i32
    %sign3A_188 = arith.extui %sign3A_187 : i1 to i32
    %sign3A_189 = arith.subi %sign3A_185, %sign3A_188 : i32
    %sign3A_190 = arith.constant 0 : i32
    %sign3A_191 = arith.cmpi sgt, %jit3A_181, %sign3A_190 : i32
    %sign3A_192 = arith.extui %sign3A_191 : i1 to i32
    %sign3A_193 = arith.constant 0 : i32
    %sign3A_194 = arith.cmpi slt, %jit3A_181, %sign3A_193 : i32
    %sign3A_195 = arith.extui %sign3A_194 : i1 to i32
    %sign3A_196 = arith.subi %sign3A_192, %sign3A_195 : i32
    %ne3A_197 = arith.cmpi ne, %sign3A_189, %sign3A_196 : i32
    %rem3A_198 = arith.remsi %add3A_180, %jit3A_181 : i32
    %ne3A_199 = arith.constant 0 : i32
    %ne3A_200 = arith.cmpi ne, %rem3A_198, %ne3A_199 : i32
    %and3A_201 = arith.andi %ne3A_197, %ne3A_200 : i1
    %sub3A_202 = arith.constant 1 : i32
    %sub3A_203 = arith.subi %div3A_182, %sub3A_202 : i32
    %select_n3A_204 = arith.select %and3A_201, %sub3A_203, %div3A_182 : i32
    %eq3A_205 = arith.constant 0 : i32
    %eq3A_206 = arith.cmpi eq, %jit3A_181, %eq3A_205 : i32
    %jit3A_207 = arith.constant 1 : i32
    %select_n3A_208 = arith.select %eq3A_206, %jit3A_207, %jit3A_181 : i32
    %rem3A_209 = arith.remsi %add3A_180, %select_n3A_208 : i32
    %ne3A_210 = arith.constant 0 : i32
    %ne3A_211 = arith.cmpi ne, %rem3A_209, %ne3A_210 : i32
    %lt3A_212 = arith.constant 0 : i32
    %lt3A_213 = arith.cmpi slt, %rem3A_209, %lt3A_212 : i32
    %lt3A_214 = arith.constant 0 : i32
    %lt3A_215 = arith.cmpi slt, %select_n3A_208, %lt3A_214 : i32
    %ne3A_216 = arith.xori %lt3A_213, %lt3A_215 : i1
    %and3A_217 = arith.andi %ne3A_216, %ne3A_211 : i1
    %add3A_218 = arith.addi %rem3A_209, %select_n3A_208 : i32
    %select_n3A_219 = arith.select %and3A_217, %add3A_218, %rem3A_209 : i32
    %jit3A_220 = arith.constant 32 : i32
    %div3A_221 = arith.divsi %select_n3A_204, %jit3A_220 : i32
    %sign3A_222 = arith.constant 0 : i32
    %sign3A_223 = arith.cmpi sgt, %select_n3A_204, %sign3A_222 : i32
    %sign3A_224 = arith.extui %sign3A_223 : i1 to i32
    %sign3A_225 = arith.constant 0 : i32
    %sign3A_226 = arith.cmpi slt, %select_n3A_204, %sign3A_225 : i32
    %sign3A_227 = arith.extui %sign3A_226 : i1 to i32
    %sign3A_228 = arith.subi %sign3A_224, %sign3A_227 : i32
    %sign3A_229 = arith.constant 0 : i32
    %sign3A_230 = arith.cmpi sgt, %jit3A_220, %sign3A_229 : i32
    %sign3A_231 = arith.extui %sign3A_230 : i1 to i32
    %sign3A_232 = arith.constant 0 : i32
    %sign3A_233 = arith.cmpi slt, %jit3A_220, %sign3A_232 : i32
    %sign3A_234 = arith.extui %sign3A_233 : i1 to i32
    %sign3A_235 = arith.subi %sign3A_231, %sign3A_234 : i32
    %ne3A_236 = arith.cmpi ne, %sign3A_228, %sign3A_235 : i32
    %rem3A_237 = arith.remsi %select_n3A_204, %jit3A_220 : i32
    %ne3A_238 = arith.constant 0 : i32
    %ne3A_239 = arith.cmpi ne, %rem3A_237, %ne3A_238 : i32
    %and3A_240 = arith.andi %ne3A_236, %ne3A_239 : i1
    %sub3A_241 = arith.constant 1 : i32
    %sub3A_242 = arith.subi %div3A_221, %sub3A_241 : i32
    %select_n3A_243 = arith.select %and3A_240, %sub3A_242, %div3A_221 : i32
    %eq3A_244 = arith.constant 0 : i32
    %eq3A_245 = arith.cmpi eq, %jit3A_220, %eq3A_244 : i32
    %jit3A_246 = arith.constant 1 : i32
    %select_n3A_247 = arith.select %eq3A_245, %jit3A_246, %jit3A_220 : i32
    %rem3A_248 = arith.remsi %select_n3A_204, %select_n3A_247 : i32
    %ne3A_249 = arith.constant 0 : i32
    %ne3A_250 = arith.cmpi ne, %rem3A_248, %ne3A_249 : i32
    %lt3A_251 = arith.constant 0 : i32
    %lt3A_252 = arith.cmpi slt, %rem3A_248, %lt3A_251 : i32
    %lt3A_253 = arith.constant 0 : i32
    %lt3A_254 = arith.cmpi slt, %select_n3A_247, %lt3A_253 : i32
    %ne3A_255 = arith.xori %lt3A_252, %lt3A_254 : i1
    %and3A_256 = arith.andi %ne3A_255, %ne3A_250 : i1
    %add3A_257 = arith.addi %rem3A_248, %select_n3A_247 : i32
    %select_n3A_258 = arith.select %and3A_256, %add3A_257, %rem3A_248 : i32
    %dma_start3A_259 = arith.constant 0 : i32
    %dma_start3A_260 = arith.constant 0 : i32
    %dma_start3A_261 = tpu.memref_slice %arg3[%select_n3A_243, %select_n3A_258, %select_n3A_219, %dma_start3A_259, %dma_start3A_260] : memref<8x32x3x224x224xf32, #tpu.memory_space<hbm>> -> memref<1x1x1x224x224xf32, #tpu.memory_space<hbm>>
    %dma_start3A_262 = tpu.memref_squeeze %dma_start3A_261 : memref<1x1x1x224x224xf32, #tpu.memory_space<hbm>> -> memref<224x224xf32, #tpu.memory_space<hbm>>
    %dma_start3A_263 = arith.constant 0 : i32
    %dma_start3A_264 = arith.constant 0 : i32
    %dma_start3A_265 = tpu.memref_slice %arg3[%select_n3A_243, %select_n3A_258, %select_n3A_219, %dma_start3A_263, %dma_start3A_264] : memref<8x32x3x224x224xf32, #tpu.memory_space<hbm>> -> memref<1x1x1x224x224xf32, #tpu.memory_space<hbm>>
    %dma_start3A_266 = tpu.memref_squeeze %dma_start3A_265 : memref<1x1x1x224x224xf32, #tpu.memory_space<hbm>> -> memref<224x224xf32, #tpu.memory_space<hbm>>
    tpu.enqueue_dma source(%arg4 : memref<224x224xf32, #tpu.memory_space<vmem>>) target(%dma_start3A_266 : memref<224x224xf32, #tpu.memory_space<hbm>>) target_semaphore(%arg8 : memref<!tpu.dma_semaphore, #tpu.memory_space<semaphore_mem>>)
    %dma_wait3A_267 = arith.constant 0 : i32
    %dma_wait3A_268 = arith.constant 0 : i32
    %dma_wait3A_269 = tpu.memref_slice %arg3[%select_n3A_243, %select_n3A_258, %select_n3A_219, %dma_wait3A_267, %dma_wait3A_268] : memref<8x32x3x224x224xf32, #tpu.memory_space<hbm>> -> memref<1x1x1x224x224xf32, #tpu.memory_space<hbm>>
    %dma_wait3A_270 = tpu.memref_squeeze %dma_wait3A_269 : memref<1x1x1x224x224xf32, #tpu.memory_space<hbm>> -> memref<224x224xf32, #tpu.memory_space<hbm>>
    %dma_wait3A_271 = arith.constant 0 : i32
    %dma_wait3A_272 = arith.constant 0 : i32
    %dma_wait3A_273 = tpu.memref_slice %arg3[%select_n3A_243, %select_n3A_258, %select_n3A_219, %dma_wait3A_271, %dma_wait3A_272] : memref<8x32x3x224x224xf32, #tpu.memory_space<hbm>> -> memref<1x1x1x224x224xf32, #tpu.memory_space<hbm>>
    %dma_wait3A_274 = tpu.memref_squeeze %dma_wait3A_273 : memref<1x1x1x224x224xf32, #tpu.memory_space<hbm>> -> memref<224x224xf32, #tpu.memory_space<hbm>>
    tpu.wait_dma2 semaphore(%arg8 : memref<!tpu.dma_semaphore, #tpu.memory_space<semaphore_mem>>) src(%arg4 : memref<224x224xf32, #tpu.memory_space<vmem>>) dst(%dma_wait3A_274 : memref<224x224xf32, #tpu.memory_space<hbm>>)
    %mul3A_275 = arith.constant 24 : i32
    %mul3A_276 = arith.muli %add3A, %mul3A_275 : i32
    %add3A_277 = arith.constant 2 : i32
    %add3A_278 = arith.addi %mul3A_276, %add3A_277 : i32
    %jit3A_279 = arith.constant 3 : i32
    %div3A_280 = arith.divsi %add3A_278, %jit3A_279 : i32
    %sign3A_281 = arith.constant 0 : i32
    %sign3A_282 = arith.cmpi sgt, %add3A_278, %sign3A_281 : i32
    %sign3A_283 = arith.extui %sign3A_282 : i1 to i32
    %sign3A_284 = arith.constant 0 : i32
    %sign3A_285 = arith.cmpi slt, %add3A_278, %sign3A_284 : i32
    %sign3A_286 = arith.extui %sign3A_285 : i1 to i32
    %sign3A_287 = arith.subi %sign3A_283, %sign3A_286 : i32
    %sign3A_288 = arith.constant 0 : i32
    %sign3A_289 = arith.cmpi sgt, %jit3A_279, %sign3A_288 : i32
    %sign3A_290 = arith.extui %sign3A_289 : i1 to i32
    %sign3A_291 = arith.constant 0 : i32
    %sign3A_292 = arith.cmpi slt, %jit3A_279, %sign3A_291 : i32
    %sign3A_293 = arith.extui %sign3A_292 : i1 to i32
    %sign3A_294 = arith.subi %sign3A_290, %sign3A_293 : i32
    %ne3A_295 = arith.cmpi ne, %sign3A_287, %sign3A_294 : i32
    %rem3A_296 = arith.remsi %add3A_278, %jit3A_279 : i32
    %ne3A_297 = arith.constant 0 : i32
    %ne3A_298 = arith.cmpi ne, %rem3A_296, %ne3A_297 : i32
    %and3A_299 = arith.andi %ne3A_295, %ne3A_298 : i1
    %sub3A_300 = arith.constant 1 : i32
    %sub3A_301 = arith.subi %div3A_280, %sub3A_300 : i32
    %select_n3A_302 = arith.select %and3A_299, %sub3A_301, %div3A_280 : i32
    %eq3A_303 = arith.constant 0 : i32
    %eq3A_304 = arith.cmpi eq, %jit3A_279, %eq3A_303 : i32
    %jit3A_305 = arith.constant 1 : i32
    %select_n3A_306 = arith.select %eq3A_304, %jit3A_305, %jit3A_279 : i32
    %rem3A_307 = arith.remsi %add3A_278, %select_n3A_306 : i32
    %ne3A_308 = arith.constant 0 : i32
    %ne3A_309 = arith.cmpi ne, %rem3A_307, %ne3A_308 : i32
    %lt3A_310 = arith.constant 0 : i32
    %lt3A_311 = arith.cmpi slt, %rem3A_307, %lt3A_310 : i32
    %lt3A_312 = arith.constant 0 : i32
    %lt3A_313 = arith.cmpi slt, %select_n3A_306, %lt3A_312 : i32
    %ne3A_314 = arith.xori %lt3A_311, %lt3A_313 : i1
    %and3A_315 = arith.andi %ne3A_314, %ne3A_309 : i1
    %add3A_316 = arith.addi %rem3A_307, %select_n3A_306 : i32
    %select_n3A_317 = arith.select %and3A_315, %add3A_316, %rem3A_307 : i32
    %jit3A_318 = arith.constant 32 : i32
    %div3A_319 = arith.divsi %select_n3A_302, %jit3A_318 : i32
    %sign3A_320 = arith.constant 0 : i32
    %sign3A_321 = arith.cmpi sgt, %select_n3A_302, %sign3A_320 : i32
    %sign3A_322 = arith.extui %sign3A_321 : i1 to i32
    %sign3A_323 = arith.constant 0 : i32
    %sign3A_324 = arith.cmpi slt, %select_n3A_302, %sign3A_323 : i32
    %sign3A_325 = arith.extui %sign3A_324 : i1 to i32
    %sign3A_326 = arith.subi %sign3A_322, %sign3A_325 : i32
    %sign3A_327 = arith.constant 0 : i32
    %sign3A_328 = arith.cmpi sgt, %jit3A_318, %sign3A_327 : i32
    %sign3A_329 = arith.extui %sign3A_328 : i1 to i32
    %sign3A_330 = arith.constant 0 : i32
    %sign3A_331 = arith.cmpi slt, %jit3A_318, %sign3A_330 : i32
    %sign3A_332 = arith.extui %sign3A_331 : i1 to i32
    %sign3A_333 = arith.subi %sign3A_329, %sign3A_332 : i32
    %ne3A_334 = arith.cmpi ne, %sign3A_326, %sign3A_333 : i32
    %rem3A_335 = arith.remsi %select_n3A_302, %jit3A_318 : i32
    %ne3A_336 = arith.constant 0 : i32
    %ne3A_337 = arith.cmpi ne, %rem3A_335, %ne3A_336 : i32
    %and3A_338 = arith.andi %ne3A_334, %ne3A_337 : i1
    %sub3A_339 = arith.constant 1 : i32
    %sub3A_340 = arith.subi %div3A_319, %sub3A_339 : i32
    %select_n3A_341 = arith.select %and3A_338, %sub3A_340, %div3A_319 : i32
    %eq3A_342 = arith.constant 0 : i32
    %eq3A_343 = arith.cmpi eq, %jit3A_318, %eq3A_342 : i32
    %jit3A_344 = arith.constant 1 : i32
    %select_n3A_345 = arith.select %eq3A_343, %jit3A_344, %jit3A_318 : i32
    %rem3A_346 = arith.remsi %select_n3A_302, %select_n3A_345 : i32
    %ne3A_347 = arith.constant 0 : i32
    %ne3A_348 = arith.cmpi ne, %rem3A_346, %ne3A_347 : i32
    %lt3A_349 = arith.constant 0 : i32
    %lt3A_350 = arith.cmpi slt, %rem3A_346, %lt3A_349 : i32
    %lt3A_351 = arith.constant 0 : i32
    %lt3A_352 = arith.cmpi slt, %select_n3A_345, %lt3A_351 : i32
    %ne3A_353 = arith.xori %lt3A_350, %lt3A_352 : i1
    %and3A_354 = arith.andi %ne3A_353, %ne3A_348 : i1
    %add3A_355 = arith.addi %rem3A_346, %select_n3A_345 : i32
    %select_n3A_356 = arith.select %and3A_354, %add3A_355, %rem3A_346 : i32
    %dma_start3A_357 = arith.constant 0 : i32
    %dma_start3A_358 = arith.constant 0 : i32
    %dma_start3A_359 = tpu.memref_slice %arg2[%select_n3A_341, %select_n3A_356, %select_n3A_317, %dma_start3A_357, %dma_start3A_358] : memref<8x32x3x224x224xf32, #tpu.memory_space<hbm>> -> memref<1x1x1x224x224xf32, #tpu.memory_space<hbm>>
    %dma_start3A_360 = tpu.memref_squeeze %dma_start3A_359 : memref<1x1x1x224x224xf32, #tpu.memory_space<hbm>> -> memref<224x224xf32, #tpu.memory_space<hbm>>
    %dma_start3A_361 = arith.constant 0 : i32
    %dma_start3A_362 = arith.constant 0 : i32
    %dma_start3A_363 = tpu.memref_slice %arg2[%select_n3A_341, %select_n3A_356, %select_n3A_317, %dma_start3A_361, %dma_start3A_362] : memref<8x32x3x224x224xf32, #tpu.memory_space<hbm>> -> memref<1x1x1x224x224xf32, #tpu.memory_space<hbm>>
    %dma_start3A_364 = tpu.memref_squeeze %dma_start3A_363 : memref<1x1x1x224x224xf32, #tpu.memory_space<hbm>> -> memref<224x224xf32, #tpu.memory_space<hbm>>
    tpu.enqueue_dma source(%dma_start3A_364 : memref<224x224xf32, #tpu.memory_space<hbm>>) target(%arg4 : memref<224x224xf32, #tpu.memory_space<vmem>>) target_semaphore(%arg6 : memref<!tpu.dma_semaphore, #tpu.memory_space<semaphore_mem>>)
    %dma_wait3A_365 = arith.constant 0 : i32
    %dma_wait3A_366 = arith.constant 0 : i32
    %dma_wait3A_367 = tpu.memref_slice %arg2[%select_n3A_146, %select_n3A_161, %select_n3A_122, %dma_wait3A_365, %dma_wait3A_366] : memref<8x32x3x224x224xf32, #tpu.memory_space<hbm>> -> memref<1x1x1x224x224xf32, #tpu.memory_space<hbm>>
    %dma_wait3A_368 = tpu.memref_squeeze %dma_wait3A_367 : memref<1x1x1x224x224xf32, #tpu.memory_space<hbm>> -> memref<224x224xf32, #tpu.memory_space<hbm>>
    %dma_wait3A_369 = arith.constant 0 : i32
    %dma_wait3A_370 = arith.constant 0 : i32
    %dma_wait3A_371 = tpu.memref_slice %arg2[%select_n3A_146, %select_n3A_161, %select_n3A_122, %dma_wait3A_369, %dma_wait3A_370] : memref<8x32x3x224x224xf32, #tpu.memory_space<hbm>> -> memref<1x1x1x224x224xf32, #tpu.memory_space<hbm>>
    %dma_wait3A_372 = tpu.memref_squeeze %dma_wait3A_371 : memref<1x1x1x224x224xf32, #tpu.memory_space<hbm>> -> memref<224x224xf32, #tpu.memory_space<hbm>>
    tpu.wait_dma2 semaphore(%arg7 : memref<!tpu.dma_semaphore, #tpu.memory_space<semaphore_mem>>) src(%dma_wait3A_372 : memref<224x224xf32, #tpu.memory_space<hbm>>) dst(%arg5 : memref<224x224xf32, #tpu.memory_space<vmem>>)
    %mul3A_373 = arith.constant 24 : i32
    %mul3A_374 = arith.muli %add3A, %mul3A_373 : i32
    %add3A_375 = arith.constant 1 : i32
    %add3A_376 = arith.addi %mul3A_374, %add3A_375 : i32
    %jit3A_377 = arith.constant 3 : i32
    %div3A_378 = arith.divsi %add3A_376, %jit3A_377 : i32
    %sign3A_379 = arith.constant 0 : i32
    %sign3A_380 = arith.cmpi sgt, %add3A_376, %sign3A_379 : i32
    %sign3A_381 = arith.extui %sign3A_380 : i1 to i32
    %sign3A_382 = arith.constant 0 : i32
    %sign3A_383 = arith.cmpi slt, %add3A_376, %sign3A_382 : i32
    %sign3A_384 = arith.extui %sign3A_383 : i1 to i32
    %sign3A_385 = arith.subi %sign3A_381, %sign3A_384 : i32
    %sign3A_386 = arith.constant 0 : i32
    %sign3A_387 = arith.cmpi sgt, %jit3A_377, %sign3A_386 : i32
    %sign3A_388 = arith.extui %sign3A_387 : i1 to i32
    %sign3A_389 = arith.constant 0 : i32
    %sign3A_390 = arith.cmpi slt, %jit3A_377, %sign3A_389 : i32
    %sign3A_391 = arith.extui %sign3A_390 : i1 to i32
    %sign3A_392 = arith.subi %sign3A_388, %sign3A_391 : i32
    %ne3A_393 = arith.cmpi ne, %sign3A_385, %sign3A_392 : i32
    %rem3A_394 = arith.remsi %add3A_376, %jit3A_377 : i32
    %ne3A_395 = arith.constant 0 : i32
    %ne3A_396 = arith.cmpi ne, %rem3A_394, %ne3A_395 : i32
    %and3A_397 = arith.andi %ne3A_393, %ne3A_396 : i1
    %sub3A_398 = arith.constant 1 : i32
    %sub3A_399 = arith.subi %div3A_378, %sub3A_398 : i32
    %select_n3A_400 = arith.select %and3A_397, %sub3A_399, %div3A_378 : i32
    %eq3A_401 = arith.constant 0 : i32
    %eq3A_402 = arith.cmpi eq, %jit3A_377, %eq3A_401 : i32
    %jit3A_403 = arith.constant 1 : i32
    %select_n3A_404 = arith.select %eq3A_402, %jit3A_403, %jit3A_377 : i32
    %rem3A_405 = arith.remsi %add3A_376, %select_n3A_404 : i32
    %ne3A_406 = arith.constant 0 : i32
    %ne3A_407 = arith.cmpi ne, %rem3A_405, %ne3A_406 : i32
    %lt3A_408 = arith.constant 0 : i32
    %lt3A_409 = arith.cmpi slt, %rem3A_405, %lt3A_408 : i32
    %lt3A_410 = arith.constant 0 : i32
    %lt3A_411 = arith.cmpi slt, %select_n3A_404, %lt3A_410 : i32
    %ne3A_412 = arith.xori %lt3A_409, %lt3A_411 : i1
    %and3A_413 = arith.andi %ne3A_412, %ne3A_407 : i1
    %add3A_414 = arith.addi %rem3A_405, %select_n3A_404 : i32
    %select_n3A_415 = arith.select %and3A_413, %add3A_414, %rem3A_405 : i32
    %jit3A_416 = arith.constant 32 : i32
    %div3A_417 = arith.divsi %select_n3A_400, %jit3A_416 : i32
    %sign3A_418 = arith.constant 0 : i32
    %sign3A_419 = arith.cmpi sgt, %select_n3A_400, %sign3A_418 : i32
    %sign3A_420 = arith.extui %sign3A_419 : i1 to i32
    %sign3A_421 = arith.constant 0 : i32
    %sign3A_422 = arith.cmpi slt, %select_n3A_400, %sign3A_421 : i32
    %sign3A_423 = arith.extui %sign3A_422 : i1 to i32
    %sign3A_424 = arith.subi %sign3A_420, %sign3A_423 : i32
    %sign3A_425 = arith.constant 0 : i32
    %sign3A_426 = arith.cmpi sgt, %jit3A_416, %sign3A_425 : i32
    %sign3A_427 = arith.extui %sign3A_426 : i1 to i32
    %sign3A_428 = arith.constant 0 : i32
    %sign3A_429 = arith.cmpi slt, %jit3A_416, %sign3A_428 : i32
    %sign3A_430 = arith.extui %sign3A_429 : i1 to i32
    %sign3A_431 = arith.subi %sign3A_427, %sign3A_430 : i32
    %ne3A_432 = arith.cmpi ne, %sign3A_424, %sign3A_431 : i32
    %rem3A_433 = arith.remsi %select_n3A_400, %jit3A_416 : i32
    %ne3A_434 = arith.constant 0 : i32
    %ne3A_435 = arith.cmpi ne, %rem3A_433, %ne3A_434 : i32
    %and3A_436 = arith.andi %ne3A_432, %ne3A_435 : i1
    %sub3A_437 = arith.constant 1 : i32
    %sub3A_438 = arith.subi %div3A_417, %sub3A_437 : i32
    %select_n3A_439 = arith.select %and3A_436, %sub3A_438, %div3A_417 : i32
    %eq3A_440 = arith.constant 0 : i32
    %eq3A_441 = arith.cmpi eq, %jit3A_416, %eq3A_440 : i32
    %jit3A_442 = arith.constant 1 : i32
    %select_n3A_443 = arith.select %eq3A_441, %jit3A_442, %jit3A_416 : i32
    %rem3A_444 = arith.remsi %select_n3A_400, %select_n3A_443 : i32
    %ne3A_445 = arith.constant 0 : i32
    %ne3A_446 = arith.cmpi ne, %rem3A_444, %ne3A_445 : i32
    %lt3A_447 = arith.constant 0 : i32
    %lt3A_448 = arith.cmpi slt, %rem3A_444, %lt3A_447 : i32
    %lt3A_449 = arith.constant 0 : i32
    %lt3A_450 = arith.cmpi slt, %select_n3A_443, %lt3A_449 : i32
    %ne3A_451 = arith.xori %lt3A_448, %lt3A_450 : i1
    %and3A_452 = arith.andi %ne3A_451, %ne3A_446 : i1
    %add3A_453 = arith.addi %rem3A_444, %select_n3A_443 : i32
    %select_n3A_454 = arith.select %and3A_452, %add3A_453, %rem3A_444 : i32
    %dma_start3A_455 = arith.constant 0 : i32
    %dma_start3A_456 = arith.constant 0 : i32
    %dma_start3A_457 = tpu.memref_slice %arg3[%select_n3A_439, %select_n3A_454, %select_n3A_415, %dma_start3A_455, %dma_start3A_456] : memref<8x32x3x224x224xf32, #tpu.memory_space<hbm>> -> memref<1x1x1x224x224xf32, #tpu.memory_space<hbm>>
    %dma_start3A_458 = tpu.memref_squeeze %dma_start3A_457 : memref<1x1x1x224x224xf32, #tpu.memory_space<hbm>> -> memref<224x224xf32, #tpu.memory_space<hbm>>
    %dma_start3A_459 = arith.constant 0 : i32
    %dma_start3A_460 = arith.constant 0 : i32
    %dma_start3A_461 = tpu.memref_slice %arg3[%select_n3A_439, %select_n3A_454, %select_n3A_415, %dma_start3A_459, %dma_start3A_460] : memref<8x32x3x224x224xf32, #tpu.memory_space<hbm>> -> memref<1x1x1x224x224xf32, #tpu.memory_space<hbm>>
    %dma_start3A_462 = tpu.memref_squeeze %dma_start3A_461 : memref<1x1x1x224x224xf32, #tpu.memory_space<hbm>> -> memref<224x224xf32, #tpu.memory_space<hbm>>
    tpu.enqueue_dma source(%arg5 : memref<224x224xf32, #tpu.memory_space<vmem>>) target(%dma_start3A_462 : memref<224x224xf32, #tpu.memory_space<hbm>>) target_semaphore(%arg9 : memref<!tpu.dma_semaphore, #tpu.memory_space<semaphore_mem>>)
    %dma_wait3A_463 = arith.constant 0 : i32
    %dma_wait3A_464 = arith.constant 0 : i32
    %dma_wait3A_465 = tpu.memref_slice %arg3[%select_n3A_439, %select_n3A_454, %select_n3A_415, %dma_wait3A_463, %dma_wait3A_464] : memref<8x32x3x224x224xf32, #tpu.memory_space<hbm>> -> memref<1x1x1x224x224xf32, #tpu.memory_space<hbm>>
    %dma_wait3A_466 = tpu.memref_squeeze %dma_wait3A_465 : memref<1x1x1x224x224xf32, #tpu.memory_space<hbm>> -> memref<224x224xf32, #tpu.memory_space<hbm>>
    %dma_wait3A_467 = arith.constant 0 : i32
    %dma_wait3A_468 = arith.constant 0 : i32
    %dma_wait3A_469 = tpu.memref_slice %arg3[%select_n3A_439, %select_n3A_454, %select_n3A_415, %dma_wait3A_467, %dma_wait3A_468] : memref<8x32x3x224x224xf32, #tpu.memory_space<hbm>> -> memref<1x1x1x224x224xf32, #tpu.memory_space<hbm>>
    %dma_wait3A_470 = tpu.memref_squeeze %dma_wait3A_469 : memref<1x1x1x224x224xf32, #tpu.memory_space<hbm>> -> memref<224x224xf32, #tpu.memory_space<hbm>>
    tpu.wait_dma2 semaphore(%arg9 : memref<!tpu.dma_semaphore, #tpu.memory_space<semaphore_mem>>) src(%arg5 : memref<224x224xf32, #tpu.memory_space<vmem>>) dst(%dma_wait3A_470 : memref<224x224xf32, #tpu.memory_space<hbm>>)
    %mul3A_471 = arith.constant 24 : i32
    %mul3A_472 = arith.muli %add3A, %mul3A_471 : i32
    %add3A_473 = arith.constant 3 : i32
    %add3A_474 = arith.addi %mul3A_472, %add3A_473 : i32
    %jit3A_475 = arith.constant 3 : i32
    %div3A_476 = arith.divsi %add3A_474, %jit3A_475 : i32
    %sign3A_477 = arith.constant 0 : i32
    %sign3A_478 = arith.cmpi sgt, %add3A_474, %sign3A_477 : i32
    %sign3A_479 = arith.extui %sign3A_478 : i1 to i32
    %sign3A_480 = arith.constant 0 : i32
    %sign3A_481 = arith.cmpi slt, %add3A_474, %sign3A_480 : i32
    %sign3A_482 = arith.extui %sign3A_481 : i1 to i32
    %sign3A_483 = arith.subi %sign3A_479, %sign3A_482 : i32
    %sign3A_484 = arith.constant 0 : i32
    %sign3A_485 = arith.cmpi sgt, %jit3A_475, %sign3A_484 : i32
    %sign3A_486 = arith.extui %sign3A_485 : i1 to i32
    %sign3A_487 = arith.constant 0 : i32
    %sign3A_488 = arith.cmpi slt, %jit3A_475, %sign3A_487 : i32
    %sign3A_489 = arith.extui %sign3A_488 : i1 to i32
    %sign3A_490 = arith.subi %sign3A_486, %sign3A_489 : i32
    %ne3A_491 = arith.cmpi ne, %sign3A_483, %sign3A_490 : i32
    %rem3A_492 = arith.remsi %add3A_474, %jit3A_475 : i32
    %ne3A_493 = arith.constant 0 : i32
    %ne3A_494 = arith.cmpi ne, %rem3A_492, %ne3A_493 : i32
    %and3A_495 = arith.andi %ne3A_491, %ne3A_494 : i1
    %sub3A_496 = arith.constant 1 : i32
    %sub3A_497 = arith.subi %div3A_476, %sub3A_496 : i32
    %select_n3A_498 = arith.select %and3A_495, %sub3A_497, %div3A_476 : i32
    %eq3A_499 = arith.constant 0 : i32
    %eq3A_500 = arith.cmpi eq, %jit3A_475, %eq3A_499 : i32
    %jit3A_501 = arith.constant 1 : i32
    %select_n3A_502 = arith.select %eq3A_500, %jit3A_501, %jit3A_475 : i32
    %rem3A_503 = arith.remsi %add3A_474, %select_n3A_502 : i32
    %ne3A_504 = arith.constant 0 : i32
    %ne3A_505 = arith.cmpi ne, %rem3A_503, %ne3A_504 : i32
    %lt3A_506 = arith.constant 0 : i32
    %lt3A_507 = arith.cmpi slt, %rem3A_503, %lt3A_506 : i32
    %lt3A_508 = arith.constant 0 : i32
    %lt3A_509 = arith.cmpi slt, %select_n3A_502, %lt3A_508 : i32
    %ne3A_510 = arith.xori %lt3A_507, %lt3A_509 : i1
    %and3A_511 = arith.andi %ne3A_510, %ne3A_505 : i1
    %add3A_512 = arith.addi %rem3A_503, %select_n3A_502 : i32
    %select_n3A_513 = arith.select %and3A_511, %add3A_512, %rem3A_503 : i32
    %jit3A_514 = arith.constant 32 : i32
    %div3A_515 = arith.divsi %select_n3A_498, %jit3A_514 : i32
    %sign3A_516 = arith.constant 0 : i32
    %sign3A_517 = arith.cmpi sgt, %select_n3A_498, %sign3A_516 : i32
    %sign3A_518 = arith.extui %sign3A_517 : i1 to i32
    %sign3A_519 = arith.constant 0 : i32
    %sign3A_520 = arith.cmpi slt, %select_n3A_498, %sign3A_519 : i32
    %sign3A_521 = arith.extui %sign3A_520 : i1 to i32
    %sign3A_522 = arith.subi %sign3A_518, %sign3A_521 : i32
    %sign3A_523 = arith.constant 0 : i32
    %sign3A_524 = arith.cmpi sgt, %jit3A_514, %sign3A_523 : i32
    %sign3A_525 = arith.extui %sign3A_524 : i1 to i32
    %sign3A_526 = arith.constant 0 : i32
    %sign3A_527 = arith.cmpi slt, %jit3A_514, %sign3A_526 : i32
    %sign3A_528 = arith.extui %sign3A_527 : i1 to i32
    %sign3A_529 = arith.subi %sign3A_525, %sign3A_528 : i32
    %ne3A_530 = arith.cmpi ne, %sign3A_522, %sign3A_529 : i32
    %rem3A_531 = arith.remsi %select_n3A_498, %jit3A_514 : i32
    %ne3A_532 = arith.constant 0 : i32
    %ne3A_533 = arith.cmpi ne, %rem3A_531, %ne3A_532 : i32
    %and3A_534 = arith.andi %ne3A_530, %ne3A_533 : i1
    %sub3A_535 = arith.constant 1 : i32
    %sub3A_536 = arith.subi %div3A_515, %sub3A_535 : i32
    %select_n3A_537 = arith.select %and3A_534, %sub3A_536, %div3A_515 : i32
    %eq3A_538 = arith.constant 0 : i32
    %eq3A_539 = arith.cmpi eq, %jit3A_514, %eq3A_538 : i32
    %jit3A_540 = arith.constant 1 : i32
    %select_n3A_541 = arith.select %eq3A_539, %jit3A_540, %jit3A_514 : i32
    %rem3A_542 = arith.remsi %select_n3A_498, %select_n3A_541 : i32
    %ne3A_543 = arith.constant 0 : i32
    %ne3A_544 = arith.cmpi ne, %rem3A_542, %ne3A_543 : i32
    %lt3A_545 = arith.constant 0 : i32
    %lt3A_546 = arith.cmpi slt, %rem3A_542, %lt3A_545 : i32
    %lt3A_547 = arith.constant 0 : i32
    %lt3A_548 = arith.cmpi slt, %select_n3A_541, %lt3A_547 : i32
    %ne3A_549 = arith.xori %lt3A_546, %lt3A_548 : i1
    %and3A_550 = arith.andi %ne3A_549, %ne3A_544 : i1
    %add3A_551 = arith.addi %rem3A_542, %select_n3A_541 : i32
    %select_n3A_552 = arith.select %and3A_550, %add3A_551, %rem3A_542 : i32
    %dma_start3A_553 = arith.constant 0 : i32
    %dma_start3A_554 = arith.constant 0 : i32
    %dma_start3A_555 = tpu.memref_slice %arg2[%select_n3A_537, %select_n3A_552, %select_n3A_513, %dma_start3A_553, %dma_start3A_554] : memref<8x32x3x224x224xf32, #tpu.memory_space<hbm>> -> memref<1x1x1x224x224xf32, #tpu.memory_space<hbm>>
    %dma_start3A_556 = tpu.memref_squeeze %dma_start3A_555 : memref<1x1x1x224x224xf32, #tpu.memory_space<hbm>> -> memref<224x224xf32, #tpu.memory_space<hbm>>
    %dma_start3A_557 = arith.constant 0 : i32
    %dma_start3A_558 = arith.constant 0 : i32
    %dma_start3A_559 = tpu.memref_slice %arg2[%select_n3A_537, %select_n3A_552, %select_n3A_513, %dma_start3A_557, %dma_start3A_558] : memref<8x32x3x224x224xf32, #tpu.memory_space<hbm>> -> memref<1x1x1x224x224xf32, #tpu.memory_space<hbm>>
    %dma_start3A_560 = tpu.memref_squeeze %dma_start3A_559 : memref<1x1x1x224x224xf32, #tpu.memory_space<hbm>> -> memref<224x224xf32, #tpu.memory_space<hbm>>
    tpu.enqueue_dma source(%dma_start3A_560 : memref<224x224xf32, #tpu.memory_space<hbm>>) target(%arg5 : memref<224x224xf32, #tpu.memory_space<vmem>>) target_semaphore(%arg7 : memref<!tpu.dma_semaphore, #tpu.memory_space<semaphore_mem>>)
    %dma_wait3A_561 = arith.constant 0 : i32
    %dma_wait3A_562 = arith.constant 0 : i32
    %dma_wait3A_563 = tpu.memref_slice %arg2[%select_n3A_341, %select_n3A_356, %select_n3A_317, %dma_wait3A_561, %dma_wait3A_562] : memref<8x32x3x224x224xf32, #tpu.memory_space<hbm>> -> memref<1x1x1x224x224xf32, #tpu.memory_space<hbm>>
    %dma_wait3A_564 = tpu.memref_squeeze %dma_wait3A_563 : memref<1x1x1x224x224xf32, #tpu.memory_space<hbm>> -> memref<224x224xf32, #tpu.memory_space<hbm>>
    %dma_wait3A_565 = arith.constant 0 : i32
    %dma_wait3A_566 = arith.constant 0 : i32
    %dma_wait3A_567 = tpu.memref_slice %arg2[%select_n3A_341, %select_n3A_356, %select_n3A_317, %dma_wait3A_565, %dma_wait3A_566] : memref<8x32x3x224x224xf32, #tpu.memory_space<hbm>> -> memref<1x1x1x224x224xf32, #tpu.memory_space<hbm>>
    %dma_wait3A_568 = tpu.memref_squeeze %dma_wait3A_567 : memref<1x1x1x224x224xf32, #tpu.memory_space<hbm>> -> memref<224x224xf32, #tpu.memory_space<hbm>>
    tpu.wait_dma2 semaphore(%arg6 : memref<!tpu.dma_semaphore, #tpu.memory_space<semaphore_mem>>) src(%dma_wait3A_568 : memref<224x224xf32, #tpu.memory_space<hbm>>) dst(%arg4 : memref<224x224xf32, #tpu.memory_space<vmem>>)
    %mul3A_569 = arith.constant 24 : i32
    %mul3A_570 = arith.muli %add3A, %mul3A_569 : i32
    %add3A_571 = arith.constant 2 : i32
    %add3A_572 = arith.addi %mul3A_570, %add3A_571 : i32
    %jit3A_573 = arith.constant 3 : i32
    %div3A_574 = arith.divsi %add3A_572, %jit3A_573 : i32
    %sign3A_575 = arith.constant 0 : i32
    %sign3A_576 = arith.cmpi sgt, %add3A_572, %sign3A_575 : i32
    %sign3A_577 = arith.extui %sign3A_576 : i1 to i32
    %sign3A_578 = arith.constant 0 : i32
    %sign3A_579 = arith.cmpi slt, %add3A_572, %sign3A_578 : i32
    %sign3A_580 = arith.extui %sign3A_579 : i1 to i32
    %sign3A_581 = arith.subi %sign3A_577, %sign3A_580 : i32
    %sign3A_582 = arith.constant 0 : i32
    %sign3A_583 = arith.cmpi sgt, %jit3A_573, %sign3A_582 : i32
    %sign3A_584 = arith.extui %sign3A_583 : i1 to i32
    %sign3A_585 = arith.constant 0 : i32
    %sign3A_586 = arith.cmpi slt, %jit3A_573, %sign3A_585 : i32
    %sign3A_587 = arith.extui %sign3A_586 : i1 to i32
    %sign3A_588 = arith.subi %sign3A_584, %sign3A_587 : i32
    %ne3A_589 = arith.cmpi ne, %sign3A_581, %sign3A_588 : i32
    %rem3A_590 = arith.remsi %add3A_572, %jit3A_573 : i32
    %ne3A_591 = arith.constant 0 : i32
    %ne3A_592 = arith.cmpi ne, %rem3A_590, %ne3A_591 : i32
    %and3A_593 = arith.andi %ne3A_589, %ne3A_592 : i1
    %sub3A_594 = arith.constant 1 : i32
    %sub3A_595 = arith.subi %div3A_574, %sub3A_594 : i32
    %select_n3A_596 = arith.select %and3A_593, %sub3A_595, %div3A_574 : i32
    %eq3A_597 = arith.constant 0 : i32
    %eq3A_598 = arith.cmpi eq, %jit3A_573, %eq3A_597 : i32
    %jit3A_599 = arith.constant 1 : i32
    %select_n3A_600 = arith.select %eq3A_598, %jit3A_599, %jit3A_573 : i32
    %rem3A_601 = arith.remsi %add3A_572, %select_n3A_600 : i32
    %ne3A_602 = arith.constant 0 : i32
    %ne3A_603 = arith.cmpi ne, %rem3A_601, %ne3A_602 : i32
    %lt3A_604 = arith.constant 0 : i32
    %lt3A_605 = arith.cmpi slt, %rem3A_601, %lt3A_604 : i32
    %lt3A_606 = arith.constant 0 : i32
    %lt3A_607 = arith.cmpi slt, %select_n3A_600, %lt3A_606 : i32
    %ne3A_608 = arith.xori %lt3A_605, %lt3A_607 : i1
    %and3A_609 = arith.andi %ne3A_608, %ne3A_603 : i1
    %add3A_610 = arith.addi %rem3A_601, %select_n3A_600 : i32
    %select_n3A_611 = arith.select %and3A_609, %add3A_610, %rem3A_601 : i32
    %jit3A_612 = arith.constant 32 : i32
    %div3A_613 = arith.divsi %select_n3A_596, %jit3A_612 : i32
    %sign3A_614 = arith.constant 0 : i32
    %sign3A_615 = arith.cmpi sgt, %select_n3A_596, %sign3A_614 : i32
    %sign3A_616 = arith.extui %sign3A_615 : i1 to i32
    %sign3A_617 = arith.constant 0 : i32
    %sign3A_618 = arith.cmpi slt, %select_n3A_596, %sign3A_617 : i32
    %sign3A_619 = arith.extui %sign3A_618 : i1 to i32
    %sign3A_620 = arith.subi %sign3A_616, %sign3A_619 : i32
    %sign3A_621 = arith.constant 0 : i32
    %sign3A_622 = arith.cmpi sgt, %jit3A_612, %sign3A_621 : i32
    %sign3A_623 = arith.extui %sign3A_622 : i1 to i32
    %sign3A_624 = arith.constant 0 : i32
    %sign3A_625 = arith.cmpi slt, %jit3A_612, %sign3A_624 : i32
    %sign3A_626 = arith.extui %sign3A_625 : i1 to i32
    %sign3A_627 = arith.subi %sign3A_623, %sign3A_626 : i32
    %ne3A_628 = arith.cmpi ne, %sign3A_620, %sign3A_627 : i32
    %rem3A_629 = arith.remsi %select_n3A_596, %jit3A_612 : i32
    %ne3A_630 = arith.constant 0 : i32
    %ne3A_631 = arith.cmpi ne, %rem3A_629, %ne3A_630 : i32
    %and3A_632 = arith.andi %ne3A_628, %ne3A_631 : i1
    %sub3A_633 = arith.constant 1 : i32
    %sub3A_634 = arith.subi %div3A_613, %sub3A_633 : i32
    %select_n3A_635 = arith.select %and3A_632, %sub3A_634, %div3A_613 : i32
    %eq3A_636 = arith.constant 0 : i32
    %eq3A_637 = arith.cmpi eq, %jit3A_612, %eq3A_636 : i32
    %jit3A_638 = arith.constant 1 : i32
    %select_n3A_639 = arith.select %eq3A_637, %jit3A_638, %jit3A_612 : i32
    %rem3A_640 = arith.remsi %select_n3A_596, %select_n3A_639 : i32
    %ne3A_641 = arith.constant 0 : i32
    %ne3A_642 = arith.cmpi ne, %rem3A_640, %ne3A_641 : i32
    %lt3A_643 = arith.constant 0 : i32
    %lt3A_644 = arith.cmpi slt, %rem3A_640, %lt3A_643 : i32
    %lt3A_645 = arith.constant 0 : i32
    %lt3A_646 = arith.cmpi slt, %select_n3A_639, %lt3A_645 : i32
    %ne3A_647 = arith.xori %lt3A_644, %lt3A_646 : i1
    %and3A_648 = arith.andi %ne3A_647, %ne3A_642 : i1
    %add3A_649 = arith.addi %rem3A_640, %select_n3A_639 : i32
    %select_n3A_650 = arith.select %and3A_648, %add3A_649, %rem3A_640 : i32
    %dma_start3A_651 = arith.constant 0 : i32
    %dma_start3A_652 = arith.constant 0 : i32
    %dma_start3A_653 = tpu.memref_slice %arg3[%select_n3A_635, %select_n3A_650, %select_n3A_611, %dma_start3A_651, %dma_start3A_652] : memref<8x32x3x224x224xf32, #tpu.memory_space<hbm>> -> memref<1x1x1x224x224xf32, #tpu.memory_space<hbm>>
    %dma_start3A_654 = tpu.memref_squeeze %dma_start3A_653 : memref<1x1x1x224x224xf32, #tpu.memory_space<hbm>> -> memref<224x224xf32, #tpu.memory_space<hbm>>
    %dma_start3A_655 = arith.constant 0 : i32
    %dma_start3A_656 = arith.constant 0 : i32
    %dma_start3A_657 = tpu.memref_slice %arg3[%select_n3A_635, %select_n3A_650, %select_n3A_611, %dma_start3A_655, %dma_start3A_656] : memref<8x32x3x224x224xf32, #tpu.memory_space<hbm>> -> memref<1x1x1x224x224xf32, #tpu.memory_space<hbm>>
    %dma_start3A_658 = tpu.memref_squeeze %dma_start3A_657 : memref<1x1x1x224x224xf32, #tpu.memory_space<hbm>> -> memref<224x224xf32, #tpu.memory_space<hbm>>
    tpu.enqueue_dma source(%arg4 : memref<224x224xf32, #tpu.memory_space<vmem>>) target(%dma_start3A_658 : memref<224x224xf32, #tpu.memory_space<hbm>>) target_semaphore(%arg8 : memref<!tpu.dma_semaphore, #tpu.memory_space<semaphore_mem>>)
    %dma_wait3A_659 = arith.constant 0 : i32
    %dma_wait3A_660 = arith.constant 0 : i32
    %dma_wait3A_661 = tpu.memref_slice %arg3[%select_n3A_635, %select_n3A_650, %select_n3A_611, %dma_wait3A_659, %dma_wait3A_660] : memref<8x32x3x224x224xf32, #tpu.memory_space<hbm>> -> memref<1x1x1x224x224xf32, #tpu.memory_space<hbm>>
    %dma_wait3A_662 = tpu.memref_squeeze %dma_wait3A_661 : memref<1x1x1x224x224xf32, #tpu.memory_space<hbm>> -> memref<224x224xf32, #tpu.memory_space<hbm>>
    %dma_wait3A_663 = arith.constant 0 : i32
    %dma_wait3A_664 = arith.constant 0 : i32
    %dma_wait3A_665 = tpu.memref_slice %arg3[%select_n3A_635, %select_n3A_650, %select_n3A_611, %dma_wait3A_663, %dma_wait3A_664] : memref<8x32x3x224x224xf32, #tpu.memory_space<hbm>> -> memref<1x1x1x224x224xf32, #tpu.memory_space<hbm>>
    %dma_wait3A_666 = tpu.memref_squeeze %dma_wait3A_665 : memref<1x1x1x224x224xf32, #tpu.memory_space<hbm>> -> memref<224x224xf32, #tpu.memory_space<hbm>>
    tpu.wait_dma2 semaphore(%arg8 : memref<!tpu.dma_semaphore, #tpu.memory_space<semaphore_mem>>) src(%arg4 : memref<224x224xf32, #tpu.memory_space<vmem>>) dst(%dma_wait3A_666 : memref<224x224xf32, #tpu.memory_space<hbm>>)
    %mul3A_667 = arith.constant 24 : i32
    %mul3A_668 = arith.muli %add3A, %mul3A_667 : i32
    %add3A_669 = arith.constant 4 : i32
    %add3A_670 = arith.addi %mul3A_668, %add3A_669 : i32
    %jit3A_671 = arith.constant 3 : i32
    %div3A_672 = arith.divsi %add3A_670, %jit3A_671 : i32
    %sign3A_673 = arith.constant 0 : i32
    %sign3A_674 = arith.cmpi sgt, %add3A_670, %sign3A_673 : i32
    %sign3A_675 = arith.extui %sign3A_674 : i1 to i32
    %sign3A_676 = arith.constant 0 : i32
    %sign3A_677 = arith.cmpi slt, %add3A_670, %sign3A_676 : i32
    %sign3A_678 = arith.extui %sign3A_677 : i1 to i32
    %sign3A_679 = arith.subi %sign3A_675, %sign3A_678 : i32
    %sign3A_680 = arith.constant 0 : i32
    %sign3A_681 = arith.cmpi sgt, %jit3A_671, %sign3A_680 : i32
    %sign3A_682 = arith.extui %sign3A_681 : i1 to i32
    %sign3A_683 = arith.constant 0 : i32
    %sign3A_684 = arith.cmpi slt, %jit3A_671, %sign3A_683 : i32
    %sign3A_685 = arith.extui %sign3A_684 : i1 to i32
    %sign3A_686 = arith.subi %sign3A_682, %sign3A_685 : i32
    %ne3A_687 = arith.cmpi ne, %sign3A_679, %sign3A_686 : i32
    %rem3A_688 = arith.remsi %add3A_670, %jit3A_671 : i32
    %ne3A_689 = arith.constant 0 : i32
    %ne3A_690 = arith.cmpi ne, %rem3A_688, %ne3A_689 : i32
    %and3A_691 = arith.andi %ne3A_687, %ne3A_690 : i1
    %sub3A_692 = arith.constant 1 : i32
    %sub3A_693 = arith.subi %div3A_672, %sub3A_692 : i32
    %select_n3A_694 = arith.select %and3A_691, %sub3A_693, %div3A_672 : i32
    %eq3A_695 = arith.constant 0 : i32
    %eq3A_696 = arith.cmpi eq, %jit3A_671, %eq3A_695 : i32
    %jit3A_697 = arith.constant 1 : i32
    %select_n3A_698 = arith.select %eq3A_696, %jit3A_697, %jit3A_671 : i32
    %rem3A_699 = arith.remsi %add3A_670, %select_n3A_698 : i32
    %ne3A_700 = arith.constant 0 : i32
    %ne3A_701 = arith.cmpi ne, %rem3A_699, %ne3A_700 : i32
    %lt3A_702 = arith.constant 0 : i32
    %lt3A_703 = arith.cmpi slt, %rem3A_699, %lt3A_702 : i32
    %lt3A_704 = arith.constant 0 : i32
    %lt3A_705 = arith.cmpi slt, %select_n3A_698, %lt3A_704 : i32
    %ne3A_706 = arith.xori %lt3A_703, %lt3A_705 : i1
    %and3A_707 = arith.andi %ne3A_706, %ne3A_701 : i1
    %add3A_708 = arith.addi %rem3A_699, %select_n3A_698 : i32
    %select_n3A_709 = arith.select %and3A_707, %add3A_708, %rem3A_699 : i32
    %jit3A_710 = arith.constant 32 : i32
    %div3A_711 = arith.divsi %select_n3A_694, %jit3A_710 : i32
    %sign3A_712 = arith.constant 0 : i32
    %sign3A_713 = arith.cmpi sgt, %select_n3A_694, %sign3A_712 : i32
    %sign3A_714 = arith.extui %sign3A_713 : i1 to i32
    %sign3A_715 = arith.constant 0 : i32
    %sign3A_716 = arith.cmpi slt, %select_n3A_694, %sign3A_715 : i32
    %sign3A_717 = arith.extui %sign3A_716 : i1 to i32
    %sign3A_718 = arith.subi %sign3A_714, %sign3A_717 : i32
    %sign3A_719 = arith.constant 0 : i32
    %sign3A_720 = arith.cmpi sgt, %jit3A_710, %sign3A_719 : i32
    %sign3A_721 = arith.extui %sign3A_720 : i1 to i32
    %sign3A_722 = arith.constant 0 : i32
    %sign3A_723 = arith.cmpi slt, %jit3A_710, %sign3A_722 : i32
    %sign3A_724 = arith.extui %sign3A_723 : i1 to i32
    %sign3A_725 = arith.subi %sign3A_721, %sign3A_724 : i32
    %ne3A_726 = arith.cmpi ne, %sign3A_718, %sign3A_725 : i32
    %rem3A_727 = arith.remsi %select_n3A_694, %jit3A_710 : i32
    %ne3A_728 = arith.constant 0 : i32
    %ne3A_729 = arith.cmpi ne, %rem3A_727, %ne3A_728 : i32
    %and3A_730 = arith.andi %ne3A_726, %ne3A_729 : i1
    %sub3A_731 = arith.constant 1 : i32
    %sub3A_732 = arith.subi %div3A_711, %sub3A_731 : i32
    %select_n3A_733 = arith.select %and3A_730, %sub3A_732, %div3A_711 : i32
    %eq3A_734 = arith.constant 0 : i32
    %eq3A_735 = arith.cmpi eq, %jit3A_710, %eq3A_734 : i32
    %jit3A_736 = arith.constant 1 : i32
    %select_n3A_737 = arith.select %eq3A_735, %jit3A_736, %jit3A_710 : i32
    %rem3A_738 = arith.remsi %select_n3A_694, %select_n3A_737 : i32
    %ne3A_739 = arith.constant 0 : i32
    %ne3A_740 = arith.cmpi ne, %rem3A_738, %ne3A_739 : i32
    %lt3A_741 = arith.constant 0 : i32
    %lt3A_742 = arith.cmpi slt, %rem3A_738, %lt3A_741 : i32
    %lt3A_743 = arith.constant 0 : i32
    %lt3A_744 = arith.cmpi slt, %select_n3A_737, %lt3A_743 : i32
    %ne3A_745 = arith.xori %lt3A_742, %lt3A_744 : i1
    %and3A_746 = arith.andi %ne3A_745, %ne3A_740 : i1
    %add3A_747 = arith.addi %rem3A_738, %select_n3A_737 : i32
    %select_n3A_748 = arith.select %and3A_746, %add3A_747, %rem3A_738 : i32
    %dma_start3A_749 = arith.constant 0 : i32
    %dma_start3A_750 = arith.constant 0 : i32
    %dma_start3A_751 = tpu.memref_slice %arg2[%select_n3A_733, %select_n3A_748, %select_n3A_709, %dma_start3A_749, %dma_start3A_750] : memref<8x32x3x224x224xf32, #tpu.memory_space<hbm>> -> memref<1x1x1x224x224xf32, #tpu.memory_space<hbm>>
    %dma_start3A_752 = tpu.memref_squeeze %dma_start3A_751 : memref<1x1x1x224x224xf32, #tpu.memory_space<hbm>> -> memref<224x224xf32, #tpu.memory_space<hbm>>
    %dma_start3A_753 = arith.constant 0 : i32
    %dma_start3A_754 = arith.constant 0 : i32
    %dma_start3A_755 = tpu.memref_slice %arg2[%select_n3A_733, %select_n3A_748, %select_n3A_709, %dma_start3A_753, %dma_start3A_754] : memref<8x32x3x224x224xf32, #tpu.memory_space<hbm>> -> memref<1x1x1x224x224xf32, #tpu.memory_space<hbm>>
    %dma_start3A_756 = tpu.memref_squeeze %dma_start3A_755 : memref<1x1x1x224x224xf32, #tpu.memory_space<hbm>> -> memref<224x224xf32, #tpu.memory_space<hbm>>
    tpu.enqueue_dma source(%dma_start3A_756 : memref<224x224xf32, #tpu.memory_space<hbm>>) target(%arg4 : memref<224x224xf32, #tpu.memory_space<vmem>>) target_semaphore(%arg6 : memref<!tpu.dma_semaphore, #tpu.memory_space<semaphore_mem>>)
    %dma_wait3A_757 = arith.constant 0 : i32
    %dma_wait3A_758 = arith.constant 0 : i32
    %dma_wait3A_759 = tpu.memref_slice %arg2[%select_n3A_537, %select_n3A_552, %select_n3A_513, %dma_wait3A_757, %dma_wait3A_758] : memref<8x32x3x224x224xf32, #tpu.memory_space<hbm>> -> memref<1x1x1x224x224xf32, #tpu.memory_space<hbm>>
    %dma_wait3A_760 = tpu.memref_squeeze %dma_wait3A_759 : memref<1x1x1x224x224xf32, #tpu.memory_space<hbm>> -> memref<224x224xf32, #tpu.memory_space<hbm>>
    %dma_wait3A_761 = arith.constant 0 : i32
    %dma_wait3A_762 = arith.constant 0 : i32
    %dma_wait3A_763 = tpu.memref_slice %arg2[%select_n3A_537, %select_n3A_552, %select_n3A_513, %dma_wait3A_761, %dma_wait3A_762] : memref<8x32x3x224x224xf32, #tpu.memory_space<hbm>> -> memref<1x1x1x224x224xf32, #tpu.memory_space<hbm>>
    %dma_wait3A_764 = tpu.memref_squeeze %dma_wait3A_763 : memref<1x1x1x224x224xf32, #tpu.memory_space<hbm>> -> memref<224x224xf32, #tpu.memory_space<hbm>>
    tpu.wait_dma2 semaphore(%arg7 : memref<!tpu.dma_semaphore, #tpu.memory_space<semaphore_mem>>) src(%dma_wait3A_764 : memref<224x224xf32, #tpu.memory_space<hbm>>) dst(%arg5 : memref<224x224xf32, #tpu.memory_space<vmem>>)
    %mul3A_765 = arith.constant 24 : i32
    %mul3A_766 = arith.muli %add3A, %mul3A_765 : i32
    %add3A_767 = arith.constant 3 : i32
    %add3A_768 = arith.addi %mul3A_766, %add3A_767 : i32
    %jit3A_769 = arith.constant 3 : i32
    %div3A_770 = arith.divsi %add3A_768, %jit3A_769 : i32
    %sign3A_771 = arith.constant 0 : i32
    %sign3A_772 = arith.cmpi sgt, %add3A_768, %sign3A_771 : i32
    %sign3A_773 = arith.extui %sign3A_772 : i1 to i32
    %sign3A_774 = arith.constant 0 : i32
    %sign3A_775 = arith.cmpi slt, %add3A_768, %sign3A_774 : i32
    %sign3A_776 = arith.extui %sign3A_775 : i1 to i32
    %sign3A_777 = arith.subi %sign3A_773, %sign3A_776 : i32
    %sign3A_778 = arith.constant 0 : i32
    %sign3A_779 = arith.cmpi sgt, %jit3A_769, %sign3A_778 : i32
    %sign3A_780 = arith.extui %sign3A_779 : i1 to i32
    %sign3A_781 = arith.constant 0 : i32
    %sign3A_782 = arith.cmpi slt, %jit3A_769, %sign3A_781 : i32
    %sign3A_783 = arith.extui %sign3A_782 : i1 to i32
    %sign3A_784 = arith.subi %sign3A_780, %sign3A_783 : i32
    %ne3A_785 = arith.cmpi ne, %sign3A_777, %sign3A_784 : i32
    %rem3A_786 = arith.remsi %add3A_768, %jit3A_769 : i32
    %ne3A_787 = arith.constant 0 : i32
    %ne3A_788 = arith.cmpi ne, %rem3A_786, %ne3A_787 : i32
    %and3A_789 = arith.andi %ne3A_785, %ne3A_788 : i1
    %sub3A_790 = arith.constant 1 : i32
    %sub3A_791 = arith.subi %div3A_770, %sub3A_790 : i32
    %select_n3A_792 = arith.select %and3A_789, %sub3A_791, %div3A_770 : i32
    %eq3A_793 = arith.constant 0 : i32
    %eq3A_794 = arith.cmpi eq, %jit3A_769, %eq3A_793 : i32
    %jit3A_795 = arith.constant 1 : i32
    %select_n3A_796 = arith.select %eq3A_794, %jit3A_795, %jit3A_769 : i32
    %rem3A_797 = arith.remsi %add3A_768, %select_n3A_796 : i32
    %ne3A_798 = arith.constant 0 : i32
    %ne3A_799 = arith.cmpi ne, %rem3A_797, %ne3A_798 : i32
    %lt3A_800 = arith.constant 0 : i32
    %lt3A_801 = arith.cmpi slt, %rem3A_797, %lt3A_800 : i32
    %lt3A_802 = arith.constant 0 : i32
    %lt3A_803 = arith.cmpi slt, %select_n3A_796, %lt3A_802 : i32
    %ne3A_804 = arith.xori %lt3A_801, %lt3A_803 : i1
    %and3A_805 = arith.andi %ne3A_804, %ne3A_799 : i1
    %add3A_806 = arith.addi %rem3A_797, %select_n3A_796 : i32
    %select_n3A_807 = arith.select %and3A_805, %add3A_806, %rem3A_797 : i32
    %jit3A_808 = arith.constant 32 : i32
    %div3A_809 = arith.divsi %select_n3A_792, %jit3A_808 : i32
    %sign3A_810 = arith.constant 0 : i32
    %sign3A_811 = arith.cmpi sgt, %select_n3A_792, %sign3A_810 : i32
    %sign3A_812 = arith.extui %sign3A_811 : i1 to i32
    %sign3A_813 = arith.constant 0 : i32
    %sign3A_814 = arith.cmpi slt, %select_n3A_792, %sign3A_813 : i32
    %sign3A_815 = arith.extui %sign3A_814 : i1 to i32
    %sign3A_816 = arith.subi %sign3A_812, %sign3A_815 : i32
    %sign3A_817 = arith.constant 0 : i32
    %sign3A_818 = arith.cmpi sgt, %jit3A_808, %sign3A_817 : i32
    %sign3A_819 = arith.extui %sign3A_818 : i1 to i32
    %sign3A_820 = arith.constant 0 : i32
    %sign3A_821 = arith.cmpi slt, %jit3A_808, %sign3A_820 : i32
    %sign3A_822 = arith.extui %sign3A_821 : i1 to i32
    %sign3A_823 = arith.subi %sign3A_819, %sign3A_822 : i32
    %ne3A_824 = arith.cmpi ne, %sign3A_816, %sign3A_823 : i32
    %rem3A_825 = arith.remsi %select_n3A_792, %jit3A_808 : i32
    %ne3A_826 = arith.constant 0 : i32
    %ne3A_827 = arith.cmpi ne, %rem3A_825, %ne3A_826 : i32
    %and3A_828 = arith.andi %ne3A_824, %ne3A_827 : i1
    %sub3A_829 = arith.constant 1 : i32
    %sub3A_830 = arith.subi %div3A_809, %sub3A_829 : i32
    %select_n3A_831 = arith.select %and3A_828, %sub3A_830, %div3A_809 : i32
    %eq3A_832 = arith.constant 0 : i32
    %eq3A_833 = arith.cmpi eq, %jit3A_808, %eq3A_832 : i32
    %jit3A_834 = arith.constant 1 : i32
    %select_n3A_835 = arith.select %eq3A_833, %jit3A_834, %jit3A_808 : i32
    %rem3A_836 = arith.remsi %select_n3A_792, %select_n3A_835 : i32
    %ne3A_837 = arith.constant 0 : i32
    %ne3A_838 = arith.cmpi ne, %rem3A_836, %ne3A_837 : i32
    %lt3A_839 = arith.constant 0 : i32
    %lt3A_840 = arith.cmpi slt, %rem3A_836, %lt3A_839 : i32
    %lt3A_841 = arith.constant 0 : i32
    %lt3A_842 = arith.cmpi slt, %select_n3A_835, %lt3A_841 : i32
    %ne3A_843 = arith.xori %lt3A_840, %lt3A_842 : i1
    %and3A_844 = arith.andi %ne3A_843, %ne3A_838 : i1
    %add3A_845 = arith.addi %rem3A_836, %select_n3A_835 : i32
    %select_n3A_846 = arith.select %and3A_844, %add3A_845, %rem3A_836 : i32
    %dma_start3A_847 = arith.constant 0 : i32
    %dma_start3A_848 = arith.constant 0 : i32
    %dma_start3A_849 = tpu.memref_slice %arg3[%select_n3A_831, %select_n3A_846, %select_n3A_807, %dma_start3A_847, %dma_start3A_848] : memref<8x32x3x224x224xf32, #tpu.memory_space<hbm>> -> memref<1x1x1x224x224xf32, #tpu.memory_space<hbm>>
    %dma_start3A_850 = tpu.memref_squeeze %dma_start3A_849 : memref<1x1x1x224x224xf32, #tpu.memory_space<hbm>> -> memref<224x224xf32, #tpu.memory_space<hbm>>
    %dma_start3A_851 = arith.constant 0 : i32
    %dma_start3A_852 = arith.constant 0 : i32
    %dma_start3A_853 = tpu.memref_slice %arg3[%select_n3A_831, %select_n3A_846, %select_n3A_807, %dma_start3A_851, %dma_start3A_852] : memref<8x32x3x224x224xf32, #tpu.memory_space<hbm>> -> memref<1x1x1x224x224xf32, #tpu.memory_space<hbm>>
    %dma_start3A_854 = tpu.memref_squeeze %dma_start3A_853 : memref<1x1x1x224x224xf32, #tpu.memory_space<hbm>> -> memref<224x224xf32, #tpu.memory_space<hbm>>
    tpu.enqueue_dma source(%arg5 : memref<224x224xf32, #tpu.memory_space<vmem>>) target(%dma_start3A_854 : memref<224x224xf32, #tpu.memory_space<hbm>>) target_semaphore(%arg9 : memref<!tpu.dma_semaphore, #tpu.memory_space<semaphore_mem>>)
    %dma_wait3A_855 = arith.constant 0 : i32
    %dma_wait3A_856 = arith.constant 0 : i32
    %dma_wait3A_857 = tpu.memref_slice %arg3[%select_n3A_831, %select_n3A_846, %select_n3A_807, %dma_wait3A_855, %dma_wait3A_856] : memref<8x32x3x224x224xf32, #tpu.memory_space<hbm>> -> memref<1x1x1x224x224xf32, #tpu.memory_space<hbm>>
    %dma_wait3A_858 = tpu.memref_squeeze %dma_wait3A_857 : memref<1x1x1x224x224xf32, #tpu.memory_space<hbm>> -> memref<224x224xf32, #tpu.memory_space<hbm>>
    %dma_wait3A_859 = arith.constant 0 : i32
    %dma_wait3A_860 = arith.constant 0 : i32
    %dma_wait3A_861 = tpu.memref_slice %arg3[%select_n3A_831, %select_n3A_846, %select_n3A_807, %dma_wait3A_859, %dma_wait3A_860] : memref<8x32x3x224x224xf32, #tpu.memory_space<hbm>> -> memref<1x1x1x224x224xf32, #tpu.memory_space<hbm>>
    %dma_wait3A_862 = tpu.memref_squeeze %dma_wait3A_861 : memref<1x1x1x224x224xf32, #tpu.memory_space<hbm>> -> memref<224x224xf32, #tpu.memory_space<hbm>>
    tpu.wait_dma2 semaphore(%arg9 : memref<!tpu.dma_semaphore, #tpu.memory_space<semaphore_mem>>) src(%arg5 : memref<224x224xf32, #tpu.memory_space<vmem>>) dst(%dma_wait3A_862 : memref<224x224xf32, #tpu.memory_space<hbm>>)
    %mul3A_863 = arith.constant 24 : i32
    %mul3A_864 = arith.muli %add3A, %mul3A_863 : i32
    %add3A_865 = arith.constant 5 : i32
    %add3A_866 = arith.addi %mul3A_864, %add3A_865 : i32
    %jit3A_867 = arith.constant 3 : i32
    %div3A_868 = arith.divsi %add3A_866, %jit3A_867 : i32
    %sign3A_869 = arith.constant 0 : i32
    %sign3A_870 = arith.cmpi sgt, %add3A_866, %sign3A_869 : i32
    %sign3A_871 = arith.extui %sign3A_870 : i1 to i32
    %sign3A_872 = arith.constant 0 : i32
    %sign3A_873 = arith.cmpi slt, %add3A_866, %sign3A_872 : i32
    %sign3A_874 = arith.extui %sign3A_873 : i1 to i32
    %sign3A_875 = arith.subi %sign3A_871, %sign3A_874 : i32
    %sign3A_876 = arith.constant 0 : i32
    %sign3A_877 = arith.cmpi sgt, %jit3A_867, %sign3A_876 : i32
    %sign3A_878 = arith.extui %sign3A_877 : i1 to i32
    %sign3A_879 = arith.constant 0 : i32
    %sign3A_880 = arith.cmpi slt, %jit3A_867, %sign3A_879 : i32
    %sign3A_881 = arith.extui %sign3A_880 : i1 to i32
    %sign3A_882 = arith.subi %sign3A_878, %sign3A_881 : i32
    %ne3A_883 = arith.cmpi ne, %sign3A_875, %sign3A_882 : i32
    %rem3A_884 = arith.remsi %add3A_866, %jit3A_867 : i32
    %ne3A_885 = arith.constant 0 : i32
    %ne3A_886 = arith.cmpi ne, %rem3A_884, %ne3A_885 : i32
    %and3A_887 = arith.andi %ne3A_883, %ne3A_886 : i1
    %sub3A_888 = arith.constant 1 : i32
    %sub3A_889 = arith.subi %div3A_868, %sub3A_888 : i32
    %select_n3A_890 = arith.select %and3A_887, %sub3A_889, %div3A_868 : i32
    %eq3A_891 = arith.constant 0 : i32
    %eq3A_892 = arith.cmpi eq, %jit3A_867, %eq3A_891 : i32
    %jit3A_893 = arith.constant 1 : i32
    %select_n3A_894 = arith.select %eq3A_892, %jit3A_893, %jit3A_867 : i32
    %rem3A_895 = arith.remsi %add3A_866, %select_n3A_894 : i32
    %ne3A_896 = arith.constant 0 : i32
    %ne3A_897 = arith.cmpi ne, %rem3A_895, %ne3A_896 : i32
    %lt3A_898 = arith.constant 0 : i32
    %lt3A_899 = arith.cmpi slt, %rem3A_895, %lt3A_898 : i32
    %lt3A_900 = arith.constant 0 : i32
    %lt3A_901 = arith.cmpi slt, %select_n3A_894, %lt3A_900 : i32
    %ne3A_902 = arith.xori %lt3A_899, %lt3A_901 : i1
    %and3A_903 = arith.andi %ne3A_902, %ne3A_897 : i1
    %add3A_904 = arith.addi %rem3A_895, %select_n3A_894 : i32
    %select_n3A_905 = arith.select %and3A_903, %add3A_904, %rem3A_895 : i32
    %jit3A_906 = arith.constant 32 : i32
    %div3A_907 = arith.divsi %select_n3A_890, %jit3A_906 : i32
    %sign3A_908 = arith.constant 0 : i32
    %sign3A_909 = arith.cmpi sgt, %select_n3A_890, %sign3A_908 : i32
    %sign3A_910 = arith.extui %sign3A_909 : i1 to i32
    %sign3A_911 = arith.constant 0 : i32
    %sign3A_912 = arith.cmpi slt, %select_n3A_890, %sign3A_911 : i32
    %sign3A_913 = arith.extui %sign3A_912 : i1 to i32
    %sign3A_914 = arith.subi %sign3A_910, %sign3A_913 : i32
    %sign3A_915 = arith.constant 0 : i32
    %sign3A_916 = arith.cmpi sgt, %jit3A_906, %sign3A_915 : i32
    %sign3A_917 = arith.extui %sign3A_916 : i1 to i32
    %sign3A_918 = arith.constant 0 : i32
    %sign3A_919 = arith.cmpi slt, %jit3A_906, %sign3A_918 : i32
    %sign3A_920 = arith.extui %sign3A_919 : i1 to i32
    %sign3A_921 = arith.subi %sign3A_917, %sign3A_920 : i32
    %ne3A_922 = arith.cmpi ne, %sign3A_914, %sign3A_921 : i32
    %rem3A_923 = arith.remsi %select_n3A_890, %jit3A_906 : i32
    %ne3A_924 = arith.constant 0 : i32
    %ne3A_925 = arith.cmpi ne, %rem3A_923, %ne3A_924 : i32
    %and3A_926 = arith.andi %ne3A_922, %ne3A_925 : i1
    %sub3A_927 = arith.constant 1 : i32
    %sub3A_928 = arith.subi %div3A_907, %sub3A_927 : i32
    %select_n3A_929 = arith.select %and3A_926, %sub3A_928, %div3A_907 : i32
    %eq3A_930 = arith.constant 0 : i32
    %eq3A_931 = arith.cmpi eq, %jit3A_906, %eq3A_930 : i32
    %jit3A_932 = arith.constant 1 : i32
    %select_n3A_933 = arith.select %eq3A_931, %jit3A_932, %jit3A_906 : i32
    %rem3A_934 = arith.remsi %select_n3A_890, %select_n3A_933 : i32
    %ne3A_935 = arith.constant 0 : i32
    %ne3A_936 = arith.cmpi ne, %rem3A_934, %ne3A_935 : i32
    %lt3A_937 = arith.constant 0 : i32
    %lt3A_938 = arith.cmpi slt, %rem3A_934, %lt3A_937 : i32
    %lt3A_939 = arith.constant 0 : i32
    %lt3A_940 = arith.cmpi slt, %select_n3A_933, %lt3A_939 : i32
    %ne3A_941 = arith.xori %lt3A_938, %lt3A_940 : i1
    %and3A_942 = arith.andi %ne3A_941, %ne3A_936 : i1
    %add3A_943 = arith.addi %rem3A_934, %select_n3A_933 : i32
    %select_n3A_944 = arith.select %and3A_942, %add3A_943, %rem3A_934 : i32
    %dma_start3A_945 = arith.constant 0 : i32
    %dma_start3A_946 = arith.constant 0 : i32
    %dma_start3A_947 = tpu.memref_slice %arg2[%select_n3A_929, %select_n3A_944, %select_n3A_905, %dma_start3A_945, %dma_start3A_946] : memref<8x32x3x224x224xf32, #tpu.memory_space<hbm>> -> memref<1x1x1x224x224xf32, #tpu.memory_space<hbm>>
    %dma_start3A_948 = tpu.memref_squeeze %dma_start3A_947 : memref<1x1x1x224x224xf32, #tpu.memory_space<hbm>> -> memref<224x224xf32, #tpu.memory_space<hbm>>
    %dma_start3A_949 = arith.constant 0 : i32
    %dma_start3A_950 = arith.constant 0 : i32
    %dma_start3A_951 = tpu.memref_slice %arg2[%select_n3A_929, %select_n3A_944, %select_n3A_905, %dma_start3A_949, %dma_start3A_950] : memref<8x32x3x224x224xf32, #tpu.memory_space<hbm>> -> memref<1x1x1x224x224xf32, #tpu.memory_space<hbm>>
    %dma_start3A_952 = tpu.memref_squeeze %dma_start3A_951 : memref<1x1x1x224x224xf32, #tpu.memory_space<hbm>> -> memref<224x224xf32, #tpu.memory_space<hbm>>
    tpu.enqueue_dma source(%dma_start3A_952 : memref<224x224xf32, #tpu.memory_space<hbm>>) target(%arg5 : memref<224x224xf32, #tpu.memory_space<vmem>>) target_semaphore(%arg7 : memref<!tpu.dma_semaphore, #tpu.memory_space<semaphore_mem>>)
    %dma_wait3A_953 = arith.constant 0 : i32
    %dma_wait3A_954 = arith.constant 0 : i32
    %dma_wait3A_955 = tpu.memref_slice %arg2[%select_n3A_733, %select_n3A_748, %select_n3A_709, %dma_wait3A_953, %dma_wait3A_954] : memref<8x32x3x224x224xf32, #tpu.memory_space<hbm>> -> memref<1x1x1x224x224xf32, #tpu.memory_space<hbm>>
    %dma_wait3A_956 = tpu.memref_squeeze %dma_wait3A_955 : memref<1x1x1x224x224xf32, #tpu.memory_space<hbm>> -> memref<224x224xf32, #tpu.memory_space<hbm>>
    %dma_wait3A_957 = arith.constant 0 : i32
    %dma_wait3A_958 = arith.constant 0 : i32
    %dma_wait3A_959 = tpu.memref_slice %arg2[%select_n3A_733, %select_n3A_748, %select_n3A_709, %dma_wait3A_957, %dma_wait3A_958] : memref<8x32x3x224x224xf32, #tpu.memory_space<hbm>> -> memref<1x1x1x224x224xf32, #tpu.memory_space<hbm>>
    %dma_wait3A_960 = tpu.memref_squeeze %dma_wait3A_959 : memref<1x1x1x224x224xf32, #tpu.memory_space<hbm>> -> memref<224x224xf32, #tpu.memory_space<hbm>>
    tpu.wait_dma2 semaphore(%arg6 : memref<!tpu.dma_semaphore, #tpu.memory_space<semaphore_mem>>) src(%dma_wait3A_960 : memref<224x224xf32, #tpu.memory_space<hbm>>) dst(%arg4 : memref<224x224xf32, #tpu.memory_space<vmem>>)
    %mul3A_961 = arith.constant 24 : i32
    %mul3A_962 = arith.muli %add3A, %mul3A_961 : i32
    %add3A_963 = arith.constant 4 : i32
    %add3A_964 = arith.addi %mul3A_962, %add3A_963 : i32
    %jit3A_965 = arith.constant 3 : i32
    %div3A_966 = arith.divsi %add3A_964, %jit3A_965 : i32
    %sign3A_967 = arith.constant 0 : i32
    %sign3A_968 = arith.cmpi sgt, %add3A_964, %sign3A_967 : i32
    %sign3A_969 = arith.extui %sign3A_968 : i1 to i32
    %sign3A_970 = arith.constant 0 : i32
    %sign3A_971 = arith.cmpi slt, %add3A_964, %sign3A_970 : i32
    %sign3A_972 = arith.extui %sign3A_971 : i1 to i32
    %sign3A_973 = arith.subi %sign3A_969, %sign3A_972 : i32
    %sign3A_974 = arith.constant 0 : i32
    %sign3A_975 = arith.cmpi sgt, %jit3A_965, %sign3A_974 : i32
    %sign3A_976 = arith.extui %sign3A_975 : i1 to i32
    %sign3A_977 = arith.constant 0 : i32
    %sign3A_978 = arith.cmpi slt, %jit3A_965, %sign3A_977 : i32
    %sign3A_979 = arith.extui %sign3A_978 : i1 to i32
    %sign3A_980 = arith.subi %sign3A_976, %sign3A_979 : i32
    %ne3A_981 = arith.cmpi ne, %sign3A_973, %sign3A_980 : i32
    %rem3A_982 = arith.remsi %add3A_964, %jit3A_965 : i32
    %ne3A_983 = arith.constant 0 : i32
    %ne3A_984 = arith.cmpi ne, %rem3A_982, %ne3A_983 : i32
    %and3A_985 = arith.andi %ne3A_981, %ne3A_984 : i1
    %sub3A_986 = arith.constant 1 : i32
    %sub3A_987 = arith.subi %div3A_966, %sub3A_986 : i32
    %select_n3A_988 = arith.select %and3A_985, %sub3A_987, %div3A_966 : i32
    %eq3A_989 = arith.constant 0 : i32
    %eq3A_990 = arith.cmpi eq, %jit3A_965, %eq3A_989 : i32
    %jit3A_991 = arith.constant 1 : i32
    %select_n3A_992 = arith.select %eq3A_990, %jit3A_991, %jit3A_965 : i32
    %rem3A_993 = arith.remsi %add3A_964, %select_n3A_992 : i32
    %ne3A_994 = arith.constant 0 : i32
    %ne3A_995 = arith.cmpi ne, %rem3A_993, %ne3A_994 : i32
    %lt3A_996 = arith.constant 0 : i32
    %lt3A_997 = arith.cmpi slt, %rem3A_993, %lt3A_996 : i32
    %lt3A_998 = arith.constant 0 : i32
    %lt3A_999 = arith.cmpi slt, %select_n3A_992, %lt3A_998 : i32
    %ne3A_1000 = arith.xori %lt3A_997, %lt3A_999 : i1
    %and3A_1001 = arith.andi %ne3A_1000, %ne3A_995 : i1
    %add3A_1002 = arith.addi %rem3A_993, %select_n3A_992 : i32
    %select_n3A_1003 = arith.select %and3A_1001, %add3A_1002, %rem3A_993 : i32
    %jit3A_1004 = arith.constant 32 : i32
    %div3A_1005 = arith.divsi %select_n3A_988, %jit3A_1004 : i32
    %sign3A_1006 = arith.constant 0 : i32
    %sign3A_1007 = arith.cmpi sgt, %select_n3A_988, %sign3A_1006 : i32
    %sign3A_1008 = arith.extui %sign3A_1007 : i1 to i32
    %sign3A_1009 = arith.constant 0 : i32
    %sign3A_1010 = arith.cmpi slt, %select_n3A_988, %sign3A_1009 : i32
    %sign3A_1011 = arith.extui %sign3A_1010 : i1 to i32
    %sign3A_1012 = arith.subi %sign3A_1008, %sign3A_1011 : i32
    %sign3A_1013 = arith.constant 0 : i32
    %sign3A_1014 = arith.cmpi sgt, %jit3A_1004, %sign3A_1013 : i32
    %sign3A_1015 = arith.extui %sign3A_1014 : i1 to i32
    %sign3A_1016 = arith.constant 0 : i32
    %sign3A_1017 = arith.cmpi slt, %jit3A_1004, %sign3A_1016 : i32
    %sign3A_1018 = arith.extui %sign3A_1017 : i1 to i32
    %sign3A_1019 = arith.subi %sign3A_1015, %sign3A_1018 : i32
    %ne3A_1020 = arith.cmpi ne, %sign3A_1012, %sign3A_1019 : i32
    %rem3A_1021 = arith.remsi %select_n3A_988, %jit3A_1004 : i32
    %ne3A_1022 = arith.constant 0 : i32
    %ne3A_1023 = arith.cmpi ne, %rem3A_1021, %ne3A_1022 : i32
    %and3A_1024 = arith.andi %ne3A_1020, %ne3A_1023 : i1
    %sub3A_1025 = arith.constant 1 : i32
    %sub3A_1026 = arith.subi %div3A_1005, %sub3A_1025 : i32
    %select_n3A_1027 = arith.select %and3A_1024, %sub3A_1026, %div3A_1005 : i32
    %eq3A_1028 = arith.constant 0 : i32
    %eq3A_1029 = arith.cmpi eq, %jit3A_1004, %eq3A_1028 : i32
    %jit3A_1030 = arith.constant 1 : i32
    %select_n3A_1031 = arith.select %eq3A_1029, %jit3A_1030, %jit3A_1004 : i32
    %rem3A_1032 = arith.remsi %select_n3A_988, %select_n3A_1031 : i32
    %ne3A_1033 = arith.constant 0 : i32
    %ne3A_1034 = arith.cmpi ne, %rem3A_1032, %ne3A_1033 : i32
    %lt3A_1035 = arith.constant 0 : i32
    %lt3A_1036 = arith.cmpi slt, %rem3A_1032, %lt3A_1035 : i32
    %lt3A_1037 = arith.constant 0 : i32
    %lt3A_1038 = arith.cmpi slt, %select_n3A_1031, %lt3A_1037 : i32
    %ne3A_1039 = arith.xori %lt3A_1036, %lt3A_1038 : i1
    %and3A_1040 = arith.andi %ne3A_1039, %ne3A_1034 : i1
    %add3A_1041 = arith.addi %rem3A_1032, %select_n3A_1031 : i32
    %select_n3A_1042 = arith.select %and3A_1040, %add3A_1041, %rem3A_1032 : i32
    %dma_start3A_1043 = arith.constant 0 : i32
    %dma_start3A_1044 = arith.constant 0 : i32
    %dma_start3A_1045 = tpu.memref_slice %arg3[%select_n3A_1027, %select_n3A_1042, %select_n3A_1003, %dma_start3A_1043, %dma_start3A_1044] : memref<8x32x3x224x224xf32, #tpu.memory_space<hbm>> -> memref<1x1x1x224x224xf32, #tpu.memory_space<hbm>>
    %dma_start3A_1046 = tpu.memref_squeeze %dma_start3A_1045 : memref<1x1x1x224x224xf32, #tpu.memory_space<hbm>> -> memref<224x224xf32, #tpu.memory_space<hbm>>
    %dma_start3A_1047 = arith.constant 0 : i32
    %dma_start3A_1048 = arith.constant 0 : i32
    %dma_start3A_1049 = tpu.memref_slice %arg3[%select_n3A_1027, %select_n3A_1042, %select_n3A_1003, %dma_start3A_1047, %dma_start3A_1048] : memref<8x32x3x224x224xf32, #tpu.memory_space<hbm>> -> memref<1x1x1x224x224xf32, #tpu.memory_space<hbm>>
    %dma_start3A_1050 = tpu.memref_squeeze %dma_start3A_1049 : memref<1x1x1x224x224xf32, #tpu.memory_space<hbm>> -> memref<224x224xf32, #tpu.memory_space<hbm>>
    tpu.enqueue_dma source(%arg4 : memref<224x224xf32, #tpu.memory_space<vmem>>) target(%dma_start3A_1050 : memref<224x224xf32, #tpu.memory_space<hbm>>) target_semaphore(%arg8 : memref<!tpu.dma_semaphore, #tpu.memory_space<semaphore_mem>>)
    %dma_wait3A_1051 = arith.constant 0 : i32
    %dma_wait3A_1052 = arith.constant 0 : i32
    %dma_wait3A_1053 = tpu.memref_slice %arg3[%select_n3A_1027, %select_n3A_1042, %select_n3A_1003, %dma_wait3A_1051, %dma_wait3A_1052] : memref<8x32x3x224x224xf32, #tpu.memory_space<hbm>> -> memref<1x1x1x224x224xf32, #tpu.memory_space<hbm>>
    %dma_wait3A_1054 = tpu.memref_squeeze %dma_wait3A_1053 : memref<1x1x1x224x224xf32, #tpu.memory_space<hbm>> -> memref<224x224xf32, #tpu.memory_space<hbm>>
    %dma_wait3A_1055 = arith.constant 0 : i32
    %dma_wait3A_1056 = arith.constant 0 : i32
    %dma_wait3A_1057 = tpu.memref_slice %arg3[%select_n3A_1027, %select_n3A_1042, %select_n3A_1003, %dma_wait3A_1055, %dma_wait3A_1056] : memref<8x32x3x224x224xf32, #tpu.memory_space<hbm>> -> memref<1x1x1x224x224xf32, #tpu.memory_space<hbm>>
    %dma_wait3A_1058 = tpu.memref_squeeze %dma_wait3A_1057 : memref<1x1x1x224x224xf32, #tpu.memory_space<hbm>> -> memref<224x224xf32, #tpu.memory_space<hbm>>
    tpu.wait_dma2 semaphore(%arg8 : memref<!tpu.dma_semaphore, #tpu.memory_space<semaphore_mem>>) src(%arg4 : memref<224x224xf32, #tpu.memory_space<vmem>>) dst(%dma_wait3A_1058 : memref<224x224xf32, #tpu.memory_space<hbm>>)
    %mul3A_1059 = arith.constant 24 : i32
    %mul3A_1060 = arith.muli %add3A, %mul3A_1059 : i32
    %add3A_1061 = arith.constant 6 : i32
    %add3A_1062 = arith.addi %mul3A_1060, %add3A_1061 : i32
    %jit3A_1063 = arith.constant 3 : i32
    %div3A_1064 = arith.divsi %add3A_1062, %jit3A_1063 : i32
    %sign3A_1065 = arith.constant 0 : i32
    %sign3A_1066 = arith.cmpi sgt, %add3A_1062, %sign3A_1065 : i32
    %sign3A_1067 = arith.extui %sign3A_1066 : i1 to i32
    %sign3A_1068 = arith.constant 0 : i32
    %sign3A_1069 = arith.cmpi slt, %add3A_1062, %sign3A_1068 : i32
    %sign3A_1070 = arith.extui %sign3A_1069 : i1 to i32
    %sign3A_1071 = arith.subi %sign3A_1067, %sign3A_1070 : i32
    %sign3A_1072 = arith.constant 0 : i32
    %sign3A_1073 = arith.cmpi sgt, %jit3A_1063, %sign3A_1072 : i32
    %sign3A_1074 = arith.extui %sign3A_1073 : i1 to i32
    %sign3A_1075 = arith.constant 0 : i32
    %sign3A_1076 = arith.cmpi slt, %jit3A_1063, %sign3A_1075 : i32
    %sign3A_1077 = arith.extui %sign3A_1076 : i1 to i32
    %sign3A_1078 = arith.subi %sign3A_1074, %sign3A_1077 : i32
    %ne3A_1079 = arith.cmpi ne, %sign3A_1071, %sign3A_1078 : i32
    %rem3A_1080 = arith.remsi %add3A_1062, %jit3A_1063 : i32
    %ne3A_1081 = arith.constant 0 : i32
    %ne3A_1082 = arith.cmpi ne, %rem3A_1080, %ne3A_1081 : i32
    %and3A_1083 = arith.andi %ne3A_1079, %ne3A_1082 : i1
    %sub3A_1084 = arith.constant 1 : i32
    %sub3A_1085 = arith.subi %div3A_1064, %sub3A_1084 : i32
    %select_n3A_1086 = arith.select %and3A_1083, %sub3A_1085, %div3A_1064 : i32
    %eq3A_1087 = arith.constant 0 : i32
    %eq3A_1088 = arith.cmpi eq, %jit3A_1063, %eq3A_1087 : i32
    %jit3A_1089 = arith.constant 1 : i32
    %select_n3A_1090 = arith.select %eq3A_1088, %jit3A_1089, %jit3A_1063 : i32
    %rem3A_1091 = arith.remsi %add3A_1062, %select_n3A_1090 : i32
    %ne3A_1092 = arith.constant 0 : i32
    %ne3A_1093 = arith.cmpi ne, %rem3A_1091, %ne3A_1092 : i32
    %lt3A_1094 = arith.constant 0 : i32
    %lt3A_1095 = arith.cmpi slt, %rem3A_1091, %lt3A_1094 : i32
    %lt3A_1096 = arith.constant 0 : i32
    %lt3A_1097 = arith.cmpi slt, %select_n3A_1090, %lt3A_1096 : i32
    %ne3A_1098 = arith.xori %lt3A_1095, %lt3A_1097 : i1
    %and3A_1099 = arith.andi %ne3A_1098, %ne3A_1093 : i1
    %add3A_1100 = arith.addi %rem3A_1091, %select_n3A_1090 : i32
    %select_n3A_1101 = arith.select %and3A_1099, %add3A_1100, %rem3A_1091 : i32
    %jit3A_1102 = arith.constant 32 : i32
    %div3A_1103 = arith.divsi %select_n3A_1086, %jit3A_1102 : i32
    %sign3A_1104 = arith.constant 0 : i32
    %sign3A_1105 = arith.cmpi sgt, %select_n3A_1086, %sign3A_1104 : i32
    %sign3A_1106 = arith.extui %sign3A_1105 : i1 to i32
    %sign3A_1107 = arith.constant 0 : i32
    %sign3A_1108 = arith.cmpi slt, %select_n3A_1086, %sign3A_1107 : i32
    %sign3A_1109 = arith.extui %sign3A_1108 : i1 to i32
    %sign3A_1110 = arith.subi %sign3A_1106, %sign3A_1109 : i32
    %sign3A_1111 = arith.constant 0 : i32
    %sign3A_1112 = arith.cmpi sgt, %jit3A_1102, %sign3A_1111 : i32
    %sign3A_1113 = arith.extui %sign3A_1112 : i1 to i32
    %sign3A_1114 = arith.constant 0 : i32
    %sign3A_1115 = arith.cmpi slt, %jit3A_1102, %sign3A_1114 : i32
    %sign3A_1116 = arith.extui %sign3A_1115 : i1 to i32
    %sign3A_1117 = arith.subi %sign3A_1113, %sign3A_1116 : i32
    %ne3A_1118 = arith.cmpi ne, %sign3A_1110, %sign3A_1117 : i32
    %rem3A_1119 = arith.remsi %select_n3A_1086, %jit3A_1102 : i32
    %ne3A_1120 = arith.constant 0 : i32
    %ne3A_1121 = arith.cmpi ne, %rem3A_1119, %ne3A_1120 : i32
    %and3A_1122 = arith.andi %ne3A_1118, %ne3A_1121 : i1
    %sub3A_1123 = arith.constant 1 : i32
    %sub3A_1124 = arith.subi %div3A_1103, %sub3A_1123 : i32
    %select_n3A_1125 = arith.select %and3A_1122, %sub3A_1124, %div3A_1103 : i32
    %eq3A_1126 = arith.constant 0 : i32
    %eq3A_1127 = arith.cmpi eq, %jit3A_1102, %eq3A_1126 : i32
    %jit3A_1128 = arith.constant 1 : i32
    %select_n3A_1129 = arith.select %eq3A_1127, %jit3A_1128, %jit3A_1102 : i32
    %rem3A_1130 = arith.remsi %select_n3A_1086, %select_n3A_1129 : i32
    %ne3A_1131 = arith.constant 0 : i32
    %ne3A_1132 = arith.cmpi ne, %rem3A_1130, %ne3A_1131 : i32
    %lt3A_1133 = arith.constant 0 : i32
    %lt3A_1134 = arith.cmpi slt, %rem3A_1130, %lt3A_1133 : i32
    %lt3A_1135 = arith.constant 0 : i32
    %lt3A_1136 = arith.cmpi slt, %select_n3A_1129, %lt3A_1135 : i32
    %ne3A_1137 = arith.xori %lt3A_1134, %lt3A_1136 : i1
    %and3A_1138 = arith.andi %ne3A_1137, %ne3A_1132 : i1
    %add3A_1139 = arith.addi %rem3A_1130, %select_n3A_1129 : i32
    %select_n3A_1140 = arith.select %and3A_1138, %add3A_1139, %rem3A_1130 : i32
    %dma_start3A_1141 = arith.constant 0 : i32
    %dma_start3A_1142 = arith.constant 0 : i32
    %dma_start3A_1143 = tpu.memref_slice %arg2[%select_n3A_1125, %select_n3A_1140, %select_n3A_1101, %dma_start3A_1141, %dma_start3A_1142] : memref<8x32x3x224x224xf32, #tpu.memory_space<hbm>> -> memref<1x1x1x224x224xf32, #tpu.memory_space<hbm>>
    %dma_start3A_1144 = tpu.memref_squeeze %dma_start3A_1143 : memref<1x1x1x224x224xf32, #tpu.memory_space<hbm>> -> memref<224x224xf32, #tpu.memory_space<hbm>>
    %dma_start3A_1145 = arith.constant 0 : i32
    %dma_start3A_1146 = arith.constant 0 : i32
    %dma_start3A_1147 = tpu.memref_slice %arg2[%select_n3A_1125, %select_n3A_1140, %select_n3A_1101, %dma_start3A_1145, %dma_start3A_1146] : memref<8x32x3x224x224xf32, #tpu.memory_space<hbm>> -> memref<1x1x1x224x224xf32, #tpu.memory_space<hbm>>
    %dma_start3A_1148 = tpu.memref_squeeze %dma_start3A_1147 : memref<1x1x1x224x224xf32, #tpu.memory_space<hbm>> -> memref<224x224xf32, #tpu.memory_space<hbm>>
    tpu.enqueue_dma source(%dma_start3A_1148 : memref<224x224xf32, #tpu.memory_space<hbm>>) target(%arg4 : memref<224x224xf32, #tpu.memory_space<vmem>>) target_semaphore(%arg6 : memref<!tpu.dma_semaphore, #tpu.memory_space<semaphore_mem>>)
    %dma_wait3A_1149 = arith.constant 0 : i32
    %dma_wait3A_1150 = arith.constant 0 : i32
    %dma_wait3A_1151 = tpu.memref_slice %arg2[%select_n3A_929, %select_n3A_944, %select_n3A_905, %dma_wait3A_1149, %dma_wait3A_1150] : memref<8x32x3x224x224xf32, #tpu.memory_space<hbm>> -> memref<1x1x1x224x224xf32, #tpu.memory_space<hbm>>
    %dma_wait3A_1152 = tpu.memref_squeeze %dma_wait3A_1151 : memref<1x1x1x224x224xf32, #tpu.memory_space<hbm>> -> memref<224x224xf32, #tpu.memory_space<hbm>>
    %dma_wait3A_1153 = arith.constant 0 : i32
    %dma_wait3A_1154 = arith.constant 0 : i32
    %dma_wait3A_1155 = tpu.memref_slice %arg2[%select_n3A_929, %select_n3A_944, %select_n3A_905, %dma_wait3A_1153, %dma_wait3A_1154] : memref<8x32x3x224x224xf32, #tpu.memory_space<hbm>> -> memref<1x1x1x224x224xf32, #tpu.memory_space<hbm>>
    %dma_wait3A_1156 = tpu.memref_squeeze %dma_wait3A_1155 : memref<1x1x1x224x224xf32, #tpu.memory_space<hbm>> -> memref<224x224xf32, #tpu.memory_space<hbm>>
    tpu.wait_dma2 semaphore(%arg7 : memref<!tpu.dma_semaphore, #tpu.memory_space<semaphore_mem>>) src(%dma_wait3A_1156 : memref<224x224xf32, #tpu.memory_space<hbm>>) dst(%arg5 : memref<224x224xf32, #tpu.memory_space<vmem>>)
    %mul3A_1157 = arith.constant 24 : i32
    %mul3A_1158 = arith.muli %add3A, %mul3A_1157 : i32
    %add3A_1159 = arith.constant 5 : i32
    %add3A_1160 = arith.addi %mul3A_1158, %add3A_1159 : i32
    %jit3A_1161 = arith.constant 3 : i32
    %div3A_1162 = arith.divsi %add3A_1160, %jit3A_1161 : i32
    %sign3A_1163 = arith.constant 0 : i32
    %sign3A_1164 = arith.cmpi sgt, %add3A_1160, %sign3A_1163 : i32
    %sign3A_1165 = arith.extui %sign3A_1164 : i1 to i32
    %sign3A_1166 = arith.constant 0 : i32
    %sign3A_1167 = arith.cmpi slt, %add3A_1160, %sign3A_1166 : i32
    %sign3A_1168 = arith.extui %sign3A_1167 : i1 to i32
    %sign3A_1169 = arith.subi %sign3A_1165, %sign3A_1168 : i32
    %sign3A_1170 = arith.constant 0 : i32
    %sign3A_1171 = arith.cmpi sgt, %jit3A_1161, %sign3A_1170 : i32
    %sign3A_1172 = arith.extui %sign3A_1171 : i1 to i32
    %sign3A_1173 = arith.constant 0 : i32
    %sign3A_1174 = arith.cmpi slt, %jit3A_1161, %sign3A_1173 : i32
    %sign3A_1175 = arith.extui %sign3A_1174 : i1 to i32
    %sign3A_1176 = arith.subi %sign3A_1172, %sign3A_1175 : i32
    %ne3A_1177 = arith.cmpi ne, %sign3A_1169, %sign3A_1176 : i32
    %rem3A_1178 = arith.remsi %add3A_1160, %jit3A_1161 : i32
    %ne3A_1179 = arith.constant 0 : i32
    %ne3A_1180 = arith.cmpi ne, %rem3A_1178, %ne3A_1179 : i32
    %and3A_1181 = arith.andi %ne3A_1177, %ne3A_1180 : i1
    %sub3A_1182 = arith.constant 1 : i32
    %sub3A_1183 = arith.subi %div3A_1162, %sub3A_1182 : i32
    %select_n3A_1184 = arith.select %and3A_1181, %sub3A_1183, %div3A_1162 : i32
    %eq3A_1185 = arith.constant 0 : i32
    %eq3A_1186 = arith.cmpi eq, %jit3A_1161, %eq3A_1185 : i32
    %jit3A_1187 = arith.constant 1 : i32
    %select_n3A_1188 = arith.select %eq3A_1186, %jit3A_1187, %jit3A_1161 : i32
    %rem3A_1189 = arith.remsi %add3A_1160, %select_n3A_1188 : i32
    %ne3A_1190 = arith.constant 0 : i32
    %ne3A_1191 = arith.cmpi ne, %rem3A_1189, %ne3A_1190 : i32
    %lt3A_1192 = arith.constant 0 : i32
    %lt3A_1193 = arith.cmpi slt, %rem3A_1189, %lt3A_1192 : i32
    %lt3A_1194 = arith.constant 0 : i32
    %lt3A_1195 = arith.cmpi slt, %select_n3A_1188, %lt3A_1194 : i32
    %ne3A_1196 = arith.xori %lt3A_1193, %lt3A_1195 : i1
    %and3A_1197 = arith.andi %ne3A_1196, %ne3A_1191 : i1
    %add3A_1198 = arith.addi %rem3A_1189, %select_n3A_1188 : i32
    %select_n3A_1199 = arith.select %and3A_1197, %add3A_1198, %rem3A_1189 : i32
    %jit3A_1200 = arith.constant 32 : i32
    %div3A_1201 = arith.divsi %select_n3A_1184, %jit3A_1200 : i32
    %sign3A_1202 = arith.constant 0 : i32
    %sign3A_1203 = arith.cmpi sgt, %select_n3A_1184, %sign3A_1202 : i32
    %sign3A_1204 = arith.extui %sign3A_1203 : i1 to i32
    %sign3A_1205 = arith.constant 0 : i32
    %sign3A_1206 = arith.cmpi slt, %select_n3A_1184, %sign3A_1205 : i32
    %sign3A_1207 = arith.extui %sign3A_1206 : i1 to i32
    %sign3A_1208 = arith.subi %sign3A_1204, %sign3A_1207 : i32
    %sign3A_1209 = arith.constant 0 : i32
    %sign3A_1210 = arith.cmpi sgt, %jit3A_1200, %sign3A_1209 : i32
    %sign3A_1211 = arith.extui %sign3A_1210 : i1 to i32
    %sign3A_1212 = arith.constant 0 : i32
    %sign3A_1213 = arith.cmpi slt, %jit3A_1200, %sign3A_1212 : i32
    %sign3A_1214 = arith.extui %sign3A_1213 : i1 to i32
    %sign3A_1215 = arith.subi %sign3A_1211, %sign3A_1214 : i32
    %ne3A_1216 = arith.cmpi ne, %sign3A_1208, %sign3A_1215 : i32
    %rem3A_1217 = arith.remsi %select_n3A_1184, %jit3A_1200 : i32
    %ne3A_1218 = arith.constant 0 : i32
    %ne3A_1219 = arith.cmpi ne, %rem3A_1217, %ne3A_1218 : i32
    %and3A_1220 = arith.andi %ne3A_1216, %ne3A_1219 : i1
    %sub3A_1221 = arith.constant 1 : i32
    %sub3A_1222 = arith.subi %div3A_1201, %sub3A_1221 : i32
    %select_n3A_1223 = arith.select %and3A_1220, %sub3A_1222, %div3A_1201 : i32
    %eq3A_1224 = arith.constant 0 : i32
    %eq3A_1225 = arith.cmpi eq, %jit3A_1200, %eq3A_1224 : i32
    %jit3A_1226 = arith.constant 1 : i32
    %select_n3A_1227 = arith.select %eq3A_1225, %jit3A_1226, %jit3A_1200 : i32
    %rem3A_1228 = arith.remsi %select_n3A_1184, %select_n3A_1227 : i32
    %ne3A_1229 = arith.constant 0 : i32
    %ne3A_1230 = arith.cmpi ne, %rem3A_1228, %ne3A_1229 : i32
    %lt3A_1231 = arith.constant 0 : i32
    %lt3A_1232 = arith.cmpi slt, %rem3A_1228, %lt3A_1231 : i32
    %lt3A_1233 = arith.constant 0 : i32
    %lt3A_1234 = arith.cmpi slt, %select_n3A_1227, %lt3A_1233 : i32
    %ne3A_1235 = arith.xori %lt3A_1232, %lt3A_1234 : i1
    %and3A_1236 = arith.andi %ne3A_1235, %ne3A_1230 : i1
    %add3A_1237 = arith.addi %rem3A_1228, %select_n3A_1227 : i32
    %select_n3A_1238 = arith.select %and3A_1236, %add3A_1237, %rem3A_1228 : i32
    %dma_start3A_1239 = arith.constant 0 : i32
    %dma_start3A_1240 = arith.constant 0 : i32
    %dma_start3A_1241 = tpu.memref_slice %arg3[%select_n3A_1223, %select_n3A_1238, %select_n3A_1199, %dma_start3A_1239, %dma_start3A_1240] : memref<8x32x3x224x224xf32, #tpu.memory_space<hbm>> -> memref<1x1x1x224x224xf32, #tpu.memory_space<hbm>>
    %dma_start3A_1242 = tpu.memref_squeeze %dma_start3A_1241 : memref<1x1x1x224x224xf32, #tpu.memory_space<hbm>> -> memref<224x224xf32, #tpu.memory_space<hbm>>
    %dma_start3A_1243 = arith.constant 0 : i32
    %dma_start3A_1244 = arith.constant 0 : i32
    %dma_start3A_1245 = tpu.memref_slice %arg3[%select_n3A_1223, %select_n3A_1238, %select_n3A_1199, %dma_start3A_1243, %dma_start3A_1244] : memref<8x32x3x224x224xf32, #tpu.memory_space<hbm>> -> memref<1x1x1x224x224xf32, #tpu.memory_space<hbm>>
    %dma_start3A_1246 = tpu.memref_squeeze %dma_start3A_1245 : memref<1x1x1x224x224xf32, #tpu.memory_space<hbm>> -> memref<224x224xf32, #tpu.memory_space<hbm>>
    tpu.enqueue_dma source(%arg5 : memref<224x224xf32, #tpu.memory_space<vmem>>) target(%dma_start3A_1246 : memref<224x224xf32, #tpu.memory_space<hbm>>) target_semaphore(%arg9 : memref<!tpu.dma_semaphore, #tpu.memory_space<semaphore_mem>>)
    %dma_wait3A_1247 = arith.constant 0 : i32
    %dma_wait3A_1248 = arith.constant 0 : i32
    %dma_wait3A_1249 = tpu.memref_slice %arg3[%select_n3A_1223, %select_n3A_1238, %select_n3A_1199, %dma_wait3A_1247, %dma_wait3A_1248] : memref<8x32x3x224x224xf32, #tpu.memory_space<hbm>> -> memref<1x1x1x224x224xf32, #tpu.memory_space<hbm>>
    %dma_wait3A_1250 = tpu.memref_squeeze %dma_wait3A_1249 : memref<1x1x1x224x224xf32, #tpu.memory_space<hbm>> -> memref<224x224xf32, #tpu.memory_space<hbm>>
    %dma_wait3A_1251 = arith.constant 0 : i32
    %dma_wait3A_1252 = arith.constant 0 : i32
    %dma_wait3A_1253 = tpu.memref_slice %arg3[%select_n3A_1223, %select_n3A_1238, %select_n3A_1199, %dma_wait3A_1251, %dma_wait3A_1252] : memref<8x32x3x224x224xf32, #tpu.memory_space<hbm>> -> memref<1x1x1x224x224xf32, #tpu.memory_space<hbm>>
    %dma_wait3A_1254 = tpu.memref_squeeze %dma_wait3A_1253 : memref<1x1x1x224x224xf32, #tpu.memory_space<hbm>> -> memref<224x224xf32, #tpu.memory_space<hbm>>
    tpu.wait_dma2 semaphore(%arg9 : memref<!tpu.dma_semaphore, #tpu.memory_space<semaphore_mem>>) src(%arg5 : memref<224x224xf32, #tpu.memory_space<vmem>>) dst(%dma_wait3A_1254 : memref<224x224xf32, #tpu.memory_space<hbm>>)
    %mul3A_1255 = arith.constant 24 : i32
    %mul3A_1256 = arith.muli %add3A, %mul3A_1255 : i32
    %add3A_1257 = arith.constant 7 : i32
    %add3A_1258 = arith.addi %mul3A_1256, %add3A_1257 : i32
    %jit3A_1259 = arith.constant 3 : i32
    %div3A_1260 = arith.divsi %add3A_1258, %jit3A_1259 : i32
    %sign3A_1261 = arith.constant 0 : i32
    %sign3A_1262 = arith.cmpi sgt, %add3A_1258, %sign3A_1261 : i32
    %sign3A_1263 = arith.extui %sign3A_1262 : i1 to i32
    %sign3A_1264 = arith.constant 0 : i32
    %sign3A_1265 = arith.cmpi slt, %add3A_1258, %sign3A_1264 : i32
    %sign3A_1266 = arith.extui %sign3A_1265 : i1 to i32
    %sign3A_1267 = arith.subi %sign3A_1263, %sign3A_1266 : i32
    %sign3A_1268 = arith.constant 0 : i32
    %sign3A_1269 = arith.cmpi sgt, %jit3A_1259, %sign3A_1268 : i32
    %sign3A_1270 = arith.extui %sign3A_1269 : i1 to i32
    %sign3A_1271 = arith.constant 0 : i32
    %sign3A_1272 = arith.cmpi slt, %jit3A_1259, %sign3A_1271 : i32
    %sign3A_1273 = arith.extui %sign3A_1272 : i1 to i32
    %sign3A_1274 = arith.subi %sign3A_1270, %sign3A_1273 : i32
    %ne3A_1275 = arith.cmpi ne, %sign3A_1267, %sign3A_1274 : i32
    %rem3A_1276 = arith.remsi %add3A_1258, %jit3A_1259 : i32
    %ne3A_1277 = arith.constant 0 : i32
    %ne3A_1278 = arith.cmpi ne, %rem3A_1276, %ne3A_1277 : i32
    %and3A_1279 = arith.andi %ne3A_1275, %ne3A_1278 : i1
    %sub3A_1280 = arith.constant 1 : i32
    %sub3A_1281 = arith.subi %div3A_1260, %sub3A_1280 : i32
    %select_n3A_1282 = arith.select %and3A_1279, %sub3A_1281, %div3A_1260 : i32
    %eq3A_1283 = arith.constant 0 : i32
    %eq3A_1284 = arith.cmpi eq, %jit3A_1259, %eq3A_1283 : i32
    %jit3A_1285 = arith.constant 1 : i32
    %select_n3A_1286 = arith.select %eq3A_1284, %jit3A_1285, %jit3A_1259 : i32
    %rem3A_1287 = arith.remsi %add3A_1258, %select_n3A_1286 : i32
    %ne3A_1288 = arith.constant 0 : i32
    %ne3A_1289 = arith.cmpi ne, %rem3A_1287, %ne3A_1288 : i32
    %lt3A_1290 = arith.constant 0 : i32
    %lt3A_1291 = arith.cmpi slt, %rem3A_1287, %lt3A_1290 : i32
    %lt3A_1292 = arith.constant 0 : i32
    %lt3A_1293 = arith.cmpi slt, %select_n3A_1286, %lt3A_1292 : i32
    %ne3A_1294 = arith.xori %lt3A_1291, %lt3A_1293 : i1
    %and3A_1295 = arith.andi %ne3A_1294, %ne3A_1289 : i1
    %add3A_1296 = arith.addi %rem3A_1287, %select_n3A_1286 : i32
    %select_n3A_1297 = arith.select %and3A_1295, %add3A_1296, %rem3A_1287 : i32
    %jit3A_1298 = arith.constant 32 : i32
    %div3A_1299 = arith.divsi %select_n3A_1282, %jit3A_1298 : i32
    %sign3A_1300 = arith.constant 0 : i32
    %sign3A_1301 = arith.cmpi sgt, %select_n3A_1282, %sign3A_1300 : i32
    %sign3A_1302 = arith.extui %sign3A_1301 : i1 to i32
    %sign3A_1303 = arith.constant 0 : i32
    %sign3A_1304 = arith.cmpi slt, %select_n3A_1282, %sign3A_1303 : i32
    %sign3A_1305 = arith.extui %sign3A_1304 : i1 to i32
    %sign3A_1306 = arith.subi %sign3A_1302, %sign3A_1305 : i32
    %sign3A_1307 = arith.constant 0 : i32
    %sign3A_1308 = arith.cmpi sgt, %jit3A_1298, %sign3A_1307 : i32
    %sign3A_1309 = arith.extui %sign3A_1308 : i1 to i32
    %sign3A_1310 = arith.constant 0 : i32
    %sign3A_1311 = arith.cmpi slt, %jit3A_1298, %sign3A_1310 : i32
    %sign3A_1312 = arith.extui %sign3A_1311 : i1 to i32
    %sign3A_1313 = arith.subi %sign3A_1309, %sign3A_1312 : i32
    %ne3A_1314 = arith.cmpi ne, %sign3A_1306, %sign3A_1313 : i32
    %rem3A_1315 = arith.remsi %select_n3A_1282, %jit3A_1298 : i32
    %ne3A_1316 = arith.constant 0 : i32
    %ne3A_1317 = arith.cmpi ne, %rem3A_1315, %ne3A_1316 : i32
    %and3A_1318 = arith.andi %ne3A_1314, %ne3A_1317 : i1
    %sub3A_1319 = arith.constant 1 : i32
    %sub3A_1320 = arith.subi %div3A_1299, %sub3A_1319 : i32
    %select_n3A_1321 = arith.select %and3A_1318, %sub3A_1320, %div3A_1299 : i32
    %eq3A_1322 = arith.constant 0 : i32
    %eq3A_1323 = arith.cmpi eq, %jit3A_1298, %eq3A_1322 : i32
    %jit3A_1324 = arith.constant 1 : i32
    %select_n3A_1325 = arith.select %eq3A_1323, %jit3A_1324, %jit3A_1298 : i32
    %rem3A_1326 = arith.remsi %select_n3A_1282, %select_n3A_1325 : i32
    %ne3A_1327 = arith.constant 0 : i32
    %ne3A_1328 = arith.cmpi ne, %rem3A_1326, %ne3A_1327 : i32
    %lt3A_1329 = arith.constant 0 : i32
    %lt3A_1330 = arith.cmpi slt, %rem3A_1326, %lt3A_1329 : i32
    %lt3A_1331 = arith.constant 0 : i32
    %lt3A_1332 = arith.cmpi slt, %select_n3A_1325, %lt3A_1331 : i32
    %ne3A_1333 = arith.xori %lt3A_1330, %lt3A_1332 : i1
    %and3A_1334 = arith.andi %ne3A_1333, %ne3A_1328 : i1
    %add3A_1335 = arith.addi %rem3A_1326, %select_n3A_1325 : i32
    %select_n3A_1336 = arith.select %and3A_1334, %add3A_1335, %rem3A_1326 : i32
    %dma_start3A_1337 = arith.constant 0 : i32
    %dma_start3A_1338 = arith.constant 0 : i32
    %dma_start3A_1339 = tpu.memref_slice %arg2[%select_n3A_1321, %select_n3A_1336, %select_n3A_1297, %dma_start3A_1337, %dma_start3A_1338] : memref<8x32x3x224x224xf32, #tpu.memory_space<hbm>> -> memref<1x1x1x224x224xf32, #tpu.memory_space<hbm>>
    %dma_start3A_1340 = tpu.memref_squeeze %dma_start3A_1339 : memref<1x1x1x224x224xf32, #tpu.memory_space<hbm>> -> memref<224x224xf32, #tpu.memory_space<hbm>>
    %dma_start3A_1341 = arith.constant 0 : i32
    %dma_start3A_1342 = arith.constant 0 : i32
    %dma_start3A_1343 = tpu.memref_slice %arg2[%select_n3A_1321, %select_n3A_1336, %select_n3A_1297, %dma_start3A_1341, %dma_start3A_1342] : memref<8x32x3x224x224xf32, #tpu.memory_space<hbm>> -> memref<1x1x1x224x224xf32, #tpu.memory_space<hbm>>
    %dma_start3A_1344 = tpu.memref_squeeze %dma_start3A_1343 : memref<1x1x1x224x224xf32, #tpu.memory_space<hbm>> -> memref<224x224xf32, #tpu.memory_space<hbm>>
    tpu.enqueue_dma source(%dma_start3A_1344 : memref<224x224xf32, #tpu.memory_space<hbm>>) target(%arg5 : memref<224x224xf32, #tpu.memory_space<vmem>>) target_semaphore(%arg7 : memref<!tpu.dma_semaphore, #tpu.memory_space<semaphore_mem>>)
    %dma_wait3A_1345 = arith.constant 0 : i32
    %dma_wait3A_1346 = arith.constant 0 : i32
    %dma_wait3A_1347 = tpu.memref_slice %arg2[%select_n3A_1125, %select_n3A_1140, %select_n3A_1101, %dma_wait3A_1345, %dma_wait3A_1346] : memref<8x32x3x224x224xf32, #tpu.memory_space<hbm>> -> memref<1x1x1x224x224xf32, #tpu.memory_space<hbm>>
    %dma_wait3A_1348 = tpu.memref_squeeze %dma_wait3A_1347 : memref<1x1x1x224x224xf32, #tpu.memory_space<hbm>> -> memref<224x224xf32, #tpu.memory_space<hbm>>
    %dma_wait3A_1349 = arith.constant 0 : i32
    %dma_wait3A_1350 = arith.constant 0 : i32
    %dma_wait3A_1351 = tpu.memref_slice %arg2[%select_n3A_1125, %select_n3A_1140, %select_n3A_1101, %dma_wait3A_1349, %dma_wait3A_1350] : memref<8x32x3x224x224xf32, #tpu.memory_space<hbm>> -> memref<1x1x1x224x224xf32, #tpu.memory_space<hbm>>
    %dma_wait3A_1352 = tpu.memref_squeeze %dma_wait3A_1351 : memref<1x1x1x224x224xf32, #tpu.memory_space<hbm>> -> memref<224x224xf32, #tpu.memory_space<hbm>>
    tpu.wait_dma2 semaphore(%arg6 : memref<!tpu.dma_semaphore, #tpu.memory_space<semaphore_mem>>) src(%dma_wait3A_1352 : memref<224x224xf32, #tpu.memory_space<hbm>>) dst(%arg4 : memref<224x224xf32, #tpu.memory_space<vmem>>)
    %mul3A_1353 = arith.constant 24 : i32
    %mul3A_1354 = arith.muli %add3A, %mul3A_1353 : i32
    %add3A_1355 = arith.constant 6 : i32
    %add3A_1356 = arith.addi %mul3A_1354, %add3A_1355 : i32
    %jit3A_1357 = arith.constant 3 : i32
    %div3A_1358 = arith.divsi %add3A_1356, %jit3A_1357 : i32
    %sign3A_1359 = arith.constant 0 : i32
    %sign3A_1360 = arith.cmpi sgt, %add3A_1356, %sign3A_1359 : i32
    %sign3A_1361 = arith.extui %sign3A_1360 : i1 to i32
    %sign3A_1362 = arith.constant 0 : i32
    %sign3A_1363 = arith.cmpi slt, %add3A_1356, %sign3A_1362 : i32
    %sign3A_1364 = arith.extui %sign3A_1363 : i1 to i32
    %sign3A_1365 = arith.subi %sign3A_1361, %sign3A_1364 : i32
    %sign3A_1366 = arith.constant 0 : i32
    %sign3A_1367 = arith.cmpi sgt, %jit3A_1357, %sign3A_1366 : i32
    %sign3A_1368 = arith.extui %sign3A_1367 : i1 to i32
    %sign3A_1369 = arith.constant 0 : i32
    %sign3A_1370 = arith.cmpi slt, %jit3A_1357, %sign3A_1369 : i32
    %sign3A_1371 = arith.extui %sign3A_1370 : i1 to i32
    %sign3A_1372 = arith.subi %sign3A_1368, %sign3A_1371 : i32
    %ne3A_1373 = arith.cmpi ne, %sign3A_1365, %sign3A_1372 : i32
    %rem3A_1374 = arith.remsi %add3A_1356, %jit3A_1357 : i32
    %ne3A_1375 = arith.constant 0 : i32
    %ne3A_1376 = arith.cmpi ne, %rem3A_1374, %ne3A_1375 : i32
    %and3A_1377 = arith.andi %ne3A_1373, %ne3A_1376 : i1
    %sub3A_1378 = arith.constant 1 : i32
    %sub3A_1379 = arith.subi %div3A_1358, %sub3A_1378 : i32
    %select_n3A_1380 = arith.select %and3A_1377, %sub3A_1379, %div3A_1358 : i32
    %eq3A_1381 = arith.constant 0 : i32
    %eq3A_1382 = arith.cmpi eq, %jit3A_1357, %eq3A_1381 : i32
    %jit3A_1383 = arith.constant 1 : i32
    %select_n3A_1384 = arith.select %eq3A_1382, %jit3A_1383, %jit3A_1357 : i32
    %rem3A_1385 = arith.remsi %add3A_1356, %select_n3A_1384 : i32
    %ne3A_1386 = arith.constant 0 : i32
    %ne3A_1387 = arith.cmpi ne, %rem3A_1385, %ne3A_1386 : i32
    %lt3A_1388 = arith.constant 0 : i32
    %lt3A_1389 = arith.cmpi slt, %rem3A_1385, %lt3A_1388 : i32
    %lt3A_1390 = arith.constant 0 : i32
    %lt3A_1391 = arith.cmpi slt, %select_n3A_1384, %lt3A_1390 : i32
    %ne3A_1392 = arith.xori %lt3A_1389, %lt3A_1391 : i1
    %and3A_1393 = arith.andi %ne3A_1392, %ne3A_1387 : i1
    %add3A_1394 = arith.addi %rem3A_1385, %select_n3A_1384 : i32
    %select_n3A_1395 = arith.select %and3A_1393, %add3A_1394, %rem3A_1385 : i32
    %jit3A_1396 = arith.constant 32 : i32
    %div3A_1397 = arith.divsi %select_n3A_1380, %jit3A_1396 : i32
    %sign3A_1398 = arith.constant 0 : i32
    %sign3A_1399 = arith.cmpi sgt, %select_n3A_1380, %sign3A_1398 : i32
    %sign3A_1400 = arith.extui %sign3A_1399 : i1 to i32
    %sign3A_1401 = arith.constant 0 : i32
    %sign3A_1402 = arith.cmpi slt, %select_n3A_1380, %sign3A_1401 : i32
    %sign3A_1403 = arith.extui %sign3A_1402 : i1 to i32
    %sign3A_1404 = arith.subi %sign3A_1400, %sign3A_1403 : i32
    %sign3A_1405 = arith.constant 0 : i32
    %sign3A_1406 = arith.cmpi sgt, %jit3A_1396, %sign3A_1405 : i32
    %sign3A_1407 = arith.extui %sign3A_1406 : i1 to i32
    %sign3A_1408 = arith.constant 0 : i32
    %sign3A_1409 = arith.cmpi slt, %jit3A_1396, %sign3A_1408 : i32
    %sign3A_1410 = arith.extui %sign3A_1409 : i1 to i32
    %sign3A_1411 = arith.subi %sign3A_1407, %sign3A_1410 : i32
    %ne3A_1412 = arith.cmpi ne, %sign3A_1404, %sign3A_1411 : i32
    %rem3A_1413 = arith.remsi %select_n3A_1380, %jit3A_1396 : i32
    %ne3A_1414 = arith.constant 0 : i32
    %ne3A_1415 = arith.cmpi ne, %rem3A_1413, %ne3A_1414 : i32
    %and3A_1416 = arith.andi %ne3A_1412, %ne3A_1415 : i1
    %sub3A_1417 = arith.constant 1 : i32
    %sub3A_1418 = arith.subi %div3A_1397, %sub3A_1417 : i32
    %select_n3A_1419 = arith.select %and3A_1416, %sub3A_1418, %div3A_1397 : i32
    %eq3A_1420 = arith.constant 0 : i32
    %eq3A_1421 = arith.cmpi eq, %jit3A_1396, %eq3A_1420 : i32
    %jit3A_1422 = arith.constant 1 : i32
    %select_n3A_1423 = arith.select %eq3A_1421, %jit3A_1422, %jit3A_1396 : i32
    %rem3A_1424 = arith.remsi %select_n3A_1380, %select_n3A_1423 : i32
    %ne3A_1425 = arith.constant 0 : i32
    %ne3A_1426 = arith.cmpi ne, %rem3A_1424, %ne3A_1425 : i32
    %lt3A_1427 = arith.constant 0 : i32
    %lt3A_1428 = arith.cmpi slt, %rem3A_1424, %lt3A_1427 : i32
    %lt3A_1429 = arith.constant 0 : i32
    %lt3A_1430 = arith.cmpi slt, %select_n3A_1423, %lt3A_1429 : i32
    %ne3A_1431 = arith.xori %lt3A_1428, %lt3A_1430 : i1
    %and3A_1432 = arith.andi %ne3A_1431, %ne3A_1426 : i1
    %add3A_1433 = arith.addi %rem3A_1424, %select_n3A_1423 : i32
    %select_n3A_1434 = arith.select %and3A_1432, %add3A_1433, %rem3A_1424 : i32
    %dma_start3A_1435 = arith.constant 0 : i32
    %dma_start3A_1436 = arith.constant 0 : i32
    %dma_start3A_1437 = tpu.memref_slice %arg3[%select_n3A_1419, %select_n3A_1434, %select_n3A_1395, %dma_start3A_1435, %dma_start3A_1436] : memref<8x32x3x224x224xf32, #tpu.memory_space<hbm>> -> memref<1x1x1x224x224xf32, #tpu.memory_space<hbm>>
    %dma_start3A_1438 = tpu.memref_squeeze %dma_start3A_1437 : memref<1x1x1x224x224xf32, #tpu.memory_space<hbm>> -> memref<224x224xf32, #tpu.memory_space<hbm>>
    %dma_start3A_1439 = arith.constant 0 : i32
    %dma_start3A_1440 = arith.constant 0 : i32
    %dma_start3A_1441 = tpu.memref_slice %arg3[%select_n3A_1419, %select_n3A_1434, %select_n3A_1395, %dma_start3A_1439, %dma_start3A_1440] : memref<8x32x3x224x224xf32, #tpu.memory_space<hbm>> -> memref<1x1x1x224x224xf32, #tpu.memory_space<hbm>>
    %dma_start3A_1442 = tpu.memref_squeeze %dma_start3A_1441 : memref<1x1x1x224x224xf32, #tpu.memory_space<hbm>> -> memref<224x224xf32, #tpu.memory_space<hbm>>
    tpu.enqueue_dma source(%arg4 : memref<224x224xf32, #tpu.memory_space<vmem>>) target(%dma_start3A_1442 : memref<224x224xf32, #tpu.memory_space<hbm>>) target_semaphore(%arg8 : memref<!tpu.dma_semaphore, #tpu.memory_space<semaphore_mem>>)
    %dma_wait3A_1443 = arith.constant 0 : i32
    %dma_wait3A_1444 = arith.constant 0 : i32
    %dma_wait3A_1445 = tpu.memref_slice %arg3[%select_n3A_1419, %select_n3A_1434, %select_n3A_1395, %dma_wait3A_1443, %dma_wait3A_1444] : memref<8x32x3x224x224xf32, #tpu.memory_space<hbm>> -> memref<1x1x1x224x224xf32, #tpu.memory_space<hbm>>
    %dma_wait3A_1446 = tpu.memref_squeeze %dma_wait3A_1445 : memref<1x1x1x224x224xf32, #tpu.memory_space<hbm>> -> memref<224x224xf32, #tpu.memory_space<hbm>>
    %dma_wait3A_1447 = arith.constant 0 : i32
    %dma_wait3A_1448 = arith.constant 0 : i32
    %dma_wait3A_1449 = tpu.memref_slice %arg3[%select_n3A_1419, %select_n3A_1434, %select_n3A_1395, %dma_wait3A_1447, %dma_wait3A_1448] : memref<8x32x3x224x224xf32, #tpu.memory_space<hbm>> -> memref<1x1x1x224x224xf32, #tpu.memory_space<hbm>>
    %dma_wait3A_1450 = tpu.memref_squeeze %dma_wait3A_1449 : memref<1x1x1x224x224xf32, #tpu.memory_space<hbm>> -> memref<224x224xf32, #tpu.memory_space<hbm>>
    tpu.wait_dma2 semaphore(%arg8 : memref<!tpu.dma_semaphore, #tpu.memory_space<semaphore_mem>>) src(%arg4 : memref<224x224xf32, #tpu.memory_space<vmem>>) dst(%dma_wait3A_1450 : memref<224x224xf32, #tpu.memory_space<hbm>>)
    %mul3A_1451 = arith.constant 24 : i32
    %mul3A_1452 = arith.muli %add3A, %mul3A_1451 : i32
    %add3A_1453 = arith.constant 8 : i32
    %add3A_1454 = arith.addi %mul3A_1452, %add3A_1453 : i32
    %jit3A_1455 = arith.constant 3 : i32
    %div3A_1456 = arith.divsi %add3A_1454, %jit3A_1455 : i32
    %sign3A_1457 = arith.constant 0 : i32
    %sign3A_1458 = arith.cmpi sgt, %add3A_1454, %sign3A_1457 : i32
    %sign3A_1459 = arith.extui %sign3A_1458 : i1 to i32
    %sign3A_1460 = arith.constant 0 : i32
    %sign3A_1461 = arith.cmpi slt, %add3A_1454, %sign3A_1460 : i32
    %sign3A_1462 = arith.extui %sign3A_1461 : i1 to i32
    %sign3A_1463 = arith.subi %sign3A_1459, %sign3A_1462 : i32
    %sign3A_1464 = arith.constant 0 : i32
    %sign3A_1465 = arith.cmpi sgt, %jit3A_1455, %sign3A_1464 : i32
    %sign3A_1466 = arith.extui %sign3A_1465 : i1 to i32
    %sign3A_1467 = arith.constant 0 : i32
    %sign3A_1468 = arith.cmpi slt, %jit3A_1455, %sign3A_1467 : i32
    %sign3A_1469 = arith.extui %sign3A_1468 : i1 to i32
    %sign3A_1470 = arith.subi %sign3A_1466, %sign3A_1469 : i32
    %ne3A_1471 = arith.cmpi ne, %sign3A_1463, %sign3A_1470 : i32
    %rem3A_1472 = arith.remsi %add3A_1454, %jit3A_1455 : i32
    %ne3A_1473 = arith.constant 0 : i32
    %ne3A_1474 = arith.cmpi ne, %rem3A_1472, %ne3A_1473 : i32
    %and3A_1475 = arith.andi %ne3A_1471, %ne3A_1474 : i1
    %sub3A_1476 = arith.constant 1 : i32
    %sub3A_1477 = arith.subi %div3A_1456, %sub3A_1476 : i32
    %select_n3A_1478 = arith.select %and3A_1475, %sub3A_1477, %div3A_1456 : i32
    %eq3A_1479 = arith.constant 0 : i32
    %eq3A_1480 = arith.cmpi eq, %jit3A_1455, %eq3A_1479 : i32
    %jit3A_1481 = arith.constant 1 : i32
    %select_n3A_1482 = arith.select %eq3A_1480, %jit3A_1481, %jit3A_1455 : i32
    %rem3A_1483 = arith.remsi %add3A_1454, %select_n3A_1482 : i32
    %ne3A_1484 = arith.constant 0 : i32
    %ne3A_1485 = arith.cmpi ne, %rem3A_1483, %ne3A_1484 : i32
    %lt3A_1486 = arith.constant 0 : i32
    %lt3A_1487 = arith.cmpi slt, %rem3A_1483, %lt3A_1486 : i32
    %lt3A_1488 = arith.constant 0 : i32
    %lt3A_1489 = arith.cmpi slt, %select_n3A_1482, %lt3A_1488 : i32
    %ne3A_1490 = arith.xori %lt3A_1487, %lt3A_1489 : i1
    %and3A_1491 = arith.andi %ne3A_1490, %ne3A_1485 : i1
    %add3A_1492 = arith.addi %rem3A_1483, %select_n3A_1482 : i32
    %select_n3A_1493 = arith.select %and3A_1491, %add3A_1492, %rem3A_1483 : i32
    %jit3A_1494 = arith.constant 32 : i32
    %div3A_1495 = arith.divsi %select_n3A_1478, %jit3A_1494 : i32
    %sign3A_1496 = arith.constant 0 : i32
    %sign3A_1497 = arith.cmpi sgt, %select_n3A_1478, %sign3A_1496 : i32
    %sign3A_1498 = arith.extui %sign3A_1497 : i1 to i32
    %sign3A_1499 = arith.constant 0 : i32
    %sign3A_1500 = arith.cmpi slt, %select_n3A_1478, %sign3A_1499 : i32
    %sign3A_1501 = arith.extui %sign3A_1500 : i1 to i32
    %sign3A_1502 = arith.subi %sign3A_1498, %sign3A_1501 : i32
    %sign3A_1503 = arith.constant 0 : i32
    %sign3A_1504 = arith.cmpi sgt, %jit3A_1494, %sign3A_1503 : i32
    %sign3A_1505 = arith.extui %sign3A_1504 : i1 to i32
    %sign3A_1506 = arith.constant 0 : i32
    %sign3A_1507 = arith.cmpi slt, %jit3A_1494, %sign3A_1506 : i32
    %sign3A_1508 = arith.extui %sign3A_1507 : i1 to i32
    %sign3A_1509 = arith.subi %sign3A_1505, %sign3A_1508 : i32
    %ne3A_1510 = arith.cmpi ne, %sign3A_1502, %sign3A_1509 : i32
    %rem3A_1511 = arith.remsi %select_n3A_1478, %jit3A_1494 : i32
    %ne3A_1512 = arith.constant 0 : i32
    %ne3A_1513 = arith.cmpi ne, %rem3A_1511, %ne3A_1512 : i32
    %and3A_1514 = arith.andi %ne3A_1510, %ne3A_1513 : i1
    %sub3A_1515 = arith.constant 1 : i32
    %sub3A_1516 = arith.subi %div3A_1495, %sub3A_1515 : i32
    %select_n3A_1517 = arith.select %and3A_1514, %sub3A_1516, %div3A_1495 : i32
    %eq3A_1518 = arith.constant 0 : i32
    %eq3A_1519 = arith.cmpi eq, %jit3A_1494, %eq3A_1518 : i32
    %jit3A_1520 = arith.constant 1 : i32
    %select_n3A_1521 = arith.select %eq3A_1519, %jit3A_1520, %jit3A_1494 : i32
    %rem3A_1522 = arith.remsi %select_n3A_1478, %select_n3A_1521 : i32
    %ne3A_1523 = arith.constant 0 : i32
    %ne3A_1524 = arith.cmpi ne, %rem3A_1522, %ne3A_1523 : i32
    %lt3A_1525 = arith.constant 0 : i32
    %lt3A_1526 = arith.cmpi slt, %rem3A_1522, %lt3A_1525 : i32
    %lt3A_1527 = arith.constant 0 : i32
    %lt3A_1528 = arith.cmpi slt, %select_n3A_1521, %lt3A_1527 : i32
    %ne3A_1529 = arith.xori %lt3A_1526, %lt3A_1528 : i1
    %and3A_1530 = arith.andi %ne3A_1529, %ne3A_1524 : i1
    %add3A_1531 = arith.addi %rem3A_1522, %select_n3A_1521 : i32
    %select_n3A_1532 = arith.select %and3A_1530, %add3A_1531, %rem3A_1522 : i32
    %dma_start3A_1533 = arith.constant 0 : i32
    %dma_start3A_1534 = arith.constant 0 : i32
    %dma_start3A_1535 = tpu.memref_slice %arg2[%select_n3A_1517, %select_n3A_1532, %select_n3A_1493, %dma_start3A_1533, %dma_start3A_1534] : memref<8x32x3x224x224xf32, #tpu.memory_space<hbm>> -> memref<1x1x1x224x224xf32, #tpu.memory_space<hbm>>
    %dma_start3A_1536 = tpu.memref_squeeze %dma_start3A_1535 : memref<1x1x1x224x224xf32, #tpu.memory_space<hbm>> -> memref<224x224xf32, #tpu.memory_space<hbm>>
    %dma_start3A_1537 = arith.constant 0 : i32
    %dma_start3A_1538 = arith.constant 0 : i32
    %dma_start3A_1539 = tpu.memref_slice %arg2[%select_n3A_1517, %select_n3A_1532, %select_n3A_1493, %dma_start3A_1537, %dma_start3A_1538] : memref<8x32x3x224x224xf32, #tpu.memory_space<hbm>> -> memref<1x1x1x224x224xf32, #tpu.memory_space<hbm>>
    %dma_start3A_1540 = tpu.memref_squeeze %dma_start3A_1539 : memref<1x1x1x224x224xf32, #tpu.memory_space<hbm>> -> memref<224x224xf32, #tpu.memory_space<hbm>>
    tpu.enqueue_dma source(%dma_start3A_1540 : memref<224x224xf32, #tpu.memory_space<hbm>>) target(%arg4 : memref<224x224xf32, #tpu.memory_space<vmem>>) target_semaphore(%arg6 : memref<!tpu.dma_semaphore, #tpu.memory_space<semaphore_mem>>)
    %dma_wait3A_1541 = arith.constant 0 : i32
    %dma_wait3A_1542 = arith.constant 0 : i32
    %dma_wait3A_1543 = tpu.memref_slice %arg2[%select_n3A_1321, %select_n3A_1336, %select_n3A_1297, %dma_wait3A_1541, %dma_wait3A_1542] : memref<8x32x3x224x224xf32, #tpu.memory_space<hbm>> -> memref<1x1x1x224x224xf32, #tpu.memory_space<hbm>>
    %dma_wait3A_1544 = tpu.memref_squeeze %dma_wait3A_1543 : memref<1x1x1x224x224xf32, #tpu.memory_space<hbm>> -> memref<224x224xf32, #tpu.memory_space<hbm>>
    %dma_wait3A_1545 = arith.constant 0 : i32
    %dma_wait3A_1546 = arith.constant 0 : i32
    %dma_wait3A_1547 = tpu.memref_slice %arg2[%select_n3A_1321, %select_n3A_1336, %select_n3A_1297, %dma_wait3A_1545, %dma_wait3A_1546] : memref<8x32x3x224x224xf32, #tpu.memory_space<hbm>> -> memref<1x1x1x224x224xf32, #tpu.memory_space<hbm>>
    %dma_wait3A_1548 = tpu.memref_squeeze %dma_wait3A_1547 : memref<1x1x1x224x224xf32, #tpu.memory_space<hbm>> -> memref<224x224xf32, #tpu.memory_space<hbm>>
    tpu.wait_dma2 semaphore(%arg7 : memref<!tpu.dma_semaphore, #tpu.memory_space<semaphore_mem>>) src(%dma_wait3A_1548 : memref<224x224xf32, #tpu.memory_space<hbm>>) dst(%arg5 : memref<224x224xf32, #tpu.memory_space<vmem>>)
    %mul3A_1549 = arith.constant 24 : i32
    %mul3A_1550 = arith.muli %add3A, %mul3A_1549 : i32
    %add3A_1551 = arith.constant 7 : i32
    %add3A_1552 = arith.addi %mul3A_1550, %add3A_1551 : i32
    %jit3A_1553 = arith.constant 3 : i32
    %div3A_1554 = arith.divsi %add3A_1552, %jit3A_1553 : i32
    %sign3A_1555 = arith.constant 0 : i32
    %sign3A_1556 = arith.cmpi sgt, %add3A_1552, %sign3A_1555 : i32
    %sign3A_1557 = arith.extui %sign3A_1556 : i1 to i32
    %sign3A_1558 = arith.constant 0 : i32
    %sign3A_1559 = arith.cmpi slt, %add3A_1552, %sign3A_1558 : i32
    %sign3A_1560 = arith.extui %sign3A_1559 : i1 to i32
    %sign3A_1561 = arith.subi %sign3A_1557, %sign3A_1560 : i32
    %sign3A_1562 = arith.constant 0 : i32
    %sign3A_1563 = arith.cmpi sgt, %jit3A_1553, %sign3A_1562 : i32
    %sign3A_1564 = arith.extui %sign3A_1563 : i1 to i32
    %sign3A_1565 = arith.constant 0 : i32
    %sign3A_1566 = arith.cmpi slt, %jit3A_1553, %sign3A_1565 : i32
    %sign3A_1567 = arith.extui %sign3A_1566 : i1 to i32
    %sign3A_1568 = arith.subi %sign3A_1564, %sign3A_1567 : i32
    %ne3A_1569 = arith.cmpi ne, %sign3A_1561, %sign3A_1568 : i32
    %rem3A_1570 = arith.remsi %add3A_1552, %jit3A_1553 : i32
    %ne3A_1571 = arith.constant 0 : i32
    %ne3A_1572 = arith.cmpi ne, %rem3A_1570, %ne3A_1571 : i32
    %and3A_1573 = arith.andi %ne3A_1569, %ne3A_1572 : i1
    %sub3A_1574 = arith.constant 1 : i32
    %sub3A_1575 = arith.subi %div3A_1554, %sub3A_1574 : i32
    %select_n3A_1576 = arith.select %and3A_1573, %sub3A_1575, %div3A_1554 : i32
    %eq3A_1577 = arith.constant 0 : i32
    %eq3A_1578 = arith.cmpi eq, %jit3A_1553, %eq3A_1577 : i32
    %jit3A_1579 = arith.constant 1 : i32
    %select_n3A_1580 = arith.select %eq3A_1578, %jit3A_1579, %jit3A_1553 : i32
    %rem3A_1581 = arith.remsi %add3A_1552, %select_n3A_1580 : i32
    %ne3A_1582 = arith.constant 0 : i32
    %ne3A_1583 = arith.cmpi ne, %rem3A_1581, %ne3A_1582 : i32
    %lt3A_1584 = arith.constant 0 : i32
    %lt3A_1585 = arith.cmpi slt, %rem3A_1581, %lt3A_1584 : i32
    %lt3A_1586 = arith.constant 0 : i32
    %lt3A_1587 = arith.cmpi slt, %select_n3A_1580, %lt3A_1586 : i32
    %ne3A_1588 = arith.xori %lt3A_1585, %lt3A_1587 : i1
    %and3A_1589 = arith.andi %ne3A_1588, %ne3A_1583 : i1
    %add3A_1590 = arith.addi %rem3A_1581, %select_n3A_1580 : i32
    %select_n3A_1591 = arith.select %and3A_1589, %add3A_1590, %rem3A_1581 : i32
    %jit3A_1592 = arith.constant 32 : i32
    %div3A_1593 = arith.divsi %select_n3A_1576, %jit3A_1592 : i32
    %sign3A_1594 = arith.constant 0 : i32
    %sign3A_1595 = arith.cmpi sgt, %select_n3A_1576, %sign3A_1594 : i32
    %sign3A_1596 = arith.extui %sign3A_1595 : i1 to i32
    %sign3A_1597 = arith.constant 0 : i32
    %sign3A_1598 = arith.cmpi slt, %select_n3A_1576, %sign3A_1597 : i32
    %sign3A_1599 = arith.extui %sign3A_1598 : i1 to i32
    %sign3A_1600 = arith.subi %sign3A_1596, %sign3A_1599 : i32
    %sign3A_1601 = arith.constant 0 : i32
    %sign3A_1602 = arith.cmpi sgt, %jit3A_1592, %sign3A_1601 : i32
    %sign3A_1603 = arith.extui %sign3A_1602 : i1 to i32
    %sign3A_1604 = arith.constant 0 : i32
    %sign3A_1605 = arith.cmpi slt, %jit3A_1592, %sign3A_1604 : i32
    %sign3A_1606 = arith.extui %sign3A_1605 : i1 to i32
    %sign3A_1607 = arith.subi %sign3A_1603, %sign3A_1606 : i32
    %ne3A_1608 = arith.cmpi ne, %sign3A_1600, %sign3A_1607 : i32
    %rem3A_1609 = arith.remsi %select_n3A_1576, %jit3A_1592 : i32
    %ne3A_1610 = arith.constant 0 : i32
    %ne3A_1611 = arith.cmpi ne, %rem3A_1609, %ne3A_1610 : i32
    %and3A_1612 = arith.andi %ne3A_1608, %ne3A_1611 : i1
    %sub3A_1613 = arith.constant 1 : i32
    %sub3A_1614 = arith.subi %div3A_1593, %sub3A_1613 : i32
    %select_n3A_1615 = arith.select %and3A_1612, %sub3A_1614, %div3A_1593 : i32
    %eq3A_1616 = arith.constant 0 : i32
    %eq3A_1617 = arith.cmpi eq, %jit3A_1592, %eq3A_1616 : i32
    %jit3A_1618 = arith.constant 1 : i32
    %select_n3A_1619 = arith.select %eq3A_1617, %jit3A_1618, %jit3A_1592 : i32
    %rem3A_1620 = arith.remsi %select_n3A_1576, %select_n3A_1619 : i32
    %ne3A_1621 = arith.constant 0 : i32
    %ne3A_1622 = arith.cmpi ne, %rem3A_1620, %ne3A_1621 : i32
    %lt3A_1623 = arith.constant 0 : i32
    %lt3A_1624 = arith.cmpi slt, %rem3A_1620, %lt3A_1623 : i32
    %lt3A_1625 = arith.constant 0 : i32
    %lt3A_1626 = arith.cmpi slt, %select_n3A_1619, %lt3A_1625 : i32
    %ne3A_1627 = arith.xori %lt3A_1624, %lt3A_1626 : i1
    %and3A_1628 = arith.andi %ne3A_1627, %ne3A_1622 : i1
    %add3A_1629 = arith.addi %rem3A_1620, %select_n3A_1619 : i32
    %select_n3A_1630 = arith.select %and3A_1628, %add3A_1629, %rem3A_1620 : i32
    %dma_start3A_1631 = arith.constant 0 : i32
    %dma_start3A_1632 = arith.constant 0 : i32
    %dma_start3A_1633 = tpu.memref_slice %arg3[%select_n3A_1615, %select_n3A_1630, %select_n3A_1591, %dma_start3A_1631, %dma_start3A_1632] : memref<8x32x3x224x224xf32, #tpu.memory_space<hbm>> -> memref<1x1x1x224x224xf32, #tpu.memory_space<hbm>>
    %dma_start3A_1634 = tpu.memref_squeeze %dma_start3A_1633 : memref<1x1x1x224x224xf32, #tpu.memory_space<hbm>> -> memref<224x224xf32, #tpu.memory_space<hbm>>
    %dma_start3A_1635 = arith.constant 0 : i32
    %dma_start3A_1636 = arith.constant 0 : i32
    %dma_start3A_1637 = tpu.memref_slice %arg3[%select_n3A_1615, %select_n3A_1630, %select_n3A_1591, %dma_start3A_1635, %dma_start3A_1636] : memref<8x32x3x224x224xf32, #tpu.memory_space<hbm>> -> memref<1x1x1x224x224xf32, #tpu.memory_space<hbm>>
    %dma_start3A_1638 = tpu.memref_squeeze %dma_start3A_1637 : memref<1x1x1x224x224xf32, #tpu.memory_space<hbm>> -> memref<224x224xf32, #tpu.memory_space<hbm>>
    tpu.enqueue_dma source(%arg5 : memref<224x224xf32, #tpu.memory_space<vmem>>) target(%dma_start3A_1638 : memref<224x224xf32, #tpu.memory_space<hbm>>) target_semaphore(%arg9 : memref<!tpu.dma_semaphore, #tpu.memory_space<semaphore_mem>>)
    %dma_wait3A_1639 = arith.constant 0 : i32
    %dma_wait3A_1640 = arith.constant 0 : i32
    %dma_wait3A_1641 = tpu.memref_slice %arg3[%select_n3A_1615, %select_n3A_1630, %select_n3A_1591, %dma_wait3A_1639, %dma_wait3A_1640] : memref<8x32x3x224x224xf32, #tpu.memory_space<hbm>> -> memref<1x1x1x224x224xf32, #tpu.memory_space<hbm>>
    %dma_wait3A_1642 = tpu.memref_squeeze %dma_wait3A_1641 : memref<1x1x1x224x224xf32, #tpu.memory_space<hbm>> -> memref<224x224xf32, #tpu.memory_space<hbm>>
    %dma_wait3A_1643 = arith.constant 0 : i32
    %dma_wait3A_1644 = arith.constant 0 : i32
    %dma_wait3A_1645 = tpu.memref_slice %arg3[%select_n3A_1615, %select_n3A_1630, %select_n3A_1591, %dma_wait3A_1643, %dma_wait3A_1644] : memref<8x32x3x224x224xf32, #tpu.memory_space<hbm>> -> memref<1x1x1x224x224xf32, #tpu.memory_space<hbm>>
    %dma_wait3A_1646 = tpu.memref_squeeze %dma_wait3A_1645 : memref<1x1x1x224x224xf32, #tpu.memory_space<hbm>> -> memref<224x224xf32, #tpu.memory_space<hbm>>
    tpu.wait_dma2 semaphore(%arg9 : memref<!tpu.dma_semaphore, #tpu.memory_space<semaphore_mem>>) src(%arg5 : memref<224x224xf32, #tpu.memory_space<vmem>>) dst(%dma_wait3A_1646 : memref<224x224xf32, #tpu.memory_space<hbm>>)
    %mul3A_1647 = arith.constant 24 : i32
    %mul3A_1648 = arith.muli %add3A, %mul3A_1647 : i32
    %add3A_1649 = arith.constant 9 : i32
    %add3A_1650 = arith.addi %mul3A_1648, %add3A_1649 : i32
    %jit3A_1651 = arith.constant 3 : i32
    %div3A_1652 = arith.divsi %add3A_1650, %jit3A_1651 : i32
    %sign3A_1653 = arith.constant 0 : i32
    %sign3A_1654 = arith.cmpi sgt, %add3A_1650, %sign3A_1653 : i32
    %sign3A_1655 = arith.extui %sign3A_1654 : i1 to i32
    %sign3A_1656 = arith.constant 0 : i32
    %sign3A_1657 = arith.cmpi slt, %add3A_1650, %sign3A_1656 : i32
    %sign3A_1658 = arith.extui %sign3A_1657 : i1 to i32
    %sign3A_1659 = arith.subi %sign3A_1655, %sign3A_1658 : i32
    %sign3A_1660 = arith.constant 0 : i32
    %sign3A_1661 = arith.cmpi sgt, %jit3A_1651, %sign3A_1660 : i32
    %sign3A_1662 = arith.extui %sign3A_1661 : i1 to i32
    %sign3A_1663 = arith.constant 0 : i32
    %sign3A_1664 = arith.cmpi slt, %jit3A_1651, %sign3A_1663 : i32
    %sign3A_1665 = arith.extui %sign3A_1664 : i1 to i32
    %sign3A_1666 = arith.subi %sign3A_1662, %sign3A_1665 : i32
    %ne3A_1667 = arith.cmpi ne, %sign3A_1659, %sign3A_1666 : i32
    %rem3A_1668 = arith.remsi %add3A_1650, %jit3A_1651 : i32
    %ne3A_1669 = arith.constant 0 : i32
    %ne3A_1670 = arith.cmpi ne, %rem3A_1668, %ne3A_1669 : i32
    %and3A_1671 = arith.andi %ne3A_1667, %ne3A_1670 : i1
    %sub3A_1672 = arith.constant 1 : i32
    %sub3A_1673 = arith.subi %div3A_1652, %sub3A_1672 : i32
    %select_n3A_1674 = arith.select %and3A_1671, %sub3A_1673, %div3A_1652 : i32
    %eq3A_1675 = arith.constant 0 : i32
    %eq3A_1676 = arith.cmpi eq, %jit3A_1651, %eq3A_1675 : i32
    %jit3A_1677 = arith.constant 1 : i32
    %select_n3A_1678 = arith.select %eq3A_1676, %jit3A_1677, %jit3A_1651 : i32
    %rem3A_1679 = arith.remsi %add3A_1650, %select_n3A_1678 : i32
    %ne3A_1680 = arith.constant 0 : i32
    %ne3A_1681 = arith.cmpi ne, %rem3A_1679, %ne3A_1680 : i32
    %lt3A_1682 = arith.constant 0 : i32
    %lt3A_1683 = arith.cmpi slt, %rem3A_1679, %lt3A_1682 : i32
    %lt3A_1684 = arith.constant 0 : i32
    %lt3A_1685 = arith.cmpi slt, %select_n3A_1678, %lt3A_1684 : i32
    %ne3A_1686 = arith.xori %lt3A_1683, %lt3A_1685 : i1
    %and3A_1687 = arith.andi %ne3A_1686, %ne3A_1681 : i1
    %add3A_1688 = arith.addi %rem3A_1679, %select_n3A_1678 : i32
    %select_n3A_1689 = arith.select %and3A_1687, %add3A_1688, %rem3A_1679 : i32
    %jit3A_1690 = arith.constant 32 : i32
    %div3A_1691 = arith.divsi %select_n3A_1674, %jit3A_1690 : i32
    %sign3A_1692 = arith.constant 0 : i32
    %sign3A_1693 = arith.cmpi sgt, %select_n3A_1674, %sign3A_1692 : i32
    %sign3A_1694 = arith.extui %sign3A_1693 : i1 to i32
    %sign3A_1695 = arith.constant 0 : i32
    %sign3A_1696 = arith.cmpi slt, %select_n3A_1674, %sign3A_1695 : i32
    %sign3A_1697 = arith.extui %sign3A_1696 : i1 to i32
    %sign3A_1698 = arith.subi %sign3A_1694, %sign3A_1697 : i32
    %sign3A_1699 = arith.constant 0 : i32
    %sign3A_1700 = arith.cmpi sgt, %jit3A_1690, %sign3A_1699 : i32
    %sign3A_1701 = arith.extui %sign3A_1700 : i1 to i32
    %sign3A_1702 = arith.constant 0 : i32
    %sign3A_1703 = arith.cmpi slt, %jit3A_1690, %sign3A_1702 : i32
    %sign3A_1704 = arith.extui %sign3A_1703 : i1 to i32
    %sign3A_1705 = arith.subi %sign3A_1701, %sign3A_1704 : i32
    %ne3A_1706 = arith.cmpi ne, %sign3A_1698, %sign3A_1705 : i32
    %rem3A_1707 = arith.remsi %select_n3A_1674, %jit3A_1690 : i32
    %ne3A_1708 = arith.constant 0 : i32
    %ne3A_1709 = arith.cmpi ne, %rem3A_1707, %ne3A_1708 : i32
    %and3A_1710 = arith.andi %ne3A_1706, %ne3A_1709 : i1
    %sub3A_1711 = arith.constant 1 : i32
    %sub3A_1712 = arith.subi %div3A_1691, %sub3A_1711 : i32
    %select_n3A_1713 = arith.select %and3A_1710, %sub3A_1712, %div3A_1691 : i32
    %eq3A_1714 = arith.constant 0 : i32
    %eq3A_1715 = arith.cmpi eq, %jit3A_1690, %eq3A_1714 : i32
    %jit3A_1716 = arith.constant 1 : i32
    %select_n3A_1717 = arith.select %eq3A_1715, %jit3A_1716, %jit3A_1690 : i32
    %rem3A_1718 = arith.remsi %select_n3A_1674, %select_n3A_1717 : i32
    %ne3A_1719 = arith.constant 0 : i32
    %ne3A_1720 = arith.cmpi ne, %rem3A_1718, %ne3A_1719 : i32
    %lt3A_1721 = arith.constant 0 : i32
    %lt3A_1722 = arith.cmpi slt, %rem3A_1718, %lt3A_1721 : i32
    %lt3A_1723 = arith.constant 0 : i32
    %lt3A_1724 = arith.cmpi slt, %select_n3A_1717, %lt3A_1723 : i32
    %ne3A_1725 = arith.xori %lt3A_1722, %lt3A_1724 : i1
    %and3A_1726 = arith.andi %ne3A_1725, %ne3A_1720 : i1
    %add3A_1727 = arith.addi %rem3A_1718, %select_n3A_1717 : i32
    %select_n3A_1728 = arith.select %and3A_1726, %add3A_1727, %rem3A_1718 : i32
    %dma_start3A_1729 = arith.constant 0 : i32
    %dma_start3A_1730 = arith.constant 0 : i32
    %dma_start3A_1731 = tpu.memref_slice %arg2[%select_n3A_1713, %select_n3A_1728, %select_n3A_1689, %dma_start3A_1729, %dma_start3A_1730] : memref<8x32x3x224x224xf32, #tpu.memory_space<hbm>> -> memref<1x1x1x224x224xf32, #tpu.memory_space<hbm>>
    %dma_start3A_1732 = tpu.memref_squeeze %dma_start3A_1731 : memref<1x1x1x224x224xf32, #tpu.memory_space<hbm>> -> memref<224x224xf32, #tpu.memory_space<hbm>>
    %dma_start3A_1733 = arith.constant 0 : i32
    %dma_start3A_1734 = arith.constant 0 : i32
    %dma_start3A_1735 = tpu.memref_slice %arg2[%select_n3A_1713, %select_n3A_1728, %select_n3A_1689, %dma_start3A_1733, %dma_start3A_1734] : memref<8x32x3x224x224xf32, #tpu.memory_space<hbm>> -> memref<1x1x1x224x224xf32, #tpu.memory_space<hbm>>
    %dma_start3A_1736 = tpu.memref_squeeze %dma_start3A_1735 : memref<1x1x1x224x224xf32, #tpu.memory_space<hbm>> -> memref<224x224xf32, #tpu.memory_space<hbm>>
    tpu.enqueue_dma source(%dma_start3A_1736 : memref<224x224xf32, #tpu.memory_space<hbm>>) target(%arg5 : memref<224x224xf32, #tpu.memory_space<vmem>>) target_semaphore(%arg7 : memref<!tpu.dma_semaphore, #tpu.memory_space<semaphore_mem>>)
    %dma_wait3A_1737 = arith.constant 0 : i32
    %dma_wait3A_1738 = arith.constant 0 : i32
    %dma_wait3A_1739 = tpu.memref_slice %arg2[%select_n3A_1517, %select_n3A_1532, %select_n3A_1493, %dma_wait3A_1737, %dma_wait3A_1738] : memref<8x32x3x224x224xf32, #tpu.memory_space<hbm>> -> memref<1x1x1x224x224xf32, #tpu.memory_space<hbm>>
    %dma_wait3A_1740 = tpu.memref_squeeze %dma_wait3A_1739 : memref<1x1x1x224x224xf32, #tpu.memory_space<hbm>> -> memref<224x224xf32, #tpu.memory_space<hbm>>
    %dma_wait3A_1741 = arith.constant 0 : i32
    %dma_wait3A_1742 = arith.constant 0 : i32
    %dma_wait3A_1743 = tpu.memref_slice %arg2[%select_n3A_1517, %select_n3A_1532, %select_n3A_1493, %dma_wait3A_1741, %dma_wait3A_1742] : memref<8x32x3x224x224xf32, #tpu.memory_space<hbm>> -> memref<1x1x1x224x224xf32, #tpu.memory_space<hbm>>
    %dma_wait3A_1744 = tpu.memref_squeeze %dma_wait3A_1743 : memref<1x1x1x224x224xf32, #tpu.memory_space<hbm>> -> memref<224x224xf32, #tpu.memory_space<hbm>>
    tpu.wait_dma2 semaphore(%arg6 : memref<!tpu.dma_semaphore, #tpu.memory_space<semaphore_mem>>) src(%dma_wait3A_1744 : memref<224x224xf32, #tpu.memory_space<hbm>>) dst(%arg4 : memref<224x224xf32, #tpu.memory_space<vmem>>)
    %mul3A_1745 = arith.constant 24 : i32
    %mul3A_1746 = arith.muli %add3A, %mul3A_1745 : i32
    %add3A_1747 = arith.constant 8 : i32
    %add3A_1748 = arith.addi %mul3A_1746, %add3A_1747 : i32
    %jit3A_1749 = arith.constant 3 : i32
    %div3A_1750 = arith.divsi %add3A_1748, %jit3A_1749 : i32
    %sign3A_1751 = arith.constant 0 : i32
    %sign3A_1752 = arith.cmpi sgt, %add3A_1748, %sign3A_1751 : i32
    %sign3A_1753 = arith.extui %sign3A_1752 : i1 to i32
    %sign3A_1754 = arith.constant 0 : i32
    %sign3A_1755 = arith.cmpi slt, %add3A_1748, %sign3A_1754 : i32
    %sign3A_1756 = arith.extui %sign3A_1755 : i1 to i32
    %sign3A_1757 = arith.subi %sign3A_1753, %sign3A_1756 : i32
    %sign3A_1758 = arith.constant 0 : i32
    %sign3A_1759 = arith.cmpi sgt, %jit3A_1749, %sign3A_1758 : i32
    %sign3A_1760 = arith.extui %sign3A_1759 : i1 to i32
    %sign3A_1761 = arith.constant 0 : i32
    %sign3A_1762 = arith.cmpi slt, %jit3A_1749, %sign3A_1761 : i32
    %sign3A_1763 = arith.extui %sign3A_1762 : i1 to i32
    %sign3A_1764 = arith.subi %sign3A_1760, %sign3A_1763 : i32
    %ne3A_1765 = arith.cmpi ne, %sign3A_1757, %sign3A_1764 : i32
    %rem3A_1766 = arith.remsi %add3A_1748, %jit3A_1749 : i32
    %ne3A_1767 = arith.constant 0 : i32
    %ne3A_1768 = arith.cmpi ne, %rem3A_1766, %ne3A_1767 : i32
    %and3A_1769 = arith.andi %ne3A_1765, %ne3A_1768 : i1
    %sub3A_1770 = arith.constant 1 : i32
    %sub3A_1771 = arith.subi %div3A_1750, %sub3A_1770 : i32
    %select_n3A_1772 = arith.select %and3A_1769, %sub3A_1771, %div3A_1750 : i32
    %eq3A_1773 = arith.constant 0 : i32
    %eq3A_1774 = arith.cmpi eq, %jit3A_1749, %eq3A_1773 : i32
    %jit3A_1775 = arith.constant 1 : i32
    %select_n3A_1776 = arith.select %eq3A_1774, %jit3A_1775, %jit3A_1749 : i32
    %rem3A_1777 = arith.remsi %add3A_1748, %select_n3A_1776 : i32
    %ne3A_1778 = arith.constant 0 : i32
    %ne3A_1779 = arith.cmpi ne, %rem3A_1777, %ne3A_1778 : i32
    %lt3A_1780 = arith.constant 0 : i32
    %lt3A_1781 = arith.cmpi slt, %rem3A_1777, %lt3A_1780 : i32
    %lt3A_1782 = arith.constant 0 : i32
    %lt3A_1783 = arith.cmpi slt, %select_n3A_1776, %lt3A_1782 : i32
    %ne3A_1784 = arith.xori %lt3A_1781, %lt3A_1783 : i1
    %and3A_1785 = arith.andi %ne3A_1784, %ne3A_1779 : i1
    %add3A_1786 = arith.addi %rem3A_1777, %select_n3A_1776 : i32
    %select_n3A_1787 = arith.select %and3A_1785, %add3A_1786, %rem3A_1777 : i32
    %jit3A_1788 = arith.constant 32 : i32
    %div3A_1789 = arith.divsi %select_n3A_1772, %jit3A_1788 : i32
    %sign3A_1790 = arith.constant 0 : i32
    %sign3A_1791 = arith.cmpi sgt, %select_n3A_1772, %sign3A_1790 : i32
    %sign3A_1792 = arith.extui %sign3A_1791 : i1 to i32
    %sign3A_1793 = arith.constant 0 : i32
    %sign3A_1794 = arith.cmpi slt, %select_n3A_1772, %sign3A_1793 : i32
    %sign3A_1795 = arith.extui %sign3A_1794 : i1 to i32
    %sign3A_1796 = arith.subi %sign3A_1792, %sign3A_1795 : i32
    %sign3A_1797 = arith.constant 0 : i32
    %sign3A_1798 = arith.cmpi sgt, %jit3A_1788, %sign3A_1797 : i32
    %sign3A_1799 = arith.extui %sign3A_1798 : i1 to i32
    %sign3A_1800 = arith.constant 0 : i32
    %sign3A_1801 = arith.cmpi slt, %jit3A_1788, %sign3A_1800 : i32
    %sign3A_1802 = arith.extui %sign3A_1801 : i1 to i32
    %sign3A_1803 = arith.subi %sign3A_1799, %sign3A_1802 : i32
    %ne3A_1804 = arith.cmpi ne, %sign3A_1796, %sign3A_1803 : i32
    %rem3A_1805 = arith.remsi %select_n3A_1772, %jit3A_1788 : i32
    %ne3A_1806 = arith.constant 0 : i32
    %ne3A_1807 = arith.cmpi ne, %rem3A_1805, %ne3A_1806 : i32
    %and3A_1808 = arith.andi %ne3A_1804, %ne3A_1807 : i1
    %sub3A_1809 = arith.constant 1 : i32
    %sub3A_1810 = arith.subi %div3A_1789, %sub3A_1809 : i32
    %select_n3A_1811 = arith.select %and3A_1808, %sub3A_1810, %div3A_1789 : i32
    %eq3A_1812 = arith.constant 0 : i32
    %eq3A_1813 = arith.cmpi eq, %jit3A_1788, %eq3A_1812 : i32
    %jit3A_1814 = arith.constant 1 : i32
    %select_n3A_1815 = arith.select %eq3A_1813, %jit3A_1814, %jit3A_1788 : i32
    %rem3A_1816 = arith.remsi %select_n3A_1772, %select_n3A_1815 : i32
    %ne3A_1817 = arith.constant 0 : i32
    %ne3A_1818 = arith.cmpi ne, %rem3A_1816, %ne3A_1817 : i32
    %lt3A_1819 = arith.constant 0 : i32
    %lt3A_1820 = arith.cmpi slt, %rem3A_1816, %lt3A_1819 : i32
    %lt3A_1821 = arith.constant 0 : i32
    %lt3A_1822 = arith.cmpi slt, %select_n3A_1815, %lt3A_1821 : i32
    %ne3A_1823 = arith.xori %lt3A_1820, %lt3A_1822 : i1
    %and3A_1824 = arith.andi %ne3A_1823, %ne3A_1818 : i1
    %add3A_1825 = arith.addi %rem3A_1816, %select_n3A_1815 : i32
    %select_n3A_1826 = arith.select %and3A_1824, %add3A_1825, %rem3A_1816 : i32
    %dma_start3A_1827 = arith.constant 0 : i32
    %dma_start3A_1828 = arith.constant 0 : i32
    %dma_start3A_1829 = tpu.memref_slice %arg3[%select_n3A_1811, %select_n3A_1826, %select_n3A_1787, %dma_start3A_1827, %dma_start3A_1828] : memref<8x32x3x224x224xf32, #tpu.memory_space<hbm>> -> memref<1x1x1x224x224xf32, #tpu.memory_space<hbm>>
    %dma_start3A_1830 = tpu.memref_squeeze %dma_start3A_1829 : memref<1x1x1x224x224xf32, #tpu.memory_space<hbm>> -> memref<224x224xf32, #tpu.memory_space<hbm>>
    %dma_start3A_1831 = arith.constant 0 : i32
    %dma_start3A_1832 = arith.constant 0 : i32
    %dma_start3A_1833 = tpu.memref_slice %arg3[%select_n3A_1811, %select_n3A_1826, %select_n3A_1787, %dma_start3A_1831, %dma_start3A_1832] : memref<8x32x3x224x224xf32, #tpu.memory_space<hbm>> -> memref<1x1x1x224x224xf32, #tpu.memory_space<hbm>>
    %dma_start3A_1834 = tpu.memref_squeeze %dma_start3A_1833 : memref<1x1x1x224x224xf32, #tpu.memory_space<hbm>> -> memref<224x224xf32, #tpu.memory_space<hbm>>
    tpu.enqueue_dma source(%arg4 : memref<224x224xf32, #tpu.memory_space<vmem>>) target(%dma_start3A_1834 : memref<224x224xf32, #tpu.memory_space<hbm>>) target_semaphore(%arg8 : memref<!tpu.dma_semaphore, #tpu.memory_space<semaphore_mem>>)
    %dma_wait3A_1835 = arith.constant 0 : i32
    %dma_wait3A_1836 = arith.constant 0 : i32
    %dma_wait3A_1837 = tpu.memref_slice %arg3[%select_n3A_1811, %select_n3A_1826, %select_n3A_1787, %dma_wait3A_1835, %dma_wait3A_1836] : memref<8x32x3x224x224xf32, #tpu.memory_space<hbm>> -> memref<1x1x1x224x224xf32, #tpu.memory_space<hbm>>
    %dma_wait3A_1838 = tpu.memref_squeeze %dma_wait3A_1837 : memref<1x1x1x224x224xf32, #tpu.memory_space<hbm>> -> memref<224x224xf32, #tpu.memory_space<hbm>>
    %dma_wait3A_1839 = arith.constant 0 : i32
    %dma_wait3A_1840 = arith.constant 0 : i32
    %dma_wait3A_1841 = tpu.memref_slice %arg3[%select_n3A_1811, %select_n3A_1826, %select_n3A_1787, %dma_wait3A_1839, %dma_wait3A_1840] : memref<8x32x3x224x224xf32, #tpu.memory_space<hbm>> -> memref<1x1x1x224x224xf32, #tpu.memory_space<hbm>>
    %dma_wait3A_1842 = tpu.memref_squeeze %dma_wait3A_1841 : memref<1x1x1x224x224xf32, #tpu.memory_space<hbm>> -> memref<224x224xf32, #tpu.memory_space<hbm>>
    tpu.wait_dma2 semaphore(%arg8 : memref<!tpu.dma_semaphore, #tpu.memory_space<semaphore_mem>>) src(%arg4 : memref<224x224xf32, #tpu.memory_space<vmem>>) dst(%dma_wait3A_1842 : memref<224x224xf32, #tpu.memory_space<hbm>>)
    %mul3A_1843 = arith.constant 24 : i32
    %mul3A_1844 = arith.muli %add3A, %mul3A_1843 : i32
    %add3A_1845 = arith.constant 10 : i32
    %add3A_1846 = arith.addi %mul3A_1844, %add3A_1845 : i32
    %jit3A_1847 = arith.constant 3 : i32
    %div3A_1848 = arith.divsi %add3A_1846, %jit3A_1847 : i32
    %sign3A_1849 = arith.constant 0 : i32
    %sign3A_1850 = arith.cmpi sgt, %add3A_1846, %sign3A_1849 : i32
    %sign3A_1851 = arith.extui %sign3A_1850 : i1 to i32
    %sign3A_1852 = arith.constant 0 : i32
    %sign3A_1853 = arith.cmpi slt, %add3A_1846, %sign3A_1852 : i32
    %sign3A_1854 = arith.extui %sign3A_1853 : i1 to i32
    %sign3A_1855 = arith.subi %sign3A_1851, %sign3A_1854 : i32
    %sign3A_1856 = arith.constant 0 : i32
    %sign3A_1857 = arith.cmpi sgt, %jit3A_1847, %sign3A_1856 : i32
    %sign3A_1858 = arith.extui %sign3A_1857 : i1 to i32
    %sign3A_1859 = arith.constant 0 : i32
    %sign3A_1860 = arith.cmpi slt, %jit3A_1847, %sign3A_1859 : i32
    %sign3A_1861 = arith.extui %sign3A_1860 : i1 to i32
    %sign3A_1862 = arith.subi %sign3A_1858, %sign3A_1861 : i32
    %ne3A_1863 = arith.cmpi ne, %sign3A_1855, %sign3A_1862 : i32
    %rem3A_1864 = arith.remsi %add3A_1846, %jit3A_1847 : i32
    %ne3A_1865 = arith.constant 0 : i32
    %ne3A_1866 = arith.cmpi ne, %rem3A_1864, %ne3A_1865 : i32
    %and3A_1867 = arith.andi %ne3A_1863, %ne3A_1866 : i1
    %sub3A_1868 = arith.constant 1 : i32
    %sub3A_1869 = arith.subi %div3A_1848, %sub3A_1868 : i32
    %select_n3A_1870 = arith.select %and3A_1867, %sub3A_1869, %div3A_1848 : i32
    %eq3A_1871 = arith.constant 0 : i32
    %eq3A_1872 = arith.cmpi eq, %jit3A_1847, %eq3A_1871 : i32
    %jit3A_1873 = arith.constant 1 : i32
    %select_n3A_1874 = arith.select %eq3A_1872, %jit3A_1873, %jit3A_1847 : i32
    %rem3A_1875 = arith.remsi %add3A_1846, %select_n3A_1874 : i32
    %ne3A_1876 = arith.constant 0 : i32
    %ne3A_1877 = arith.cmpi ne, %rem3A_1875, %ne3A_1876 : i32
    %lt3A_1878 = arith.constant 0 : i32
    %lt3A_1879 = arith.cmpi slt, %rem3A_1875, %lt3A_1878 : i32
    %lt3A_1880 = arith.constant 0 : i32
    %lt3A_1881 = arith.cmpi slt, %select_n3A_1874, %lt3A_1880 : i32
    %ne3A_1882 = arith.xori %lt3A_1879, %lt3A_1881 : i1
    %and3A_1883 = arith.andi %ne3A_1882, %ne3A_1877 : i1
    %add3A_1884 = arith.addi %rem3A_1875, %select_n3A_1874 : i32
    %select_n3A_1885 = arith.select %and3A_1883, %add3A_1884, %rem3A_1875 : i32
    %jit3A_1886 = arith.constant 32 : i32
    %div3A_1887 = arith.divsi %select_n3A_1870, %jit3A_1886 : i32
    %sign3A_1888 = arith.constant 0 : i32
    %sign3A_1889 = arith.cmpi sgt, %select_n3A_1870, %sign3A_1888 : i32
    %sign3A_1890 = arith.extui %sign3A_1889 : i1 to i32
    %sign3A_1891 = arith.constant 0 : i32
    %sign3A_1892 = arith.cmpi slt, %select_n3A_1870, %sign3A_1891 : i32
    %sign3A_1893 = arith.extui %sign3A_1892 : i1 to i32
    %sign3A_1894 = arith.subi %sign3A_1890, %sign3A_1893 : i32
    %sign3A_1895 = arith.constant 0 : i32
    %sign3A_1896 = arith.cmpi sgt, %jit3A_1886, %sign3A_1895 : i32
    %sign3A_1897 = arith.extui %sign3A_1896 : i1 to i32
    %sign3A_1898 = arith.constant 0 : i32
    %sign3A_1899 = arith.cmpi slt, %jit3A_1886, %sign3A_1898 : i32
    %sign3A_1900 = arith.extui %sign3A_1899 : i1 to i32
    %sign3A_1901 = arith.subi %sign3A_1897, %sign3A_1900 : i32
    %ne3A_1902 = arith.cmpi ne, %sign3A_1894, %sign3A_1901 : i32
    %rem3A_1903 = arith.remsi %select_n3A_1870, %jit3A_1886 : i32
    %ne3A_1904 = arith.constant 0 : i32
    %ne3A_1905 = arith.cmpi ne, %rem3A_1903, %ne3A_1904 : i32
    %and3A_1906 = arith.andi %ne3A_1902, %ne3A_1905 : i1
    %sub3A_1907 = arith.constant 1 : i32
    %sub3A_1908 = arith.subi %div3A_1887, %sub3A_1907 : i32
    %select_n3A_1909 = arith.select %and3A_1906, %sub3A_1908, %div3A_1887 : i32
    %eq3A_1910 = arith.constant 0 : i32
    %eq3A_1911 = arith.cmpi eq, %jit3A_1886, %eq3A_1910 : i32
    %jit3A_1912 = arith.constant 1 : i32
    %select_n3A_1913 = arith.select %eq3A_1911, %jit3A_1912, %jit3A_1886 : i32
    %rem3A_1914 = arith.remsi %select_n3A_1870, %select_n3A_1913 : i32
    %ne3A_1915 = arith.constant 0 : i32
    %ne3A_1916 = arith.cmpi ne, %rem3A_1914, %ne3A_1915 : i32
    %lt3A_1917 = arith.constant 0 : i32
    %lt3A_1918 = arith.cmpi slt, %rem3A_1914, %lt3A_1917 : i32
    %lt3A_1919 = arith.constant 0 : i32
    %lt3A_1920 = arith.cmpi slt, %select_n3A_1913, %lt3A_1919 : i32
    %ne3A_1921 = arith.xori %lt3A_1918, %lt3A_1920 : i1
    %and3A_1922 = arith.andi %ne3A_1921, %ne3A_1916 : i1
    %add3A_1923 = arith.addi %rem3A_1914, %select_n3A_1913 : i32
    %select_n3A_1924 = arith.select %and3A_1922, %add3A_1923, %rem3A_1914 : i32
    %dma_start3A_1925 = arith.constant 0 : i32
    %dma_start3A_1926 = arith.constant 0 : i32
    %dma_start3A_1927 = tpu.memref_slice %arg2[%select_n3A_1909, %select_n3A_1924, %select_n3A_1885, %dma_start3A_1925, %dma_start3A_1926] : memref<8x32x3x224x224xf32, #tpu.memory_space<hbm>> -> memref<1x1x1x224x224xf32, #tpu.memory_space<hbm>>
    %dma_start3A_1928 = tpu.memref_squeeze %dma_start3A_1927 : memref<1x1x1x224x224xf32, #tpu.memory_space<hbm>> -> memref<224x224xf32, #tpu.memory_space<hbm>>
    %dma_start3A_1929 = arith.constant 0 : i32
    %dma_start3A_1930 = arith.constant 0 : i32
    %dma_start3A_1931 = tpu.memref_slice %arg2[%select_n3A_1909, %select_n3A_1924, %select_n3A_1885, %dma_start3A_1929, %dma_start3A_1930] : memref<8x32x3x224x224xf32, #tpu.memory_space<hbm>> -> memref<1x1x1x224x224xf32, #tpu.memory_space<hbm>>
    %dma_start3A_1932 = tpu.memref_squeeze %dma_start3A_1931 : memref<1x1x1x224x224xf32, #tpu.memory_space<hbm>> -> memref<224x224xf32, #tpu.memory_space<hbm>>
    tpu.enqueue_dma source(%dma_start3A_1932 : memref<224x224xf32, #tpu.memory_space<hbm>>) target(%arg4 : memref<224x224xf32, #tpu.memory_space<vmem>>) target_semaphore(%arg6 : memref<!tpu.dma_semaphore, #tpu.memory_space<semaphore_mem>>)
    %dma_wait3A_1933 = arith.constant 0 : i32
    %dma_wait3A_1934 = arith.constant 0 : i32
    %dma_wait3A_1935 = tpu.memref_slice %arg2[%select_n3A_1713, %select_n3A_1728, %select_n3A_1689, %dma_wait3A_1933, %dma_wait3A_1934] : memref<8x32x3x224x224xf32, #tpu.memory_space<hbm>> -> memref<1x1x1x224x224xf32, #tpu.memory_space<hbm>>
    %dma_wait3A_1936 = tpu.memref_squeeze %dma_wait3A_1935 : memref<1x1x1x224x224xf32, #tpu.memory_space<hbm>> -> memref<224x224xf32, #tpu.memory_space<hbm>>
    %dma_wait3A_1937 = arith.constant 0 : i32
    %dma_wait3A_1938 = arith.constant 0 : i32
    %dma_wait3A_1939 = tpu.memref_slice %arg2[%select_n3A_1713, %select_n3A_1728, %select_n3A_1689, %dma_wait3A_1937, %dma_wait3A_1938] : memref<8x32x3x224x224xf32, #tpu.memory_space<hbm>> -> memref<1x1x1x224x224xf32, #tpu.memory_space<hbm>>
    %dma_wait3A_1940 = tpu.memref_squeeze %dma_wait3A_1939 : memref<1x1x1x224x224xf32, #tpu.memory_space<hbm>> -> memref<224x224xf32, #tpu.memory_space<hbm>>
    tpu.wait_dma2 semaphore(%arg7 : memref<!tpu.dma_semaphore, #tpu.memory_space<semaphore_mem>>) src(%dma_wait3A_1940 : memref<224x224xf32, #tpu.memory_space<hbm>>) dst(%arg5 : memref<224x224xf32, #tpu.memory_space<vmem>>)
    %mul3A_1941 = arith.constant 24 : i32
    %mul3A_1942 = arith.muli %add3A, %mul3A_1941 : i32
    %add3A_1943 = arith.constant 9 : i32
    %add3A_1944 = arith.addi %mul3A_1942, %add3A_1943 : i32
    %jit3A_1945 = arith.constant 3 : i32
    %div3A_1946 = arith.divsi %add3A_1944, %jit3A_1945 : i32
    %sign3A_1947 = arith.constant 0 : i32
    %sign3A_1948 = arith.cmpi sgt, %add3A_1944, %sign3A_1947 : i32
    %sign3A_1949 = arith.extui %sign3A_1948 : i1 to i32
    %sign3A_1950 = arith.constant 0 : i32
    %sign3A_1951 = arith.cmpi slt, %add3A_1944, %sign3A_1950 : i32
    %sign3A_1952 = arith.extui %sign3A_1951 : i1 to i32
    %sign3A_1953 = arith.subi %sign3A_1949, %sign3A_1952 : i32
    %sign3A_1954 = arith.constant 0 : i32
    %sign3A_1955 = arith.cmpi sgt, %jit3A_1945, %sign3A_1954 : i32
    %sign3A_1956 = arith.extui %sign3A_1955 : i1 to i32
    %sign3A_1957 = arith.constant 0 : i32
    %sign3A_1958 = arith.cmpi slt, %jit3A_1945, %sign3A_1957 : i32
    %sign3A_1959 = arith.extui %sign3A_1958 : i1 to i32
    %sign3A_1960 = arith.subi %sign3A_1956, %sign3A_1959 : i32
    %ne3A_1961 = arith.cmpi ne, %sign3A_1953, %sign3A_1960 : i32
    %rem3A_1962 = arith.remsi %add3A_1944, %jit3A_1945 : i32
    %ne3A_1963 = arith.constant 0 : i32
    %ne3A_1964 = arith.cmpi ne, %rem3A_1962, %ne3A_1963 : i32
    %and3A_1965 = arith.andi %ne3A_1961, %ne3A_1964 : i1
    %sub3A_1966 = arith.constant 1 : i32
    %sub3A_1967 = arith.subi %div3A_1946, %sub3A_1966 : i32
    %select_n3A_1968 = arith.select %and3A_1965, %sub3A_1967, %div3A_1946 : i32
    %eq3A_1969 = arith.constant 0 : i32
    %eq3A_1970 = arith.cmpi eq, %jit3A_1945, %eq3A_1969 : i32
    %jit3A_1971 = arith.constant 1 : i32
    %select_n3A_1972 = arith.select %eq3A_1970, %jit3A_1971, %jit3A_1945 : i32
    %rem3A_1973 = arith.remsi %add3A_1944, %select_n3A_1972 : i32
    %ne3A_1974 = arith.constant 0 : i32
    %ne3A_1975 = arith.cmpi ne, %rem3A_1973, %ne3A_1974 : i32
    %lt3A_1976 = arith.constant 0 : i32
    %lt3A_1977 = arith.cmpi slt, %rem3A_1973, %lt3A_1976 : i32
    %lt3A_1978 = arith.constant 0 : i32
    %lt3A_1979 = arith.cmpi slt, %select_n3A_1972, %lt3A_1978 : i32
    %ne3A_1980 = arith.xori %lt3A_1977, %lt3A_1979 : i1
    %and3A_1981 = arith.andi %ne3A_1980, %ne3A_1975 : i1
    %add3A_1982 = arith.addi %rem3A_1973, %select_n3A_1972 : i32
    %select_n3A_1983 = arith.select %and3A_1981, %add3A_1982, %rem3A_1973 : i32
    %jit3A_1984 = arith.constant 32 : i32
    %div3A_1985 = arith.divsi %select_n3A_1968, %jit3A_1984 : i32
    %sign3A_1986 = arith.constant 0 : i32
    %sign3A_1987 = arith.cmpi sgt, %select_n3A_1968, %sign3A_1986 : i32
    %sign3A_1988 = arith.extui %sign3A_1987 : i1 to i32
    %sign3A_1989 = arith.constant 0 : i32
    %sign3A_1990 = arith.cmpi slt, %select_n3A_1968, %sign3A_1989 : i32
    %sign3A_1991 = arith.extui %sign3A_1990 : i1 to i32
    %sign3A_1992 = arith.subi %sign3A_1988, %sign3A_1991 : i32
    %sign3A_1993 = arith.constant 0 : i32
    %sign3A_1994 = arith.cmpi sgt, %jit3A_1984, %sign3A_1993 : i32
    %sign3A_1995 = arith.extui %sign3A_1994 : i1 to i32
    %sign3A_1996 = arith.constant 0 : i32
    %sign3A_1997 = arith.cmpi slt, %jit3A_1984, %sign3A_1996 : i32
    %sign3A_1998 = arith.extui %sign3A_1997 : i1 to i32
    %sign3A_1999 = arith.subi %sign3A_1995, %sign3A_1998 : i32
    %ne3A_2000 = arith.cmpi ne, %sign3A_1992, %sign3A_1999 : i32
    %rem3A_2001 = arith.remsi %select_n3A_1968, %jit3A_1984 : i32
    %ne3A_2002 = arith.constant 0 : i32
    %ne3A_2003 = arith.cmpi ne, %rem3A_2001, %ne3A_2002 : i32
    %and3A_2004 = arith.andi %ne3A_2000, %ne3A_2003 : i1
    %sub3A_2005 = arith.constant 1 : i32
    %sub3A_2006 = arith.subi %div3A_1985, %sub3A_2005 : i32
    %select_n3A_2007 = arith.select %and3A_2004, %sub3A_2006, %div3A_1985 : i32
    %eq3A_2008 = arith.constant 0 : i32
    %eq3A_2009 = arith.cmpi eq, %jit3A_1984, %eq3A_2008 : i32
    %jit3A_2010 = arith.constant 1 : i32
    %select_n3A_2011 = arith.select %eq3A_2009, %jit3A_2010, %jit3A_1984 : i32
    %rem3A_2012 = arith.remsi %select_n3A_1968, %select_n3A_2011 : i32
    %ne3A_2013 = arith.constant 0 : i32
    %ne3A_2014 = arith.cmpi ne, %rem3A_2012, %ne3A_2013 : i32
    %lt3A_2015 = arith.constant 0 : i32
    %lt3A_2016 = arith.cmpi slt, %rem3A_2012, %lt3A_2015 : i32
    %lt3A_2017 = arith.constant 0 : i32
    %lt3A_2018 = arith.cmpi slt, %select_n3A_2011, %lt3A_2017 : i32
    %ne3A_2019 = arith.xori %lt3A_2016, %lt3A_2018 : i1
    %and3A_2020 = arith.andi %ne3A_2019, %ne3A_2014 : i1
    %add3A_2021 = arith.addi %rem3A_2012, %select_n3A_2011 : i32
    %select_n3A_2022 = arith.select %and3A_2020, %add3A_2021, %rem3A_2012 : i32
    %dma_start3A_2023 = arith.constant 0 : i32
    %dma_start3A_2024 = arith.constant 0 : i32
    %dma_start3A_2025 = tpu.memref_slice %arg3[%select_n3A_2007, %select_n3A_2022, %select_n3A_1983, %dma_start3A_2023, %dma_start3A_2024] : memref<8x32x3x224x224xf32, #tpu.memory_space<hbm>> -> memref<1x1x1x224x224xf32, #tpu.memory_space<hbm>>
    %dma_start3A_2026 = tpu.memref_squeeze %dma_start3A_2025 : memref<1x1x1x224x224xf32, #tpu.memory_space<hbm>> -> memref<224x224xf32, #tpu.memory_space<hbm>>
    %dma_start3A_2027 = arith.constant 0 : i32
    %dma_start3A_2028 = arith.constant 0 : i32
    %dma_start3A_2029 = tpu.memref_slice %arg3[%select_n3A_2007, %select_n3A_2022, %select_n3A_1983, %dma_start3A_2027, %dma_start3A_2028] : memref<8x32x3x224x224xf32, #tpu.memory_space<hbm>> -> memref<1x1x1x224x224xf32, #tpu.memory_space<hbm>>
    %dma_start3A_2030 = tpu.memref_squeeze %dma_start3A_2029 : memref<1x1x1x224x224xf32, #tpu.memory_space<hbm>> -> memref<224x224xf32, #tpu.memory_space<hbm>>
    tpu.enqueue_dma source(%arg5 : memref<224x224xf32, #tpu.memory_space<vmem>>) target(%dma_start3A_2030 : memref<224x224xf32, #tpu.memory_space<hbm>>) target_semaphore(%arg9 : memref<!tpu.dma_semaphore, #tpu.memory_space<semaphore_mem>>)
    %dma_wait3A_2031 = arith.constant 0 : i32
    %dma_wait3A_2032 = arith.constant 0 : i32
    %dma_wait3A_2033 = tpu.memref_slice %arg3[%select_n3A_2007, %select_n3A_2022, %select_n3A_1983, %dma_wait3A_2031, %dma_wait3A_2032] : memref<8x32x3x224x224xf32, #tpu.memory_space<hbm>> -> memref<1x1x1x224x224xf32, #tpu.memory_space<hbm>>
    %dma_wait3A_2034 = tpu.memref_squeeze %dma_wait3A_2033 : memref<1x1x1x224x224xf32, #tpu.memory_space<hbm>> -> memref<224x224xf32, #tpu.memory_space<hbm>>
    %dma_wait3A_2035 = arith.constant 0 : i32
    %dma_wait3A_2036 = arith.constant 0 : i32
    %dma_wait3A_2037 = tpu.memref_slice %arg3[%select_n3A_2007, %select_n3A_2022, %select_n3A_1983, %dma_wait3A_2035, %dma_wait3A_2036] : memref<8x32x3x224x224xf32, #tpu.memory_space<hbm>> -> memref<1x1x1x224x224xf32, #tpu.memory_space<hbm>>
    %dma_wait3A_2038 = tpu.memref_squeeze %dma_wait3A_2037 : memref<1x1x1x224x224xf32, #tpu.memory_space<hbm>> -> memref<224x224xf32, #tpu.memory_space<hbm>>
    tpu.wait_dma2 semaphore(%arg9 : memref<!tpu.dma_semaphore, #tpu.memory_space<semaphore_mem>>) src(%arg5 : memref<224x224xf32, #tpu.memory_space<vmem>>) dst(%dma_wait3A_2038 : memref<224x224xf32, #tpu.memory_space<hbm>>)
    %mul3A_2039 = arith.constant 24 : i32
    %mul3A_2040 = arith.muli %add3A, %mul3A_2039 : i32
    %add3A_2041 = arith.constant 11 : i32
    %add3A_2042 = arith.addi %mul3A_2040, %add3A_2041 : i32
    %jit3A_2043 = arith.constant 3 : i32
    %div3A_2044 = arith.divsi %add3A_2042, %jit3A_2043 : i32
    %sign3A_2045 = arith.constant 0 : i32
    %sign3A_2046 = arith.cmpi sgt, %add3A_2042, %sign3A_2045 : i32
    %sign3A_2047 = arith.extui %sign3A_2046 : i1 to i32
    %sign3A_2048 = arith.constant 0 : i32
    %sign3A_2049 = arith.cmpi slt, %add3A_2042, %sign3A_2048 : i32
    %sign3A_2050 = arith.extui %sign3A_2049 : i1 to i32
    %sign3A_2051 = arith.subi %sign3A_2047, %sign3A_2050 : i32
    %sign3A_2052 = arith.constant 0 : i32
    %sign3A_2053 = arith.cmpi sgt, %jit3A_2043, %sign3A_2052 : i32
    %sign3A_2054 = arith.extui %sign3A_2053 : i1 to i32
    %sign3A_2055 = arith.constant 0 : i32
    %sign3A_2056 = arith.cmpi slt, %jit3A_2043, %sign3A_2055 : i32
    %sign3A_2057 = arith.extui %sign3A_2056 : i1 to i32
    %sign3A_2058 = arith.subi %sign3A_2054, %sign3A_2057 : i32
    %ne3A_2059 = arith.cmpi ne, %sign3A_2051, %sign3A_2058 : i32
    %rem3A_2060 = arith.remsi %add3A_2042, %jit3A_2043 : i32
    %ne3A_2061 = arith.constant 0 : i32
    %ne3A_2062 = arith.cmpi ne, %rem3A_2060, %ne3A_2061 : i32
    %and3A_2063 = arith.andi %ne3A_2059, %ne3A_2062 : i1
    %sub3A_2064 = arith.constant 1 : i32
    %sub3A_2065 = arith.subi %div3A_2044, %sub3A_2064 : i32
    %select_n3A_2066 = arith.select %and3A_2063, %sub3A_2065, %div3A_2044 : i32
    %eq3A_2067 = arith.constant 0 : i32
    %eq3A_2068 = arith.cmpi eq, %jit3A_2043, %eq3A_2067 : i32
    %jit3A_2069 = arith.constant 1 : i32
    %select_n3A_2070 = arith.select %eq3A_2068, %jit3A_2069, %jit3A_2043 : i32
    %rem3A_2071 = arith.remsi %add3A_2042, %select_n3A_2070 : i32
    %ne3A_2072 = arith.constant 0 : i32
    %ne3A_2073 = arith.cmpi ne, %rem3A_2071, %ne3A_2072 : i32
    %lt3A_2074 = arith.constant 0 : i32
    %lt3A_2075 = arith.cmpi slt, %rem3A_2071, %lt3A_2074 : i32
    %lt3A_2076 = arith.constant 0 : i32
    %lt3A_2077 = arith.cmpi slt, %select_n3A_2070, %lt3A_2076 : i32
    %ne3A_2078 = arith.xori %lt3A_2075, %lt3A_2077 : i1
    %and3A_2079 = arith.andi %ne3A_2078, %ne3A_2073 : i1
    %add3A_2080 = arith.addi %rem3A_2071, %select_n3A_2070 : i32
    %select_n3A_2081 = arith.select %and3A_2079, %add3A_2080, %rem3A_2071 : i32
    %jit3A_2082 = arith.constant 32 : i32
    %div3A_2083 = arith.divsi %select_n3A_2066, %jit3A_2082 : i32
    %sign3A_2084 = arith.constant 0 : i32
    %sign3A_2085 = arith.cmpi sgt, %select_n3A_2066, %sign3A_2084 : i32
    %sign3A_2086 = arith.extui %sign3A_2085 : i1 to i32
    %sign3A_2087 = arith.constant 0 : i32
    %sign3A_2088 = arith.cmpi slt, %select_n3A_2066, %sign3A_2087 : i32
    %sign3A_2089 = arith.extui %sign3A_2088 : i1 to i32
    %sign3A_2090 = arith.subi %sign3A_2086, %sign3A_2089 : i32
    %sign3A_2091 = arith.constant 0 : i32
    %sign3A_2092 = arith.cmpi sgt, %jit3A_2082, %sign3A_2091 : i32
    %sign3A_2093 = arith.extui %sign3A_2092 : i1 to i32
    %sign3A_2094 = arith.constant 0 : i32
    %sign3A_2095 = arith.cmpi slt, %jit3A_2082, %sign3A_2094 : i32
    %sign3A_2096 = arith.extui %sign3A_2095 : i1 to i32
    %sign3A_2097 = arith.subi %sign3A_2093, %sign3A_2096 : i32
    %ne3A_2098 = arith.cmpi ne, %sign3A_2090, %sign3A_2097 : i32
    %rem3A_2099 = arith.remsi %select_n3A_2066, %jit3A_2082 : i32
    %ne3A_2100 = arith.constant 0 : i32
    %ne3A_2101 = arith.cmpi ne, %rem3A_2099, %ne3A_2100 : i32
    %and3A_2102 = arith.andi %ne3A_2098, %ne3A_2101 : i1
    %sub3A_2103 = arith.constant 1 : i32
    %sub3A_2104 = arith.subi %div3A_2083, %sub3A_2103 : i32
    %select_n3A_2105 = arith.select %and3A_2102, %sub3A_2104, %div3A_2083 : i32
    %eq3A_2106 = arith.constant 0 : i32
    %eq3A_2107 = arith.cmpi eq, %jit3A_2082, %eq3A_2106 : i32
    %jit3A_2108 = arith.constant 1 : i32
    %select_n3A_2109 = arith.select %eq3A_2107, %jit3A_2108, %jit3A_2082 : i32
    %rem3A_2110 = arith.remsi %select_n3A_2066, %select_n3A_2109 : i32
    %ne3A_2111 = arith.constant 0 : i32
    %ne3A_2112 = arith.cmpi ne, %rem3A_2110, %ne3A_2111 : i32
    %lt3A_2113 = arith.constant 0 : i32
    %lt3A_2114 = arith.cmpi slt, %rem3A_2110, %lt3A_2113 : i32
    %lt3A_2115 = arith.constant 0 : i32
    %lt3A_2116 = arith.cmpi slt, %select_n3A_2109, %lt3A_2115 : i32
    %ne3A_2117 = arith.xori %lt3A_2114, %lt3A_2116 : i1
    %and3A_2118 = arith.andi %ne3A_2117, %ne3A_2112 : i1
    %add3A_2119 = arith.addi %rem3A_2110, %select_n3A_2109 : i32
    %select_n3A_2120 = arith.select %and3A_2118, %add3A_2119, %rem3A_2110 : i32
    %dma_start3A_2121 = arith.constant 0 : i32
    %dma_start3A_2122 = arith.constant 0 : i32
    %dma_start3A_2123 = tpu.memref_slice %arg2[%select_n3A_2105, %select_n3A_2120, %select_n3A_2081, %dma_start3A_2121, %dma_start3A_2122] : memref<8x32x3x224x224xf32, #tpu.memory_space<hbm>> -> memref<1x1x1x224x224xf32, #tpu.memory_space<hbm>>
    %dma_start3A_2124 = tpu.memref_squeeze %dma_start3A_2123 : memref<1x1x1x224x224xf32, #tpu.memory_space<hbm>> -> memref<224x224xf32, #tpu.memory_space<hbm>>
    %dma_start3A_2125 = arith.constant 0 : i32
    %dma_start3A_2126 = arith.constant 0 : i32
    %dma_start3A_2127 = tpu.memref_slice %arg2[%select_n3A_2105, %select_n3A_2120, %select_n3A_2081, %dma_start3A_2125, %dma_start3A_2126] : memref<8x32x3x224x224xf32, #tpu.memory_space<hbm>> -> memref<1x1x1x224x224xf32, #tpu.memory_space<hbm>>
    %dma_start3A_2128 = tpu.memref_squeeze %dma_start3A_2127 : memref<1x1x1x224x224xf32, #tpu.memory_space<hbm>> -> memref<224x224xf32, #tpu.memory_space<hbm>>
    tpu.enqueue_dma source(%dma_start3A_2128 : memref<224x224xf32, #tpu.memory_space<hbm>>) target(%arg5 : memref<224x224xf32, #tpu.memory_space<vmem>>) target_semaphore(%arg7 : memref<!tpu.dma_semaphore, #tpu.memory_space<semaphore_mem>>)
    %dma_wait3A_2129 = arith.constant 0 : i32
    %dma_wait3A_2130 = arith.constant 0 : i32
    %dma_wait3A_2131 = tpu.memref_slice %arg2[%select_n3A_1909, %select_n3A_1924, %select_n3A_1885, %dma_wait3A_2129, %dma_wait3A_2130] : memref<8x32x3x224x224xf32, #tpu.memory_space<hbm>> -> memref<1x1x1x224x224xf32, #tpu.memory_space<hbm>>
    %dma_wait3A_2132 = tpu.memref_squeeze %dma_wait3A_2131 : memref<1x1x1x224x224xf32, #tpu.memory_space<hbm>> -> memref<224x224xf32, #tpu.memory_space<hbm>>
    %dma_wait3A_2133 = arith.constant 0 : i32
    %dma_wait3A_2134 = arith.constant 0 : i32
    %dma_wait3A_2135 = tpu.memref_slice %arg2[%select_n3A_1909, %select_n3A_1924, %select_n3A_1885, %dma_wait3A_2133, %dma_wait3A_2134] : memref<8x32x3x224x224xf32, #tpu.memory_space<hbm>> -> memref<1x1x1x224x224xf32, #tpu.memory_space<hbm>>
    %dma_wait3A_2136 = tpu.memref_squeeze %dma_wait3A_2135 : memref<1x1x1x224x224xf32, #tpu.memory_space<hbm>> -> memref<224x224xf32, #tpu.memory_space<hbm>>
    tpu.wait_dma2 semaphore(%arg6 : memref<!tpu.dma_semaphore, #tpu.memory_space<semaphore_mem>>) src(%dma_wait3A_2136 : memref<224x224xf32, #tpu.memory_space<hbm>>) dst(%arg4 : memref<224x224xf32, #tpu.memory_space<vmem>>)
    %mul3A_2137 = arith.constant 24 : i32
    %mul3A_2138 = arith.muli %add3A, %mul3A_2137 : i32
    %add3A_2139 = arith.constant 10 : i32
    %add3A_2140 = arith.addi %mul3A_2138, %add3A_2139 : i32
    %jit3A_2141 = arith.constant 3 : i32
    %div3A_2142 = arith.divsi %add3A_2140, %jit3A_2141 : i32
    %sign3A_2143 = arith.constant 0 : i32
    %sign3A_2144 = arith.cmpi sgt, %add3A_2140, %sign3A_2143 : i32
    %sign3A_2145 = arith.extui %sign3A_2144 : i1 to i32
    %sign3A_2146 = arith.constant 0 : i32
    %sign3A_2147 = arith.cmpi slt, %add3A_2140, %sign3A_2146 : i32
    %sign3A_2148 = arith.extui %sign3A_2147 : i1 to i32
    %sign3A_2149 = arith.subi %sign3A_2145, %sign3A_2148 : i32
    %sign3A_2150 = arith.constant 0 : i32
    %sign3A_2151 = arith.cmpi sgt, %jit3A_2141, %sign3A_2150 : i32
    %sign3A_2152 = arith.extui %sign3A_2151 : i1 to i32
    %sign3A_2153 = arith.constant 0 : i32
    %sign3A_2154 = arith.cmpi slt, %jit3A_2141, %sign3A_2153 : i32
    %sign3A_2155 = arith.extui %sign3A_2154 : i1 to i32
    %sign3A_2156 = arith.subi %sign3A_2152, %sign3A_2155 : i32
    %ne3A_2157 = arith.cmpi ne, %sign3A_2149, %sign3A_2156 : i32
    %rem3A_2158 = arith.remsi %add3A_2140, %jit3A_2141 : i32
    %ne3A_2159 = arith.constant 0 : i32
    %ne3A_2160 = arith.cmpi ne, %rem3A_2158, %ne3A_2159 : i32
    %and3A_2161 = arith.andi %ne3A_2157, %ne3A_2160 : i1
    %sub3A_2162 = arith.constant 1 : i32
    %sub3A_2163 = arith.subi %div3A_2142, %sub3A_2162 : i32
    %select_n3A_2164 = arith.select %and3A_2161, %sub3A_2163, %div3A_2142 : i32
    %eq3A_2165 = arith.constant 0 : i32
    %eq3A_2166 = arith.cmpi eq, %jit3A_2141, %eq3A_2165 : i32
    %jit3A_2167 = arith.constant 1 : i32
    %select_n3A_2168 = arith.select %eq3A_2166, %jit3A_2167, %jit3A_2141 : i32
    %rem3A_2169 = arith.remsi %add3A_2140, %select_n3A_2168 : i32
    %ne3A_2170 = arith.constant 0 : i32
    %ne3A_2171 = arith.cmpi ne, %rem3A_2169, %ne3A_2170 : i32
    %lt3A_2172 = arith.constant 0 : i32
    %lt3A_2173 = arith.cmpi slt, %rem3A_2169, %lt3A_2172 : i32
    %lt3A_2174 = arith.constant 0 : i32
    %lt3A_2175 = arith.cmpi slt, %select_n3A_2168, %lt3A_2174 : i32
    %ne3A_2176 = arith.xori %lt3A_2173, %lt3A_2175 : i1
    %and3A_2177 = arith.andi %ne3A_2176, %ne3A_2171 : i1
    %add3A_2178 = arith.addi %rem3A_2169, %select_n3A_2168 : i32
    %select_n3A_2179 = arith.select %and3A_2177, %add3A_2178, %rem3A_2169 : i32
    %jit3A_2180 = arith.constant 32 : i32
    %div3A_2181 = arith.divsi %select_n3A_2164, %jit3A_2180 : i32
    %sign3A_2182 = arith.constant 0 : i32
    %sign3A_2183 = arith.cmpi sgt, %select_n3A_2164, %sign3A_2182 : i32
    %sign3A_2184 = arith.extui %sign3A_2183 : i1 to i32
    %sign3A_2185 = arith.constant 0 : i32
    %sign3A_2186 = arith.cmpi slt, %select_n3A_2164, %sign3A_2185 : i32
    %sign3A_2187 = arith.extui %sign3A_2186 : i1 to i32
    %sign3A_2188 = arith.subi %sign3A_2184, %sign3A_2187 : i32
    %sign3A_2189 = arith.constant 0 : i32
    %sign3A_2190 = arith.cmpi sgt, %jit3A_2180, %sign3A_2189 : i32
    %sign3A_2191 = arith.extui %sign3A_2190 : i1 to i32
    %sign3A_2192 = arith.constant 0 : i32
    %sign3A_2193 = arith.cmpi slt, %jit3A_2180, %sign3A_2192 : i32
    %sign3A_2194 = arith.extui %sign3A_2193 : i1 to i32
    %sign3A_2195 = arith.subi %sign3A_2191, %sign3A_2194 : i32
    %ne3A_2196 = arith.cmpi ne, %sign3A_2188, %sign3A_2195 : i32
    %rem3A_2197 = arith.remsi %select_n3A_2164, %jit3A_2180 : i32
    %ne3A_2198 = arith.constant 0 : i32
    %ne3A_2199 = arith.cmpi ne, %rem3A_2197, %ne3A_2198 : i32
    %and3A_2200 = arith.andi %ne3A_2196, %ne3A_2199 : i1
    %sub3A_2201 = arith.constant 1 : i32
    %sub3A_2202 = arith.subi %div3A_2181, %sub3A_2201 : i32
    %select_n3A_2203 = arith.select %and3A_2200, %sub3A_2202, %div3A_2181 : i32
    %eq3A_2204 = arith.constant 0 : i32
    %eq3A_2205 = arith.cmpi eq, %jit3A_2180, %eq3A_2204 : i32
    %jit3A_2206 = arith.constant 1 : i32
    %select_n3A_2207 = arith.select %eq3A_2205, %jit3A_2206, %jit3A_2180 : i32
    %rem3A_2208 = arith.remsi %select_n3A_2164, %select_n3A_2207 : i32
    %ne3A_2209 = arith.constant 0 : i32
    %ne3A_2210 = arith.cmpi ne, %rem3A_2208, %ne3A_2209 : i32
    %lt3A_2211 = arith.constant 0 : i32
    %lt3A_2212 = arith.cmpi slt, %rem3A_2208, %lt3A_2211 : i32
    %lt3A_2213 = arith.constant 0 : i32
    %lt3A_2214 = arith.cmpi slt, %select_n3A_2207, %lt3A_2213 : i32
    %ne3A_2215 = arith.xori %lt3A_2212, %lt3A_2214 : i1
    %and3A_2216 = arith.andi %ne3A_2215, %ne3A_2210 : i1
    %add3A_2217 = arith.addi %rem3A_2208, %select_n3A_2207 : i32
    %select_n3A_2218 = arith.select %and3A_2216, %add3A_2217, %rem3A_2208 : i32
    %dma_start3A_2219 = arith.constant 0 : i32
    %dma_start3A_2220 = arith.constant 0 : i32
    %dma_start3A_2221 = tpu.memref_slice %arg3[%select_n3A_2203, %select_n3A_2218, %select_n3A_2179, %dma_start3A_2219, %dma_start3A_2220] : memref<8x32x3x224x224xf32, #tpu.memory_space<hbm>> -> memref<1x1x1x224x224xf32, #tpu.memory_space<hbm>>
    %dma_start3A_2222 = tpu.memref_squeeze %dma_start3A_2221 : memref<1x1x1x224x224xf32, #tpu.memory_space<hbm>> -> memref<224x224xf32, #tpu.memory_space<hbm>>
    %dma_start3A_2223 = arith.constant 0 : i32
    %dma_start3A_2224 = arith.constant 0 : i32
    %dma_start3A_2225 = tpu.memref_slice %arg3[%select_n3A_2203, %select_n3A_2218, %select_n3A_2179, %dma_start3A_2223, %dma_start3A_2224] : memref<8x32x3x224x224xf32, #tpu.memory_space<hbm>> -> memref<1x1x1x224x224xf32, #tpu.memory_space<hbm>>
    %dma_start3A_2226 = tpu.memref_squeeze %dma_start3A_2225 : memref<1x1x1x224x224xf32, #tpu.memory_space<hbm>> -> memref<224x224xf32, #tpu.memory_space<hbm>>
    tpu.enqueue_dma source(%arg4 : memref<224x224xf32, #tpu.memory_space<vmem>>) target(%dma_start3A_2226 : memref<224x224xf32, #tpu.memory_space<hbm>>) target_semaphore(%arg8 : memref<!tpu.dma_semaphore, #tpu.memory_space<semaphore_mem>>)
    %dma_wait3A_2227 = arith.constant 0 : i32
    %dma_wait3A_2228 = arith.constant 0 : i32
    %dma_wait3A_2229 = tpu.memref_slice %arg3[%select_n3A_2203, %select_n3A_2218, %select_n3A_2179, %dma_wait3A_2227, %dma_wait3A_2228] : memref<8x32x3x224x224xf32, #tpu.memory_space<hbm>> -> memref<1x1x1x224x224xf32, #tpu.memory_space<hbm>>
    %dma_wait3A_2230 = tpu.memref_squeeze %dma_wait3A_2229 : memref<1x1x1x224x224xf32, #tpu.memory_space<hbm>> -> memref<224x224xf32, #tpu.memory_space<hbm>>
    %dma_wait3A_2231 = arith.constant 0 : i32
    %dma_wait3A_2232 = arith.constant 0 : i32
    %dma_wait3A_2233 = tpu.memref_slice %arg3[%select_n3A_2203, %select_n3A_2218, %select_n3A_2179, %dma_wait3A_2231, %dma_wait3A_2232] : memref<8x32x3x224x224xf32, #tpu.memory_space<hbm>> -> memref<1x1x1x224x224xf32, #tpu.memory_space<hbm>>
    %dma_wait3A_2234 = tpu.memref_squeeze %dma_wait3A_2233 : memref<1x1x1x224x224xf32, #tpu.memory_space<hbm>> -> memref<224x224xf32, #tpu.memory_space<hbm>>
    tpu.wait_dma2 semaphore(%arg8 : memref<!tpu.dma_semaphore, #tpu.memory_space<semaphore_mem>>) src(%arg4 : memref<224x224xf32, #tpu.memory_space<vmem>>) dst(%dma_wait3A_2234 : memref<224x224xf32, #tpu.memory_space<hbm>>)
    %mul3A_2235 = arith.constant 24 : i32
    %mul3A_2236 = arith.muli %add3A, %mul3A_2235 : i32
    %add3A_2237 = arith.constant 12 : i32
    %add3A_2238 = arith.addi %mul3A_2236, %add3A_2237 : i32
    %jit3A_2239 = arith.constant 3 : i32
    %div3A_2240 = arith.divsi %add3A_2238, %jit3A_2239 : i32
    %sign3A_2241 = arith.constant 0 : i32
    %sign3A_2242 = arith.cmpi sgt, %add3A_2238, %sign3A_2241 : i32
    %sign3A_2243 = arith.extui %sign3A_2242 : i1 to i32
    %sign3A_2244 = arith.constant 0 : i32
    %sign3A_2245 = arith.cmpi slt, %add3A_2238, %sign3A_2244 : i32
    %sign3A_2246 = arith.extui %sign3A_2245 : i1 to i32
    %sign3A_2247 = arith.subi %sign3A_2243, %sign3A_2246 : i32
    %sign3A_2248 = arith.constant 0 : i32
    %sign3A_2249 = arith.cmpi sgt, %jit3A_2239, %sign3A_2248 : i32
    %sign3A_2250 = arith.extui %sign3A_2249 : i1 to i32
    %sign3A_2251 = arith.constant 0 : i32
    %sign3A_2252 = arith.cmpi slt, %jit3A_2239, %sign3A_2251 : i32
    %sign3A_2253 = arith.extui %sign3A_2252 : i1 to i32
    %sign3A_2254 = arith.subi %sign3A_2250, %sign3A_2253 : i32
    %ne3A_2255 = arith.cmpi ne, %sign3A_2247, %sign3A_2254 : i32
    %rem3A_2256 = arith.remsi %add3A_2238, %jit3A_2239 : i32
    %ne3A_2257 = arith.constant 0 : i32
    %ne3A_2258 = arith.cmpi ne, %rem3A_2256, %ne3A_2257 : i32
    %and3A_2259 = arith.andi %ne3A_2255, %ne3A_2258 : i1
    %sub3A_2260 = arith.constant 1 : i32
    %sub3A_2261 = arith.subi %div3A_2240, %sub3A_2260 : i32
    %select_n3A_2262 = arith.select %and3A_2259, %sub3A_2261, %div3A_2240 : i32
    %eq3A_2263 = arith.constant 0 : i32
    %eq3A_2264 = arith.cmpi eq, %jit3A_2239, %eq3A_2263 : i32
    %jit3A_2265 = arith.constant 1 : i32
    %select_n3A_2266 = arith.select %eq3A_2264, %jit3A_2265, %jit3A_2239 : i32
    %rem3A_2267 = arith.remsi %add3A_2238, %select_n3A_2266 : i32
    %ne3A_2268 = arith.constant 0 : i32
    %ne3A_2269 = arith.cmpi ne, %rem3A_2267, %ne3A_2268 : i32
    %lt3A_2270 = arith.constant 0 : i32
    %lt3A_2271 = arith.cmpi slt, %rem3A_2267, %lt3A_2270 : i32
    %lt3A_2272 = arith.constant 0 : i32
    %lt3A_2273 = arith.cmpi slt, %select_n3A_2266, %lt3A_2272 : i32
    %ne3A_2274 = arith.xori %lt3A_2271, %lt3A_2273 : i1
    %and3A_2275 = arith.andi %ne3A_2274, %ne3A_2269 : i1
    %add3A_2276 = arith.addi %rem3A_2267, %select_n3A_2266 : i32
    %select_n3A_2277 = arith.select %and3A_2275, %add3A_2276, %rem3A_2267 : i32
    %jit3A_2278 = arith.constant 32 : i32
    %div3A_2279 = arith.divsi %select_n3A_2262, %jit3A_2278 : i32
    %sign3A_2280 = arith.constant 0 : i32
    %sign3A_2281 = arith.cmpi sgt, %select_n3A_2262, %sign3A_2280 : i32
    %sign3A_2282 = arith.extui %sign3A_2281 : i1 to i32
    %sign3A_2283 = arith.constant 0 : i32
    %sign3A_2284 = arith.cmpi slt, %select_n3A_2262, %sign3A_2283 : i32
    %sign3A_2285 = arith.extui %sign3A_2284 : i1 to i32
    %sign3A_2286 = arith.subi %sign3A_2282, %sign3A_2285 : i32
    %sign3A_2287 = arith.constant 0 : i32
    %sign3A_2288 = arith.cmpi sgt, %jit3A_2278, %sign3A_2287 : i32
    %sign3A_2289 = arith.extui %sign3A_2288 : i1 to i32
    %sign3A_2290 = arith.constant 0 : i32
    %sign3A_2291 = arith.cmpi slt, %jit3A_2278, %sign3A_2290 : i32
    %sign3A_2292 = arith.extui %sign3A_2291 : i1 to i32
    %sign3A_2293 = arith.subi %sign3A_2289, %sign3A_2292 : i32
    %ne3A_2294 = arith.cmpi ne, %sign3A_2286, %sign3A_2293 : i32
    %rem3A_2295 = arith.remsi %select_n3A_2262, %jit3A_2278 : i32
    %ne3A_2296 = arith.constant 0 : i32
    %ne3A_2297 = arith.cmpi ne, %rem3A_2295, %ne3A_2296 : i32
    %and3A_2298 = arith.andi %ne3A_2294, %ne3A_2297 : i1
    %sub3A_2299 = arith.constant 1 : i32
    %sub3A_2300 = arith.subi %div3A_2279, %sub3A_2299 : i32
    %select_n3A_2301 = arith.select %and3A_2298, %sub3A_2300, %div3A_2279 : i32
    %eq3A_2302 = arith.constant 0 : i32
    %eq3A_2303 = arith.cmpi eq, %jit3A_2278, %eq3A_2302 : i32
    %jit3A_2304 = arith.constant 1 : i32
    %select_n3A_2305 = arith.select %eq3A_2303, %jit3A_2304, %jit3A_2278 : i32
    %rem3A_2306 = arith.remsi %select_n3A_2262, %select_n3A_2305 : i32
    %ne3A_2307 = arith.constant 0 : i32
    %ne3A_2308 = arith.cmpi ne, %rem3A_2306, %ne3A_2307 : i32
    %lt3A_2309 = arith.constant 0 : i32
    %lt3A_2310 = arith.cmpi slt, %rem3A_2306, %lt3A_2309 : i32
    %lt3A_2311 = arith.constant 0 : i32
    %lt3A_2312 = arith.cmpi slt, %select_n3A_2305, %lt3A_2311 : i32
    %ne3A_2313 = arith.xori %lt3A_2310, %lt3A_2312 : i1
    %and3A_2314 = arith.andi %ne3A_2313, %ne3A_2308 : i1
    %add3A_2315 = arith.addi %rem3A_2306, %select_n3A_2305 : i32
    %select_n3A_2316 = arith.select %and3A_2314, %add3A_2315, %rem3A_2306 : i32
    %dma_start3A_2317 = arith.constant 0 : i32
    %dma_start3A_2318 = arith.constant 0 : i32
    %dma_start3A_2319 = tpu.memref_slice %arg2[%select_n3A_2301, %select_n3A_2316, %select_n3A_2277, %dma_start3A_2317, %dma_start3A_2318] : memref<8x32x3x224x224xf32, #tpu.memory_space<hbm>> -> memref<1x1x1x224x224xf32, #tpu.memory_space<hbm>>
    %dma_start3A_2320 = tpu.memref_squeeze %dma_start3A_2319 : memref<1x1x1x224x224xf32, #tpu.memory_space<hbm>> -> memref<224x224xf32, #tpu.memory_space<hbm>>
    %dma_start3A_2321 = arith.constant 0 : i32
    %dma_start3A_2322 = arith.constant 0 : i32
    %dma_start3A_2323 = tpu.memref_slice %arg2[%select_n3A_2301, %select_n3A_2316, %select_n3A_2277, %dma_start3A_2321, %dma_start3A_2322] : memref<8x32x3x224x224xf32, #tpu.memory_space<hbm>> -> memref<1x1x1x224x224xf32, #tpu.memory_space<hbm>>
    %dma_start3A_2324 = tpu.memref_squeeze %dma_start3A_2323 : memref<1x1x1x224x224xf32, #tpu.memory_space<hbm>> -> memref<224x224xf32, #tpu.memory_space<hbm>>
    tpu.enqueue_dma source(%dma_start3A_2324 : memref<224x224xf32, #tpu.memory_space<hbm>>) target(%arg4 : memref<224x224xf32, #tpu.memory_space<vmem>>) target_semaphore(%arg6 : memref<!tpu.dma_semaphore, #tpu.memory_space<semaphore_mem>>)
    %dma_wait3A_2325 = arith.constant 0 : i32
    %dma_wait3A_2326 = arith.constant 0 : i32
    %dma_wait3A_2327 = tpu.memref_slice %arg2[%select_n3A_2105, %select_n3A_2120, %select_n3A_2081, %dma_wait3A_2325, %dma_wait3A_2326] : memref<8x32x3x224x224xf32, #tpu.memory_space<hbm>> -> memref<1x1x1x224x224xf32, #tpu.memory_space<hbm>>
    %dma_wait3A_2328 = tpu.memref_squeeze %dma_wait3A_2327 : memref<1x1x1x224x224xf32, #tpu.memory_space<hbm>> -> memref<224x224xf32, #tpu.memory_space<hbm>>
    %dma_wait3A_2329 = arith.constant 0 : i32
    %dma_wait3A_2330 = arith.constant 0 : i32
    %dma_wait3A_2331 = tpu.memref_slice %arg2[%select_n3A_2105, %select_n3A_2120, %select_n3A_2081, %dma_wait3A_2329, %dma_wait3A_2330] : memref<8x32x3x224x224xf32, #tpu.memory_space<hbm>> -> memref<1x1x1x224x224xf32, #tpu.memory_space<hbm>>
    %dma_wait3A_2332 = tpu.memref_squeeze %dma_wait3A_2331 : memref<1x1x1x224x224xf32, #tpu.memory_space<hbm>> -> memref<224x224xf32, #tpu.memory_space<hbm>>
    tpu.wait_dma2 semaphore(%arg7 : memref<!tpu.dma_semaphore, #tpu.memory_space<semaphore_mem>>) src(%dma_wait3A_2332 : memref<224x224xf32, #tpu.memory_space<hbm>>) dst(%arg5 : memref<224x224xf32, #tpu.memory_space<vmem>>)
    %mul3A_2333 = arith.constant 24 : i32
    %mul3A_2334 = arith.muli %add3A, %mul3A_2333 : i32
    %add3A_2335 = arith.constant 11 : i32
    %add3A_2336 = arith.addi %mul3A_2334, %add3A_2335 : i32
    %jit3A_2337 = arith.constant 3 : i32
    %div3A_2338 = arith.divsi %add3A_2336, %jit3A_2337 : i32
    %sign3A_2339 = arith.constant 0 : i32
    %sign3A_2340 = arith.cmpi sgt, %add3A_2336, %sign3A_2339 : i32
    %sign3A_2341 = arith.extui %sign3A_2340 : i1 to i32
    %sign3A_2342 = arith.constant 0 : i32
    %sign3A_2343 = arith.cmpi slt, %add3A_2336, %sign3A_2342 : i32
    %sign3A_2344 = arith.extui %sign3A_2343 : i1 to i32
    %sign3A_2345 = arith.subi %sign3A_2341, %sign3A_2344 : i32
    %sign3A_2346 = arith.constant 0 : i32
    %sign3A_2347 = arith.cmpi sgt, %jit3A_2337, %sign3A_2346 : i32
    %sign3A_2348 = arith.extui %sign3A_2347 : i1 to i32
    %sign3A_2349 = arith.constant 0 : i32
    %sign3A_2350 = arith.cmpi slt, %jit3A_2337, %sign3A_2349 : i32
    %sign3A_2351 = arith.extui %sign3A_2350 : i1 to i32
    %sign3A_2352 = arith.subi %sign3A_2348, %sign3A_2351 : i32
    %ne3A_2353 = arith.cmpi ne, %sign3A_2345, %sign3A_2352 : i32
    %rem3A_2354 = arith.remsi %add3A_2336, %jit3A_2337 : i32
    %ne3A_2355 = arith.constant 0 : i32
    %ne3A_2356 = arith.cmpi ne, %rem3A_2354, %ne3A_2355 : i32
    %and3A_2357 = arith.andi %ne3A_2353, %ne3A_2356 : i1
    %sub3A_2358 = arith.constant 1 : i32
    %sub3A_2359 = arith.subi %div3A_2338, %sub3A_2358 : i32
    %select_n3A_2360 = arith.select %and3A_2357, %sub3A_2359, %div3A_2338 : i32
    %eq3A_2361 = arith.constant 0 : i32
    %eq3A_2362 = arith.cmpi eq, %jit3A_2337, %eq3A_2361 : i32
    %jit3A_2363 = arith.constant 1 : i32
    %select_n3A_2364 = arith.select %eq3A_2362, %jit3A_2363, %jit3A_2337 : i32
    %rem3A_2365 = arith.remsi %add3A_2336, %select_n3A_2364 : i32
    %ne3A_2366 = arith.constant 0 : i32
    %ne3A_2367 = arith.cmpi ne, %rem3A_2365, %ne3A_2366 : i32
    %lt3A_2368 = arith.constant 0 : i32
    %lt3A_2369 = arith.cmpi slt, %rem3A_2365, %lt3A_2368 : i32
    %lt3A_2370 = arith.constant 0 : i32
    %lt3A_2371 = arith.cmpi slt, %select_n3A_2364, %lt3A_2370 : i32
    %ne3A_2372 = arith.xori %lt3A_2369, %lt3A_2371 : i1
    %and3A_2373 = arith.andi %ne3A_2372, %ne3A_2367 : i1
    %add3A_2374 = arith.addi %rem3A_2365, %select_n3A_2364 : i32
    %select_n3A_2375 = arith.select %and3A_2373, %add3A_2374, %rem3A_2365 : i32
    %jit3A_2376 = arith.constant 32 : i32
    %div3A_2377 = arith.divsi %select_n3A_2360, %jit3A_2376 : i32
    %sign3A_2378 = arith.constant 0 : i32
    %sign3A_2379 = arith.cmpi sgt, %select_n3A_2360, %sign3A_2378 : i32
    %sign3A_2380 = arith.extui %sign3A_2379 : i1 to i32
    %sign3A_2381 = arith.constant 0 : i32
    %sign3A_2382 = arith.cmpi slt, %select_n3A_2360, %sign3A_2381 : i32
    %sign3A_2383 = arith.extui %sign3A_2382 : i1 to i32
    %sign3A_2384 = arith.subi %sign3A_2380, %sign3A_2383 : i32
    %sign3A_2385 = arith.constant 0 : i32
    %sign3A_2386 = arith.cmpi sgt, %jit3A_2376, %sign3A_2385 : i32
    %sign3A_2387 = arith.extui %sign3A_2386 : i1 to i32
    %sign3A_2388 = arith.constant 0 : i32
    %sign3A_2389 = arith.cmpi slt, %jit3A_2376, %sign3A_2388 : i32
    %sign3A_2390 = arith.extui %sign3A_2389 : i1 to i32
    %sign3A_2391 = arith.subi %sign3A_2387, %sign3A_2390 : i32
    %ne3A_2392 = arith.cmpi ne, %sign3A_2384, %sign3A_2391 : i32
    %rem3A_2393 = arith.remsi %select_n3A_2360, %jit3A_2376 : i32
    %ne3A_2394 = arith.constant 0 : i32
    %ne3A_2395 = arith.cmpi ne, %rem3A_2393, %ne3A_2394 : i32
    %and3A_2396 = arith.andi %ne3A_2392, %ne3A_2395 : i1
    %sub3A_2397 = arith.constant 1 : i32
    %sub3A_2398 = arith.subi %div3A_2377, %sub3A_2397 : i32
    %select_n3A_2399 = arith.select %and3A_2396, %sub3A_2398, %div3A_2377 : i32
    %eq3A_2400 = arith.constant 0 : i32
    %eq3A_2401 = arith.cmpi eq, %jit3A_2376, %eq3A_2400 : i32
    %jit3A_2402 = arith.constant 1 : i32
    %select_n3A_2403 = arith.select %eq3A_2401, %jit3A_2402, %jit3A_2376 : i32
    %rem3A_2404 = arith.remsi %select_n3A_2360, %select_n3A_2403 : i32
    %ne3A_2405 = arith.constant 0 : i32
    %ne3A_2406 = arith.cmpi ne, %rem3A_2404, %ne3A_2405 : i32
    %lt3A_2407 = arith.constant 0 : i32
    %lt3A_2408 = arith.cmpi slt, %rem3A_2404, %lt3A_2407 : i32
    %lt3A_2409 = arith.constant 0 : i32
    %lt3A_2410 = arith.cmpi slt, %select_n3A_2403, %lt3A_2409 : i32
    %ne3A_2411 = arith.xori %lt3A_2408, %lt3A_2410 : i1
    %and3A_2412 = arith.andi %ne3A_2411, %ne3A_2406 : i1
    %add3A_2413 = arith.addi %rem3A_2404, %select_n3A_2403 : i32
    %select_n3A_2414 = arith.select %and3A_2412, %add3A_2413, %rem3A_2404 : i32
    %dma_start3A_2415 = arith.constant 0 : i32
    %dma_start3A_2416 = arith.constant 0 : i32
    %dma_start3A_2417 = tpu.memref_slice %arg3[%select_n3A_2399, %select_n3A_2414, %select_n3A_2375, %dma_start3A_2415, %dma_start3A_2416] : memref<8x32x3x224x224xf32, #tpu.memory_space<hbm>> -> memref<1x1x1x224x224xf32, #tpu.memory_space<hbm>>
    %dma_start3A_2418 = tpu.memref_squeeze %dma_start3A_2417 : memref<1x1x1x224x224xf32, #tpu.memory_space<hbm>> -> memref<224x224xf32, #tpu.memory_space<hbm>>
    %dma_start3A_2419 = arith.constant 0 : i32
    %dma_start3A_2420 = arith.constant 0 : i32
    %dma_start3A_2421 = tpu.memref_slice %arg3[%select_n3A_2399, %select_n3A_2414, %select_n3A_2375, %dma_start3A_2419, %dma_start3A_2420] : memref<8x32x3x224x224xf32, #tpu.memory_space<hbm>> -> memref<1x1x1x224x224xf32, #tpu.memory_space<hbm>>
    %dma_start3A_2422 = tpu.memref_squeeze %dma_start3A_2421 : memref<1x1x1x224x224xf32, #tpu.memory_space<hbm>> -> memref<224x224xf32, #tpu.memory_space<hbm>>
    tpu.enqueue_dma source(%arg5 : memref<224x224xf32, #tpu.memory_space<vmem>>) target(%dma_start3A_2422 : memref<224x224xf32, #tpu.memory_space<hbm>>) target_semaphore(%arg9 : memref<!tpu.dma_semaphore, #tpu.memory_space<semaphore_mem>>)
    %dma_wait3A_2423 = arith.constant 0 : i32
    %dma_wait3A_2424 = arith.constant 0 : i32
    %dma_wait3A_2425 = tpu.memref_slice %arg3[%select_n3A_2399, %select_n3A_2414, %select_n3A_2375, %dma_wait3A_2423, %dma_wait3A_2424] : memref<8x32x3x224x224xf32, #tpu.memory_space<hbm>> -> memref<1x1x1x224x224xf32, #tpu.memory_space<hbm>>
    %dma_wait3A_2426 = tpu.memref_squeeze %dma_wait3A_2425 : memref<1x1x1x224x224xf32, #tpu.memory_space<hbm>> -> memref<224x224xf32, #tpu.memory_space<hbm>>
    %dma_wait3A_2427 = arith.constant 0 : i32
    %dma_wait3A_2428 = arith.constant 0 : i32
    %dma_wait3A_2429 = tpu.memref_slice %arg3[%select_n3A_2399, %select_n3A_2414, %select_n3A_2375, %dma_wait3A_2427, %dma_wait3A_2428] : memref<8x32x3x224x224xf32, #tpu.memory_space<hbm>> -> memref<1x1x1x224x224xf32, #tpu.memory_space<hbm>>
    %dma_wait3A_2430 = tpu.memref_squeeze %dma_wait3A_2429 : memref<1x1x1x224x224xf32, #tpu.memory_space<hbm>> -> memref<224x224xf32, #tpu.memory_space<hbm>>
    tpu.wait_dma2 semaphore(%arg9 : memref<!tpu.dma_semaphore, #tpu.memory_space<semaphore_mem>>) src(%arg5 : memref<224x224xf32, #tpu.memory_space<vmem>>) dst(%dma_wait3A_2430 : memref<224x224xf32, #tpu.memory_space<hbm>>)
    %mul3A_2431 = arith.constant 24 : i32
    %mul3A_2432 = arith.muli %add3A, %mul3A_2431 : i32
    %add3A_2433 = arith.constant 13 : i32
    %add3A_2434 = arith.addi %mul3A_2432, %add3A_2433 : i32
    %jit3A_2435 = arith.constant 3 : i32
    %div3A_2436 = arith.divsi %add3A_2434, %jit3A_2435 : i32
    %sign3A_2437 = arith.constant 0 : i32
    %sign3A_2438 = arith.cmpi sgt, %add3A_2434, %sign3A_2437 : i32
    %sign3A_2439 = arith.extui %sign3A_2438 : i1 to i32
    %sign3A_2440 = arith.constant 0 : i32
    %sign3A_2441 = arith.cmpi slt, %add3A_2434, %sign3A_2440 : i32
    %sign3A_2442 = arith.extui %sign3A_2441 : i1 to i32
    %sign3A_2443 = arith.subi %sign3A_2439, %sign3A_2442 : i32
    %sign3A_2444 = arith.constant 0 : i32
    %sign3A_2445 = arith.cmpi sgt, %jit3A_2435, %sign3A_2444 : i32
    %sign3A_2446 = arith.extui %sign3A_2445 : i1 to i32
    %sign3A_2447 = arith.constant 0 : i32
    %sign3A_2448 = arith.cmpi slt, %jit3A_2435, %sign3A_2447 : i32
    %sign3A_2449 = arith.extui %sign3A_2448 : i1 to i32
    %sign3A_2450 = arith.subi %sign3A_2446, %sign3A_2449 : i32
    %ne3A_2451 = arith.cmpi ne, %sign3A_2443, %sign3A_2450 : i32
    %rem3A_2452 = arith.remsi %add3A_2434, %jit3A_2435 : i32
    %ne3A_2453 = arith.constant 0 : i32
    %ne3A_2454 = arith.cmpi ne, %rem3A_2452, %ne3A_2453 : i32
    %and3A_2455 = arith.andi %ne3A_2451, %ne3A_2454 : i1
    %sub3A_2456 = arith.constant 1 : i32
    %sub3A_2457 = arith.subi %div3A_2436, %sub3A_2456 : i32
    %select_n3A_2458 = arith.select %and3A_2455, %sub3A_2457, %div3A_2436 : i32
    %eq3A_2459 = arith.constant 0 : i32
    %eq3A_2460 = arith.cmpi eq, %jit3A_2435, %eq3A_2459 : i32
    %jit3A_2461 = arith.constant 1 : i32
    %select_n3A_2462 = arith.select %eq3A_2460, %jit3A_2461, %jit3A_2435 : i32
    %rem3A_2463 = arith.remsi %add3A_2434, %select_n3A_2462 : i32
    %ne3A_2464 = arith.constant 0 : i32
    %ne3A_2465 = arith.cmpi ne, %rem3A_2463, %ne3A_2464 : i32
    %lt3A_2466 = arith.constant 0 : i32
    %lt3A_2467 = arith.cmpi slt, %rem3A_2463, %lt3A_2466 : i32
    %lt3A_2468 = arith.constant 0 : i32
    %lt3A_2469 = arith.cmpi slt, %select_n3A_2462, %lt3A_2468 : i32
    %ne3A_2470 = arith.xori %lt3A_2467, %lt3A_2469 : i1
    %and3A_2471 = arith.andi %ne3A_2470, %ne3A_2465 : i1
    %add3A_2472 = arith.addi %rem3A_2463, %select_n3A_2462 : i32
    %select_n3A_2473 = arith.select %and3A_2471, %add3A_2472, %rem3A_2463 : i32
    %jit3A_2474 = arith.constant 32 : i32
    %div3A_2475 = arith.divsi %select_n3A_2458, %jit3A_2474 : i32
    %sign3A_2476 = arith.constant 0 : i32
    %sign3A_2477 = arith.cmpi sgt, %select_n3A_2458, %sign3A_2476 : i32
    %sign3A_2478 = arith.extui %sign3A_2477 : i1 to i32
    %sign3A_2479 = arith.constant 0 : i32
    %sign3A_2480 = arith.cmpi slt, %select_n3A_2458, %sign3A_2479 : i32
    %sign3A_2481 = arith.extui %sign3A_2480 : i1 to i32
    %sign3A_2482 = arith.subi %sign3A_2478, %sign3A_2481 : i32
    %sign3A_2483 = arith.constant 0 : i32
    %sign3A_2484 = arith.cmpi sgt, %jit3A_2474, %sign3A_2483 : i32
    %sign3A_2485 = arith.extui %sign3A_2484 : i1 to i32
    %sign3A_2486 = arith.constant 0 : i32
    %sign3A_2487 = arith.cmpi slt, %jit3A_2474, %sign3A_2486 : i32
    %sign3A_2488 = arith.extui %sign3A_2487 : i1 to i32
    %sign3A_2489 = arith.subi %sign3A_2485, %sign3A_2488 : i32
    %ne3A_2490 = arith.cmpi ne, %sign3A_2482, %sign3A_2489 : i32
    %rem3A_2491 = arith.remsi %select_n3A_2458, %jit3A_2474 : i32
    %ne3A_2492 = arith.constant 0 : i32
    %ne3A_2493 = arith.cmpi ne, %rem3A_2491, %ne3A_2492 : i32
    %and3A_2494 = arith.andi %ne3A_2490, %ne3A_2493 : i1
    %sub3A_2495 = arith.constant 1 : i32
    %sub3A_2496 = arith.subi %div3A_2475, %sub3A_2495 : i32
    %select_n3A_2497 = arith.select %and3A_2494, %sub3A_2496, %div3A_2475 : i32
    %eq3A_2498 = arith.constant 0 : i32
    %eq3A_2499 = arith.cmpi eq, %jit3A_2474, %eq3A_2498 : i32
    %jit3A_2500 = arith.constant 1 : i32
    %select_n3A_2501 = arith.select %eq3A_2499, %jit3A_2500, %jit3A_2474 : i32
    %rem3A_2502 = arith.remsi %select_n3A_2458, %select_n3A_2501 : i32
    %ne3A_2503 = arith.constant 0 : i32
    %ne3A_2504 = arith.cmpi ne, %rem3A_2502, %ne3A_2503 : i32
    %lt3A_2505 = arith.constant 0 : i32
    %lt3A_2506 = arith.cmpi slt, %rem3A_2502, %lt3A_2505 : i32
    %lt3A_2507 = arith.constant 0 : i32
    %lt3A_2508 = arith.cmpi slt, %select_n3A_2501, %lt3A_2507 : i32
    %ne3A_2509 = arith.xori %lt3A_2506, %lt3A_2508 : i1
    %and3A_2510 = arith.andi %ne3A_2509, %ne3A_2504 : i1
    %add3A_2511 = arith.addi %rem3A_2502, %select_n3A_2501 : i32
    %select_n3A_2512 = arith.select %and3A_2510, %add3A_2511, %rem3A_2502 : i32
    %dma_start3A_2513 = arith.constant 0 : i32
    %dma_start3A_2514 = arith.constant 0 : i32
    %dma_start3A_2515 = tpu.memref_slice %arg2[%select_n3A_2497, %select_n3A_2512, %select_n3A_2473, %dma_start3A_2513, %dma_start3A_2514] : memref<8x32x3x224x224xf32, #tpu.memory_space<hbm>> -> memref<1x1x1x224x224xf32, #tpu.memory_space<hbm>>
    %dma_start3A_2516 = tpu.memref_squeeze %dma_start3A_2515 : memref<1x1x1x224x224xf32, #tpu.memory_space<hbm>> -> memref<224x224xf32, #tpu.memory_space<hbm>>
    %dma_start3A_2517 = arith.constant 0 : i32
    %dma_start3A_2518 = arith.constant 0 : i32
    %dma_start3A_2519 = tpu.memref_slice %arg2[%select_n3A_2497, %select_n3A_2512, %select_n3A_2473, %dma_start3A_2517, %dma_start3A_2518] : memref<8x32x3x224x224xf32, #tpu.memory_space<hbm>> -> memref<1x1x1x224x224xf32, #tpu.memory_space<hbm>>
    %dma_start3A_2520 = tpu.memref_squeeze %dma_start3A_2519 : memref<1x1x1x224x224xf32, #tpu.memory_space<hbm>> -> memref<224x224xf32, #tpu.memory_space<hbm>>
    tpu.enqueue_dma source(%dma_start3A_2520 : memref<224x224xf32, #tpu.memory_space<hbm>>) target(%arg5 : memref<224x224xf32, #tpu.memory_space<vmem>>) target_semaphore(%arg7 : memref<!tpu.dma_semaphore, #tpu.memory_space<semaphore_mem>>)
    %dma_wait3A_2521 = arith.constant 0 : i32
    %dma_wait3A_2522 = arith.constant 0 : i32
    %dma_wait3A_2523 = tpu.memref_slice %arg2[%select_n3A_2301, %select_n3A_2316, %select_n3A_2277, %dma_wait3A_2521, %dma_wait3A_2522] : memref<8x32x3x224x224xf32, #tpu.memory_space<hbm>> -> memref<1x1x1x224x224xf32, #tpu.memory_space<hbm>>
    %dma_wait3A_2524 = tpu.memref_squeeze %dma_wait3A_2523 : memref<1x1x1x224x224xf32, #tpu.memory_space<hbm>> -> memref<224x224xf32, #tpu.memory_space<hbm>>
    %dma_wait3A_2525 = arith.constant 0 : i32
    %dma_wait3A_2526 = arith.constant 0 : i32
    %dma_wait3A_2527 = tpu.memref_slice %arg2[%select_n3A_2301, %select_n3A_2316, %select_n3A_2277, %dma_wait3A_2525, %dma_wait3A_2526] : memref<8x32x3x224x224xf32, #tpu.memory_space<hbm>> -> memref<1x1x1x224x224xf32, #tpu.memory_space<hbm>>
    %dma_wait3A_2528 = tpu.memref_squeeze %dma_wait3A_2527 : memref<1x1x1x224x224xf32, #tpu.memory_space<hbm>> -> memref<224x224xf32, #tpu.memory_space<hbm>>
    tpu.wait_dma2 semaphore(%arg6 : memref<!tpu.dma_semaphore, #tpu.memory_space<semaphore_mem>>) src(%dma_wait3A_2528 : memref<224x224xf32, #tpu.memory_space<hbm>>) dst(%arg4 : memref<224x224xf32, #tpu.memory_space<vmem>>)
    %mul3A_2529 = arith.constant 24 : i32
    %mul3A_2530 = arith.muli %add3A, %mul3A_2529 : i32
    %add3A_2531 = arith.constant 12 : i32
    %add3A_2532 = arith.addi %mul3A_2530, %add3A_2531 : i32
    %jit3A_2533 = arith.constant 3 : i32
    %div3A_2534 = arith.divsi %add3A_2532, %jit3A_2533 : i32
    %sign3A_2535 = arith.constant 0 : i32
    %sign3A_2536 = arith.cmpi sgt, %add3A_2532, %sign3A_2535 : i32
    %sign3A_2537 = arith.extui %sign3A_2536 : i1 to i32
    %sign3A_2538 = arith.constant 0 : i32
    %sign3A_2539 = arith.cmpi slt, %add3A_2532, %sign3A_2538 : i32
    %sign3A_2540 = arith.extui %sign3A_2539 : i1 to i32
    %sign3A_2541 = arith.subi %sign3A_2537, %sign3A_2540 : i32
    %sign3A_2542 = arith.constant 0 : i32
    %sign3A_2543 = arith.cmpi sgt, %jit3A_2533, %sign3A_2542 : i32
    %sign3A_2544 = arith.extui %sign3A_2543 : i1 to i32
    %sign3A_2545 = arith.constant 0 : i32
    %sign3A_2546 = arith.cmpi slt, %jit3A_2533, %sign3A_2545 : i32
    %sign3A_2547 = arith.extui %sign3A_2546 : i1 to i32
    %sign3A_2548 = arith.subi %sign3A_2544, %sign3A_2547 : i32
    %ne3A_2549 = arith.cmpi ne, %sign3A_2541, %sign3A_2548 : i32
    %rem3A_2550 = arith.remsi %add3A_2532, %jit3A_2533 : i32
    %ne3A_2551 = arith.constant 0 : i32
    %ne3A_2552 = arith.cmpi ne, %rem3A_2550, %ne3A_2551 : i32
    %and3A_2553 = arith.andi %ne3A_2549, %ne3A_2552 : i1
    %sub3A_2554 = arith.constant 1 : i32
    %sub3A_2555 = arith.subi %div3A_2534, %sub3A_2554 : i32
    %select_n3A_2556 = arith.select %and3A_2553, %sub3A_2555, %div3A_2534 : i32
    %eq3A_2557 = arith.constant 0 : i32
    %eq3A_2558 = arith.cmpi eq, %jit3A_2533, %eq3A_2557 : i32
    %jit3A_2559 = arith.constant 1 : i32
    %select_n3A_2560 = arith.select %eq3A_2558, %jit3A_2559, %jit3A_2533 : i32
    %rem3A_2561 = arith.remsi %add3A_2532, %select_n3A_2560 : i32
    %ne3A_2562 = arith.constant 0 : i32
    %ne3A_2563 = arith.cmpi ne, %rem3A_2561, %ne3A_2562 : i32
    %lt3A_2564 = arith.constant 0 : i32
    %lt3A_2565 = arith.cmpi slt, %rem3A_2561, %lt3A_2564 : i32
    %lt3A_2566 = arith.constant 0 : i32
    %lt3A_2567 = arith.cmpi slt, %select_n3A_2560, %lt3A_2566 : i32
    %ne3A_2568 = arith.xori %lt3A_2565, %lt3A_2567 : i1
    %and3A_2569 = arith.andi %ne3A_2568, %ne3A_2563 : i1
    %add3A_2570 = arith.addi %rem3A_2561, %select_n3A_2560 : i32
    %select_n3A_2571 = arith.select %and3A_2569, %add3A_2570, %rem3A_2561 : i32
    %jit3A_2572 = arith.constant 32 : i32
    %div3A_2573 = arith.divsi %select_n3A_2556, %jit3A_2572 : i32
    %sign3A_2574 = arith.constant 0 : i32
    %sign3A_2575 = arith.cmpi sgt, %select_n3A_2556, %sign3A_2574 : i32
    %sign3A_2576 = arith.extui %sign3A_2575 : i1 to i32
    %sign3A_2577 = arith.constant 0 : i32
    %sign3A_2578 = arith.cmpi slt, %select_n3A_2556, %sign3A_2577 : i32
    %sign3A_2579 = arith.extui %sign3A_2578 : i1 to i32
    %sign3A_2580 = arith.subi %sign3A_2576, %sign3A_2579 : i32
    %sign3A_2581 = arith.constant 0 : i32
    %sign3A_2582 = arith.cmpi sgt, %jit3A_2572, %sign3A_2581 : i32
    %sign3A_2583 = arith.extui %sign3A_2582 : i1 to i32
    %sign3A_2584 = arith.constant 0 : i32
    %sign3A_2585 = arith.cmpi slt, %jit3A_2572, %sign3A_2584 : i32
    %sign3A_2586 = arith.extui %sign3A_2585 : i1 to i32
    %sign3A_2587 = arith.subi %sign3A_2583, %sign3A_2586 : i32
    %ne3A_2588 = arith.cmpi ne, %sign3A_2580, %sign3A_2587 : i32
    %rem3A_2589 = arith.remsi %select_n3A_2556, %jit3A_2572 : i32
    %ne3A_2590 = arith.constant 0 : i32
    %ne3A_2591 = arith.cmpi ne, %rem3A_2589, %ne3A_2590 : i32
    %and3A_2592 = arith.andi %ne3A_2588, %ne3A_2591 : i1
    %sub3A_2593 = arith.constant 1 : i32
    %sub3A_2594 = arith.subi %div3A_2573, %sub3A_2593 : i32
    %select_n3A_2595 = arith.select %and3A_2592, %sub3A_2594, %div3A_2573 : i32
    %eq3A_2596 = arith.constant 0 : i32
    %eq3A_2597 = arith.cmpi eq, %jit3A_2572, %eq3A_2596 : i32
    %jit3A_2598 = arith.constant 1 : i32
    %select_n3A_2599 = arith.select %eq3A_2597, %jit3A_2598, %jit3A_2572 : i32
    %rem3A_2600 = arith.remsi %select_n3A_2556, %select_n3A_2599 : i32
    %ne3A_2601 = arith.constant 0 : i32
    %ne3A_2602 = arith.cmpi ne, %rem3A_2600, %ne3A_2601 : i32
    %lt3A_2603 = arith.constant 0 : i32
    %lt3A_2604 = arith.cmpi slt, %rem3A_2600, %lt3A_2603 : i32
    %lt3A_2605 = arith.constant 0 : i32
    %lt3A_2606 = arith.cmpi slt, %select_n3A_2599, %lt3A_2605 : i32
    %ne3A_2607 = arith.xori %lt3A_2604, %lt3A_2606 : i1
    %and3A_2608 = arith.andi %ne3A_2607, %ne3A_2602 : i1
    %add3A_2609 = arith.addi %rem3A_2600, %select_n3A_2599 : i32
    %select_n3A_2610 = arith.select %and3A_2608, %add3A_2609, %rem3A_2600 : i32
    %dma_start3A_2611 = arith.constant 0 : i32
    %dma_start3A_2612 = arith.constant 0 : i32
    %dma_start3A_2613 = tpu.memref_slice %arg3[%select_n3A_2595, %select_n3A_2610, %select_n3A_2571, %dma_start3A_2611, %dma_start3A_2612] : memref<8x32x3x224x224xf32, #tpu.memory_space<hbm>> -> memref<1x1x1x224x224xf32, #tpu.memory_space<hbm>>
    %dma_start3A_2614 = tpu.memref_squeeze %dma_start3A_2613 : memref<1x1x1x224x224xf32, #tpu.memory_space<hbm>> -> memref<224x224xf32, #tpu.memory_space<hbm>>
    %dma_start3A_2615 = arith.constant 0 : i32
    %dma_start3A_2616 = arith.constant 0 : i32
    %dma_start3A_2617 = tpu.memref_slice %arg3[%select_n3A_2595, %select_n3A_2610, %select_n3A_2571, %dma_start3A_2615, %dma_start3A_2616] : memref<8x32x3x224x224xf32, #tpu.memory_space<hbm>> -> memref<1x1x1x224x224xf32, #tpu.memory_space<hbm>>
    %dma_start3A_2618 = tpu.memref_squeeze %dma_start3A_2617 : memref<1x1x1x224x224xf32, #tpu.memory_space<hbm>> -> memref<224x224xf32, #tpu.memory_space<hbm>>
    tpu.enqueue_dma source(%arg4 : memref<224x224xf32, #tpu.memory_space<vmem>>) target(%dma_start3A_2618 : memref<224x224xf32, #tpu.memory_space<hbm>>) target_semaphore(%arg8 : memref<!tpu.dma_semaphore, #tpu.memory_space<semaphore_mem>>)
    %dma_wait3A_2619 = arith.constant 0 : i32
    %dma_wait3A_2620 = arith.constant 0 : i32
    %dma_wait3A_2621 = tpu.memref_slice %arg3[%select_n3A_2595, %select_n3A_2610, %select_n3A_2571, %dma_wait3A_2619, %dma_wait3A_2620] : memref<8x32x3x224x224xf32, #tpu.memory_space<hbm>> -> memref<1x1x1x224x224xf32, #tpu.memory_space<hbm>>
    %dma_wait3A_2622 = tpu.memref_squeeze %dma_wait3A_2621 : memref<1x1x1x224x224xf32, #tpu.memory_space<hbm>> -> memref<224x224xf32, #tpu.memory_space<hbm>>
    %dma_wait3A_2623 = arith.constant 0 : i32
    %dma_wait3A_2624 = arith.constant 0 : i32
    %dma_wait3A_2625 = tpu.memref_slice %arg3[%select_n3A_2595, %select_n3A_2610, %select_n3A_2571, %dma_wait3A_2623, %dma_wait3A_2624] : memref<8x32x3x224x224xf32, #tpu.memory_space<hbm>> -> memref<1x1x1x224x224xf32, #tpu.memory_space<hbm>>
    %dma_wait3A_2626 = tpu.memref_squeeze %dma_wait3A_2625 : memref<1x1x1x224x224xf32, #tpu.memory_space<hbm>> -> memref<224x224xf32, #tpu.memory_space<hbm>>
    tpu.wait_dma2 semaphore(%arg8 : memref<!tpu.dma_semaphore, #tpu.memory_space<semaphore_mem>>) src(%arg4 : memref<224x224xf32, #tpu.memory_space<vmem>>) dst(%dma_wait3A_2626 : memref<224x224xf32, #tpu.memory_space<hbm>>)
    %mul3A_2627 = arith.constant 24 : i32
    %mul3A_2628 = arith.muli %add3A, %mul3A_2627 : i32
    %add3A_2629 = arith.constant 14 : i32
    %add3A_2630 = arith.addi %mul3A_2628, %add3A_2629 : i32
    %jit3A_2631 = arith.constant 3 : i32
    %div3A_2632 = arith.divsi %add3A_2630, %jit3A_2631 : i32
    %sign3A_2633 = arith.constant 0 : i32
    %sign3A_2634 = arith.cmpi sgt, %add3A_2630, %sign3A_2633 : i32
    %sign3A_2635 = arith.extui %sign3A_2634 : i1 to i32
    %sign3A_2636 = arith.constant 0 : i32
    %sign3A_2637 = arith.cmpi slt, %add3A_2630, %sign3A_2636 : i32
    %sign3A_2638 = arith.extui %sign3A_2637 : i1 to i32
    %sign3A_2639 = arith.subi %sign3A_2635, %sign3A_2638 : i32
    %sign3A_2640 = arith.constant 0 : i32
    %sign3A_2641 = arith.cmpi sgt, %jit3A_2631, %sign3A_2640 : i32
    %sign3A_2642 = arith.extui %sign3A_2641 : i1 to i32
    %sign3A_2643 = arith.constant 0 : i32
    %sign3A_2644 = arith.cmpi slt, %jit3A_2631, %sign3A_2643 : i32
    %sign3A_2645 = arith.extui %sign3A_2644 : i1 to i32
    %sign3A_2646 = arith.subi %sign3A_2642, %sign3A_2645 : i32
    %ne3A_2647 = arith.cmpi ne, %sign3A_2639, %sign3A_2646 : i32
    %rem3A_2648 = arith.remsi %add3A_2630, %jit3A_2631 : i32
    %ne3A_2649 = arith.constant 0 : i32
    %ne3A_2650 = arith.cmpi ne, %rem3A_2648, %ne3A_2649 : i32
    %and3A_2651 = arith.andi %ne3A_2647, %ne3A_2650 : i1
    %sub3A_2652 = arith.constant 1 : i32
    %sub3A_2653 = arith.subi %div3A_2632, %sub3A_2652 : i32
    %select_n3A_2654 = arith.select %and3A_2651, %sub3A_2653, %div3A_2632 : i32
    %eq3A_2655 = arith.constant 0 : i32
    %eq3A_2656 = arith.cmpi eq, %jit3A_2631, %eq3A_2655 : i32
    %jit3A_2657 = arith.constant 1 : i32
    %select_n3A_2658 = arith.select %eq3A_2656, %jit3A_2657, %jit3A_2631 : i32
    %rem3A_2659 = arith.remsi %add3A_2630, %select_n3A_2658 : i32
    %ne3A_2660 = arith.constant 0 : i32
    %ne3A_2661 = arith.cmpi ne, %rem3A_2659, %ne3A_2660 : i32
    %lt3A_2662 = arith.constant 0 : i32
    %lt3A_2663 = arith.cmpi slt, %rem3A_2659, %lt3A_2662 : i32
    %lt3A_2664 = arith.constant 0 : i32
    %lt3A_2665 = arith.cmpi slt, %select_n3A_2658, %lt3A_2664 : i32
    %ne3A_2666 = arith.xori %lt3A_2663, %lt3A_2665 : i1
    %and3A_2667 = arith.andi %ne3A_2666, %ne3A_2661 : i1
    %add3A_2668 = arith.addi %rem3A_2659, %select_n3A_2658 : i32
    %select_n3A_2669 = arith.select %and3A_2667, %add3A_2668, %rem3A_2659 : i32
    %jit3A_2670 = arith.constant 32 : i32
    %div3A_2671 = arith.divsi %select_n3A_2654, %jit3A_2670 : i32
    %sign3A_2672 = arith.constant 0 : i32
    %sign3A_2673 = arith.cmpi sgt, %select_n3A_2654, %sign3A_2672 : i32
    %sign3A_2674 = arith.extui %sign3A_2673 : i1 to i32
    %sign3A_2675 = arith.constant 0 : i32
    %sign3A_2676 = arith.cmpi slt, %select_n3A_2654, %sign3A_2675 : i32
    %sign3A_2677 = arith.extui %sign3A_2676 : i1 to i32
    %sign3A_2678 = arith.subi %sign3A_2674, %sign3A_2677 : i32
    %sign3A_2679 = arith.constant 0 : i32
    %sign3A_2680 = arith.cmpi sgt, %jit3A_2670, %sign3A_2679 : i32
    %sign3A_2681 = arith.extui %sign3A_2680 : i1 to i32
    %sign3A_2682 = arith.constant 0 : i32
    %sign3A_2683 = arith.cmpi slt, %jit3A_2670, %sign3A_2682 : i32
    %sign3A_2684 = arith.extui %sign3A_2683 : i1 to i32
    %sign3A_2685 = arith.subi %sign3A_2681, %sign3A_2684 : i32
    %ne3A_2686 = arith.cmpi ne, %sign3A_2678, %sign3A_2685 : i32
    %rem3A_2687 = arith.remsi %select_n3A_2654, %jit3A_2670 : i32
    %ne3A_2688 = arith.constant 0 : i32
    %ne3A_2689 = arith.cmpi ne, %rem3A_2687, %ne3A_2688 : i32
    %and3A_2690 = arith.andi %ne3A_2686, %ne3A_2689 : i1
    %sub3A_2691 = arith.constant 1 : i32
    %sub3A_2692 = arith.subi %div3A_2671, %sub3A_2691 : i32
    %select_n3A_2693 = arith.select %and3A_2690, %sub3A_2692, %div3A_2671 : i32
    %eq3A_2694 = arith.constant 0 : i32
    %eq3A_2695 = arith.cmpi eq, %jit3A_2670, %eq3A_2694 : i32
    %jit3A_2696 = arith.constant 1 : i32
    %select_n3A_2697 = arith.select %eq3A_2695, %jit3A_2696, %jit3A_2670 : i32
    %rem3A_2698 = arith.remsi %select_n3A_2654, %select_n3A_2697 : i32
    %ne3A_2699 = arith.constant 0 : i32
    %ne3A_2700 = arith.cmpi ne, %rem3A_2698, %ne3A_2699 : i32
    %lt3A_2701 = arith.constant 0 : i32
    %lt3A_2702 = arith.cmpi slt, %rem3A_2698, %lt3A_2701 : i32
    %lt3A_2703 = arith.constant 0 : i32
    %lt3A_2704 = arith.cmpi slt, %select_n3A_2697, %lt3A_2703 : i32
    %ne3A_2705 = arith.xori %lt3A_2702, %lt3A_2704 : i1
    %and3A_2706 = arith.andi %ne3A_2705, %ne3A_2700 : i1
    %add3A_2707 = arith.addi %rem3A_2698, %select_n3A_2697 : i32
    %select_n3A_2708 = arith.select %and3A_2706, %add3A_2707, %rem3A_2698 : i32
    %dma_start3A_2709 = arith.constant 0 : i32
    %dma_start3A_2710 = arith.constant 0 : i32
    %dma_start3A_2711 = tpu.memref_slice %arg2[%select_n3A_2693, %select_n3A_2708, %select_n3A_2669, %dma_start3A_2709, %dma_start3A_2710] : memref<8x32x3x224x224xf32, #tpu.memory_space<hbm>> -> memref<1x1x1x224x224xf32, #tpu.memory_space<hbm>>
    %dma_start3A_2712 = tpu.memref_squeeze %dma_start3A_2711 : memref<1x1x1x224x224xf32, #tpu.memory_space<hbm>> -> memref<224x224xf32, #tpu.memory_space<hbm>>
    %dma_start3A_2713 = arith.constant 0 : i32
    %dma_start3A_2714 = arith.constant 0 : i32
    %dma_start3A_2715 = tpu.memref_slice %arg2[%select_n3A_2693, %select_n3A_2708, %select_n3A_2669, %dma_start3A_2713, %dma_start3A_2714] : memref<8x32x3x224x224xf32, #tpu.memory_space<hbm>> -> memref<1x1x1x224x224xf32, #tpu.memory_space<hbm>>
    %dma_start3A_2716 = tpu.memref_squeeze %dma_start3A_2715 : memref<1x1x1x224x224xf32, #tpu.memory_space<hbm>> -> memref<224x224xf32, #tpu.memory_space<hbm>>
    tpu.enqueue_dma source(%dma_start3A_2716 : memref<224x224xf32, #tpu.memory_space<hbm>>) target(%arg4 : memref<224x224xf32, #tpu.memory_space<vmem>>) target_semaphore(%arg6 : memref<!tpu.dma_semaphore, #tpu.memory_space<semaphore_mem>>)
    %dma_wait3A_2717 = arith.constant 0 : i32
    %dma_wait3A_2718 = arith.constant 0 : i32
    %dma_wait3A_2719 = tpu.memref_slice %arg2[%select_n3A_2497, %select_n3A_2512, %select_n3A_2473, %dma_wait3A_2717, %dma_wait3A_2718] : memref<8x32x3x224x224xf32, #tpu.memory_space<hbm>> -> memref<1x1x1x224x224xf32, #tpu.memory_space<hbm>>
    %dma_wait3A_2720 = tpu.memref_squeeze %dma_wait3A_2719 : memref<1x1x1x224x224xf32, #tpu.memory_space<hbm>> -> memref<224x224xf32, #tpu.memory_space<hbm>>
    %dma_wait3A_2721 = arith.constant 0 : i32
    %dma_wait3A_2722 = arith.constant 0 : i32
    %dma_wait3A_2723 = tpu.memref_slice %arg2[%select_n3A_2497, %select_n3A_2512, %select_n3A_2473, %dma_wait3A_2721, %dma_wait3A_2722] : memref<8x32x3x224x224xf32, #tpu.memory_space<hbm>> -> memref<1x1x1x224x224xf32, #tpu.memory_space<hbm>>
    %dma_wait3A_2724 = tpu.memref_squeeze %dma_wait3A_2723 : memref<1x1x1x224x224xf32, #tpu.memory_space<hbm>> -> memref<224x224xf32, #tpu.memory_space<hbm>>
    tpu.wait_dma2 semaphore(%arg7 : memref<!tpu.dma_semaphore, #tpu.memory_space<semaphore_mem>>) src(%dma_wait3A_2724 : memref<224x224xf32, #tpu.memory_space<hbm>>) dst(%arg5 : memref<224x224xf32, #tpu.memory_space<vmem>>)
    %mul3A_2725 = arith.constant 24 : i32
    %mul3A_2726 = arith.muli %add3A, %mul3A_2725 : i32
    %add3A_2727 = arith.constant 13 : i32
    %add3A_2728 = arith.addi %mul3A_2726, %add3A_2727 : i32
    %jit3A_2729 = arith.constant 3 : i32
    %div3A_2730 = arith.divsi %add3A_2728, %jit3A_2729 : i32
    %sign3A_2731 = arith.constant 0 : i32
    %sign3A_2732 = arith.cmpi sgt, %add3A_2728, %sign3A_2731 : i32
    %sign3A_2733 = arith.extui %sign3A_2732 : i1 to i32
    %sign3A_2734 = arith.constant 0 : i32
    %sign3A_2735 = arith.cmpi slt, %add3A_2728, %sign3A_2734 : i32
    %sign3A_2736 = arith.extui %sign3A_2735 : i1 to i32
    %sign3A_2737 = arith.subi %sign3A_2733, %sign3A_2736 : i32
    %sign3A_2738 = arith.constant 0 : i32
    %sign3A_2739 = arith.cmpi sgt, %jit3A_2729, %sign3A_2738 : i32
    %sign3A_2740 = arith.extui %sign3A_2739 : i1 to i32
    %sign3A_2741 = arith.constant 0 : i32
    %sign3A_2742 = arith.cmpi slt, %jit3A_2729, %sign3A_2741 : i32
    %sign3A_2743 = arith.extui %sign3A_2742 : i1 to i32
    %sign3A_2744 = arith.subi %sign3A_2740, %sign3A_2743 : i32
    %ne3A_2745 = arith.cmpi ne, %sign3A_2737, %sign3A_2744 : i32
    %rem3A_2746 = arith.remsi %add3A_2728, %jit3A_2729 : i32
    %ne3A_2747 = arith.constant 0 : i32
    %ne3A_2748 = arith.cmpi ne, %rem3A_2746, %ne3A_2747 : i32
    %and3A_2749 = arith.andi %ne3A_2745, %ne3A_2748 : i1
    %sub3A_2750 = arith.constant 1 : i32
    %sub3A_2751 = arith.subi %div3A_2730, %sub3A_2750 : i32
    %select_n3A_2752 = arith.select %and3A_2749, %sub3A_2751, %div3A_2730 : i32
    %eq3A_2753 = arith.constant 0 : i32
    %eq3A_2754 = arith.cmpi eq, %jit3A_2729, %eq3A_2753 : i32
    %jit3A_2755 = arith.constant 1 : i32
    %select_n3A_2756 = arith.select %eq3A_2754, %jit3A_2755, %jit3A_2729 : i32
    %rem3A_2757 = arith.remsi %add3A_2728, %select_n3A_2756 : i32
    %ne3A_2758 = arith.constant 0 : i32
    %ne3A_2759 = arith.cmpi ne, %rem3A_2757, %ne3A_2758 : i32
    %lt3A_2760 = arith.constant 0 : i32
    %lt3A_2761 = arith.cmpi slt, %rem3A_2757, %lt3A_2760 : i32
    %lt3A_2762 = arith.constant 0 : i32
    %lt3A_2763 = arith.cmpi slt, %select_n3A_2756, %lt3A_2762 : i32
    %ne3A_2764 = arith.xori %lt3A_2761, %lt3A_2763 : i1
    %and3A_2765 = arith.andi %ne3A_2764, %ne3A_2759 : i1
    %add3A_2766 = arith.addi %rem3A_2757, %select_n3A_2756 : i32
    %select_n3A_2767 = arith.select %and3A_2765, %add3A_2766, %rem3A_2757 : i32
    %jit3A_2768 = arith.constant 32 : i32
    %div3A_2769 = arith.divsi %select_n3A_2752, %jit3A_2768 : i32
    %sign3A_2770 = arith.constant 0 : i32
    %sign3A_2771 = arith.cmpi sgt, %select_n3A_2752, %sign3A_2770 : i32
    %sign3A_2772 = arith.extui %sign3A_2771 : i1 to i32
    %sign3A_2773 = arith.constant 0 : i32
    %sign3A_2774 = arith.cmpi slt, %select_n3A_2752, %sign3A_2773 : i32
    %sign3A_2775 = arith.extui %sign3A_2774 : i1 to i32
    %sign3A_2776 = arith.subi %sign3A_2772, %sign3A_2775 : i32
    %sign3A_2777 = arith.constant 0 : i32
    %sign3A_2778 = arith.cmpi sgt, %jit3A_2768, %sign3A_2777 : i32
    %sign3A_2779 = arith.extui %sign3A_2778 : i1 to i32
    %sign3A_2780 = arith.constant 0 : i32
    %sign3A_2781 = arith.cmpi slt, %jit3A_2768, %sign3A_2780 : i32
    %sign3A_2782 = arith.extui %sign3A_2781 : i1 to i32
    %sign3A_2783 = arith.subi %sign3A_2779, %sign3A_2782 : i32
    %ne3A_2784 = arith.cmpi ne, %sign3A_2776, %sign3A_2783 : i32
    %rem3A_2785 = arith.remsi %select_n3A_2752, %jit3A_2768 : i32
    %ne3A_2786 = arith.constant 0 : i32
    %ne3A_2787 = arith.cmpi ne, %rem3A_2785, %ne3A_2786 : i32
    %and3A_2788 = arith.andi %ne3A_2784, %ne3A_2787 : i1
    %sub3A_2789 = arith.constant 1 : i32
    %sub3A_2790 = arith.subi %div3A_2769, %sub3A_2789 : i32
    %select_n3A_2791 = arith.select %and3A_2788, %sub3A_2790, %div3A_2769 : i32
    %eq3A_2792 = arith.constant 0 : i32
    %eq3A_2793 = arith.cmpi eq, %jit3A_2768, %eq3A_2792 : i32
    %jit3A_2794 = arith.constant 1 : i32
    %select_n3A_2795 = arith.select %eq3A_2793, %jit3A_2794, %jit3A_2768 : i32
    %rem3A_2796 = arith.remsi %select_n3A_2752, %select_n3A_2795 : i32
    %ne3A_2797 = arith.constant 0 : i32
    %ne3A_2798 = arith.cmpi ne, %rem3A_2796, %ne3A_2797 : i32
    %lt3A_2799 = arith.constant 0 : i32
    %lt3A_2800 = arith.cmpi slt, %rem3A_2796, %lt3A_2799 : i32
    %lt3A_2801 = arith.constant 0 : i32
    %lt3A_2802 = arith.cmpi slt, %select_n3A_2795, %lt3A_2801 : i32
    %ne3A_2803 = arith.xori %lt3A_2800, %lt3A_2802 : i1
    %and3A_2804 = arith.andi %ne3A_2803, %ne3A_2798 : i1
    %add3A_2805 = arith.addi %rem3A_2796, %select_n3A_2795 : i32
    %select_n3A_2806 = arith.select %and3A_2804, %add3A_2805, %rem3A_2796 : i32
    %dma_start3A_2807 = arith.constant 0 : i32
    %dma_start3A_2808 = arith.constant 0 : i32
    %dma_start3A_2809 = tpu.memref_slice %arg3[%select_n3A_2791, %select_n3A_2806, %select_n3A_2767, %dma_start3A_2807, %dma_start3A_2808] : memref<8x32x3x224x224xf32, #tpu.memory_space<hbm>> -> memref<1x1x1x224x224xf32, #tpu.memory_space<hbm>>
    %dma_start3A_2810 = tpu.memref_squeeze %dma_start3A_2809 : memref<1x1x1x224x224xf32, #tpu.memory_space<hbm>> -> memref<224x224xf32, #tpu.memory_space<hbm>>
    %dma_start3A_2811 = arith.constant 0 : i32
    %dma_start3A_2812 = arith.constant 0 : i32
    %dma_start3A_2813 = tpu.memref_slice %arg3[%select_n3A_2791, %select_n3A_2806, %select_n3A_2767, %dma_start3A_2811, %dma_start3A_2812] : memref<8x32x3x224x224xf32, #tpu.memory_space<hbm>> -> memref<1x1x1x224x224xf32, #tpu.memory_space<hbm>>
    %dma_start3A_2814 = tpu.memref_squeeze %dma_start3A_2813 : memref<1x1x1x224x224xf32, #tpu.memory_space<hbm>> -> memref<224x224xf32, #tpu.memory_space<hbm>>
    tpu.enqueue_dma source(%arg5 : memref<224x224xf32, #tpu.memory_space<vmem>>) target(%dma_start3A_2814 : memref<224x224xf32, #tpu.memory_space<hbm>>) target_semaphore(%arg9 : memref<!tpu.dma_semaphore, #tpu.memory_space<semaphore_mem>>)
    %dma_wait3A_2815 = arith.constant 0 : i32
    %dma_wait3A_2816 = arith.constant 0 : i32
    %dma_wait3A_2817 = tpu.memref_slice %arg3[%select_n3A_2791, %select_n3A_2806, %select_n3A_2767, %dma_wait3A_2815, %dma_wait3A_2816] : memref<8x32x3x224x224xf32, #tpu.memory_space<hbm>> -> memref<1x1x1x224x224xf32, #tpu.memory_space<hbm>>
    %dma_wait3A_2818 = tpu.memref_squeeze %dma_wait3A_2817 : memref<1x1x1x224x224xf32, #tpu.memory_space<hbm>> -> memref<224x224xf32, #tpu.memory_space<hbm>>
    %dma_wait3A_2819 = arith.constant 0 : i32
    %dma_wait3A_2820 = arith.constant 0 : i32
    %dma_wait3A_2821 = tpu.memref_slice %arg3[%select_n3A_2791, %select_n3A_2806, %select_n3A_2767, %dma_wait3A_2819, %dma_wait3A_2820] : memref<8x32x3x224x224xf32, #tpu.memory_space<hbm>> -> memref<1x1x1x224x224xf32, #tpu.memory_space<hbm>>
    %dma_wait3A_2822 = tpu.memref_squeeze %dma_wait3A_2821 : memref<1x1x1x224x224xf32, #tpu.memory_space<hbm>> -> memref<224x224xf32, #tpu.memory_space<hbm>>
    tpu.wait_dma2 semaphore(%arg9 : memref<!tpu.dma_semaphore, #tpu.memory_space<semaphore_mem>>) src(%arg5 : memref<224x224xf32, #tpu.memory_space<vmem>>) dst(%dma_wait3A_2822 : memref<224x224xf32, #tpu.memory_space<hbm>>)
    %mul3A_2823 = arith.constant 24 : i32
    %mul3A_2824 = arith.muli %add3A, %mul3A_2823 : i32
    %add3A_2825 = arith.constant 15 : i32
    %add3A_2826 = arith.addi %mul3A_2824, %add3A_2825 : i32
    %jit3A_2827 = arith.constant 3 : i32
    %div3A_2828 = arith.divsi %add3A_2826, %jit3A_2827 : i32
    %sign3A_2829 = arith.constant 0 : i32
    %sign3A_2830 = arith.cmpi sgt, %add3A_2826, %sign3A_2829 : i32
    %sign3A_2831 = arith.extui %sign3A_2830 : i1 to i32
    %sign3A_2832 = arith.constant 0 : i32
    %sign3A_2833 = arith.cmpi slt, %add3A_2826, %sign3A_2832 : i32
    %sign3A_2834 = arith.extui %sign3A_2833 : i1 to i32
    %sign3A_2835 = arith.subi %sign3A_2831, %sign3A_2834 : i32
    %sign3A_2836 = arith.constant 0 : i32
    %sign3A_2837 = arith.cmpi sgt, %jit3A_2827, %sign3A_2836 : i32
    %sign3A_2838 = arith.extui %sign3A_2837 : i1 to i32
    %sign3A_2839 = arith.constant 0 : i32
    %sign3A_2840 = arith.cmpi slt, %jit3A_2827, %sign3A_2839 : i32
    %sign3A_2841 = arith.extui %sign3A_2840 : i1 to i32
    %sign3A_2842 = arith.subi %sign3A_2838, %sign3A_2841 : i32
    %ne3A_2843 = arith.cmpi ne, %sign3A_2835, %sign3A_2842 : i32
    %rem3A_2844 = arith.remsi %add3A_2826, %jit3A_2827 : i32
    %ne3A_2845 = arith.constant 0 : i32
    %ne3A_2846 = arith.cmpi ne, %rem3A_2844, %ne3A_2845 : i32
    %and3A_2847 = arith.andi %ne3A_2843, %ne3A_2846 : i1
    %sub3A_2848 = arith.constant 1 : i32
    %sub3A_2849 = arith.subi %div3A_2828, %sub3A_2848 : i32
    %select_n3A_2850 = arith.select %and3A_2847, %sub3A_2849, %div3A_2828 : i32
    %eq3A_2851 = arith.constant 0 : i32
    %eq3A_2852 = arith.cmpi eq, %jit3A_2827, %eq3A_2851 : i32
    %jit3A_2853 = arith.constant 1 : i32
    %select_n3A_2854 = arith.select %eq3A_2852, %jit3A_2853, %jit3A_2827 : i32
    %rem3A_2855 = arith.remsi %add3A_2826, %select_n3A_2854 : i32
    %ne3A_2856 = arith.constant 0 : i32
    %ne3A_2857 = arith.cmpi ne, %rem3A_2855, %ne3A_2856 : i32
    %lt3A_2858 = arith.constant 0 : i32
    %lt3A_2859 = arith.cmpi slt, %rem3A_2855, %lt3A_2858 : i32
    %lt3A_2860 = arith.constant 0 : i32
    %lt3A_2861 = arith.cmpi slt, %select_n3A_2854, %lt3A_2860 : i32
    %ne3A_2862 = arith.xori %lt3A_2859, %lt3A_2861 : i1
    %and3A_2863 = arith.andi %ne3A_2862, %ne3A_2857 : i1
    %add3A_2864 = arith.addi %rem3A_2855, %select_n3A_2854 : i32
    %select_n3A_2865 = arith.select %and3A_2863, %add3A_2864, %rem3A_2855 : i32
    %jit3A_2866 = arith.constant 32 : i32
    %div3A_2867 = arith.divsi %select_n3A_2850, %jit3A_2866 : i32
    %sign3A_2868 = arith.constant 0 : i32
    %sign3A_2869 = arith.cmpi sgt, %select_n3A_2850, %sign3A_2868 : i32
    %sign3A_2870 = arith.extui %sign3A_2869 : i1 to i32
    %sign3A_2871 = arith.constant 0 : i32
    %sign3A_2872 = arith.cmpi slt, %select_n3A_2850, %sign3A_2871 : i32
    %sign3A_2873 = arith.extui %sign3A_2872 : i1 to i32
    %sign3A_2874 = arith.subi %sign3A_2870, %sign3A_2873 : i32
    %sign3A_2875 = arith.constant 0 : i32
    %sign3A_2876 = arith.cmpi sgt, %jit3A_2866, %sign3A_2875 : i32
    %sign3A_2877 = arith.extui %sign3A_2876 : i1 to i32
    %sign3A_2878 = arith.constant 0 : i32
    %sign3A_2879 = arith.cmpi slt, %jit3A_2866, %sign3A_2878 : i32
    %sign3A_2880 = arith.extui %sign3A_2879 : i1 to i32
    %sign3A_2881 = arith.subi %sign3A_2877, %sign3A_2880 : i32
    %ne3A_2882 = arith.cmpi ne, %sign3A_2874, %sign3A_2881 : i32
    %rem3A_2883 = arith.remsi %select_n3A_2850, %jit3A_2866 : i32
    %ne3A_2884 = arith.constant 0 : i32
    %ne3A_2885 = arith.cmpi ne, %rem3A_2883, %ne3A_2884 : i32
    %and3A_2886 = arith.andi %ne3A_2882, %ne3A_2885 : i1
    %sub3A_2887 = arith.constant 1 : i32
    %sub3A_2888 = arith.subi %div3A_2867, %sub3A_2887 : i32
    %select_n3A_2889 = arith.select %and3A_2886, %sub3A_2888, %div3A_2867 : i32
    %eq3A_2890 = arith.constant 0 : i32
    %eq3A_2891 = arith.cmpi eq, %jit3A_2866, %eq3A_2890 : i32
    %jit3A_2892 = arith.constant 1 : i32
    %select_n3A_2893 = arith.select %eq3A_2891, %jit3A_2892, %jit3A_2866 : i32
    %rem3A_2894 = arith.remsi %select_n3A_2850, %select_n3A_2893 : i32
    %ne3A_2895 = arith.constant 0 : i32
    %ne3A_2896 = arith.cmpi ne, %rem3A_2894, %ne3A_2895 : i32
    %lt3A_2897 = arith.constant 0 : i32
    %lt3A_2898 = arith.cmpi slt, %rem3A_2894, %lt3A_2897 : i32
    %lt3A_2899 = arith.constant 0 : i32
    %lt3A_2900 = arith.cmpi slt, %select_n3A_2893, %lt3A_2899 : i32
    %ne3A_2901 = arith.xori %lt3A_2898, %lt3A_2900 : i1
    %and3A_2902 = arith.andi %ne3A_2901, %ne3A_2896 : i1
    %add3A_2903 = arith.addi %rem3A_2894, %select_n3A_2893 : i32
    %select_n3A_2904 = arith.select %and3A_2902, %add3A_2903, %rem3A_2894 : i32
    %dma_start3A_2905 = arith.constant 0 : i32
    %dma_start3A_2906 = arith.constant 0 : i32
    %dma_start3A_2907 = tpu.memref_slice %arg2[%select_n3A_2889, %select_n3A_2904, %select_n3A_2865, %dma_start3A_2905, %dma_start3A_2906] : memref<8x32x3x224x224xf32, #tpu.memory_space<hbm>> -> memref<1x1x1x224x224xf32, #tpu.memory_space<hbm>>
    %dma_start3A_2908 = tpu.memref_squeeze %dma_start3A_2907 : memref<1x1x1x224x224xf32, #tpu.memory_space<hbm>> -> memref<224x224xf32, #tpu.memory_space<hbm>>
    %dma_start3A_2909 = arith.constant 0 : i32
    %dma_start3A_2910 = arith.constant 0 : i32
    %dma_start3A_2911 = tpu.memref_slice %arg2[%select_n3A_2889, %select_n3A_2904, %select_n3A_2865, %dma_start3A_2909, %dma_start3A_2910] : memref<8x32x3x224x224xf32, #tpu.memory_space<hbm>> -> memref<1x1x1x224x224xf32, #tpu.memory_space<hbm>>
    %dma_start3A_2912 = tpu.memref_squeeze %dma_start3A_2911 : memref<1x1x1x224x224xf32, #tpu.memory_space<hbm>> -> memref<224x224xf32, #tpu.memory_space<hbm>>
    tpu.enqueue_dma source(%dma_start3A_2912 : memref<224x224xf32, #tpu.memory_space<hbm>>) target(%arg5 : memref<224x224xf32, #tpu.memory_space<vmem>>) target_semaphore(%arg7 : memref<!tpu.dma_semaphore, #tpu.memory_space<semaphore_mem>>)
    %dma_wait3A_2913 = arith.constant 0 : i32
    %dma_wait3A_2914 = arith.constant 0 : i32
    %dma_wait3A_2915 = tpu.memref_slice %arg2[%select_n3A_2693, %select_n3A_2708, %select_n3A_2669, %dma_wait3A_2913, %dma_wait3A_2914] : memref<8x32x3x224x224xf32, #tpu.memory_space<hbm>> -> memref<1x1x1x224x224xf32, #tpu.memory_space<hbm>>
    %dma_wait3A_2916 = tpu.memref_squeeze %dma_wait3A_2915 : memref<1x1x1x224x224xf32, #tpu.memory_space<hbm>> -> memref<224x224xf32, #tpu.memory_space<hbm>>
    %dma_wait3A_2917 = arith.constant 0 : i32
    %dma_wait3A_2918 = arith.constant 0 : i32
    %dma_wait3A_2919 = tpu.memref_slice %arg2[%select_n3A_2693, %select_n3A_2708, %select_n3A_2669, %dma_wait3A_2917, %dma_wait3A_2918] : memref<8x32x3x224x224xf32, #tpu.memory_space<hbm>> -> memref<1x1x1x224x224xf32, #tpu.memory_space<hbm>>
    %dma_wait3A_2920 = tpu.memref_squeeze %dma_wait3A_2919 : memref<1x1x1x224x224xf32, #tpu.memory_space<hbm>> -> memref<224x224xf32, #tpu.memory_space<hbm>>
    tpu.wait_dma2 semaphore(%arg6 : memref<!tpu.dma_semaphore, #tpu.memory_space<semaphore_mem>>) src(%dma_wait3A_2920 : memref<224x224xf32, #tpu.memory_space<hbm>>) dst(%arg4 : memref<224x224xf32, #tpu.memory_space<vmem>>)
    %mul3A_2921 = arith.constant 24 : i32
    %mul3A_2922 = arith.muli %add3A, %mul3A_2921 : i32
    %add3A_2923 = arith.constant 14 : i32
    %add3A_2924 = arith.addi %mul3A_2922, %add3A_2923 : i32
    %jit3A_2925 = arith.constant 3 : i32
    %div3A_2926 = arith.divsi %add3A_2924, %jit3A_2925 : i32
    %sign3A_2927 = arith.constant 0 : i32
    %sign3A_2928 = arith.cmpi sgt, %add3A_2924, %sign3A_2927 : i32
    %sign3A_2929 = arith.extui %sign3A_2928 : i1 to i32
    %sign3A_2930 = arith.constant 0 : i32
    %sign3A_2931 = arith.cmpi slt, %add3A_2924, %sign3A_2930 : i32
    %sign3A_2932 = arith.extui %sign3A_2931 : i1 to i32
    %sign3A_2933 = arith.subi %sign3A_2929, %sign3A_2932 : i32
    %sign3A_2934 = arith.constant 0 : i32
    %sign3A_2935 = arith.cmpi sgt, %jit3A_2925, %sign3A_2934 : i32
    %sign3A_2936 = arith.extui %sign3A_2935 : i1 to i32
    %sign3A_2937 = arith.constant 0 : i32
    %sign3A_2938 = arith.cmpi slt, %jit3A_2925, %sign3A_2937 : i32
    %sign3A_2939 = arith.extui %sign3A_2938 : i1 to i32
    %sign3A_2940 = arith.subi %sign3A_2936, %sign3A_2939 : i32
    %ne3A_2941 = arith.cmpi ne, %sign3A_2933, %sign3A_2940 : i32
    %rem3A_2942 = arith.remsi %add3A_2924, %jit3A_2925 : i32
    %ne3A_2943 = arith.constant 0 : i32
    %ne3A_2944 = arith.cmpi ne, %rem3A_2942, %ne3A_2943 : i32
    %and3A_2945 = arith.andi %ne3A_2941, %ne3A_2944 : i1
    %sub3A_2946 = arith.constant 1 : i32
    %sub3A_2947 = arith.subi %div3A_2926, %sub3A_2946 : i32
    %select_n3A_2948 = arith.select %and3A_2945, %sub3A_2947, %div3A_2926 : i32
    %eq3A_2949 = arith.constant 0 : i32
    %eq3A_2950 = arith.cmpi eq, %jit3A_2925, %eq3A_2949 : i32
    %jit3A_2951 = arith.constant 1 : i32
    %select_n3A_2952 = arith.select %eq3A_2950, %jit3A_2951, %jit3A_2925 : i32
    %rem3A_2953 = arith.remsi %add3A_2924, %select_n3A_2952 : i32
    %ne3A_2954 = arith.constant 0 : i32
    %ne3A_2955 = arith.cmpi ne, %rem3A_2953, %ne3A_2954 : i32
    %lt3A_2956 = arith.constant 0 : i32
    %lt3A_2957 = arith.cmpi slt, %rem3A_2953, %lt3A_2956 : i32
    %lt3A_2958 = arith.constant 0 : i32
    %lt3A_2959 = arith.cmpi slt, %select_n3A_2952, %lt3A_2958 : i32
    %ne3A_2960 = arith.xori %lt3A_2957, %lt3A_2959 : i1
    %and3A_2961 = arith.andi %ne3A_2960, %ne3A_2955 : i1
    %add3A_2962 = arith.addi %rem3A_2953, %select_n3A_2952 : i32
    %select_n3A_2963 = arith.select %and3A_2961, %add3A_2962, %rem3A_2953 : i32
    %jit3A_2964 = arith.constant 32 : i32
    %div3A_2965 = arith.divsi %select_n3A_2948, %jit3A_2964 : i32
    %sign3A_2966 = arith.constant 0 : i32
    %sign3A_2967 = arith.cmpi sgt, %select_n3A_2948, %sign3A_2966 : i32
    %sign3A_2968 = arith.extui %sign3A_2967 : i1 to i32
    %sign3A_2969 = arith.constant 0 : i32
    %sign3A_2970 = arith.cmpi slt, %select_n3A_2948, %sign3A_2969 : i32
    %sign3A_2971 = arith.extui %sign3A_2970 : i1 to i32
    %sign3A_2972 = arith.subi %sign3A_2968, %sign3A_2971 : i32
    %sign3A_2973 = arith.constant 0 : i32
    %sign3A_2974 = arith.cmpi sgt, %jit3A_2964, %sign3A_2973 : i32
    %sign3A_2975 = arith.extui %sign3A_2974 : i1 to i32
    %sign3A_2976 = arith.constant 0 : i32
    %sign3A_2977 = arith.cmpi slt, %jit3A_2964, %sign3A_2976 : i32
    %sign3A_2978 = arith.extui %sign3A_2977 : i1 to i32
    %sign3A_2979 = arith.subi %sign3A_2975, %sign3A_2978 : i32
    %ne3A_2980 = arith.cmpi ne, %sign3A_2972, %sign3A_2979 : i32
    %rem3A_2981 = arith.remsi %select_n3A_2948, %jit3A_2964 : i32
    %ne3A_2982 = arith.constant 0 : i32
    %ne3A_2983 = arith.cmpi ne, %rem3A_2981, %ne3A_2982 : i32
    %and3A_2984 = arith.andi %ne3A_2980, %ne3A_2983 : i1
    %sub3A_2985 = arith.constant 1 : i32
    %sub3A_2986 = arith.subi %div3A_2965, %sub3A_2985 : i32
    %select_n3A_2987 = arith.select %and3A_2984, %sub3A_2986, %div3A_2965 : i32
    %eq3A_2988 = arith.constant 0 : i32
    %eq3A_2989 = arith.cmpi eq, %jit3A_2964, %eq3A_2988 : i32
    %jit3A_2990 = arith.constant 1 : i32
    %select_n3A_2991 = arith.select %eq3A_2989, %jit3A_2990, %jit3A_2964 : i32
    %rem3A_2992 = arith.remsi %select_n3A_2948, %select_n3A_2991 : i32
    %ne3A_2993 = arith.constant 0 : i32
    %ne3A_2994 = arith.cmpi ne, %rem3A_2992, %ne3A_2993 : i32
    %lt3A_2995 = arith.constant 0 : i32
    %lt3A_2996 = arith.cmpi slt, %rem3A_2992, %lt3A_2995 : i32
    %lt3A_2997 = arith.constant 0 : i32
    %lt3A_2998 = arith.cmpi slt, %select_n3A_2991, %lt3A_2997 : i32
    %ne3A_2999 = arith.xori %lt3A_2996, %lt3A_2998 : i1
    %and3A_3000 = arith.andi %ne3A_2999, %ne3A_2994 : i1
    %add3A_3001 = arith.addi %rem3A_2992, %select_n3A_2991 : i32
    %select_n3A_3002 = arith.select %and3A_3000, %add3A_3001, %rem3A_2992 : i32
    %dma_start3A_3003 = arith.constant 0 : i32
    %dma_start3A_3004 = arith.constant 0 : i32
    %dma_start3A_3005 = tpu.memref_slice %arg3[%select_n3A_2987, %select_n3A_3002, %select_n3A_2963, %dma_start3A_3003, %dma_start3A_3004] : memref<8x32x3x224x224xf32, #tpu.memory_space<hbm>> -> memref<1x1x1x224x224xf32, #tpu.memory_space<hbm>>
    %dma_start3A_3006 = tpu.memref_squeeze %dma_start3A_3005 : memref<1x1x1x224x224xf32, #tpu.memory_space<hbm>> -> memref<224x224xf32, #tpu.memory_space<hbm>>
    %dma_start3A_3007 = arith.constant 0 : i32
    %dma_start3A_3008 = arith.constant 0 : i32
    %dma_start3A_3009 = tpu.memref_slice %arg3[%select_n3A_2987, %select_n3A_3002, %select_n3A_2963, %dma_start3A_3007, %dma_start3A_3008] : memref<8x32x3x224x224xf32, #tpu.memory_space<hbm>> -> memref<1x1x1x224x224xf32, #tpu.memory_space<hbm>>
    %dma_start3A_3010 = tpu.memref_squeeze %dma_start3A_3009 : memref<1x1x1x224x224xf32, #tpu.memory_space<hbm>> -> memref<224x224xf32, #tpu.memory_space<hbm>>
    tpu.enqueue_dma source(%arg4 : memref<224x224xf32, #tpu.memory_space<vmem>>) target(%dma_start3A_3010 : memref<224x224xf32, #tpu.memory_space<hbm>>) target_semaphore(%arg8 : memref<!tpu.dma_semaphore, #tpu.memory_space<semaphore_mem>>)
    %dma_wait3A_3011 = arith.constant 0 : i32
    %dma_wait3A_3012 = arith.constant 0 : i32
    %dma_wait3A_3013 = tpu.memref_slice %arg3[%select_n3A_2987, %select_n3A_3002, %select_n3A_2963, %dma_wait3A_3011, %dma_wait3A_3012] : memref<8x32x3x224x224xf32, #tpu.memory_space<hbm>> -> memref<1x1x1x224x224xf32, #tpu.memory_space<hbm>>
    %dma_wait3A_3014 = tpu.memref_squeeze %dma_wait3A_3013 : memref<1x1x1x224x224xf32, #tpu.memory_space<hbm>> -> memref<224x224xf32, #tpu.memory_space<hbm>>
    %dma_wait3A_3015 = arith.constant 0 : i32
    %dma_wait3A_3016 = arith.constant 0 : i32
    %dma_wait3A_3017 = tpu.memref_slice %arg3[%select_n3A_2987, %select_n3A_3002, %select_n3A_2963, %dma_wait3A_3015, %dma_wait3A_3016] : memref<8x32x3x224x224xf32, #tpu.memory_space<hbm>> -> memref<1x1x1x224x224xf32, #tpu.memory_space<hbm>>
    %dma_wait3A_3018 = tpu.memref_squeeze %dma_wait3A_3017 : memref<1x1x1x224x224xf32, #tpu.memory_space<hbm>> -> memref<224x224xf32, #tpu.memory_space<hbm>>
    tpu.wait_dma2 semaphore(%arg8 : memref<!tpu.dma_semaphore, #tpu.memory_space<semaphore_mem>>) src(%arg4 : memref<224x224xf32, #tpu.memory_space<vmem>>) dst(%dma_wait3A_3018 : memref<224x224xf32, #tpu.memory_space<hbm>>)
    %mul3A_3019 = arith.constant 24 : i32
    %mul3A_3020 = arith.muli %add3A, %mul3A_3019 : i32
    %add3A_3021 = arith.constant 16 : i32
    %add3A_3022 = arith.addi %mul3A_3020, %add3A_3021 : i32
    %jit3A_3023 = arith.constant 3 : i32
    %div3A_3024 = arith.divsi %add3A_3022, %jit3A_3023 : i32
    %sign3A_3025 = arith.constant 0 : i32
    %sign3A_3026 = arith.cmpi sgt, %add3A_3022, %sign3A_3025 : i32
    %sign3A_3027 = arith.extui %sign3A_3026 : i1 to i32
    %sign3A_3028 = arith.constant 0 : i32
    %sign3A_3029 = arith.cmpi slt, %add3A_3022, %sign3A_3028 : i32
    %sign3A_3030 = arith.extui %sign3A_3029 : i1 to i32
    %sign3A_3031 = arith.subi %sign3A_3027, %sign3A_3030 : i32
    %sign3A_3032 = arith.constant 0 : i32
    %sign3A_3033 = arith.cmpi sgt, %jit3A_3023, %sign3A_3032 : i32
    %sign3A_3034 = arith.extui %sign3A_3033 : i1 to i32
    %sign3A_3035 = arith.constant 0 : i32
    %sign3A_3036 = arith.cmpi slt, %jit3A_3023, %sign3A_3035 : i32
    %sign3A_3037 = arith.extui %sign3A_3036 : i1 to i32
    %sign3A_3038 = arith.subi %sign3A_3034, %sign3A_3037 : i32
    %ne3A_3039 = arith.cmpi ne, %sign3A_3031, %sign3A_3038 : i32
    %rem3A_3040 = arith.remsi %add3A_3022, %jit3A_3023 : i32
    %ne3A_3041 = arith.constant 0 : i32
    %ne3A_3042 = arith.cmpi ne, %rem3A_3040, %ne3A_3041 : i32
    %and3A_3043 = arith.andi %ne3A_3039, %ne3A_3042 : i1
    %sub3A_3044 = arith.constant 1 : i32
    %sub3A_3045 = arith.subi %div3A_3024, %sub3A_3044 : i32
    %select_n3A_3046 = arith.select %and3A_3043, %sub3A_3045, %div3A_3024 : i32
    %eq3A_3047 = arith.constant 0 : i32
    %eq3A_3048 = arith.cmpi eq, %jit3A_3023, %eq3A_3047 : i32
    %jit3A_3049 = arith.constant 1 : i32
    %select_n3A_3050 = arith.select %eq3A_3048, %jit3A_3049, %jit3A_3023 : i32
    %rem3A_3051 = arith.remsi %add3A_3022, %select_n3A_3050 : i32
    %ne3A_3052 = arith.constant 0 : i32
    %ne3A_3053 = arith.cmpi ne, %rem3A_3051, %ne3A_3052 : i32
    %lt3A_3054 = arith.constant 0 : i32
    %lt3A_3055 = arith.cmpi slt, %rem3A_3051, %lt3A_3054 : i32
    %lt3A_3056 = arith.constant 0 : i32
    %lt3A_3057 = arith.cmpi slt, %select_n3A_3050, %lt3A_3056 : i32
    %ne3A_3058 = arith.xori %lt3A_3055, %lt3A_3057 : i1
    %and3A_3059 = arith.andi %ne3A_3058, %ne3A_3053 : i1
    %add3A_3060 = arith.addi %rem3A_3051, %select_n3A_3050 : i32
    %select_n3A_3061 = arith.select %and3A_3059, %add3A_3060, %rem3A_3051 : i32
    %jit3A_3062 = arith.constant 32 : i32
    %div3A_3063 = arith.divsi %select_n3A_3046, %jit3A_3062 : i32
    %sign3A_3064 = arith.constant 0 : i32
    %sign3A_3065 = arith.cmpi sgt, %select_n3A_3046, %sign3A_3064 : i32
    %sign3A_3066 = arith.extui %sign3A_3065 : i1 to i32
    %sign3A_3067 = arith.constant 0 : i32
    %sign3A_3068 = arith.cmpi slt, %select_n3A_3046, %sign3A_3067 : i32
    %sign3A_3069 = arith.extui %sign3A_3068 : i1 to i32
    %sign3A_3070 = arith.subi %sign3A_3066, %sign3A_3069 : i32
    %sign3A_3071 = arith.constant 0 : i32
    %sign3A_3072 = arith.cmpi sgt, %jit3A_3062, %sign3A_3071 : i32
    %sign3A_3073 = arith.extui %sign3A_3072 : i1 to i32
    %sign3A_3074 = arith.constant 0 : i32
    %sign3A_3075 = arith.cmpi slt, %jit3A_3062, %sign3A_3074 : i32
    %sign3A_3076 = arith.extui %sign3A_3075 : i1 to i32
    %sign3A_3077 = arith.subi %sign3A_3073, %sign3A_3076 : i32
    %ne3A_3078 = arith.cmpi ne, %sign3A_3070, %sign3A_3077 : i32
    %rem3A_3079 = arith.remsi %select_n3A_3046, %jit3A_3062 : i32
    %ne3A_3080 = arith.constant 0 : i32
    %ne3A_3081 = arith.cmpi ne, %rem3A_3079, %ne3A_3080 : i32
    %and3A_3082 = arith.andi %ne3A_3078, %ne3A_3081 : i1
    %sub3A_3083 = arith.constant 1 : i32
    %sub3A_3084 = arith.subi %div3A_3063, %sub3A_3083 : i32
    %select_n3A_3085 = arith.select %and3A_3082, %sub3A_3084, %div3A_3063 : i32
    %eq3A_3086 = arith.constant 0 : i32
    %eq3A_3087 = arith.cmpi eq, %jit3A_3062, %eq3A_3086 : i32
    %jit3A_3088 = arith.constant 1 : i32
    %select_n3A_3089 = arith.select %eq3A_3087, %jit3A_3088, %jit3A_3062 : i32
    %rem3A_3090 = arith.remsi %select_n3A_3046, %select_n3A_3089 : i32
    %ne3A_3091 = arith.constant 0 : i32
    %ne3A_3092 = arith.cmpi ne, %rem3A_3090, %ne3A_3091 : i32
    %lt3A_3093 = arith.constant 0 : i32
    %lt3A_3094 = arith.cmpi slt, %rem3A_3090, %lt3A_3093 : i32
    %lt3A_3095 = arith.constant 0 : i32
    %lt3A_3096 = arith.cmpi slt, %select_n3A_3089, %lt3A_3095 : i32
    %ne3A_3097 = arith.xori %lt3A_3094, %lt3A_3096 : i1
    %and3A_3098 = arith.andi %ne3A_3097, %ne3A_3092 : i1
    %add3A_3099 = arith.addi %rem3A_3090, %select_n3A_3089 : i32
    %select_n3A_3100 = arith.select %and3A_3098, %add3A_3099, %rem3A_3090 : i32
    %dma_start3A_3101 = arith.constant 0 : i32
    %dma_start3A_3102 = arith.constant 0 : i32
    %dma_start3A_3103 = tpu.memref_slice %arg2[%select_n3A_3085, %select_n3A_3100, %select_n3A_3061, %dma_start3A_3101, %dma_start3A_3102] : memref<8x32x3x224x224xf32, #tpu.memory_space<hbm>> -> memref<1x1x1x224x224xf32, #tpu.memory_space<hbm>>
    %dma_start3A_3104 = tpu.memref_squeeze %dma_start3A_3103 : memref<1x1x1x224x224xf32, #tpu.memory_space<hbm>> -> memref<224x224xf32, #tpu.memory_space<hbm>>
    %dma_start3A_3105 = arith.constant 0 : i32
    %dma_start3A_3106 = arith.constant 0 : i32
    %dma_start3A_3107 = tpu.memref_slice %arg2[%select_n3A_3085, %select_n3A_3100, %select_n3A_3061, %dma_start3A_3105, %dma_start3A_3106] : memref<8x32x3x224x224xf32, #tpu.memory_space<hbm>> -> memref<1x1x1x224x224xf32, #tpu.memory_space<hbm>>
    %dma_start3A_3108 = tpu.memref_squeeze %dma_start3A_3107 : memref<1x1x1x224x224xf32, #tpu.memory_space<hbm>> -> memref<224x224xf32, #tpu.memory_space<hbm>>
    tpu.enqueue_dma source(%dma_start3A_3108 : memref<224x224xf32, #tpu.memory_space<hbm>>) target(%arg4 : memref<224x224xf32, #tpu.memory_space<vmem>>) target_semaphore(%arg6 : memref<!tpu.dma_semaphore, #tpu.memory_space<semaphore_mem>>)
    %dma_wait3A_3109 = arith.constant 0 : i32
    %dma_wait3A_3110 = arith.constant 0 : i32
    %dma_wait3A_3111 = tpu.memref_slice %arg2[%select_n3A_2889, %select_n3A_2904, %select_n3A_2865, %dma_wait3A_3109, %dma_wait3A_3110] : memref<8x32x3x224x224xf32, #tpu.memory_space<hbm>> -> memref<1x1x1x224x224xf32, #tpu.memory_space<hbm>>
    %dma_wait3A_3112 = tpu.memref_squeeze %dma_wait3A_3111 : memref<1x1x1x224x224xf32, #tpu.memory_space<hbm>> -> memref<224x224xf32, #tpu.memory_space<hbm>>
    %dma_wait3A_3113 = arith.constant 0 : i32
    %dma_wait3A_3114 = arith.constant 0 : i32
    %dma_wait3A_3115 = tpu.memref_slice %arg2[%select_n3A_2889, %select_n3A_2904, %select_n3A_2865, %dma_wait3A_3113, %dma_wait3A_3114] : memref<8x32x3x224x224xf32, #tpu.memory_space<hbm>> -> memref<1x1x1x224x224xf32, #tpu.memory_space<hbm>>
    %dma_wait3A_3116 = tpu.memref_squeeze %dma_wait3A_3115 : memref<1x1x1x224x224xf32, #tpu.memory_space<hbm>> -> memref<224x224xf32, #tpu.memory_space<hbm>>
    tpu.wait_dma2 semaphore(%arg7 : memref<!tpu.dma_semaphore, #tpu.memory_space<semaphore_mem>>) src(%dma_wait3A_3116 : memref<224x224xf32, #tpu.memory_space<hbm>>) dst(%arg5 : memref<224x224xf32, #tpu.memory_space<vmem>>)
    %mul3A_3117 = arith.constant 24 : i32
    %mul3A_3118 = arith.muli %add3A, %mul3A_3117 : i32
    %add3A_3119 = arith.constant 15 : i32
    %add3A_3120 = arith.addi %mul3A_3118, %add3A_3119 : i32
    %jit3A_3121 = arith.constant 3 : i32
    %div3A_3122 = arith.divsi %add3A_3120, %jit3A_3121 : i32
    %sign3A_3123 = arith.constant 0 : i32
    %sign3A_3124 = arith.cmpi sgt, %add3A_3120, %sign3A_3123 : i32
    %sign3A_3125 = arith.extui %sign3A_3124 : i1 to i32
    %sign3A_3126 = arith.constant 0 : i32
    %sign3A_3127 = arith.cmpi slt, %add3A_3120, %sign3A_3126 : i32
    %sign3A_3128 = arith.extui %sign3A_3127 : i1 to i32
    %sign3A_3129 = arith.subi %sign3A_3125, %sign3A_3128 : i32
    %sign3A_3130 = arith.constant 0 : i32
    %sign3A_3131 = arith.cmpi sgt, %jit3A_3121, %sign3A_3130 : i32
    %sign3A_3132 = arith.extui %sign3A_3131 : i1 to i32
    %sign3A_3133 = arith.constant 0 : i32
    %sign3A_3134 = arith.cmpi slt, %jit3A_3121, %sign3A_3133 : i32
    %sign3A_3135 = arith.extui %sign3A_3134 : i1 to i32
    %sign3A_3136 = arith.subi %sign3A_3132, %sign3A_3135 : i32
    %ne3A_3137 = arith.cmpi ne, %sign3A_3129, %sign3A_3136 : i32
    %rem3A_3138 = arith.remsi %add3A_3120, %jit3A_3121 : i32
    %ne3A_3139 = arith.constant 0 : i32
    %ne3A_3140 = arith.cmpi ne, %rem3A_3138, %ne3A_3139 : i32
    %and3A_3141 = arith.andi %ne3A_3137, %ne3A_3140 : i1
    %sub3A_3142 = arith.constant 1 : i32
    %sub3A_3143 = arith.subi %div3A_3122, %sub3A_3142 : i32
    %select_n3A_3144 = arith.select %and3A_3141, %sub3A_3143, %div3A_3122 : i32
    %eq3A_3145 = arith.constant 0 : i32
    %eq3A_3146 = arith.cmpi eq, %jit3A_3121, %eq3A_3145 : i32
    %jit3A_3147 = arith.constant 1 : i32
    %select_n3A_3148 = arith.select %eq3A_3146, %jit3A_3147, %jit3A_3121 : i32
    %rem3A_3149 = arith.remsi %add3A_3120, %select_n3A_3148 : i32
    %ne3A_3150 = arith.constant 0 : i32
    %ne3A_3151 = arith.cmpi ne, %rem3A_3149, %ne3A_3150 : i32
    %lt3A_3152 = arith.constant 0 : i32
    %lt3A_3153 = arith.cmpi slt, %rem3A_3149, %lt3A_3152 : i32
    %lt3A_3154 = arith.constant 0 : i32
    %lt3A_3155 = arith.cmpi slt, %select_n3A_3148, %lt3A_3154 : i32
    %ne3A_3156 = arith.xori %lt3A_3153, %lt3A_3155 : i1
    %and3A_3157 = arith.andi %ne3A_3156, %ne3A_3151 : i1
    %add3A_3158 = arith.addi %rem3A_3149, %select_n3A_3148 : i32
    %select_n3A_3159 = arith.select %and3A_3157, %add3A_3158, %rem3A_3149 : i32
    %jit3A_3160 = arith.constant 32 : i32
    %div3A_3161 = arith.divsi %select_n3A_3144, %jit3A_3160 : i32
    %sign3A_3162 = arith.constant 0 : i32
    %sign3A_3163 = arith.cmpi sgt, %select_n3A_3144, %sign3A_3162 : i32
    %sign3A_3164 = arith.extui %sign3A_3163 : i1 to i32
    %sign3A_3165 = arith.constant 0 : i32
    %sign3A_3166 = arith.cmpi slt, %select_n3A_3144, %sign3A_3165 : i32
    %sign3A_3167 = arith.extui %sign3A_3166 : i1 to i32
    %sign3A_3168 = arith.subi %sign3A_3164, %sign3A_3167 : i32
    %sign3A_3169 = arith.constant 0 : i32
    %sign3A_3170 = arith.cmpi sgt, %jit3A_3160, %sign3A_3169 : i32
    %sign3A_3171 = arith.extui %sign3A_3170 : i1 to i32
    %sign3A_3172 = arith.constant 0 : i32
    %sign3A_3173 = arith.cmpi slt, %jit3A_3160, %sign3A_3172 : i32
    %sign3A_3174 = arith.extui %sign3A_3173 : i1 to i32
    %sign3A_3175 = arith.subi %sign3A_3171, %sign3A_3174 : i32
    %ne3A_3176 = arith.cmpi ne, %sign3A_3168, %sign3A_3175 : i32
    %rem3A_3177 = arith.remsi %select_n3A_3144, %jit3A_3160 : i32
    %ne3A_3178 = arith.constant 0 : i32
    %ne3A_3179 = arith.cmpi ne, %rem3A_3177, %ne3A_3178 : i32
    %and3A_3180 = arith.andi %ne3A_3176, %ne3A_3179 : i1
    %sub3A_3181 = arith.constant 1 : i32
    %sub3A_3182 = arith.subi %div3A_3161, %sub3A_3181 : i32
    %select_n3A_3183 = arith.select %and3A_3180, %sub3A_3182, %div3A_3161 : i32
    %eq3A_3184 = arith.constant 0 : i32
    %eq3A_3185 = arith.cmpi eq, %jit3A_3160, %eq3A_3184 : i32
    %jit3A_3186 = arith.constant 1 : i32
    %select_n3A_3187 = arith.select %eq3A_3185, %jit3A_3186, %jit3A_3160 : i32
    %rem3A_3188 = arith.remsi %select_n3A_3144, %select_n3A_3187 : i32
    %ne3A_3189 = arith.constant 0 : i32
    %ne3A_3190 = arith.cmpi ne, %rem3A_3188, %ne3A_3189 : i32
    %lt3A_3191 = arith.constant 0 : i32
    %lt3A_3192 = arith.cmpi slt, %rem3A_3188, %lt3A_3191 : i32
    %lt3A_3193 = arith.constant 0 : i32
    %lt3A_3194 = arith.cmpi slt, %select_n3A_3187, %lt3A_3193 : i32
    %ne3A_3195 = arith.xori %lt3A_3192, %lt3A_3194 : i1
    %and3A_3196 = arith.andi %ne3A_3195, %ne3A_3190 : i1
    %add3A_3197 = arith.addi %rem3A_3188, %select_n3A_3187 : i32
    %select_n3A_3198 = arith.select %and3A_3196, %add3A_3197, %rem3A_3188 : i32
    %dma_start3A_3199 = arith.constant 0 : i32
    %dma_start3A_3200 = arith.constant 0 : i32
    %dma_start3A_3201 = tpu.memref_slice %arg3[%select_n3A_3183, %select_n3A_3198, %select_n3A_3159, %dma_start3A_3199, %dma_start3A_3200] : memref<8x32x3x224x224xf32, #tpu.memory_space<hbm>> -> memref<1x1x1x224x224xf32, #tpu.memory_space<hbm>>
    %dma_start3A_3202 = tpu.memref_squeeze %dma_start3A_3201 : memref<1x1x1x224x224xf32, #tpu.memory_space<hbm>> -> memref<224x224xf32, #tpu.memory_space<hbm>>
    %dma_start3A_3203 = arith.constant 0 : i32
    %dma_start3A_3204 = arith.constant 0 : i32
    %dma_start3A_3205 = tpu.memref_slice %arg3[%select_n3A_3183, %select_n3A_3198, %select_n3A_3159, %dma_start3A_3203, %dma_start3A_3204] : memref<8x32x3x224x224xf32, #tpu.memory_space<hbm>> -> memref<1x1x1x224x224xf32, #tpu.memory_space<hbm>>
    %dma_start3A_3206 = tpu.memref_squeeze %dma_start3A_3205 : memref<1x1x1x224x224xf32, #tpu.memory_space<hbm>> -> memref<224x224xf32, #tpu.memory_space<hbm>>
    tpu.enqueue_dma source(%arg5 : memref<224x224xf32, #tpu.memory_space<vmem>>) target(%dma_start3A_3206 : memref<224x224xf32, #tpu.memory_space<hbm>>) target_semaphore(%arg9 : memref<!tpu.dma_semaphore, #tpu.memory_space<semaphore_mem>>)
    %dma_wait3A_3207 = arith.constant 0 : i32
    %dma_wait3A_3208 = arith.constant 0 : i32
    %dma_wait3A_3209 = tpu.memref_slice %arg3[%select_n3A_3183, %select_n3A_3198, %select_n3A_3159, %dma_wait3A_3207, %dma_wait3A_3208] : memref<8x32x3x224x224xf32, #tpu.memory_space<hbm>> -> memref<1x1x1x224x224xf32, #tpu.memory_space<hbm>>
    %dma_wait3A_3210 = tpu.memref_squeeze %dma_wait3A_3209 : memref<1x1x1x224x224xf32, #tpu.memory_space<hbm>> -> memref<224x224xf32, #tpu.memory_space<hbm>>
    %dma_wait3A_3211 = arith.constant 0 : i32
    %dma_wait3A_3212 = arith.constant 0 : i32
    %dma_wait3A_3213 = tpu.memref_slice %arg3[%select_n3A_3183, %select_n3A_3198, %select_n3A_3159, %dma_wait3A_3211, %dma_wait3A_3212] : memref<8x32x3x224x224xf32, #tpu.memory_space<hbm>> -> memref<1x1x1x224x224xf32, #tpu.memory_space<hbm>>
    %dma_wait3A_3214 = tpu.memref_squeeze %dma_wait3A_3213 : memref<1x1x1x224x224xf32, #tpu.memory_space<hbm>> -> memref<224x224xf32, #tpu.memory_space<hbm>>
    tpu.wait_dma2 semaphore(%arg9 : memref<!tpu.dma_semaphore, #tpu.memory_space<semaphore_mem>>) src(%arg5 : memref<224x224xf32, #tpu.memory_space<vmem>>) dst(%dma_wait3A_3214 : memref<224x224xf32, #tpu.memory_space<hbm>>)
    %mul3A_3215 = arith.constant 24 : i32
    %mul3A_3216 = arith.muli %add3A, %mul3A_3215 : i32
    %add3A_3217 = arith.constant 17 : i32
    %add3A_3218 = arith.addi %mul3A_3216, %add3A_3217 : i32
    %jit3A_3219 = arith.constant 3 : i32
    %div3A_3220 = arith.divsi %add3A_3218, %jit3A_3219 : i32
    %sign3A_3221 = arith.constant 0 : i32
    %sign3A_3222 = arith.cmpi sgt, %add3A_3218, %sign3A_3221 : i32
    %sign3A_3223 = arith.extui %sign3A_3222 : i1 to i32
    %sign3A_3224 = arith.constant 0 : i32
    %sign3A_3225 = arith.cmpi slt, %add3A_3218, %sign3A_3224 : i32
    %sign3A_3226 = arith.extui %sign3A_3225 : i1 to i32
    %sign3A_3227 = arith.subi %sign3A_3223, %sign3A_3226 : i32
    %sign3A_3228 = arith.constant 0 : i32
    %sign3A_3229 = arith.cmpi sgt, %jit3A_3219, %sign3A_3228 : i32
    %sign3A_3230 = arith.extui %sign3A_3229 : i1 to i32
    %sign3A_3231 = arith.constant 0 : i32
    %sign3A_3232 = arith.cmpi slt, %jit3A_3219, %sign3A_3231 : i32
    %sign3A_3233 = arith.extui %sign3A_3232 : i1 to i32
    %sign3A_3234 = arith.subi %sign3A_3230, %sign3A_3233 : i32
    %ne3A_3235 = arith.cmpi ne, %sign3A_3227, %sign3A_3234 : i32
    %rem3A_3236 = arith.remsi %add3A_3218, %jit3A_3219 : i32
    %ne3A_3237 = arith.constant 0 : i32
    %ne3A_3238 = arith.cmpi ne, %rem3A_3236, %ne3A_3237 : i32
    %and3A_3239 = arith.andi %ne3A_3235, %ne3A_3238 : i1
    %sub3A_3240 = arith.constant 1 : i32
    %sub3A_3241 = arith.subi %div3A_3220, %sub3A_3240 : i32
    %select_n3A_3242 = arith.select %and3A_3239, %sub3A_3241, %div3A_3220 : i32
    %eq3A_3243 = arith.constant 0 : i32
    %eq3A_3244 = arith.cmpi eq, %jit3A_3219, %eq3A_3243 : i32
    %jit3A_3245 = arith.constant 1 : i32
    %select_n3A_3246 = arith.select %eq3A_3244, %jit3A_3245, %jit3A_3219 : i32
    %rem3A_3247 = arith.remsi %add3A_3218, %select_n3A_3246 : i32
    %ne3A_3248 = arith.constant 0 : i32
    %ne3A_3249 = arith.cmpi ne, %rem3A_3247, %ne3A_3248 : i32
    %lt3A_3250 = arith.constant 0 : i32
    %lt3A_3251 = arith.cmpi slt, %rem3A_3247, %lt3A_3250 : i32
    %lt3A_3252 = arith.constant 0 : i32
    %lt3A_3253 = arith.cmpi slt, %select_n3A_3246, %lt3A_3252 : i32
    %ne3A_3254 = arith.xori %lt3A_3251, %lt3A_3253 : i1
    %and3A_3255 = arith.andi %ne3A_3254, %ne3A_3249 : i1
    %add3A_3256 = arith.addi %rem3A_3247, %select_n3A_3246 : i32
    %select_n3A_3257 = arith.select %and3A_3255, %add3A_3256, %rem3A_3247 : i32
    %jit3A_3258 = arith.constant 32 : i32
    %div3A_3259 = arith.divsi %select_n3A_3242, %jit3A_3258 : i32
    %sign3A_3260 = arith.constant 0 : i32
    %sign3A_3261 = arith.cmpi sgt, %select_n3A_3242, %sign3A_3260 : i32
    %sign3A_3262 = arith.extui %sign3A_3261 : i1 to i32
    %sign3A_3263 = arith.constant 0 : i32
    %sign3A_3264 = arith.cmpi slt, %select_n3A_3242, %sign3A_3263 : i32
    %sign3A_3265 = arith.extui %sign3A_3264 : i1 to i32
    %sign3A_3266 = arith.subi %sign3A_3262, %sign3A_3265 : i32
    %sign3A_3267 = arith.constant 0 : i32
    %sign3A_3268 = arith.cmpi sgt, %jit3A_3258, %sign3A_3267 : i32
    %sign3A_3269 = arith.extui %sign3A_3268 : i1 to i32
    %sign3A_3270 = arith.constant 0 : i32
    %sign3A_3271 = arith.cmpi slt, %jit3A_3258, %sign3A_3270 : i32
    %sign3A_3272 = arith.extui %sign3A_3271 : i1 to i32
    %sign3A_3273 = arith.subi %sign3A_3269, %sign3A_3272 : i32
    %ne3A_3274 = arith.cmpi ne, %sign3A_3266, %sign3A_3273 : i32
    %rem3A_3275 = arith.remsi %select_n3A_3242, %jit3A_3258 : i32
    %ne3A_3276 = arith.constant 0 : i32
    %ne3A_3277 = arith.cmpi ne, %rem3A_3275, %ne3A_3276 : i32
    %and3A_3278 = arith.andi %ne3A_3274, %ne3A_3277 : i1
    %sub3A_3279 = arith.constant 1 : i32
    %sub3A_3280 = arith.subi %div3A_3259, %sub3A_3279 : i32
    %select_n3A_3281 = arith.select %and3A_3278, %sub3A_3280, %div3A_3259 : i32
    %eq3A_3282 = arith.constant 0 : i32
    %eq3A_3283 = arith.cmpi eq, %jit3A_3258, %eq3A_3282 : i32
    %jit3A_3284 = arith.constant 1 : i32
    %select_n3A_3285 = arith.select %eq3A_3283, %jit3A_3284, %jit3A_3258 : i32
    %rem3A_3286 = arith.remsi %select_n3A_3242, %select_n3A_3285 : i32
    %ne3A_3287 = arith.constant 0 : i32
    %ne3A_3288 = arith.cmpi ne, %rem3A_3286, %ne3A_3287 : i32
    %lt3A_3289 = arith.constant 0 : i32
    %lt3A_3290 = arith.cmpi slt, %rem3A_3286, %lt3A_3289 : i32
    %lt3A_3291 = arith.constant 0 : i32
    %lt3A_3292 = arith.cmpi slt, %select_n3A_3285, %lt3A_3291 : i32
    %ne3A_3293 = arith.xori %lt3A_3290, %lt3A_3292 : i1
    %and3A_3294 = arith.andi %ne3A_3293, %ne3A_3288 : i1
    %add3A_3295 = arith.addi %rem3A_3286, %select_n3A_3285 : i32
    %select_n3A_3296 = arith.select %and3A_3294, %add3A_3295, %rem3A_3286 : i32
    %dma_start3A_3297 = arith.constant 0 : i32
    %dma_start3A_3298 = arith.constant 0 : i32
    %dma_start3A_3299 = tpu.memref_slice %arg2[%select_n3A_3281, %select_n3A_3296, %select_n3A_3257, %dma_start3A_3297, %dma_start3A_3298] : memref<8x32x3x224x224xf32, #tpu.memory_space<hbm>> -> memref<1x1x1x224x224xf32, #tpu.memory_space<hbm>>
    %dma_start3A_3300 = tpu.memref_squeeze %dma_start3A_3299 : memref<1x1x1x224x224xf32, #tpu.memory_space<hbm>> -> memref<224x224xf32, #tpu.memory_space<hbm>>
    %dma_start3A_3301 = arith.constant 0 : i32
    %dma_start3A_3302 = arith.constant 0 : i32
    %dma_start3A_3303 = tpu.memref_slice %arg2[%select_n3A_3281, %select_n3A_3296, %select_n3A_3257, %dma_start3A_3301, %dma_start3A_3302] : memref<8x32x3x224x224xf32, #tpu.memory_space<hbm>> -> memref<1x1x1x224x224xf32, #tpu.memory_space<hbm>>
    %dma_start3A_3304 = tpu.memref_squeeze %dma_start3A_3303 : memref<1x1x1x224x224xf32, #tpu.memory_space<hbm>> -> memref<224x224xf32, #tpu.memory_space<hbm>>
    tpu.enqueue_dma source(%dma_start3A_3304 : memref<224x224xf32, #tpu.memory_space<hbm>>) target(%arg5 : memref<224x224xf32, #tpu.memory_space<vmem>>) target_semaphore(%arg7 : memref<!tpu.dma_semaphore, #tpu.memory_space<semaphore_mem>>)
    %dma_wait3A_3305 = arith.constant 0 : i32
    %dma_wait3A_3306 = arith.constant 0 : i32
    %dma_wait3A_3307 = tpu.memref_slice %arg2[%select_n3A_3085, %select_n3A_3100, %select_n3A_3061, %dma_wait3A_3305, %dma_wait3A_3306] : memref<8x32x3x224x224xf32, #tpu.memory_space<hbm>> -> memref<1x1x1x224x224xf32, #tpu.memory_space<hbm>>
    %dma_wait3A_3308 = tpu.memref_squeeze %dma_wait3A_3307 : memref<1x1x1x224x224xf32, #tpu.memory_space<hbm>> -> memref<224x224xf32, #tpu.memory_space<hbm>>
    %dma_wait3A_3309 = arith.constant 0 : i32
    %dma_wait3A_3310 = arith.constant 0 : i32
    %dma_wait3A_3311 = tpu.memref_slice %arg2[%select_n3A_3085, %select_n3A_3100, %select_n3A_3061, %dma_wait3A_3309, %dma_wait3A_3310] : memref<8x32x3x224x224xf32, #tpu.memory_space<hbm>> -> memref<1x1x1x224x224xf32, #tpu.memory_space<hbm>>
    %dma_wait3A_3312 = tpu.memref_squeeze %dma_wait3A_3311 : memref<1x1x1x224x224xf32, #tpu.memory_space<hbm>> -> memref<224x224xf32, #tpu.memory_space<hbm>>
    tpu.wait_dma2 semaphore(%arg6 : memref<!tpu.dma_semaphore, #tpu.memory_space<semaphore_mem>>) src(%dma_wait3A_3312 : memref<224x224xf32, #tpu.memory_space<hbm>>) dst(%arg4 : memref<224x224xf32, #tpu.memory_space<vmem>>)
    %mul3A_3313 = arith.constant 24 : i32
    %mul3A_3314 = arith.muli %add3A, %mul3A_3313 : i32
    %add3A_3315 = arith.constant 16 : i32
    %add3A_3316 = arith.addi %mul3A_3314, %add3A_3315 : i32
    %jit3A_3317 = arith.constant 3 : i32
    %div3A_3318 = arith.divsi %add3A_3316, %jit3A_3317 : i32
    %sign3A_3319 = arith.constant 0 : i32
    %sign3A_3320 = arith.cmpi sgt, %add3A_3316, %sign3A_3319 : i32
    %sign3A_3321 = arith.extui %sign3A_3320 : i1 to i32
    %sign3A_3322 = arith.constant 0 : i32
    %sign3A_3323 = arith.cmpi slt, %add3A_3316, %sign3A_3322 : i32
    %sign3A_3324 = arith.extui %sign3A_3323 : i1 to i32
    %sign3A_3325 = arith.subi %sign3A_3321, %sign3A_3324 : i32
    %sign3A_3326 = arith.constant 0 : i32
    %sign3A_3327 = arith.cmpi sgt, %jit3A_3317, %sign3A_3326 : i32
    %sign3A_3328 = arith.extui %sign3A_3327 : i1 to i32
    %sign3A_3329 = arith.constant 0 : i32
    %sign3A_3330 = arith.cmpi slt, %jit3A_3317, %sign3A_3329 : i32
    %sign3A_3331 = arith.extui %sign3A_3330 : i1 to i32
    %sign3A_3332 = arith.subi %sign3A_3328, %sign3A_3331 : i32
    %ne3A_3333 = arith.cmpi ne, %sign3A_3325, %sign3A_3332 : i32
    %rem3A_3334 = arith.remsi %add3A_3316, %jit3A_3317 : i32
    %ne3A_3335 = arith.constant 0 : i32
    %ne3A_3336 = arith.cmpi ne, %rem3A_3334, %ne3A_3335 : i32
    %and3A_3337 = arith.andi %ne3A_3333, %ne3A_3336 : i1
    %sub3A_3338 = arith.constant 1 : i32
    %sub3A_3339 = arith.subi %div3A_3318, %sub3A_3338 : i32
    %select_n3A_3340 = arith.select %and3A_3337, %sub3A_3339, %div3A_3318 : i32
    %eq3A_3341 = arith.constant 0 : i32
    %eq3A_3342 = arith.cmpi eq, %jit3A_3317, %eq3A_3341 : i32
    %jit3A_3343 = arith.constant 1 : i32
    %select_n3A_3344 = arith.select %eq3A_3342, %jit3A_3343, %jit3A_3317 : i32
    %rem3A_3345 = arith.remsi %add3A_3316, %select_n3A_3344 : i32
    %ne3A_3346 = arith.constant 0 : i32
    %ne3A_3347 = arith.cmpi ne, %rem3A_3345, %ne3A_3346 : i32
    %lt3A_3348 = arith.constant 0 : i32
    %lt3A_3349 = arith.cmpi slt, %rem3A_3345, %lt3A_3348 : i32
    %lt3A_3350 = arith.constant 0 : i32
    %lt3A_3351 = arith.cmpi slt, %select_n3A_3344, %lt3A_3350 : i32
    %ne3A_3352 = arith.xori %lt3A_3349, %lt3A_3351 : i1
    %and3A_3353 = arith.andi %ne3A_3352, %ne3A_3347 : i1
    %add3A_3354 = arith.addi %rem3A_3345, %select_n3A_3344 : i32
    %select_n3A_3355 = arith.select %and3A_3353, %add3A_3354, %rem3A_3345 : i32
    %jit3A_3356 = arith.constant 32 : i32
    %div3A_3357 = arith.divsi %select_n3A_3340, %jit3A_3356 : i32
    %sign3A_3358 = arith.constant 0 : i32
    %sign3A_3359 = arith.cmpi sgt, %select_n3A_3340, %sign3A_3358 : i32
    %sign3A_3360 = arith.extui %sign3A_3359 : i1 to i32
    %sign3A_3361 = arith.constant 0 : i32
    %sign3A_3362 = arith.cmpi slt, %select_n3A_3340, %sign3A_3361 : i32
    %sign3A_3363 = arith.extui %sign3A_3362 : i1 to i32
    %sign3A_3364 = arith.subi %sign3A_3360, %sign3A_3363 : i32
    %sign3A_3365 = arith.constant 0 : i32
    %sign3A_3366 = arith.cmpi sgt, %jit3A_3356, %sign3A_3365 : i32
    %sign3A_3367 = arith.extui %sign3A_3366 : i1 to i32
    %sign3A_3368 = arith.constant 0 : i32
    %sign3A_3369 = arith.cmpi slt, %jit3A_3356, %sign3A_3368 : i32
    %sign3A_3370 = arith.extui %sign3A_3369 : i1 to i32
    %sign3A_3371 = arith.subi %sign3A_3367, %sign3A_3370 : i32
    %ne3A_3372 = arith.cmpi ne, %sign3A_3364, %sign3A_3371 : i32
    %rem3A_3373 = arith.remsi %select_n3A_3340, %jit3A_3356 : i32
    %ne3A_3374 = arith.constant 0 : i32
    %ne3A_3375 = arith.cmpi ne, %rem3A_3373, %ne3A_3374 : i32
    %and3A_3376 = arith.andi %ne3A_3372, %ne3A_3375 : i1
    %sub3A_3377 = arith.constant 1 : i32
    %sub3A_3378 = arith.subi %div3A_3357, %sub3A_3377 : i32
    %select_n3A_3379 = arith.select %and3A_3376, %sub3A_3378, %div3A_3357 : i32
    %eq3A_3380 = arith.constant 0 : i32
    %eq3A_3381 = arith.cmpi eq, %jit3A_3356, %eq3A_3380 : i32
    %jit3A_3382 = arith.constant 1 : i32
    %select_n3A_3383 = arith.select %eq3A_3381, %jit3A_3382, %jit3A_3356 : i32
    %rem3A_3384 = arith.remsi %select_n3A_3340, %select_n3A_3383 : i32
    %ne3A_3385 = arith.constant 0 : i32
    %ne3A_3386 = arith.cmpi ne, %rem3A_3384, %ne3A_3385 : i32
    %lt3A_3387 = arith.constant 0 : i32
    %lt3A_3388 = arith.cmpi slt, %rem3A_3384, %lt3A_3387 : i32
    %lt3A_3389 = arith.constant 0 : i32
    %lt3A_3390 = arith.cmpi slt, %select_n3A_3383, %lt3A_3389 : i32
    %ne3A_3391 = arith.xori %lt3A_3388, %lt3A_3390 : i1
    %and3A_3392 = arith.andi %ne3A_3391, %ne3A_3386 : i1
    %add3A_3393 = arith.addi %rem3A_3384, %select_n3A_3383 : i32
    %select_n3A_3394 = arith.select %and3A_3392, %add3A_3393, %rem3A_3384 : i32
    %dma_start3A_3395 = arith.constant 0 : i32
    %dma_start3A_3396 = arith.constant 0 : i32
    %dma_start3A_3397 = tpu.memref_slice %arg3[%select_n3A_3379, %select_n3A_3394, %select_n3A_3355, %dma_start3A_3395, %dma_start3A_3396] : memref<8x32x3x224x224xf32, #tpu.memory_space<hbm>> -> memref<1x1x1x224x224xf32, #tpu.memory_space<hbm>>
    %dma_start3A_3398 = tpu.memref_squeeze %dma_start3A_3397 : memref<1x1x1x224x224xf32, #tpu.memory_space<hbm>> -> memref<224x224xf32, #tpu.memory_space<hbm>>
    %dma_start3A_3399 = arith.constant 0 : i32
    %dma_start3A_3400 = arith.constant 0 : i32
    %dma_start3A_3401 = tpu.memref_slice %arg3[%select_n3A_3379, %select_n3A_3394, %select_n3A_3355, %dma_start3A_3399, %dma_start3A_3400] : memref<8x32x3x224x224xf32, #tpu.memory_space<hbm>> -> memref<1x1x1x224x224xf32, #tpu.memory_space<hbm>>
    %dma_start3A_3402 = tpu.memref_squeeze %dma_start3A_3401 : memref<1x1x1x224x224xf32, #tpu.memory_space<hbm>> -> memref<224x224xf32, #tpu.memory_space<hbm>>
    tpu.enqueue_dma source(%arg4 : memref<224x224xf32, #tpu.memory_space<vmem>>) target(%dma_start3A_3402 : memref<224x224xf32, #tpu.memory_space<hbm>>) target_semaphore(%arg8 : memref<!tpu.dma_semaphore, #tpu.memory_space<semaphore_mem>>)
    %dma_wait3A_3403 = arith.constant 0 : i32
    %dma_wait3A_3404 = arith.constant 0 : i32
    %dma_wait3A_3405 = tpu.memref_slice %arg3[%select_n3A_3379, %select_n3A_3394, %select_n3A_3355, %dma_wait3A_3403, %dma_wait3A_3404] : memref<8x32x3x224x224xf32, #tpu.memory_space<hbm>> -> memref<1x1x1x224x224xf32, #tpu.memory_space<hbm>>
    %dma_wait3A_3406 = tpu.memref_squeeze %dma_wait3A_3405 : memref<1x1x1x224x224xf32, #tpu.memory_space<hbm>> -> memref<224x224xf32, #tpu.memory_space<hbm>>
    %dma_wait3A_3407 = arith.constant 0 : i32
    %dma_wait3A_3408 = arith.constant 0 : i32
    %dma_wait3A_3409 = tpu.memref_slice %arg3[%select_n3A_3379, %select_n3A_3394, %select_n3A_3355, %dma_wait3A_3407, %dma_wait3A_3408] : memref<8x32x3x224x224xf32, #tpu.memory_space<hbm>> -> memref<1x1x1x224x224xf32, #tpu.memory_space<hbm>>
    %dma_wait3A_3410 = tpu.memref_squeeze %dma_wait3A_3409 : memref<1x1x1x224x224xf32, #tpu.memory_space<hbm>> -> memref<224x224xf32, #tpu.memory_space<hbm>>
    tpu.wait_dma2 semaphore(%arg8 : memref<!tpu.dma_semaphore, #tpu.memory_space<semaphore_mem>>) src(%arg4 : memref<224x224xf32, #tpu.memory_space<vmem>>) dst(%dma_wait3A_3410 : memref<224x224xf32, #tpu.memory_space<hbm>>)
    %mul3A_3411 = arith.constant 24 : i32
    %mul3A_3412 = arith.muli %add3A, %mul3A_3411 : i32
    %add3A_3413 = arith.constant 18 : i32
    %add3A_3414 = arith.addi %mul3A_3412, %add3A_3413 : i32
    %jit3A_3415 = arith.constant 3 : i32
    %div3A_3416 = arith.divsi %add3A_3414, %jit3A_3415 : i32
    %sign3A_3417 = arith.constant 0 : i32
    %sign3A_3418 = arith.cmpi sgt, %add3A_3414, %sign3A_3417 : i32
    %sign3A_3419 = arith.extui %sign3A_3418 : i1 to i32
    %sign3A_3420 = arith.constant 0 : i32
    %sign3A_3421 = arith.cmpi slt, %add3A_3414, %sign3A_3420 : i32
    %sign3A_3422 = arith.extui %sign3A_3421 : i1 to i32
    %sign3A_3423 = arith.subi %sign3A_3419, %sign3A_3422 : i32
    %sign3A_3424 = arith.constant 0 : i32
    %sign3A_3425 = arith.cmpi sgt, %jit3A_3415, %sign3A_3424 : i32
    %sign3A_3426 = arith.extui %sign3A_3425 : i1 to i32
    %sign3A_3427 = arith.constant 0 : i32
    %sign3A_3428 = arith.cmpi slt, %jit3A_3415, %sign3A_3427 : i32
    %sign3A_3429 = arith.extui %sign3A_3428 : i1 to i32
    %sign3A_3430 = arith.subi %sign3A_3426, %sign3A_3429 : i32
    %ne3A_3431 = arith.cmpi ne, %sign3A_3423, %sign3A_3430 : i32
    %rem3A_3432 = arith.remsi %add3A_3414, %jit3A_3415 : i32
    %ne3A_3433 = arith.constant 0 : i32
    %ne3A_3434 = arith.cmpi ne, %rem3A_3432, %ne3A_3433 : i32
    %and3A_3435 = arith.andi %ne3A_3431, %ne3A_3434 : i1
    %sub3A_3436 = arith.constant 1 : i32
    %sub3A_3437 = arith.subi %div3A_3416, %sub3A_3436 : i32
    %select_n3A_3438 = arith.select %and3A_3435, %sub3A_3437, %div3A_3416 : i32
    %eq3A_3439 = arith.constant 0 : i32
    %eq3A_3440 = arith.cmpi eq, %jit3A_3415, %eq3A_3439 : i32
    %jit3A_3441 = arith.constant 1 : i32
    %select_n3A_3442 = arith.select %eq3A_3440, %jit3A_3441, %jit3A_3415 : i32
    %rem3A_3443 = arith.remsi %add3A_3414, %select_n3A_3442 : i32
    %ne3A_3444 = arith.constant 0 : i32
    %ne3A_3445 = arith.cmpi ne, %rem3A_3443, %ne3A_3444 : i32
    %lt3A_3446 = arith.constant 0 : i32
    %lt3A_3447 = arith.cmpi slt, %rem3A_3443, %lt3A_3446 : i32
    %lt3A_3448 = arith.constant 0 : i32
    %lt3A_3449 = arith.cmpi slt, %select_n3A_3442, %lt3A_3448 : i32
    %ne3A_3450 = arith.xori %lt3A_3447, %lt3A_3449 : i1
    %and3A_3451 = arith.andi %ne3A_3450, %ne3A_3445 : i1
    %add3A_3452 = arith.addi %rem3A_3443, %select_n3A_3442 : i32
    %select_n3A_3453 = arith.select %and3A_3451, %add3A_3452, %rem3A_3443 : i32
    %jit3A_3454 = arith.constant 32 : i32
    %div3A_3455 = arith.divsi %select_n3A_3438, %jit3A_3454 : i32
    %sign3A_3456 = arith.constant 0 : i32
    %sign3A_3457 = arith.cmpi sgt, %select_n3A_3438, %sign3A_3456 : i32
    %sign3A_3458 = arith.extui %sign3A_3457 : i1 to i32
    %sign3A_3459 = arith.constant 0 : i32
    %sign3A_3460 = arith.cmpi slt, %select_n3A_3438, %sign3A_3459 : i32
    %sign3A_3461 = arith.extui %sign3A_3460 : i1 to i32
    %sign3A_3462 = arith.subi %sign3A_3458, %sign3A_3461 : i32
    %sign3A_3463 = arith.constant 0 : i32
    %sign3A_3464 = arith.cmpi sgt, %jit3A_3454, %sign3A_3463 : i32
    %sign3A_3465 = arith.extui %sign3A_3464 : i1 to i32
    %sign3A_3466 = arith.constant 0 : i32
    %sign3A_3467 = arith.cmpi slt, %jit3A_3454, %sign3A_3466 : i32
    %sign3A_3468 = arith.extui %sign3A_3467 : i1 to i32
    %sign3A_3469 = arith.subi %sign3A_3465, %sign3A_3468 : i32
    %ne3A_3470 = arith.cmpi ne, %sign3A_3462, %sign3A_3469 : i32
    %rem3A_3471 = arith.remsi %select_n3A_3438, %jit3A_3454 : i32
    %ne3A_3472 = arith.constant 0 : i32
    %ne3A_3473 = arith.cmpi ne, %rem3A_3471, %ne3A_3472 : i32
    %and3A_3474 = arith.andi %ne3A_3470, %ne3A_3473 : i1
    %sub3A_3475 = arith.constant 1 : i32
    %sub3A_3476 = arith.subi %div3A_3455, %sub3A_3475 : i32
    %select_n3A_3477 = arith.select %and3A_3474, %sub3A_3476, %div3A_3455 : i32
    %eq3A_3478 = arith.constant 0 : i32
    %eq3A_3479 = arith.cmpi eq, %jit3A_3454, %eq3A_3478 : i32
    %jit3A_3480 = arith.constant 1 : i32
    %select_n3A_3481 = arith.select %eq3A_3479, %jit3A_3480, %jit3A_3454 : i32
    %rem3A_3482 = arith.remsi %select_n3A_3438, %select_n3A_3481 : i32
    %ne3A_3483 = arith.constant 0 : i32
    %ne3A_3484 = arith.cmpi ne, %rem3A_3482, %ne3A_3483 : i32
    %lt3A_3485 = arith.constant 0 : i32
    %lt3A_3486 = arith.cmpi slt, %rem3A_3482, %lt3A_3485 : i32
    %lt3A_3487 = arith.constant 0 : i32
    %lt3A_3488 = arith.cmpi slt, %select_n3A_3481, %lt3A_3487 : i32
    %ne3A_3489 = arith.xori %lt3A_3486, %lt3A_3488 : i1
    %and3A_3490 = arith.andi %ne3A_3489, %ne3A_3484 : i1
    %add3A_3491 = arith.addi %rem3A_3482, %select_n3A_3481 : i32
    %select_n3A_3492 = arith.select %and3A_3490, %add3A_3491, %rem3A_3482 : i32
    %dma_start3A_3493 = arith.constant 0 : i32
    %dma_start3A_3494 = arith.constant 0 : i32
    %dma_start3A_3495 = tpu.memref_slice %arg2[%select_n3A_3477, %select_n3A_3492, %select_n3A_3453, %dma_start3A_3493, %dma_start3A_3494] : memref<8x32x3x224x224xf32, #tpu.memory_space<hbm>> -> memref<1x1x1x224x224xf32, #tpu.memory_space<hbm>>
    %dma_start3A_3496 = tpu.memref_squeeze %dma_start3A_3495 : memref<1x1x1x224x224xf32, #tpu.memory_space<hbm>> -> memref<224x224xf32, #tpu.memory_space<hbm>>
    %dma_start3A_3497 = arith.constant 0 : i32
    %dma_start3A_3498 = arith.constant 0 : i32
    %dma_start3A_3499 = tpu.memref_slice %arg2[%select_n3A_3477, %select_n3A_3492, %select_n3A_3453, %dma_start3A_3497, %dma_start3A_3498] : memref<8x32x3x224x224xf32, #tpu.memory_space<hbm>> -> memref<1x1x1x224x224xf32, #tpu.memory_space<hbm>>
    %dma_start3A_3500 = tpu.memref_squeeze %dma_start3A_3499 : memref<1x1x1x224x224xf32, #tpu.memory_space<hbm>> -> memref<224x224xf32, #tpu.memory_space<hbm>>
    tpu.enqueue_dma source(%dma_start3A_3500 : memref<224x224xf32, #tpu.memory_space<hbm>>) target(%arg4 : memref<224x224xf32, #tpu.memory_space<vmem>>) target_semaphore(%arg6 : memref<!tpu.dma_semaphore, #tpu.memory_space<semaphore_mem>>)
    %dma_wait3A_3501 = arith.constant 0 : i32
    %dma_wait3A_3502 = arith.constant 0 : i32
    %dma_wait3A_3503 = tpu.memref_slice %arg2[%select_n3A_3281, %select_n3A_3296, %select_n3A_3257, %dma_wait3A_3501, %dma_wait3A_3502] : memref<8x32x3x224x224xf32, #tpu.memory_space<hbm>> -> memref<1x1x1x224x224xf32, #tpu.memory_space<hbm>>
    %dma_wait3A_3504 = tpu.memref_squeeze %dma_wait3A_3503 : memref<1x1x1x224x224xf32, #tpu.memory_space<hbm>> -> memref<224x224xf32, #tpu.memory_space<hbm>>
    %dma_wait3A_3505 = arith.constant 0 : i32
    %dma_wait3A_3506 = arith.constant 0 : i32
    %dma_wait3A_3507 = tpu.memref_slice %arg2[%select_n3A_3281, %select_n3A_3296, %select_n3A_3257, %dma_wait3A_3505, %dma_wait3A_3506] : memref<8x32x3x224x224xf32, #tpu.memory_space<hbm>> -> memref<1x1x1x224x224xf32, #tpu.memory_space<hbm>>
    %dma_wait3A_3508 = tpu.memref_squeeze %dma_wait3A_3507 : memref<1x1x1x224x224xf32, #tpu.memory_space<hbm>> -> memref<224x224xf32, #tpu.memory_space<hbm>>
    tpu.wait_dma2 semaphore(%arg7 : memref<!tpu.dma_semaphore, #tpu.memory_space<semaphore_mem>>) src(%dma_wait3A_3508 : memref<224x224xf32, #tpu.memory_space<hbm>>) dst(%arg5 : memref<224x224xf32, #tpu.memory_space<vmem>>)
    %mul3A_3509 = arith.constant 24 : i32
    %mul3A_3510 = arith.muli %add3A, %mul3A_3509 : i32
    %add3A_3511 = arith.constant 17 : i32
    %add3A_3512 = arith.addi %mul3A_3510, %add3A_3511 : i32
    %jit3A_3513 = arith.constant 3 : i32
    %div3A_3514 = arith.divsi %add3A_3512, %jit3A_3513 : i32
    %sign3A_3515 = arith.constant 0 : i32
    %sign3A_3516 = arith.cmpi sgt, %add3A_3512, %sign3A_3515 : i32
    %sign3A_3517 = arith.extui %sign3A_3516 : i1 to i32
    %sign3A_3518 = arith.constant 0 : i32
    %sign3A_3519 = arith.cmpi slt, %add3A_3512, %sign3A_3518 : i32
    %sign3A_3520 = arith.extui %sign3A_3519 : i1 to i32
    %sign3A_3521 = arith.subi %sign3A_3517, %sign3A_3520 : i32
    %sign3A_3522 = arith.constant 0 : i32
    %sign3A_3523 = arith.cmpi sgt, %jit3A_3513, %sign3A_3522 : i32
    %sign3A_3524 = arith.extui %sign3A_3523 : i1 to i32
    %sign3A_3525 = arith.constant 0 : i32
    %sign3A_3526 = arith.cmpi slt, %jit3A_3513, %sign3A_3525 : i32
    %sign3A_3527 = arith.extui %sign3A_3526 : i1 to i32
    %sign3A_3528 = arith.subi %sign3A_3524, %sign3A_3527 : i32
    %ne3A_3529 = arith.cmpi ne, %sign3A_3521, %sign3A_3528 : i32
    %rem3A_3530 = arith.remsi %add3A_3512, %jit3A_3513 : i32
    %ne3A_3531 = arith.constant 0 : i32
    %ne3A_3532 = arith.cmpi ne, %rem3A_3530, %ne3A_3531 : i32
    %and3A_3533 = arith.andi %ne3A_3529, %ne3A_3532 : i1
    %sub3A_3534 = arith.constant 1 : i32
    %sub3A_3535 = arith.subi %div3A_3514, %sub3A_3534 : i32
    %select_n3A_3536 = arith.select %and3A_3533, %sub3A_3535, %div3A_3514 : i32
    %eq3A_3537 = arith.constant 0 : i32
    %eq3A_3538 = arith.cmpi eq, %jit3A_3513, %eq3A_3537 : i32
    %jit3A_3539 = arith.constant 1 : i32
    %select_n3A_3540 = arith.select %eq3A_3538, %jit3A_3539, %jit3A_3513 : i32
    %rem3A_3541 = arith.remsi %add3A_3512, %select_n3A_3540 : i32
    %ne3A_3542 = arith.constant 0 : i32
    %ne3A_3543 = arith.cmpi ne, %rem3A_3541, %ne3A_3542 : i32
    %lt3A_3544 = arith.constant 0 : i32
    %lt3A_3545 = arith.cmpi slt, %rem3A_3541, %lt3A_3544 : i32
    %lt3A_3546 = arith.constant 0 : i32
    %lt3A_3547 = arith.cmpi slt, %select_n3A_3540, %lt3A_3546 : i32
    %ne3A_3548 = arith.xori %lt3A_3545, %lt3A_3547 : i1
    %and3A_3549 = arith.andi %ne3A_3548, %ne3A_3543 : i1
    %add3A_3550 = arith.addi %rem3A_3541, %select_n3A_3540 : i32
    %select_n3A_3551 = arith.select %and3A_3549, %add3A_3550, %rem3A_3541 : i32
    %jit3A_3552 = arith.constant 32 : i32
    %div3A_3553 = arith.divsi %select_n3A_3536, %jit3A_3552 : i32
    %sign3A_3554 = arith.constant 0 : i32
    %sign3A_3555 = arith.cmpi sgt, %select_n3A_3536, %sign3A_3554 : i32
    %sign3A_3556 = arith.extui %sign3A_3555 : i1 to i32
    %sign3A_3557 = arith.constant 0 : i32
    %sign3A_3558 = arith.cmpi slt, %select_n3A_3536, %sign3A_3557 : i32
    %sign3A_3559 = arith.extui %sign3A_3558 : i1 to i32
    %sign3A_3560 = arith.subi %sign3A_3556, %sign3A_3559 : i32
    %sign3A_3561 = arith.constant 0 : i32
    %sign3A_3562 = arith.cmpi sgt, %jit3A_3552, %sign3A_3561 : i32
    %sign3A_3563 = arith.extui %sign3A_3562 : i1 to i32
    %sign3A_3564 = arith.constant 0 : i32
    %sign3A_3565 = arith.cmpi slt, %jit3A_3552, %sign3A_3564 : i32
    %sign3A_3566 = arith.extui %sign3A_3565 : i1 to i32
    %sign3A_3567 = arith.subi %sign3A_3563, %sign3A_3566 : i32
    %ne3A_3568 = arith.cmpi ne, %sign3A_3560, %sign3A_3567 : i32
    %rem3A_3569 = arith.remsi %select_n3A_3536, %jit3A_3552 : i32
    %ne3A_3570 = arith.constant 0 : i32
    %ne3A_3571 = arith.cmpi ne, %rem3A_3569, %ne3A_3570 : i32
    %and3A_3572 = arith.andi %ne3A_3568, %ne3A_3571 : i1
    %sub3A_3573 = arith.constant 1 : i32
    %sub3A_3574 = arith.subi %div3A_3553, %sub3A_3573 : i32
    %select_n3A_3575 = arith.select %and3A_3572, %sub3A_3574, %div3A_3553 : i32
    %eq3A_3576 = arith.constant 0 : i32
    %eq3A_3577 = arith.cmpi eq, %jit3A_3552, %eq3A_3576 : i32
    %jit3A_3578 = arith.constant 1 : i32
    %select_n3A_3579 = arith.select %eq3A_3577, %jit3A_3578, %jit3A_3552 : i32
    %rem3A_3580 = arith.remsi %select_n3A_3536, %select_n3A_3579 : i32
    %ne3A_3581 = arith.constant 0 : i32
    %ne3A_3582 = arith.cmpi ne, %rem3A_3580, %ne3A_3581 : i32
    %lt3A_3583 = arith.constant 0 : i32
    %lt3A_3584 = arith.cmpi slt, %rem3A_3580, %lt3A_3583 : i32
    %lt3A_3585 = arith.constant 0 : i32
    %lt3A_3586 = arith.cmpi slt, %select_n3A_3579, %lt3A_3585 : i32
    %ne3A_3587 = arith.xori %lt3A_3584, %lt3A_3586 : i1
    %and3A_3588 = arith.andi %ne3A_3587, %ne3A_3582 : i1
    %add3A_3589 = arith.addi %rem3A_3580, %select_n3A_3579 : i32
    %select_n3A_3590 = arith.select %and3A_3588, %add3A_3589, %rem3A_3580 : i32
    %dma_start3A_3591 = arith.constant 0 : i32
    %dma_start3A_3592 = arith.constant 0 : i32
    %dma_start3A_3593 = tpu.memref_slice %arg3[%select_n3A_3575, %select_n3A_3590, %select_n3A_3551, %dma_start3A_3591, %dma_start3A_3592] : memref<8x32x3x224x224xf32, #tpu.memory_space<hbm>> -> memref<1x1x1x224x224xf32, #tpu.memory_space<hbm>>
    %dma_start3A_3594 = tpu.memref_squeeze %dma_start3A_3593 : memref<1x1x1x224x224xf32, #tpu.memory_space<hbm>> -> memref<224x224xf32, #tpu.memory_space<hbm>>
    %dma_start3A_3595 = arith.constant 0 : i32
    %dma_start3A_3596 = arith.constant 0 : i32
    %dma_start3A_3597 = tpu.memref_slice %arg3[%select_n3A_3575, %select_n3A_3590, %select_n3A_3551, %dma_start3A_3595, %dma_start3A_3596] : memref<8x32x3x224x224xf32, #tpu.memory_space<hbm>> -> memref<1x1x1x224x224xf32, #tpu.memory_space<hbm>>
    %dma_start3A_3598 = tpu.memref_squeeze %dma_start3A_3597 : memref<1x1x1x224x224xf32, #tpu.memory_space<hbm>> -> memref<224x224xf32, #tpu.memory_space<hbm>>
    tpu.enqueue_dma source(%arg5 : memref<224x224xf32, #tpu.memory_space<vmem>>) target(%dma_start3A_3598 : memref<224x224xf32, #tpu.memory_space<hbm>>) target_semaphore(%arg9 : memref<!tpu.dma_semaphore, #tpu.memory_space<semaphore_mem>>)
    %dma_wait3A_3599 = arith.constant 0 : i32
    %dma_wait3A_3600 = arith.constant 0 : i32
    %dma_wait3A_3601 = tpu.memref_slice %arg3[%select_n3A_3575, %select_n3A_3590, %select_n3A_3551, %dma_wait3A_3599, %dma_wait3A_3600] : memref<8x32x3x224x224xf32, #tpu.memory_space<hbm>> -> memref<1x1x1x224x224xf32, #tpu.memory_space<hbm>>
    %dma_wait3A_3602 = tpu.memref_squeeze %dma_wait3A_3601 : memref<1x1x1x224x224xf32, #tpu.memory_space<hbm>> -> memref<224x224xf32, #tpu.memory_space<hbm>>
    %dma_wait3A_3603 = arith.constant 0 : i32
    %dma_wait3A_3604 = arith.constant 0 : i32
    %dma_wait3A_3605 = tpu.memref_slice %arg3[%select_n3A_3575, %select_n3A_3590, %select_n3A_3551, %dma_wait3A_3603, %dma_wait3A_3604] : memref<8x32x3x224x224xf32, #tpu.memory_space<hbm>> -> memref<1x1x1x224x224xf32, #tpu.memory_space<hbm>>
    %dma_wait3A_3606 = tpu.memref_squeeze %dma_wait3A_3605 : memref<1x1x1x224x224xf32, #tpu.memory_space<hbm>> -> memref<224x224xf32, #tpu.memory_space<hbm>>
    tpu.wait_dma2 semaphore(%arg9 : memref<!tpu.dma_semaphore, #tpu.memory_space<semaphore_mem>>) src(%arg5 : memref<224x224xf32, #tpu.memory_space<vmem>>) dst(%dma_wait3A_3606 : memref<224x224xf32, #tpu.memory_space<hbm>>)
    %mul3A_3607 = arith.constant 24 : i32
    %mul3A_3608 = arith.muli %add3A, %mul3A_3607 : i32
    %add3A_3609 = arith.constant 19 : i32
    %add3A_3610 = arith.addi %mul3A_3608, %add3A_3609 : i32
    %jit3A_3611 = arith.constant 3 : i32
    %div3A_3612 = arith.divsi %add3A_3610, %jit3A_3611 : i32
    %sign3A_3613 = arith.constant 0 : i32
    %sign3A_3614 = arith.cmpi sgt, %add3A_3610, %sign3A_3613 : i32
    %sign3A_3615 = arith.extui %sign3A_3614 : i1 to i32
    %sign3A_3616 = arith.constant 0 : i32
    %sign3A_3617 = arith.cmpi slt, %add3A_3610, %sign3A_3616 : i32
    %sign3A_3618 = arith.extui %sign3A_3617 : i1 to i32
    %sign3A_3619 = arith.subi %sign3A_3615, %sign3A_3618 : i32
    %sign3A_3620 = arith.constant 0 : i32
    %sign3A_3621 = arith.cmpi sgt, %jit3A_3611, %sign3A_3620 : i32
    %sign3A_3622 = arith.extui %sign3A_3621 : i1 to i32
    %sign3A_3623 = arith.constant 0 : i32
    %sign3A_3624 = arith.cmpi slt, %jit3A_3611, %sign3A_3623 : i32
    %sign3A_3625 = arith.extui %sign3A_3624 : i1 to i32
    %sign3A_3626 = arith.subi %sign3A_3622, %sign3A_3625 : i32
    %ne3A_3627 = arith.cmpi ne, %sign3A_3619, %sign3A_3626 : i32
    %rem3A_3628 = arith.remsi %add3A_3610, %jit3A_3611 : i32
    %ne3A_3629 = arith.constant 0 : i32
    %ne3A_3630 = arith.cmpi ne, %rem3A_3628, %ne3A_3629 : i32
    %and3A_3631 = arith.andi %ne3A_3627, %ne3A_3630 : i1
    %sub3A_3632 = arith.constant 1 : i32
    %sub3A_3633 = arith.subi %div3A_3612, %sub3A_3632 : i32
    %select_n3A_3634 = arith.select %and3A_3631, %sub3A_3633, %div3A_3612 : i32
    %eq3A_3635 = arith.constant 0 : i32
    %eq3A_3636 = arith.cmpi eq, %jit3A_3611, %eq3A_3635 : i32
    %jit3A_3637 = arith.constant 1 : i32
    %select_n3A_3638 = arith.select %eq3A_3636, %jit3A_3637, %jit3A_3611 : i32
    %rem3A_3639 = arith.remsi %add3A_3610, %select_n3A_3638 : i32
    %ne3A_3640 = arith.constant 0 : i32
    %ne3A_3641 = arith.cmpi ne, %rem3A_3639, %ne3A_3640 : i32
    %lt3A_3642 = arith.constant 0 : i32
    %lt3A_3643 = arith.cmpi slt, %rem3A_3639, %lt3A_3642 : i32
    %lt3A_3644 = arith.constant 0 : i32
    %lt3A_3645 = arith.cmpi slt, %select_n3A_3638, %lt3A_3644 : i32
    %ne3A_3646 = arith.xori %lt3A_3643, %lt3A_3645 : i1
    %and3A_3647 = arith.andi %ne3A_3646, %ne3A_3641 : i1
    %add3A_3648 = arith.addi %rem3A_3639, %select_n3A_3638 : i32
    %select_n3A_3649 = arith.select %and3A_3647, %add3A_3648, %rem3A_3639 : i32
    %jit3A_3650 = arith.constant 32 : i32
    %div3A_3651 = arith.divsi %select_n3A_3634, %jit3A_3650 : i32
    %sign3A_3652 = arith.constant 0 : i32
    %sign3A_3653 = arith.cmpi sgt, %select_n3A_3634, %sign3A_3652 : i32
    %sign3A_3654 = arith.extui %sign3A_3653 : i1 to i32
    %sign3A_3655 = arith.constant 0 : i32
    %sign3A_3656 = arith.cmpi slt, %select_n3A_3634, %sign3A_3655 : i32
    %sign3A_3657 = arith.extui %sign3A_3656 : i1 to i32
    %sign3A_3658 = arith.subi %sign3A_3654, %sign3A_3657 : i32
    %sign3A_3659 = arith.constant 0 : i32
    %sign3A_3660 = arith.cmpi sgt, %jit3A_3650, %sign3A_3659 : i32
    %sign3A_3661 = arith.extui %sign3A_3660 : i1 to i32
    %sign3A_3662 = arith.constant 0 : i32
    %sign3A_3663 = arith.cmpi slt, %jit3A_3650, %sign3A_3662 : i32
    %sign3A_3664 = arith.extui %sign3A_3663 : i1 to i32
    %sign3A_3665 = arith.subi %sign3A_3661, %sign3A_3664 : i32
    %ne3A_3666 = arith.cmpi ne, %sign3A_3658, %sign3A_3665 : i32
    %rem3A_3667 = arith.remsi %select_n3A_3634, %jit3A_3650 : i32
    %ne3A_3668 = arith.constant 0 : i32
    %ne3A_3669 = arith.cmpi ne, %rem3A_3667, %ne3A_3668 : i32
    %and3A_3670 = arith.andi %ne3A_3666, %ne3A_3669 : i1
    %sub3A_3671 = arith.constant 1 : i32
    %sub3A_3672 = arith.subi %div3A_3651, %sub3A_3671 : i32
    %select_n3A_3673 = arith.select %and3A_3670, %sub3A_3672, %div3A_3651 : i32
    %eq3A_3674 = arith.constant 0 : i32
    %eq3A_3675 = arith.cmpi eq, %jit3A_3650, %eq3A_3674 : i32
    %jit3A_3676 = arith.constant 1 : i32
    %select_n3A_3677 = arith.select %eq3A_3675, %jit3A_3676, %jit3A_3650 : i32
    %rem3A_3678 = arith.remsi %select_n3A_3634, %select_n3A_3677 : i32
    %ne3A_3679 = arith.constant 0 : i32
    %ne3A_3680 = arith.cmpi ne, %rem3A_3678, %ne3A_3679 : i32
    %lt3A_3681 = arith.constant 0 : i32
    %lt3A_3682 = arith.cmpi slt, %rem3A_3678, %lt3A_3681 : i32
    %lt3A_3683 = arith.constant 0 : i32
    %lt3A_3684 = arith.cmpi slt, %select_n3A_3677, %lt3A_3683 : i32
    %ne3A_3685 = arith.xori %lt3A_3682, %lt3A_3684 : i1
    %and3A_3686 = arith.andi %ne3A_3685, %ne3A_3680 : i1
    %add3A_3687 = arith.addi %rem3A_3678, %select_n3A_3677 : i32
    %select_n3A_3688 = arith.select %and3A_3686, %add3A_3687, %rem3A_3678 : i32
    %dma_start3A_3689 = arith.constant 0 : i32
    %dma_start3A_3690 = arith.constant 0 : i32
    %dma_start3A_3691 = tpu.memref_slice %arg2[%select_n3A_3673, %select_n3A_3688, %select_n3A_3649, %dma_start3A_3689, %dma_start3A_3690] : memref<8x32x3x224x224xf32, #tpu.memory_space<hbm>> -> memref<1x1x1x224x224xf32, #tpu.memory_space<hbm>>
    %dma_start3A_3692 = tpu.memref_squeeze %dma_start3A_3691 : memref<1x1x1x224x224xf32, #tpu.memory_space<hbm>> -> memref<224x224xf32, #tpu.memory_space<hbm>>
    %dma_start3A_3693 = arith.constant 0 : i32
    %dma_start3A_3694 = arith.constant 0 : i32
    %dma_start3A_3695 = tpu.memref_slice %arg2[%select_n3A_3673, %select_n3A_3688, %select_n3A_3649, %dma_start3A_3693, %dma_start3A_3694] : memref<8x32x3x224x224xf32, #tpu.memory_space<hbm>> -> memref<1x1x1x224x224xf32, #tpu.memory_space<hbm>>
    %dma_start3A_3696 = tpu.memref_squeeze %dma_start3A_3695 : memref<1x1x1x224x224xf32, #tpu.memory_space<hbm>> -> memref<224x224xf32, #tpu.memory_space<hbm>>
    tpu.enqueue_dma source(%dma_start3A_3696 : memref<224x224xf32, #tpu.memory_space<hbm>>) target(%arg5 : memref<224x224xf32, #tpu.memory_space<vmem>>) target_semaphore(%arg7 : memref<!tpu.dma_semaphore, #tpu.memory_space<semaphore_mem>>)
    %dma_wait3A_3697 = arith.constant 0 : i32
    %dma_wait3A_3698 = arith.constant 0 : i32
    %dma_wait3A_3699 = tpu.memref_slice %arg2[%select_n3A_3477, %select_n3A_3492, %select_n3A_3453, %dma_wait3A_3697, %dma_wait3A_3698] : memref<8x32x3x224x224xf32, #tpu.memory_space<hbm>> -> memref<1x1x1x224x224xf32, #tpu.memory_space<hbm>>
    %dma_wait3A_3700 = tpu.memref_squeeze %dma_wait3A_3699 : memref<1x1x1x224x224xf32, #tpu.memory_space<hbm>> -> memref<224x224xf32, #tpu.memory_space<hbm>>
    %dma_wait3A_3701 = arith.constant 0 : i32
    %dma_wait3A_3702 = arith.constant 0 : i32
    %dma_wait3A_3703 = tpu.memref_slice %arg2[%select_n3A_3477, %select_n3A_3492, %select_n3A_3453, %dma_wait3A_3701, %dma_wait3A_3702] : memref<8x32x3x224x224xf32, #tpu.memory_space<hbm>> -> memref<1x1x1x224x224xf32, #tpu.memory_space<hbm>>
    %dma_wait3A_3704 = tpu.memref_squeeze %dma_wait3A_3703 : memref<1x1x1x224x224xf32, #tpu.memory_space<hbm>> -> memref<224x224xf32, #tpu.memory_space<hbm>>
    tpu.wait_dma2 semaphore(%arg6 : memref<!tpu.dma_semaphore, #tpu.memory_space<semaphore_mem>>) src(%dma_wait3A_3704 : memref<224x224xf32, #tpu.memory_space<hbm>>) dst(%arg4 : memref<224x224xf32, #tpu.memory_space<vmem>>)
    %mul3A_3705 = arith.constant 24 : i32
    %mul3A_3706 = arith.muli %add3A, %mul3A_3705 : i32
    %add3A_3707 = arith.constant 18 : i32
    %add3A_3708 = arith.addi %mul3A_3706, %add3A_3707 : i32
    %jit3A_3709 = arith.constant 3 : i32
    %div3A_3710 = arith.divsi %add3A_3708, %jit3A_3709 : i32
    %sign3A_3711 = arith.constant 0 : i32
    %sign3A_3712 = arith.cmpi sgt, %add3A_3708, %sign3A_3711 : i32
    %sign3A_3713 = arith.extui %sign3A_3712 : i1 to i32
    %sign3A_3714 = arith.constant 0 : i32
    %sign3A_3715 = arith.cmpi slt, %add3A_3708, %sign3A_3714 : i32
    %sign3A_3716 = arith.extui %sign3A_3715 : i1 to i32
    %sign3A_3717 = arith.subi %sign3A_3713, %sign3A_3716 : i32
    %sign3A_3718 = arith.constant 0 : i32
    %sign3A_3719 = arith.cmpi sgt, %jit3A_3709, %sign3A_3718 : i32
    %sign3A_3720 = arith.extui %sign3A_3719 : i1 to i32
    %sign3A_3721 = arith.constant 0 : i32
    %sign3A_3722 = arith.cmpi slt, %jit3A_3709, %sign3A_3721 : i32
    %sign3A_3723 = arith.extui %sign3A_3722 : i1 to i32
    %sign3A_3724 = arith.subi %sign3A_3720, %sign3A_3723 : i32
    %ne3A_3725 = arith.cmpi ne, %sign3A_3717, %sign3A_3724 : i32
    %rem3A_3726 = arith.remsi %add3A_3708, %jit3A_3709 : i32
    %ne3A_3727 = arith.constant 0 : i32
    %ne3A_3728 = arith.cmpi ne, %rem3A_3726, %ne3A_3727 : i32
    %and3A_3729 = arith.andi %ne3A_3725, %ne3A_3728 : i1
    %sub3A_3730 = arith.constant 1 : i32
    %sub3A_3731 = arith.subi %div3A_3710, %sub3A_3730 : i32
    %select_n3A_3732 = arith.select %and3A_3729, %sub3A_3731, %div3A_3710 : i32
    %eq3A_3733 = arith.constant 0 : i32
    %eq3A_3734 = arith.cmpi eq, %jit3A_3709, %eq3A_3733 : i32
    %jit3A_3735 = arith.constant 1 : i32
    %select_n3A_3736 = arith.select %eq3A_3734, %jit3A_3735, %jit3A_3709 : i32
    %rem3A_3737 = arith.remsi %add3A_3708, %select_n3A_3736 : i32
    %ne3A_3738 = arith.constant 0 : i32
    %ne3A_3739 = arith.cmpi ne, %rem3A_3737, %ne3A_3738 : i32
    %lt3A_3740 = arith.constant 0 : i32
    %lt3A_3741 = arith.cmpi slt, %rem3A_3737, %lt3A_3740 : i32
    %lt3A_3742 = arith.constant 0 : i32
    %lt3A_3743 = arith.cmpi slt, %select_n3A_3736, %lt3A_3742 : i32
    %ne3A_3744 = arith.xori %lt3A_3741, %lt3A_3743 : i1
    %and3A_3745 = arith.andi %ne3A_3744, %ne3A_3739 : i1
    %add3A_3746 = arith.addi %rem3A_3737, %select_n3A_3736 : i32
    %select_n3A_3747 = arith.select %and3A_3745, %add3A_3746, %rem3A_3737 : i32
    %jit3A_3748 = arith.constant 32 : i32
    %div3A_3749 = arith.divsi %select_n3A_3732, %jit3A_3748 : i32
    %sign3A_3750 = arith.constant 0 : i32
    %sign3A_3751 = arith.cmpi sgt, %select_n3A_3732, %sign3A_3750 : i32
    %sign3A_3752 = arith.extui %sign3A_3751 : i1 to i32
    %sign3A_3753 = arith.constant 0 : i32
    %sign3A_3754 = arith.cmpi slt, %select_n3A_3732, %sign3A_3753 : i32
    %sign3A_3755 = arith.extui %sign3A_3754 : i1 to i32
    %sign3A_3756 = arith.subi %sign3A_3752, %sign3A_3755 : i32
    %sign3A_3757 = arith.constant 0 : i32
    %sign3A_3758 = arith.cmpi sgt, %jit3A_3748, %sign3A_3757 : i32
    %sign3A_3759 = arith.extui %sign3A_3758 : i1 to i32
    %sign3A_3760 = arith.constant 0 : i32
    %sign3A_3761 = arith.cmpi slt, %jit3A_3748, %sign3A_3760 : i32
    %sign3A_3762 = arith.extui %sign3A_3761 : i1 to i32
    %sign3A_3763 = arith.subi %sign3A_3759, %sign3A_3762 : i32
    %ne3A_3764 = arith.cmpi ne, %sign3A_3756, %sign3A_3763 : i32
    %rem3A_3765 = arith.remsi %select_n3A_3732, %jit3A_3748 : i32
    %ne3A_3766 = arith.constant 0 : i32
    %ne3A_3767 = arith.cmpi ne, %rem3A_3765, %ne3A_3766 : i32
    %and3A_3768 = arith.andi %ne3A_3764, %ne3A_3767 : i1
    %sub3A_3769 = arith.constant 1 : i32
    %sub3A_3770 = arith.subi %div3A_3749, %sub3A_3769 : i32
    %select_n3A_3771 = arith.select %and3A_3768, %sub3A_3770, %div3A_3749 : i32
    %eq3A_3772 = arith.constant 0 : i32
    %eq3A_3773 = arith.cmpi eq, %jit3A_3748, %eq3A_3772 : i32
    %jit3A_3774 = arith.constant 1 : i32
    %select_n3A_3775 = arith.select %eq3A_3773, %jit3A_3774, %jit3A_3748 : i32
    %rem3A_3776 = arith.remsi %select_n3A_3732, %select_n3A_3775 : i32
    %ne3A_3777 = arith.constant 0 : i32
    %ne3A_3778 = arith.cmpi ne, %rem3A_3776, %ne3A_3777 : i32
    %lt3A_3779 = arith.constant 0 : i32
    %lt3A_3780 = arith.cmpi slt, %rem3A_3776, %lt3A_3779 : i32
    %lt3A_3781 = arith.constant 0 : i32
    %lt3A_3782 = arith.cmpi slt, %select_n3A_3775, %lt3A_3781 : i32
    %ne3A_3783 = arith.xori %lt3A_3780, %lt3A_3782 : i1
    %and3A_3784 = arith.andi %ne3A_3783, %ne3A_3778 : i1
    %add3A_3785 = arith.addi %rem3A_3776, %select_n3A_3775 : i32
    %select_n3A_3786 = arith.select %and3A_3784, %add3A_3785, %rem3A_3776 : i32
    %dma_start3A_3787 = arith.constant 0 : i32
    %dma_start3A_3788 = arith.constant 0 : i32
    %dma_start3A_3789 = tpu.memref_slice %arg3[%select_n3A_3771, %select_n3A_3786, %select_n3A_3747, %dma_start3A_3787, %dma_start3A_3788] : memref<8x32x3x224x224xf32, #tpu.memory_space<hbm>> -> memref<1x1x1x224x224xf32, #tpu.memory_space<hbm>>
    %dma_start3A_3790 = tpu.memref_squeeze %dma_start3A_3789 : memref<1x1x1x224x224xf32, #tpu.memory_space<hbm>> -> memref<224x224xf32, #tpu.memory_space<hbm>>
    %dma_start3A_3791 = arith.constant 0 : i32
    %dma_start3A_3792 = arith.constant 0 : i32
    %dma_start3A_3793 = tpu.memref_slice %arg3[%select_n3A_3771, %select_n3A_3786, %select_n3A_3747, %dma_start3A_3791, %dma_start3A_3792] : memref<8x32x3x224x224xf32, #tpu.memory_space<hbm>> -> memref<1x1x1x224x224xf32, #tpu.memory_space<hbm>>
    %dma_start3A_3794 = tpu.memref_squeeze %dma_start3A_3793 : memref<1x1x1x224x224xf32, #tpu.memory_space<hbm>> -> memref<224x224xf32, #tpu.memory_space<hbm>>
    tpu.enqueue_dma source(%arg4 : memref<224x224xf32, #tpu.memory_space<vmem>>) target(%dma_start3A_3794 : memref<224x224xf32, #tpu.memory_space<hbm>>) target_semaphore(%arg8 : memref<!tpu.dma_semaphore, #tpu.memory_space<semaphore_mem>>)
    %dma_wait3A_3795 = arith.constant 0 : i32
    %dma_wait3A_3796 = arith.constant 0 : i32
    %dma_wait3A_3797 = tpu.memref_slice %arg3[%select_n3A_3771, %select_n3A_3786, %select_n3A_3747, %dma_wait3A_3795, %dma_wait3A_3796] : memref<8x32x3x224x224xf32, #tpu.memory_space<hbm>> -> memref<1x1x1x224x224xf32, #tpu.memory_space<hbm>>
    %dma_wait3A_3798 = tpu.memref_squeeze %dma_wait3A_3797 : memref<1x1x1x224x224xf32, #tpu.memory_space<hbm>> -> memref<224x224xf32, #tpu.memory_space<hbm>>
    %dma_wait3A_3799 = arith.constant 0 : i32
    %dma_wait3A_3800 = arith.constant 0 : i32
    %dma_wait3A_3801 = tpu.memref_slice %arg3[%select_n3A_3771, %select_n3A_3786, %select_n3A_3747, %dma_wait3A_3799, %dma_wait3A_3800] : memref<8x32x3x224x224xf32, #tpu.memory_space<hbm>> -> memref<1x1x1x224x224xf32, #tpu.memory_space<hbm>>
    %dma_wait3A_3802 = tpu.memref_squeeze %dma_wait3A_3801 : memref<1x1x1x224x224xf32, #tpu.memory_space<hbm>> -> memref<224x224xf32, #tpu.memory_space<hbm>>
    tpu.wait_dma2 semaphore(%arg8 : memref<!tpu.dma_semaphore, #tpu.memory_space<semaphore_mem>>) src(%arg4 : memref<224x224xf32, #tpu.memory_space<vmem>>) dst(%dma_wait3A_3802 : memref<224x224xf32, #tpu.memory_space<hbm>>)
    %mul3A_3803 = arith.constant 24 : i32
    %mul3A_3804 = arith.muli %add3A, %mul3A_3803 : i32
    %add3A_3805 = arith.constant 20 : i32
    %add3A_3806 = arith.addi %mul3A_3804, %add3A_3805 : i32
    %jit3A_3807 = arith.constant 3 : i32
    %div3A_3808 = arith.divsi %add3A_3806, %jit3A_3807 : i32
    %sign3A_3809 = arith.constant 0 : i32
    %sign3A_3810 = arith.cmpi sgt, %add3A_3806, %sign3A_3809 : i32
    %sign3A_3811 = arith.extui %sign3A_3810 : i1 to i32
    %sign3A_3812 = arith.constant 0 : i32
    %sign3A_3813 = arith.cmpi slt, %add3A_3806, %sign3A_3812 : i32
    %sign3A_3814 = arith.extui %sign3A_3813 : i1 to i32
    %sign3A_3815 = arith.subi %sign3A_3811, %sign3A_3814 : i32
    %sign3A_3816 = arith.constant 0 : i32
    %sign3A_3817 = arith.cmpi sgt, %jit3A_3807, %sign3A_3816 : i32
    %sign3A_3818 = arith.extui %sign3A_3817 : i1 to i32
    %sign3A_3819 = arith.constant 0 : i32
    %sign3A_3820 = arith.cmpi slt, %jit3A_3807, %sign3A_3819 : i32
    %sign3A_3821 = arith.extui %sign3A_3820 : i1 to i32
    %sign3A_3822 = arith.subi %sign3A_3818, %sign3A_3821 : i32
    %ne3A_3823 = arith.cmpi ne, %sign3A_3815, %sign3A_3822 : i32
    %rem3A_3824 = arith.remsi %add3A_3806, %jit3A_3807 : i32
    %ne3A_3825 = arith.constant 0 : i32
    %ne3A_3826 = arith.cmpi ne, %rem3A_3824, %ne3A_3825 : i32
    %and3A_3827 = arith.andi %ne3A_3823, %ne3A_3826 : i1
    %sub3A_3828 = arith.constant 1 : i32
    %sub3A_3829 = arith.subi %div3A_3808, %sub3A_3828 : i32
    %select_n3A_3830 = arith.select %and3A_3827, %sub3A_3829, %div3A_3808 : i32
    %eq3A_3831 = arith.constant 0 : i32
    %eq3A_3832 = arith.cmpi eq, %jit3A_3807, %eq3A_3831 : i32
    %jit3A_3833 = arith.constant 1 : i32
    %select_n3A_3834 = arith.select %eq3A_3832, %jit3A_3833, %jit3A_3807 : i32
    %rem3A_3835 = arith.remsi %add3A_3806, %select_n3A_3834 : i32
    %ne3A_3836 = arith.constant 0 : i32
    %ne3A_3837 = arith.cmpi ne, %rem3A_3835, %ne3A_3836 : i32
    %lt3A_3838 = arith.constant 0 : i32
    %lt3A_3839 = arith.cmpi slt, %rem3A_3835, %lt3A_3838 : i32
    %lt3A_3840 = arith.constant 0 : i32
    %lt3A_3841 = arith.cmpi slt, %select_n3A_3834, %lt3A_3840 : i32
    %ne3A_3842 = arith.xori %lt3A_3839, %lt3A_3841 : i1
    %and3A_3843 = arith.andi %ne3A_3842, %ne3A_3837 : i1
    %add3A_3844 = arith.addi %rem3A_3835, %select_n3A_3834 : i32
    %select_n3A_3845 = arith.select %and3A_3843, %add3A_3844, %rem3A_3835 : i32
    %jit3A_3846 = arith.constant 32 : i32
    %div3A_3847 = arith.divsi %select_n3A_3830, %jit3A_3846 : i32
    %sign3A_3848 = arith.constant 0 : i32
    %sign3A_3849 = arith.cmpi sgt, %select_n3A_3830, %sign3A_3848 : i32
    %sign3A_3850 = arith.extui %sign3A_3849 : i1 to i32
    %sign3A_3851 = arith.constant 0 : i32
    %sign3A_3852 = arith.cmpi slt, %select_n3A_3830, %sign3A_3851 : i32
    %sign3A_3853 = arith.extui %sign3A_3852 : i1 to i32
    %sign3A_3854 = arith.subi %sign3A_3850, %sign3A_3853 : i32
    %sign3A_3855 = arith.constant 0 : i32
    %sign3A_3856 = arith.cmpi sgt, %jit3A_3846, %sign3A_3855 : i32
    %sign3A_3857 = arith.extui %sign3A_3856 : i1 to i32
    %sign3A_3858 = arith.constant 0 : i32
    %sign3A_3859 = arith.cmpi slt, %jit3A_3846, %sign3A_3858 : i32
    %sign3A_3860 = arith.extui %sign3A_3859 : i1 to i32
    %sign3A_3861 = arith.subi %sign3A_3857, %sign3A_3860 : i32
    %ne3A_3862 = arith.cmpi ne, %sign3A_3854, %sign3A_3861 : i32
    %rem3A_3863 = arith.remsi %select_n3A_3830, %jit3A_3846 : i32
    %ne3A_3864 = arith.constant 0 : i32
    %ne3A_3865 = arith.cmpi ne, %rem3A_3863, %ne3A_3864 : i32
    %and3A_3866 = arith.andi %ne3A_3862, %ne3A_3865 : i1
    %sub3A_3867 = arith.constant 1 : i32
    %sub3A_3868 = arith.subi %div3A_3847, %sub3A_3867 : i32
    %select_n3A_3869 = arith.select %and3A_3866, %sub3A_3868, %div3A_3847 : i32
    %eq3A_3870 = arith.constant 0 : i32
    %eq3A_3871 = arith.cmpi eq, %jit3A_3846, %eq3A_3870 : i32
    %jit3A_3872 = arith.constant 1 : i32
    %select_n3A_3873 = arith.select %eq3A_3871, %jit3A_3872, %jit3A_3846 : i32
    %rem3A_3874 = arith.remsi %select_n3A_3830, %select_n3A_3873 : i32
    %ne3A_3875 = arith.constant 0 : i32
    %ne3A_3876 = arith.cmpi ne, %rem3A_3874, %ne3A_3875 : i32
    %lt3A_3877 = arith.constant 0 : i32
    %lt3A_3878 = arith.cmpi slt, %rem3A_3874, %lt3A_3877 : i32
    %lt3A_3879 = arith.constant 0 : i32
    %lt3A_3880 = arith.cmpi slt, %select_n3A_3873, %lt3A_3879 : i32
    %ne3A_3881 = arith.xori %lt3A_3878, %lt3A_3880 : i1
    %and3A_3882 = arith.andi %ne3A_3881, %ne3A_3876 : i1
    %add3A_3883 = arith.addi %rem3A_3874, %select_n3A_3873 : i32
    %select_n3A_3884 = arith.select %and3A_3882, %add3A_3883, %rem3A_3874 : i32
    %dma_start3A_3885 = arith.constant 0 : i32
    %dma_start3A_3886 = arith.constant 0 : i32
    %dma_start3A_3887 = tpu.memref_slice %arg2[%select_n3A_3869, %select_n3A_3884, %select_n3A_3845, %dma_start3A_3885, %dma_start3A_3886] : memref<8x32x3x224x224xf32, #tpu.memory_space<hbm>> -> memref<1x1x1x224x224xf32, #tpu.memory_space<hbm>>
    %dma_start3A_3888 = tpu.memref_squeeze %dma_start3A_3887 : memref<1x1x1x224x224xf32, #tpu.memory_space<hbm>> -> memref<224x224xf32, #tpu.memory_space<hbm>>
    %dma_start3A_3889 = arith.constant 0 : i32
    %dma_start3A_3890 = arith.constant 0 : i32
    %dma_start3A_3891 = tpu.memref_slice %arg2[%select_n3A_3869, %select_n3A_3884, %select_n3A_3845, %dma_start3A_3889, %dma_start3A_3890] : memref<8x32x3x224x224xf32, #tpu.memory_space<hbm>> -> memref<1x1x1x224x224xf32, #tpu.memory_space<hbm>>
    %dma_start3A_3892 = tpu.memref_squeeze %dma_start3A_3891 : memref<1x1x1x224x224xf32, #tpu.memory_space<hbm>> -> memref<224x224xf32, #tpu.memory_space<hbm>>
    tpu.enqueue_dma source(%dma_start3A_3892 : memref<224x224xf32, #tpu.memory_space<hbm>>) target(%arg4 : memref<224x224xf32, #tpu.memory_space<vmem>>) target_semaphore(%arg6 : memref<!tpu.dma_semaphore, #tpu.memory_space<semaphore_mem>>)
    %dma_wait3A_3893 = arith.constant 0 : i32
    %dma_wait3A_3894 = arith.constant 0 : i32
    %dma_wait3A_3895 = tpu.memref_slice %arg2[%select_n3A_3673, %select_n3A_3688, %select_n3A_3649, %dma_wait3A_3893, %dma_wait3A_3894] : memref<8x32x3x224x224xf32, #tpu.memory_space<hbm>> -> memref<1x1x1x224x224xf32, #tpu.memory_space<hbm>>
    %dma_wait3A_3896 = tpu.memref_squeeze %dma_wait3A_3895 : memref<1x1x1x224x224xf32, #tpu.memory_space<hbm>> -> memref<224x224xf32, #tpu.memory_space<hbm>>
    %dma_wait3A_3897 = arith.constant 0 : i32
    %dma_wait3A_3898 = arith.constant 0 : i32
    %dma_wait3A_3899 = tpu.memref_slice %arg2[%select_n3A_3673, %select_n3A_3688, %select_n3A_3649, %dma_wait3A_3897, %dma_wait3A_3898] : memref<8x32x3x224x224xf32, #tpu.memory_space<hbm>> -> memref<1x1x1x224x224xf32, #tpu.memory_space<hbm>>
    %dma_wait3A_3900 = tpu.memref_squeeze %dma_wait3A_3899 : memref<1x1x1x224x224xf32, #tpu.memory_space<hbm>> -> memref<224x224xf32, #tpu.memory_space<hbm>>
    tpu.wait_dma2 semaphore(%arg7 : memref<!tpu.dma_semaphore, #tpu.memory_space<semaphore_mem>>) src(%dma_wait3A_3900 : memref<224x224xf32, #tpu.memory_space<hbm>>) dst(%arg5 : memref<224x224xf32, #tpu.memory_space<vmem>>)
    %mul3A_3901 = arith.constant 24 : i32
    %mul3A_3902 = arith.muli %add3A, %mul3A_3901 : i32
    %add3A_3903 = arith.constant 19 : i32
    %add3A_3904 = arith.addi %mul3A_3902, %add3A_3903 : i32
    %jit3A_3905 = arith.constant 3 : i32
    %div3A_3906 = arith.divsi %add3A_3904, %jit3A_3905 : i32
    %sign3A_3907 = arith.constant 0 : i32
    %sign3A_3908 = arith.cmpi sgt, %add3A_3904, %sign3A_3907 : i32
    %sign3A_3909 = arith.extui %sign3A_3908 : i1 to i32
    %sign3A_3910 = arith.constant 0 : i32
    %sign3A_3911 = arith.cmpi slt, %add3A_3904, %sign3A_3910 : i32
    %sign3A_3912 = arith.extui %sign3A_3911 : i1 to i32
    %sign3A_3913 = arith.subi %sign3A_3909, %sign3A_3912 : i32
    %sign3A_3914 = arith.constant 0 : i32
    %sign3A_3915 = arith.cmpi sgt, %jit3A_3905, %sign3A_3914 : i32
    %sign3A_3916 = arith.extui %sign3A_3915 : i1 to i32
    %sign3A_3917 = arith.constant 0 : i32
    %sign3A_3918 = arith.cmpi slt, %jit3A_3905, %sign3A_3917 : i32
    %sign3A_3919 = arith.extui %sign3A_3918 : i1 to i32
    %sign3A_3920 = arith.subi %sign3A_3916, %sign3A_3919 : i32
    %ne3A_3921 = arith.cmpi ne, %sign3A_3913, %sign3A_3920 : i32
    %rem3A_3922 = arith.remsi %add3A_3904, %jit3A_3905 : i32
    %ne3A_3923 = arith.constant 0 : i32
    %ne3A_3924 = arith.cmpi ne, %rem3A_3922, %ne3A_3923 : i32
    %and3A_3925 = arith.andi %ne3A_3921, %ne3A_3924 : i1
    %sub3A_3926 = arith.constant 1 : i32
    %sub3A_3927 = arith.subi %div3A_3906, %sub3A_3926 : i32
    %select_n3A_3928 = arith.select %and3A_3925, %sub3A_3927, %div3A_3906 : i32
    %eq3A_3929 = arith.constant 0 : i32
    %eq3A_3930 = arith.cmpi eq, %jit3A_3905, %eq3A_3929 : i32
    %jit3A_3931 = arith.constant 1 : i32
    %select_n3A_3932 = arith.select %eq3A_3930, %jit3A_3931, %jit3A_3905 : i32
    %rem3A_3933 = arith.remsi %add3A_3904, %select_n3A_3932 : i32
    %ne3A_3934 = arith.constant 0 : i32
    %ne3A_3935 = arith.cmpi ne, %rem3A_3933, %ne3A_3934 : i32
    %lt3A_3936 = arith.constant 0 : i32
    %lt3A_3937 = arith.cmpi slt, %rem3A_3933, %lt3A_3936 : i32
    %lt3A_3938 = arith.constant 0 : i32
    %lt3A_3939 = arith.cmpi slt, %select_n3A_3932, %lt3A_3938 : i32
    %ne3A_3940 = arith.xori %lt3A_3937, %lt3A_3939 : i1
    %and3A_3941 = arith.andi %ne3A_3940, %ne3A_3935 : i1
    %add3A_3942 = arith.addi %rem3A_3933, %select_n3A_3932 : i32
    %select_n3A_3943 = arith.select %and3A_3941, %add3A_3942, %rem3A_3933 : i32
    %jit3A_3944 = arith.constant 32 : i32
    %div3A_3945 = arith.divsi %select_n3A_3928, %jit3A_3944 : i32
    %sign3A_3946 = arith.constant 0 : i32
    %sign3A_3947 = arith.cmpi sgt, %select_n3A_3928, %sign3A_3946 : i32
    %sign3A_3948 = arith.extui %sign3A_3947 : i1 to i32
    %sign3A_3949 = arith.constant 0 : i32
    %sign3A_3950 = arith.cmpi slt, %select_n3A_3928, %sign3A_3949 : i32
    %sign3A_3951 = arith.extui %sign3A_3950 : i1 to i32
    %sign3A_3952 = arith.subi %sign3A_3948, %sign3A_3951 : i32
    %sign3A_3953 = arith.constant 0 : i32
    %sign3A_3954 = arith.cmpi sgt, %jit3A_3944, %sign3A_3953 : i32
    %sign3A_3955 = arith.extui %sign3A_3954 : i1 to i32
    %sign3A_3956 = arith.constant 0 : i32
    %sign3A_3957 = arith.cmpi slt, %jit3A_3944, %sign3A_3956 : i32
    %sign3A_3958 = arith.extui %sign3A_3957 : i1 to i32
    %sign3A_3959 = arith.subi %sign3A_3955, %sign3A_3958 : i32
    %ne3A_3960 = arith.cmpi ne, %sign3A_3952, %sign3A_3959 : i32
    %rem3A_3961 = arith.remsi %select_n3A_3928, %jit3A_3944 : i32
    %ne3A_3962 = arith.constant 0 : i32
    %ne3A_3963 = arith.cmpi ne, %rem3A_3961, %ne3A_3962 : i32
    %and3A_3964 = arith.andi %ne3A_3960, %ne3A_3963 : i1
    %sub3A_3965 = arith.constant 1 : i32
    %sub3A_3966 = arith.subi %div3A_3945, %sub3A_3965 : i32
    %select_n3A_3967 = arith.select %and3A_3964, %sub3A_3966, %div3A_3945 : i32
    %eq3A_3968 = arith.constant 0 : i32
    %eq3A_3969 = arith.cmpi eq, %jit3A_3944, %eq3A_3968 : i32
    %jit3A_3970 = arith.constant 1 : i32
    %select_n3A_3971 = arith.select %eq3A_3969, %jit3A_3970, %jit3A_3944 : i32
    %rem3A_3972 = arith.remsi %select_n3A_3928, %select_n3A_3971 : i32
    %ne3A_3973 = arith.constant 0 : i32
    %ne3A_3974 = arith.cmpi ne, %rem3A_3972, %ne3A_3973 : i32
    %lt3A_3975 = arith.constant 0 : i32
    %lt3A_3976 = arith.cmpi slt, %rem3A_3972, %lt3A_3975 : i32
    %lt3A_3977 = arith.constant 0 : i32
    %lt3A_3978 = arith.cmpi slt, %select_n3A_3971, %lt3A_3977 : i32
    %ne3A_3979 = arith.xori %lt3A_3976, %lt3A_3978 : i1
    %and3A_3980 = arith.andi %ne3A_3979, %ne3A_3974 : i1
    %add3A_3981 = arith.addi %rem3A_3972, %select_n3A_3971 : i32
    %select_n3A_3982 = arith.select %and3A_3980, %add3A_3981, %rem3A_3972 : i32
    %dma_start3A_3983 = arith.constant 0 : i32
    %dma_start3A_3984 = arith.constant 0 : i32
    %dma_start3A_3985 = tpu.memref_slice %arg3[%select_n3A_3967, %select_n3A_3982, %select_n3A_3943, %dma_start3A_3983, %dma_start3A_3984] : memref<8x32x3x224x224xf32, #tpu.memory_space<hbm>> -> memref<1x1x1x224x224xf32, #tpu.memory_space<hbm>>
    %dma_start3A_3986 = tpu.memref_squeeze %dma_start3A_3985 : memref<1x1x1x224x224xf32, #tpu.memory_space<hbm>> -> memref<224x224xf32, #tpu.memory_space<hbm>>
    %dma_start3A_3987 = arith.constant 0 : i32
    %dma_start3A_3988 = arith.constant 0 : i32
    %dma_start3A_3989 = tpu.memref_slice %arg3[%select_n3A_3967, %select_n3A_3982, %select_n3A_3943, %dma_start3A_3987, %dma_start3A_3988] : memref<8x32x3x224x224xf32, #tpu.memory_space<hbm>> -> memref<1x1x1x224x224xf32, #tpu.memory_space<hbm>>
    %dma_start3A_3990 = tpu.memref_squeeze %dma_start3A_3989 : memref<1x1x1x224x224xf32, #tpu.memory_space<hbm>> -> memref<224x224xf32, #tpu.memory_space<hbm>>
    tpu.enqueue_dma source(%arg5 : memref<224x224xf32, #tpu.memory_space<vmem>>) target(%dma_start3A_3990 : memref<224x224xf32, #tpu.memory_space<hbm>>) target_semaphore(%arg9 : memref<!tpu.dma_semaphore, #tpu.memory_space<semaphore_mem>>)
    %dma_wait3A_3991 = arith.constant 0 : i32
    %dma_wait3A_3992 = arith.constant 0 : i32
    %dma_wait3A_3993 = tpu.memref_slice %arg3[%select_n3A_3967, %select_n3A_3982, %select_n3A_3943, %dma_wait3A_3991, %dma_wait3A_3992] : memref<8x32x3x224x224xf32, #tpu.memory_space<hbm>> -> memref<1x1x1x224x224xf32, #tpu.memory_space<hbm>>
    %dma_wait3A_3994 = tpu.memref_squeeze %dma_wait3A_3993 : memref<1x1x1x224x224xf32, #tpu.memory_space<hbm>> -> memref<224x224xf32, #tpu.memory_space<hbm>>
    %dma_wait3A_3995 = arith.constant 0 : i32
    %dma_wait3A_3996 = arith.constant 0 : i32
    %dma_wait3A_3997 = tpu.memref_slice %arg3[%select_n3A_3967, %select_n3A_3982, %select_n3A_3943, %dma_wait3A_3995, %dma_wait3A_3996] : memref<8x32x3x224x224xf32, #tpu.memory_space<hbm>> -> memref<1x1x1x224x224xf32, #tpu.memory_space<hbm>>
    %dma_wait3A_3998 = tpu.memref_squeeze %dma_wait3A_3997 : memref<1x1x1x224x224xf32, #tpu.memory_space<hbm>> -> memref<224x224xf32, #tpu.memory_space<hbm>>
    tpu.wait_dma2 semaphore(%arg9 : memref<!tpu.dma_semaphore, #tpu.memory_space<semaphore_mem>>) src(%arg5 : memref<224x224xf32, #tpu.memory_space<vmem>>) dst(%dma_wait3A_3998 : memref<224x224xf32, #tpu.memory_space<hbm>>)
    %mul3A_3999 = arith.constant 24 : i32
    %mul3A_4000 = arith.muli %add3A, %mul3A_3999 : i32
    %add3A_4001 = arith.constant 21 : i32
    %add3A_4002 = arith.addi %mul3A_4000, %add3A_4001 : i32
    %jit3A_4003 = arith.constant 3 : i32
    %div3A_4004 = arith.divsi %add3A_4002, %jit3A_4003 : i32
    %sign3A_4005 = arith.constant 0 : i32
    %sign3A_4006 = arith.cmpi sgt, %add3A_4002, %sign3A_4005 : i32
    %sign3A_4007 = arith.extui %sign3A_4006 : i1 to i32
    %sign3A_4008 = arith.constant 0 : i32
    %sign3A_4009 = arith.cmpi slt, %add3A_4002, %sign3A_4008 : i32
    %sign3A_4010 = arith.extui %sign3A_4009 : i1 to i32
    %sign3A_4011 = arith.subi %sign3A_4007, %sign3A_4010 : i32
    %sign3A_4012 = arith.constant 0 : i32
    %sign3A_4013 = arith.cmpi sgt, %jit3A_4003, %sign3A_4012 : i32
    %sign3A_4014 = arith.extui %sign3A_4013 : i1 to i32
    %sign3A_4015 = arith.constant 0 : i32
    %sign3A_4016 = arith.cmpi slt, %jit3A_4003, %sign3A_4015 : i32
    %sign3A_4017 = arith.extui %sign3A_4016 : i1 to i32
    %sign3A_4018 = arith.subi %sign3A_4014, %sign3A_4017 : i32
    %ne3A_4019 = arith.cmpi ne, %sign3A_4011, %sign3A_4018 : i32
    %rem3A_4020 = arith.remsi %add3A_4002, %jit3A_4003 : i32
    %ne3A_4021 = arith.constant 0 : i32
    %ne3A_4022 = arith.cmpi ne, %rem3A_4020, %ne3A_4021 : i32
    %and3A_4023 = arith.andi %ne3A_4019, %ne3A_4022 : i1
    %sub3A_4024 = arith.constant 1 : i32
    %sub3A_4025 = arith.subi %div3A_4004, %sub3A_4024 : i32
    %select_n3A_4026 = arith.select %and3A_4023, %sub3A_4025, %div3A_4004 : i32
    %eq3A_4027 = arith.constant 0 : i32
    %eq3A_4028 = arith.cmpi eq, %jit3A_4003, %eq3A_4027 : i32
    %jit3A_4029 = arith.constant 1 : i32
    %select_n3A_4030 = arith.select %eq3A_4028, %jit3A_4029, %jit3A_4003 : i32
    %rem3A_4031 = arith.remsi %add3A_4002, %select_n3A_4030 : i32
    %ne3A_4032 = arith.constant 0 : i32
    %ne3A_4033 = arith.cmpi ne, %rem3A_4031, %ne3A_4032 : i32
    %lt3A_4034 = arith.constant 0 : i32
    %lt3A_4035 = arith.cmpi slt, %rem3A_4031, %lt3A_4034 : i32
    %lt3A_4036 = arith.constant 0 : i32
    %lt3A_4037 = arith.cmpi slt, %select_n3A_4030, %lt3A_4036 : i32
    %ne3A_4038 = arith.xori %lt3A_4035, %lt3A_4037 : i1
    %and3A_4039 = arith.andi %ne3A_4038, %ne3A_4033 : i1
    %add3A_4040 = arith.addi %rem3A_4031, %select_n3A_4030 : i32
    %select_n3A_4041 = arith.select %and3A_4039, %add3A_4040, %rem3A_4031 : i32
    %jit3A_4042 = arith.constant 32 : i32
    %div3A_4043 = arith.divsi %select_n3A_4026, %jit3A_4042 : i32
    %sign3A_4044 = arith.constant 0 : i32
    %sign3A_4045 = arith.cmpi sgt, %select_n3A_4026, %sign3A_4044 : i32
    %sign3A_4046 = arith.extui %sign3A_4045 : i1 to i32
    %sign3A_4047 = arith.constant 0 : i32
    %sign3A_4048 = arith.cmpi slt, %select_n3A_4026, %sign3A_4047 : i32
    %sign3A_4049 = arith.extui %sign3A_4048 : i1 to i32
    %sign3A_4050 = arith.subi %sign3A_4046, %sign3A_4049 : i32
    %sign3A_4051 = arith.constant 0 : i32
    %sign3A_4052 = arith.cmpi sgt, %jit3A_4042, %sign3A_4051 : i32
    %sign3A_4053 = arith.extui %sign3A_4052 : i1 to i32
    %sign3A_4054 = arith.constant 0 : i32
    %sign3A_4055 = arith.cmpi slt, %jit3A_4042, %sign3A_4054 : i32
    %sign3A_4056 = arith.extui %sign3A_4055 : i1 to i32
    %sign3A_4057 = arith.subi %sign3A_4053, %sign3A_4056 : i32
    %ne3A_4058 = arith.cmpi ne, %sign3A_4050, %sign3A_4057 : i32
    %rem3A_4059 = arith.remsi %select_n3A_4026, %jit3A_4042 : i32
    %ne3A_4060 = arith.constant 0 : i32
    %ne3A_4061 = arith.cmpi ne, %rem3A_4059, %ne3A_4060 : i32
    %and3A_4062 = arith.andi %ne3A_4058, %ne3A_4061 : i1
    %sub3A_4063 = arith.constant 1 : i32
    %sub3A_4064 = arith.subi %div3A_4043, %sub3A_4063 : i32
    %select_n3A_4065 = arith.select %and3A_4062, %sub3A_4064, %div3A_4043 : i32
    %eq3A_4066 = arith.constant 0 : i32
    %eq3A_4067 = arith.cmpi eq, %jit3A_4042, %eq3A_4066 : i32
    %jit3A_4068 = arith.constant 1 : i32
    %select_n3A_4069 = arith.select %eq3A_4067, %jit3A_4068, %jit3A_4042 : i32
    %rem3A_4070 = arith.remsi %select_n3A_4026, %select_n3A_4069 : i32
    %ne3A_4071 = arith.constant 0 : i32
    %ne3A_4072 = arith.cmpi ne, %rem3A_4070, %ne3A_4071 : i32
    %lt3A_4073 = arith.constant 0 : i32
    %lt3A_4074 = arith.cmpi slt, %rem3A_4070, %lt3A_4073 : i32
    %lt3A_4075 = arith.constant 0 : i32
    %lt3A_4076 = arith.cmpi slt, %select_n3A_4069, %lt3A_4075 : i32
    %ne3A_4077 = arith.xori %lt3A_4074, %lt3A_4076 : i1
    %and3A_4078 = arith.andi %ne3A_4077, %ne3A_4072 : i1
    %add3A_4079 = arith.addi %rem3A_4070, %select_n3A_4069 : i32
    %select_n3A_4080 = arith.select %and3A_4078, %add3A_4079, %rem3A_4070 : i32
    %dma_start3A_4081 = arith.constant 0 : i32
    %dma_start3A_4082 = arith.constant 0 : i32
    %dma_start3A_4083 = tpu.memref_slice %arg2[%select_n3A_4065, %select_n3A_4080, %select_n3A_4041, %dma_start3A_4081, %dma_start3A_4082] : memref<8x32x3x224x224xf32, #tpu.memory_space<hbm>> -> memref<1x1x1x224x224xf32, #tpu.memory_space<hbm>>
    %dma_start3A_4084 = tpu.memref_squeeze %dma_start3A_4083 : memref<1x1x1x224x224xf32, #tpu.memory_space<hbm>> -> memref<224x224xf32, #tpu.memory_space<hbm>>
    %dma_start3A_4085 = arith.constant 0 : i32
    %dma_start3A_4086 = arith.constant 0 : i32
    %dma_start3A_4087 = tpu.memref_slice %arg2[%select_n3A_4065, %select_n3A_4080, %select_n3A_4041, %dma_start3A_4085, %dma_start3A_4086] : memref<8x32x3x224x224xf32, #tpu.memory_space<hbm>> -> memref<1x1x1x224x224xf32, #tpu.memory_space<hbm>>
    %dma_start3A_4088 = tpu.memref_squeeze %dma_start3A_4087 : memref<1x1x1x224x224xf32, #tpu.memory_space<hbm>> -> memref<224x224xf32, #tpu.memory_space<hbm>>
    tpu.enqueue_dma source(%dma_start3A_4088 : memref<224x224xf32, #tpu.memory_space<hbm>>) target(%arg5 : memref<224x224xf32, #tpu.memory_space<vmem>>) target_semaphore(%arg7 : memref<!tpu.dma_semaphore, #tpu.memory_space<semaphore_mem>>)
    %dma_wait3A_4089 = arith.constant 0 : i32
    %dma_wait3A_4090 = arith.constant 0 : i32
    %dma_wait3A_4091 = tpu.memref_slice %arg2[%select_n3A_3869, %select_n3A_3884, %select_n3A_3845, %dma_wait3A_4089, %dma_wait3A_4090] : memref<8x32x3x224x224xf32, #tpu.memory_space<hbm>> -> memref<1x1x1x224x224xf32, #tpu.memory_space<hbm>>
    %dma_wait3A_4092 = tpu.memref_squeeze %dma_wait3A_4091 : memref<1x1x1x224x224xf32, #tpu.memory_space<hbm>> -> memref<224x224xf32, #tpu.memory_space<hbm>>
    %dma_wait3A_4093 = arith.constant 0 : i32
    %dma_wait3A_4094 = arith.constant 0 : i32
    %dma_wait3A_4095 = tpu.memref_slice %arg2[%select_n3A_3869, %select_n3A_3884, %select_n3A_3845, %dma_wait3A_4093, %dma_wait3A_4094] : memref<8x32x3x224x224xf32, #tpu.memory_space<hbm>> -> memref<1x1x1x224x224xf32, #tpu.memory_space<hbm>>
    %dma_wait3A_4096 = tpu.memref_squeeze %dma_wait3A_4095 : memref<1x1x1x224x224xf32, #tpu.memory_space<hbm>> -> memref<224x224xf32, #tpu.memory_space<hbm>>
    tpu.wait_dma2 semaphore(%arg6 : memref<!tpu.dma_semaphore, #tpu.memory_space<semaphore_mem>>) src(%dma_wait3A_4096 : memref<224x224xf32, #tpu.memory_space<hbm>>) dst(%arg4 : memref<224x224xf32, #tpu.memory_space<vmem>>)
    %mul3A_4097 = arith.constant 24 : i32
    %mul3A_4098 = arith.muli %add3A, %mul3A_4097 : i32
    %add3A_4099 = arith.constant 20 : i32
    %add3A_4100 = arith.addi %mul3A_4098, %add3A_4099 : i32
    %jit3A_4101 = arith.constant 3 : i32
    %div3A_4102 = arith.divsi %add3A_4100, %jit3A_4101 : i32
    %sign3A_4103 = arith.constant 0 : i32
    %sign3A_4104 = arith.cmpi sgt, %add3A_4100, %sign3A_4103 : i32
    %sign3A_4105 = arith.extui %sign3A_4104 : i1 to i32
    %sign3A_4106 = arith.constant 0 : i32
    %sign3A_4107 = arith.cmpi slt, %add3A_4100, %sign3A_4106 : i32
    %sign3A_4108 = arith.extui %sign3A_4107 : i1 to i32
    %sign3A_4109 = arith.subi %sign3A_4105, %sign3A_4108 : i32
    %sign3A_4110 = arith.constant 0 : i32
    %sign3A_4111 = arith.cmpi sgt, %jit3A_4101, %sign3A_4110 : i32
    %sign3A_4112 = arith.extui %sign3A_4111 : i1 to i32
    %sign3A_4113 = arith.constant 0 : i32
    %sign3A_4114 = arith.cmpi slt, %jit3A_4101, %sign3A_4113 : i32
    %sign3A_4115 = arith.extui %sign3A_4114 : i1 to i32
    %sign3A_4116 = arith.subi %sign3A_4112, %sign3A_4115 : i32
    %ne3A_4117 = arith.cmpi ne, %sign3A_4109, %sign3A_4116 : i32
    %rem3A_4118 = arith.remsi %add3A_4100, %jit3A_4101 : i32
    %ne3A_4119 = arith.constant 0 : i32
    %ne3A_4120 = arith.cmpi ne, %rem3A_4118, %ne3A_4119 : i32
    %and3A_4121 = arith.andi %ne3A_4117, %ne3A_4120 : i1
    %sub3A_4122 = arith.constant 1 : i32
    %sub3A_4123 = arith.subi %div3A_4102, %sub3A_4122 : i32
    %select_n3A_4124 = arith.select %and3A_4121, %sub3A_4123, %div3A_4102 : i32
    %eq3A_4125 = arith.constant 0 : i32
    %eq3A_4126 = arith.cmpi eq, %jit3A_4101, %eq3A_4125 : i32
    %jit3A_4127 = arith.constant 1 : i32
    %select_n3A_4128 = arith.select %eq3A_4126, %jit3A_4127, %jit3A_4101 : i32
    %rem3A_4129 = arith.remsi %add3A_4100, %select_n3A_4128 : i32
    %ne3A_4130 = arith.constant 0 : i32
    %ne3A_4131 = arith.cmpi ne, %rem3A_4129, %ne3A_4130 : i32
    %lt3A_4132 = arith.constant 0 : i32
    %lt3A_4133 = arith.cmpi slt, %rem3A_4129, %lt3A_4132 : i32
    %lt3A_4134 = arith.constant 0 : i32
    %lt3A_4135 = arith.cmpi slt, %select_n3A_4128, %lt3A_4134 : i32
    %ne3A_4136 = arith.xori %lt3A_4133, %lt3A_4135 : i1
    %and3A_4137 = arith.andi %ne3A_4136, %ne3A_4131 : i1
    %add3A_4138 = arith.addi %rem3A_4129, %select_n3A_4128 : i32
    %select_n3A_4139 = arith.select %and3A_4137, %add3A_4138, %rem3A_4129 : i32
    %jit3A_4140 = arith.constant 32 : i32
    %div3A_4141 = arith.divsi %select_n3A_4124, %jit3A_4140 : i32
    %sign3A_4142 = arith.constant 0 : i32
    %sign3A_4143 = arith.cmpi sgt, %select_n3A_4124, %sign3A_4142 : i32
    %sign3A_4144 = arith.extui %sign3A_4143 : i1 to i32
    %sign3A_4145 = arith.constant 0 : i32
    %sign3A_4146 = arith.cmpi slt, %select_n3A_4124, %sign3A_4145 : i32
    %sign3A_4147 = arith.extui %sign3A_4146 : i1 to i32
    %sign3A_4148 = arith.subi %sign3A_4144, %sign3A_4147 : i32
    %sign3A_4149 = arith.constant 0 : i32
    %sign3A_4150 = arith.cmpi sgt, %jit3A_4140, %sign3A_4149 : i32
    %sign3A_4151 = arith.extui %sign3A_4150 : i1 to i32
    %sign3A_4152 = arith.constant 0 : i32
    %sign3A_4153 = arith.cmpi slt, %jit3A_4140, %sign3A_4152 : i32
    %sign3A_4154 = arith.extui %sign3A_4153 : i1 to i32
    %sign3A_4155 = arith.subi %sign3A_4151, %sign3A_4154 : i32
    %ne3A_4156 = arith.cmpi ne, %sign3A_4148, %sign3A_4155 : i32
    %rem3A_4157 = arith.remsi %select_n3A_4124, %jit3A_4140 : i32
    %ne3A_4158 = arith.constant 0 : i32
    %ne3A_4159 = arith.cmpi ne, %rem3A_4157, %ne3A_4158 : i32
    %and3A_4160 = arith.andi %ne3A_4156, %ne3A_4159 : i1
    %sub3A_4161 = arith.constant 1 : i32
    %sub3A_4162 = arith.subi %div3A_4141, %sub3A_4161 : i32
    %select_n3A_4163 = arith.select %and3A_4160, %sub3A_4162, %div3A_4141 : i32
    %eq3A_4164 = arith.constant 0 : i32
    %eq3A_4165 = arith.cmpi eq, %jit3A_4140, %eq3A_4164 : i32
    %jit3A_4166 = arith.constant 1 : i32
    %select_n3A_4167 = arith.select %eq3A_4165, %jit3A_4166, %jit3A_4140 : i32
    %rem3A_4168 = arith.remsi %select_n3A_4124, %select_n3A_4167 : i32
    %ne3A_4169 = arith.constant 0 : i32
    %ne3A_4170 = arith.cmpi ne, %rem3A_4168, %ne3A_4169 : i32
    %lt3A_4171 = arith.constant 0 : i32
    %lt3A_4172 = arith.cmpi slt, %rem3A_4168, %lt3A_4171 : i32
    %lt3A_4173 = arith.constant 0 : i32
    %lt3A_4174 = arith.cmpi slt, %select_n3A_4167, %lt3A_4173 : i32
    %ne3A_4175 = arith.xori %lt3A_4172, %lt3A_4174 : i1
    %and3A_4176 = arith.andi %ne3A_4175, %ne3A_4170 : i1
    %add3A_4177 = arith.addi %rem3A_4168, %select_n3A_4167 : i32
    %select_n3A_4178 = arith.select %and3A_4176, %add3A_4177, %rem3A_4168 : i32
    %dma_start3A_4179 = arith.constant 0 : i32
    %dma_start3A_4180 = arith.constant 0 : i32
    %dma_start3A_4181 = tpu.memref_slice %arg3[%select_n3A_4163, %select_n3A_4178, %select_n3A_4139, %dma_start3A_4179, %dma_start3A_4180] : memref<8x32x3x224x224xf32, #tpu.memory_space<hbm>> -> memref<1x1x1x224x224xf32, #tpu.memory_space<hbm>>
    %dma_start3A_4182 = tpu.memref_squeeze %dma_start3A_4181 : memref<1x1x1x224x224xf32, #tpu.memory_space<hbm>> -> memref<224x224xf32, #tpu.memory_space<hbm>>
    %dma_start3A_4183 = arith.constant 0 : i32
    %dma_start3A_4184 = arith.constant 0 : i32
    %dma_start3A_4185 = tpu.memref_slice %arg3[%select_n3A_4163, %select_n3A_4178, %select_n3A_4139, %dma_start3A_4183, %dma_start3A_4184] : memref<8x32x3x224x224xf32, #tpu.memory_space<hbm>> -> memref<1x1x1x224x224xf32, #tpu.memory_space<hbm>>
    %dma_start3A_4186 = tpu.memref_squeeze %dma_start3A_4185 : memref<1x1x1x224x224xf32, #tpu.memory_space<hbm>> -> memref<224x224xf32, #tpu.memory_space<hbm>>
    tpu.enqueue_dma source(%arg4 : memref<224x224xf32, #tpu.memory_space<vmem>>) target(%dma_start3A_4186 : memref<224x224xf32, #tpu.memory_space<hbm>>) target_semaphore(%arg8 : memref<!tpu.dma_semaphore, #tpu.memory_space<semaphore_mem>>)
    %dma_wait3A_4187 = arith.constant 0 : i32
    %dma_wait3A_4188 = arith.constant 0 : i32
    %dma_wait3A_4189 = tpu.memref_slice %arg3[%select_n3A_4163, %select_n3A_4178, %select_n3A_4139, %dma_wait3A_4187, %dma_wait3A_4188] : memref<8x32x3x224x224xf32, #tpu.memory_space<hbm>> -> memref<1x1x1x224x224xf32, #tpu.memory_space<hbm>>
    %dma_wait3A_4190 = tpu.memref_squeeze %dma_wait3A_4189 : memref<1x1x1x224x224xf32, #tpu.memory_space<hbm>> -> memref<224x224xf32, #tpu.memory_space<hbm>>
    %dma_wait3A_4191 = arith.constant 0 : i32
    %dma_wait3A_4192 = arith.constant 0 : i32
    %dma_wait3A_4193 = tpu.memref_slice %arg3[%select_n3A_4163, %select_n3A_4178, %select_n3A_4139, %dma_wait3A_4191, %dma_wait3A_4192] : memref<8x32x3x224x224xf32, #tpu.memory_space<hbm>> -> memref<1x1x1x224x224xf32, #tpu.memory_space<hbm>>
    %dma_wait3A_4194 = tpu.memref_squeeze %dma_wait3A_4193 : memref<1x1x1x224x224xf32, #tpu.memory_space<hbm>> -> memref<224x224xf32, #tpu.memory_space<hbm>>
    tpu.wait_dma2 semaphore(%arg8 : memref<!tpu.dma_semaphore, #tpu.memory_space<semaphore_mem>>) src(%arg4 : memref<224x224xf32, #tpu.memory_space<vmem>>) dst(%dma_wait3A_4194 : memref<224x224xf32, #tpu.memory_space<hbm>>)
    %mul3A_4195 = arith.constant 24 : i32
    %mul3A_4196 = arith.muli %add3A, %mul3A_4195 : i32
    %add3A_4197 = arith.constant 22 : i32
    %add3A_4198 = arith.addi %mul3A_4196, %add3A_4197 : i32
    %jit3A_4199 = arith.constant 3 : i32
    %div3A_4200 = arith.divsi %add3A_4198, %jit3A_4199 : i32
    %sign3A_4201 = arith.constant 0 : i32
    %sign3A_4202 = arith.cmpi sgt, %add3A_4198, %sign3A_4201 : i32
    %sign3A_4203 = arith.extui %sign3A_4202 : i1 to i32
    %sign3A_4204 = arith.constant 0 : i32
    %sign3A_4205 = arith.cmpi slt, %add3A_4198, %sign3A_4204 : i32
    %sign3A_4206 = arith.extui %sign3A_4205 : i1 to i32
    %sign3A_4207 = arith.subi %sign3A_4203, %sign3A_4206 : i32
    %sign3A_4208 = arith.constant 0 : i32
    %sign3A_4209 = arith.cmpi sgt, %jit3A_4199, %sign3A_4208 : i32
    %sign3A_4210 = arith.extui %sign3A_4209 : i1 to i32
    %sign3A_4211 = arith.constant 0 : i32
    %sign3A_4212 = arith.cmpi slt, %jit3A_4199, %sign3A_4211 : i32
    %sign3A_4213 = arith.extui %sign3A_4212 : i1 to i32
    %sign3A_4214 = arith.subi %sign3A_4210, %sign3A_4213 : i32
    %ne3A_4215 = arith.cmpi ne, %sign3A_4207, %sign3A_4214 : i32
    %rem3A_4216 = arith.remsi %add3A_4198, %jit3A_4199 : i32
    %ne3A_4217 = arith.constant 0 : i32
    %ne3A_4218 = arith.cmpi ne, %rem3A_4216, %ne3A_4217 : i32
    %and3A_4219 = arith.andi %ne3A_4215, %ne3A_4218 : i1
    %sub3A_4220 = arith.constant 1 : i32
    %sub3A_4221 = arith.subi %div3A_4200, %sub3A_4220 : i32
    %select_n3A_4222 = arith.select %and3A_4219, %sub3A_4221, %div3A_4200 : i32
    %eq3A_4223 = arith.constant 0 : i32
    %eq3A_4224 = arith.cmpi eq, %jit3A_4199, %eq3A_4223 : i32
    %jit3A_4225 = arith.constant 1 : i32
    %select_n3A_4226 = arith.select %eq3A_4224, %jit3A_4225, %jit3A_4199 : i32
    %rem3A_4227 = arith.remsi %add3A_4198, %select_n3A_4226 : i32
    %ne3A_4228 = arith.constant 0 : i32
    %ne3A_4229 = arith.cmpi ne, %rem3A_4227, %ne3A_4228 : i32
    %lt3A_4230 = arith.constant 0 : i32
    %lt3A_4231 = arith.cmpi slt, %rem3A_4227, %lt3A_4230 : i32
    %lt3A_4232 = arith.constant 0 : i32
    %lt3A_4233 = arith.cmpi slt, %select_n3A_4226, %lt3A_4232 : i32
    %ne3A_4234 = arith.xori %lt3A_4231, %lt3A_4233 : i1
    %and3A_4235 = arith.andi %ne3A_4234, %ne3A_4229 : i1
    %add3A_4236 = arith.addi %rem3A_4227, %select_n3A_4226 : i32
    %select_n3A_4237 = arith.select %and3A_4235, %add3A_4236, %rem3A_4227 : i32
    %jit3A_4238 = arith.constant 32 : i32
    %div3A_4239 = arith.divsi %select_n3A_4222, %jit3A_4238 : i32
    %sign3A_4240 = arith.constant 0 : i32
    %sign3A_4241 = arith.cmpi sgt, %select_n3A_4222, %sign3A_4240 : i32
    %sign3A_4242 = arith.extui %sign3A_4241 : i1 to i32
    %sign3A_4243 = arith.constant 0 : i32
    %sign3A_4244 = arith.cmpi slt, %select_n3A_4222, %sign3A_4243 : i32
    %sign3A_4245 = arith.extui %sign3A_4244 : i1 to i32
    %sign3A_4246 = arith.subi %sign3A_4242, %sign3A_4245 : i32
    %sign3A_4247 = arith.constant 0 : i32
    %sign3A_4248 = arith.cmpi sgt, %jit3A_4238, %sign3A_4247 : i32
    %sign3A_4249 = arith.extui %sign3A_4248 : i1 to i32
    %sign3A_4250 = arith.constant 0 : i32
    %sign3A_4251 = arith.cmpi slt, %jit3A_4238, %sign3A_4250 : i32
    %sign3A_4252 = arith.extui %sign3A_4251 : i1 to i32
    %sign3A_4253 = arith.subi %sign3A_4249, %sign3A_4252 : i32
    %ne3A_4254 = arith.cmpi ne, %sign3A_4246, %sign3A_4253 : i32
    %rem3A_4255 = arith.remsi %select_n3A_4222, %jit3A_4238 : i32
    %ne3A_4256 = arith.constant 0 : i32
    %ne3A_4257 = arith.cmpi ne, %rem3A_4255, %ne3A_4256 : i32
    %and3A_4258 = arith.andi %ne3A_4254, %ne3A_4257 : i1
    %sub3A_4259 = arith.constant 1 : i32
    %sub3A_4260 = arith.subi %div3A_4239, %sub3A_4259 : i32
    %select_n3A_4261 = arith.select %and3A_4258, %sub3A_4260, %div3A_4239 : i32
    %eq3A_4262 = arith.constant 0 : i32
    %eq3A_4263 = arith.cmpi eq, %jit3A_4238, %eq3A_4262 : i32
    %jit3A_4264 = arith.constant 1 : i32
    %select_n3A_4265 = arith.select %eq3A_4263, %jit3A_4264, %jit3A_4238 : i32
    %rem3A_4266 = arith.remsi %select_n3A_4222, %select_n3A_4265 : i32
    %ne3A_4267 = arith.constant 0 : i32
    %ne3A_4268 = arith.cmpi ne, %rem3A_4266, %ne3A_4267 : i32
    %lt3A_4269 = arith.constant 0 : i32
    %lt3A_4270 = arith.cmpi slt, %rem3A_4266, %lt3A_4269 : i32
    %lt3A_4271 = arith.constant 0 : i32
    %lt3A_4272 = arith.cmpi slt, %select_n3A_4265, %lt3A_4271 : i32
    %ne3A_4273 = arith.xori %lt3A_4270, %lt3A_4272 : i1
    %and3A_4274 = arith.andi %ne3A_4273, %ne3A_4268 : i1
    %add3A_4275 = arith.addi %rem3A_4266, %select_n3A_4265 : i32
    %select_n3A_4276 = arith.select %and3A_4274, %add3A_4275, %rem3A_4266 : i32
    %dma_start3A_4277 = arith.constant 0 : i32
    %dma_start3A_4278 = arith.constant 0 : i32
    %dma_start3A_4279 = tpu.memref_slice %arg2[%select_n3A_4261, %select_n3A_4276, %select_n3A_4237, %dma_start3A_4277, %dma_start3A_4278] : memref<8x32x3x224x224xf32, #tpu.memory_space<hbm>> -> memref<1x1x1x224x224xf32, #tpu.memory_space<hbm>>
    %dma_start3A_4280 = tpu.memref_squeeze %dma_start3A_4279 : memref<1x1x1x224x224xf32, #tpu.memory_space<hbm>> -> memref<224x224xf32, #tpu.memory_space<hbm>>
    %dma_start3A_4281 = arith.constant 0 : i32
    %dma_start3A_4282 = arith.constant 0 : i32
    %dma_start3A_4283 = tpu.memref_slice %arg2[%select_n3A_4261, %select_n3A_4276, %select_n3A_4237, %dma_start3A_4281, %dma_start3A_4282] : memref<8x32x3x224x224xf32, #tpu.memory_space<hbm>> -> memref<1x1x1x224x224xf32, #tpu.memory_space<hbm>>
    %dma_start3A_4284 = tpu.memref_squeeze %dma_start3A_4283 : memref<1x1x1x224x224xf32, #tpu.memory_space<hbm>> -> memref<224x224xf32, #tpu.memory_space<hbm>>
    tpu.enqueue_dma source(%dma_start3A_4284 : memref<224x224xf32, #tpu.memory_space<hbm>>) target(%arg4 : memref<224x224xf32, #tpu.memory_space<vmem>>) target_semaphore(%arg6 : memref<!tpu.dma_semaphore, #tpu.memory_space<semaphore_mem>>)
    %dma_wait3A_4285 = arith.constant 0 : i32
    %dma_wait3A_4286 = arith.constant 0 : i32
    %dma_wait3A_4287 = tpu.memref_slice %arg2[%select_n3A_4065, %select_n3A_4080, %select_n3A_4041, %dma_wait3A_4285, %dma_wait3A_4286] : memref<8x32x3x224x224xf32, #tpu.memory_space<hbm>> -> memref<1x1x1x224x224xf32, #tpu.memory_space<hbm>>
    %dma_wait3A_4288 = tpu.memref_squeeze %dma_wait3A_4287 : memref<1x1x1x224x224xf32, #tpu.memory_space<hbm>> -> memref<224x224xf32, #tpu.memory_space<hbm>>
    %dma_wait3A_4289 = arith.constant 0 : i32
    %dma_wait3A_4290 = arith.constant 0 : i32
    %dma_wait3A_4291 = tpu.memref_slice %arg2[%select_n3A_4065, %select_n3A_4080, %select_n3A_4041, %dma_wait3A_4289, %dma_wait3A_4290] : memref<8x32x3x224x224xf32, #tpu.memory_space<hbm>> -> memref<1x1x1x224x224xf32, #tpu.memory_space<hbm>>
    %dma_wait3A_4292 = tpu.memref_squeeze %dma_wait3A_4291 : memref<1x1x1x224x224xf32, #tpu.memory_space<hbm>> -> memref<224x224xf32, #tpu.memory_space<hbm>>
    tpu.wait_dma2 semaphore(%arg7 : memref<!tpu.dma_semaphore, #tpu.memory_space<semaphore_mem>>) src(%dma_wait3A_4292 : memref<224x224xf32, #tpu.memory_space<hbm>>) dst(%arg5 : memref<224x224xf32, #tpu.memory_space<vmem>>)
    %mul3A_4293 = arith.constant 24 : i32
    %mul3A_4294 = arith.muli %add3A, %mul3A_4293 : i32
    %add3A_4295 = arith.constant 21 : i32
    %add3A_4296 = arith.addi %mul3A_4294, %add3A_4295 : i32
    %jit3A_4297 = arith.constant 3 : i32
    %div3A_4298 = arith.divsi %add3A_4296, %jit3A_4297 : i32
    %sign3A_4299 = arith.constant 0 : i32
    %sign3A_4300 = arith.cmpi sgt, %add3A_4296, %sign3A_4299 : i32
    %sign3A_4301 = arith.extui %sign3A_4300 : i1 to i32
    %sign3A_4302 = arith.constant 0 : i32
    %sign3A_4303 = arith.cmpi slt, %add3A_4296, %sign3A_4302 : i32
    %sign3A_4304 = arith.extui %sign3A_4303 : i1 to i32
    %sign3A_4305 = arith.subi %sign3A_4301, %sign3A_4304 : i32
    %sign3A_4306 = arith.constant 0 : i32
    %sign3A_4307 = arith.cmpi sgt, %jit3A_4297, %sign3A_4306 : i32
    %sign3A_4308 = arith.extui %sign3A_4307 : i1 to i32
    %sign3A_4309 = arith.constant 0 : i32
    %sign3A_4310 = arith.cmpi slt, %jit3A_4297, %sign3A_4309 : i32
    %sign3A_4311 = arith.extui %sign3A_4310 : i1 to i32
    %sign3A_4312 = arith.subi %sign3A_4308, %sign3A_4311 : i32
    %ne3A_4313 = arith.cmpi ne, %sign3A_4305, %sign3A_4312 : i32
    %rem3A_4314 = arith.remsi %add3A_4296, %jit3A_4297 : i32
    %ne3A_4315 = arith.constant 0 : i32
    %ne3A_4316 = arith.cmpi ne, %rem3A_4314, %ne3A_4315 : i32
    %and3A_4317 = arith.andi %ne3A_4313, %ne3A_4316 : i1
    %sub3A_4318 = arith.constant 1 : i32
    %sub3A_4319 = arith.subi %div3A_4298, %sub3A_4318 : i32
    %select_n3A_4320 = arith.select %and3A_4317, %sub3A_4319, %div3A_4298 : i32
    %eq3A_4321 = arith.constant 0 : i32
    %eq3A_4322 = arith.cmpi eq, %jit3A_4297, %eq3A_4321 : i32
    %jit3A_4323 = arith.constant 1 : i32
    %select_n3A_4324 = arith.select %eq3A_4322, %jit3A_4323, %jit3A_4297 : i32
    %rem3A_4325 = arith.remsi %add3A_4296, %select_n3A_4324 : i32
    %ne3A_4326 = arith.constant 0 : i32
    %ne3A_4327 = arith.cmpi ne, %rem3A_4325, %ne3A_4326 : i32
    %lt3A_4328 = arith.constant 0 : i32
    %lt3A_4329 = arith.cmpi slt, %rem3A_4325, %lt3A_4328 : i32
    %lt3A_4330 = arith.constant 0 : i32
    %lt3A_4331 = arith.cmpi slt, %select_n3A_4324, %lt3A_4330 : i32
    %ne3A_4332 = arith.xori %lt3A_4329, %lt3A_4331 : i1
    %and3A_4333 = arith.andi %ne3A_4332, %ne3A_4327 : i1
    %add3A_4334 = arith.addi %rem3A_4325, %select_n3A_4324 : i32
    %select_n3A_4335 = arith.select %and3A_4333, %add3A_4334, %rem3A_4325 : i32
    %jit3A_4336 = arith.constant 32 : i32
    %div3A_4337 = arith.divsi %select_n3A_4320, %jit3A_4336 : i32
    %sign3A_4338 = arith.constant 0 : i32
    %sign3A_4339 = arith.cmpi sgt, %select_n3A_4320, %sign3A_4338 : i32
    %sign3A_4340 = arith.extui %sign3A_4339 : i1 to i32
    %sign3A_4341 = arith.constant 0 : i32
    %sign3A_4342 = arith.cmpi slt, %select_n3A_4320, %sign3A_4341 : i32
    %sign3A_4343 = arith.extui %sign3A_4342 : i1 to i32
    %sign3A_4344 = arith.subi %sign3A_4340, %sign3A_4343 : i32
    %sign3A_4345 = arith.constant 0 : i32
    %sign3A_4346 = arith.cmpi sgt, %jit3A_4336, %sign3A_4345 : i32
    %sign3A_4347 = arith.extui %sign3A_4346 : i1 to i32
    %sign3A_4348 = arith.constant 0 : i32
    %sign3A_4349 = arith.cmpi slt, %jit3A_4336, %sign3A_4348 : i32
    %sign3A_4350 = arith.extui %sign3A_4349 : i1 to i32
    %sign3A_4351 = arith.subi %sign3A_4347, %sign3A_4350 : i32
    %ne3A_4352 = arith.cmpi ne, %sign3A_4344, %sign3A_4351 : i32
    %rem3A_4353 = arith.remsi %select_n3A_4320, %jit3A_4336 : i32
    %ne3A_4354 = arith.constant 0 : i32
    %ne3A_4355 = arith.cmpi ne, %rem3A_4353, %ne3A_4354 : i32
    %and3A_4356 = arith.andi %ne3A_4352, %ne3A_4355 : i1
    %sub3A_4357 = arith.constant 1 : i32
    %sub3A_4358 = arith.subi %div3A_4337, %sub3A_4357 : i32
    %select_n3A_4359 = arith.select %and3A_4356, %sub3A_4358, %div3A_4337 : i32
    %eq3A_4360 = arith.constant 0 : i32
    %eq3A_4361 = arith.cmpi eq, %jit3A_4336, %eq3A_4360 : i32
    %jit3A_4362 = arith.constant 1 : i32
    %select_n3A_4363 = arith.select %eq3A_4361, %jit3A_4362, %jit3A_4336 : i32
    %rem3A_4364 = arith.remsi %select_n3A_4320, %select_n3A_4363 : i32
    %ne3A_4365 = arith.constant 0 : i32
    %ne3A_4366 = arith.cmpi ne, %rem3A_4364, %ne3A_4365 : i32
    %lt3A_4367 = arith.constant 0 : i32
    %lt3A_4368 = arith.cmpi slt, %rem3A_4364, %lt3A_4367 : i32
    %lt3A_4369 = arith.constant 0 : i32
    %lt3A_4370 = arith.cmpi slt, %select_n3A_4363, %lt3A_4369 : i32
    %ne3A_4371 = arith.xori %lt3A_4368, %lt3A_4370 : i1
    %and3A_4372 = arith.andi %ne3A_4371, %ne3A_4366 : i1
    %add3A_4373 = arith.addi %rem3A_4364, %select_n3A_4363 : i32
    %select_n3A_4374 = arith.select %and3A_4372, %add3A_4373, %rem3A_4364 : i32
    %dma_start3A_4375 = arith.constant 0 : i32
    %dma_start3A_4376 = arith.constant 0 : i32
    %dma_start3A_4377 = tpu.memref_slice %arg3[%select_n3A_4359, %select_n3A_4374, %select_n3A_4335, %dma_start3A_4375, %dma_start3A_4376] : memref<8x32x3x224x224xf32, #tpu.memory_space<hbm>> -> memref<1x1x1x224x224xf32, #tpu.memory_space<hbm>>
    %dma_start3A_4378 = tpu.memref_squeeze %dma_start3A_4377 : memref<1x1x1x224x224xf32, #tpu.memory_space<hbm>> -> memref<224x224xf32, #tpu.memory_space<hbm>>
    %dma_start3A_4379 = arith.constant 0 : i32
    %dma_start3A_4380 = arith.constant 0 : i32
    %dma_start3A_4381 = tpu.memref_slice %arg3[%select_n3A_4359, %select_n3A_4374, %select_n3A_4335, %dma_start3A_4379, %dma_start3A_4380] : memref<8x32x3x224x224xf32, #tpu.memory_space<hbm>> -> memref<1x1x1x224x224xf32, #tpu.memory_space<hbm>>
    %dma_start3A_4382 = tpu.memref_squeeze %dma_start3A_4381 : memref<1x1x1x224x224xf32, #tpu.memory_space<hbm>> -> memref<224x224xf32, #tpu.memory_space<hbm>>
    tpu.enqueue_dma source(%arg5 : memref<224x224xf32, #tpu.memory_space<vmem>>) target(%dma_start3A_4382 : memref<224x224xf32, #tpu.memory_space<hbm>>) target_semaphore(%arg9 : memref<!tpu.dma_semaphore, #tpu.memory_space<semaphore_mem>>)
    %dma_wait3A_4383 = arith.constant 0 : i32
    %dma_wait3A_4384 = arith.constant 0 : i32
    %dma_wait3A_4385 = tpu.memref_slice %arg3[%select_n3A_4359, %select_n3A_4374, %select_n3A_4335, %dma_wait3A_4383, %dma_wait3A_4384] : memref<8x32x3x224x224xf32, #tpu.memory_space<hbm>> -> memref<1x1x1x224x224xf32, #tpu.memory_space<hbm>>
    %dma_wait3A_4386 = tpu.memref_squeeze %dma_wait3A_4385 : memref<1x1x1x224x224xf32, #tpu.memory_space<hbm>> -> memref<224x224xf32, #tpu.memory_space<hbm>>
    %dma_wait3A_4387 = arith.constant 0 : i32
    %dma_wait3A_4388 = arith.constant 0 : i32
    %dma_wait3A_4389 = tpu.memref_slice %arg3[%select_n3A_4359, %select_n3A_4374, %select_n3A_4335, %dma_wait3A_4387, %dma_wait3A_4388] : memref<8x32x3x224x224xf32, #tpu.memory_space<hbm>> -> memref<1x1x1x224x224xf32, #tpu.memory_space<hbm>>
    %dma_wait3A_4390 = tpu.memref_squeeze %dma_wait3A_4389 : memref<1x1x1x224x224xf32, #tpu.memory_space<hbm>> -> memref<224x224xf32, #tpu.memory_space<hbm>>
    tpu.wait_dma2 semaphore(%arg9 : memref<!tpu.dma_semaphore, #tpu.memory_space<semaphore_mem>>) src(%arg5 : memref<224x224xf32, #tpu.memory_space<vmem>>) dst(%dma_wait3A_4390 : memref<224x224xf32, #tpu.memory_space<hbm>>)
    %mul3A_4391 = arith.constant 24 : i32
    %mul3A_4392 = arith.muli %add3A, %mul3A_4391 : i32
    %add3A_4393 = arith.constant 23 : i32
    %add3A_4394 = arith.addi %mul3A_4392, %add3A_4393 : i32
    %jit3A_4395 = arith.constant 3 : i32
    %div3A_4396 = arith.divsi %add3A_4394, %jit3A_4395 : i32
    %sign3A_4397 = arith.constant 0 : i32
    %sign3A_4398 = arith.cmpi sgt, %add3A_4394, %sign3A_4397 : i32
    %sign3A_4399 = arith.extui %sign3A_4398 : i1 to i32
    %sign3A_4400 = arith.constant 0 : i32
    %sign3A_4401 = arith.cmpi slt, %add3A_4394, %sign3A_4400 : i32
    %sign3A_4402 = arith.extui %sign3A_4401 : i1 to i32
    %sign3A_4403 = arith.subi %sign3A_4399, %sign3A_4402 : i32
    %sign3A_4404 = arith.constant 0 : i32
    %sign3A_4405 = arith.cmpi sgt, %jit3A_4395, %sign3A_4404 : i32
    %sign3A_4406 = arith.extui %sign3A_4405 : i1 to i32
    %sign3A_4407 = arith.constant 0 : i32
    %sign3A_4408 = arith.cmpi slt, %jit3A_4395, %sign3A_4407 : i32
    %sign3A_4409 = arith.extui %sign3A_4408 : i1 to i32
    %sign3A_4410 = arith.subi %sign3A_4406, %sign3A_4409 : i32
    %ne3A_4411 = arith.cmpi ne, %sign3A_4403, %sign3A_4410 : i32
    %rem3A_4412 = arith.remsi %add3A_4394, %jit3A_4395 : i32
    %ne3A_4413 = arith.constant 0 : i32
    %ne3A_4414 = arith.cmpi ne, %rem3A_4412, %ne3A_4413 : i32
    %and3A_4415 = arith.andi %ne3A_4411, %ne3A_4414 : i1
    %sub3A_4416 = arith.constant 1 : i32
    %sub3A_4417 = arith.subi %div3A_4396, %sub3A_4416 : i32
    %select_n3A_4418 = arith.select %and3A_4415, %sub3A_4417, %div3A_4396 : i32
    %eq3A_4419 = arith.constant 0 : i32
    %eq3A_4420 = arith.cmpi eq, %jit3A_4395, %eq3A_4419 : i32
    %jit3A_4421 = arith.constant 1 : i32
    %select_n3A_4422 = arith.select %eq3A_4420, %jit3A_4421, %jit3A_4395 : i32
    %rem3A_4423 = arith.remsi %add3A_4394, %select_n3A_4422 : i32
    %ne3A_4424 = arith.constant 0 : i32
    %ne3A_4425 = arith.cmpi ne, %rem3A_4423, %ne3A_4424 : i32
    %lt3A_4426 = arith.constant 0 : i32
    %lt3A_4427 = arith.cmpi slt, %rem3A_4423, %lt3A_4426 : i32
    %lt3A_4428 = arith.constant 0 : i32
    %lt3A_4429 = arith.cmpi slt, %select_n3A_4422, %lt3A_4428 : i32
    %ne3A_4430 = arith.xori %lt3A_4427, %lt3A_4429 : i1
    %and3A_4431 = arith.andi %ne3A_4430, %ne3A_4425 : i1
    %add3A_4432 = arith.addi %rem3A_4423, %select_n3A_4422 : i32
    %select_n3A_4433 = arith.select %and3A_4431, %add3A_4432, %rem3A_4423 : i32
    %jit3A_4434 = arith.constant 32 : i32
    %div3A_4435 = arith.divsi %select_n3A_4418, %jit3A_4434 : i32
    %sign3A_4436 = arith.constant 0 : i32
    %sign3A_4437 = arith.cmpi sgt, %select_n3A_4418, %sign3A_4436 : i32
    %sign3A_4438 = arith.extui %sign3A_4437 : i1 to i32
    %sign3A_4439 = arith.constant 0 : i32
    %sign3A_4440 = arith.cmpi slt, %select_n3A_4418, %sign3A_4439 : i32
    %sign3A_4441 = arith.extui %sign3A_4440 : i1 to i32
    %sign3A_4442 = arith.subi %sign3A_4438, %sign3A_4441 : i32
    %sign3A_4443 = arith.constant 0 : i32
    %sign3A_4444 = arith.cmpi sgt, %jit3A_4434, %sign3A_4443 : i32
    %sign3A_4445 = arith.extui %sign3A_4444 : i1 to i32
    %sign3A_4446 = arith.constant 0 : i32
    %sign3A_4447 = arith.cmpi slt, %jit3A_4434, %sign3A_4446 : i32
    %sign3A_4448 = arith.extui %sign3A_4447 : i1 to i32
    %sign3A_4449 = arith.subi %sign3A_4445, %sign3A_4448 : i32
    %ne3A_4450 = arith.cmpi ne, %sign3A_4442, %sign3A_4449 : i32
    %rem3A_4451 = arith.remsi %select_n3A_4418, %jit3A_4434 : i32
    %ne3A_4452 = arith.constant 0 : i32
    %ne3A_4453 = arith.cmpi ne, %rem3A_4451, %ne3A_4452 : i32
    %and3A_4454 = arith.andi %ne3A_4450, %ne3A_4453 : i1
    %sub3A_4455 = arith.constant 1 : i32
    %sub3A_4456 = arith.subi %div3A_4435, %sub3A_4455 : i32
    %select_n3A_4457 = arith.select %and3A_4454, %sub3A_4456, %div3A_4435 : i32
    %eq3A_4458 = arith.constant 0 : i32
    %eq3A_4459 = arith.cmpi eq, %jit3A_4434, %eq3A_4458 : i32
    %jit3A_4460 = arith.constant 1 : i32
    %select_n3A_4461 = arith.select %eq3A_4459, %jit3A_4460, %jit3A_4434 : i32
    %rem3A_4462 = arith.remsi %select_n3A_4418, %select_n3A_4461 : i32
    %ne3A_4463 = arith.constant 0 : i32
    %ne3A_4464 = arith.cmpi ne, %rem3A_4462, %ne3A_4463 : i32
    %lt3A_4465 = arith.constant 0 : i32
    %lt3A_4466 = arith.cmpi slt, %rem3A_4462, %lt3A_4465 : i32
    %lt3A_4467 = arith.constant 0 : i32
    %lt3A_4468 = arith.cmpi slt, %select_n3A_4461, %lt3A_4467 : i32
    %ne3A_4469 = arith.xori %lt3A_4466, %lt3A_4468 : i1
    %and3A_4470 = arith.andi %ne3A_4469, %ne3A_4464 : i1
    %add3A_4471 = arith.addi %rem3A_4462, %select_n3A_4461 : i32
    %select_n3A_4472 = arith.select %and3A_4470, %add3A_4471, %rem3A_4462 : i32
    %dma_start3A_4473 = arith.constant 0 : i32
    %dma_start3A_4474 = arith.constant 0 : i32
    %dma_start3A_4475 = tpu.memref_slice %arg2[%select_n3A_4457, %select_n3A_4472, %select_n3A_4433, %dma_start3A_4473, %dma_start3A_4474] : memref<8x32x3x224x224xf32, #tpu.memory_space<hbm>> -> memref<1x1x1x224x224xf32, #tpu.memory_space<hbm>>
    %dma_start3A_4476 = tpu.memref_squeeze %dma_start3A_4475 : memref<1x1x1x224x224xf32, #tpu.memory_space<hbm>> -> memref<224x224xf32, #tpu.memory_space<hbm>>
    %dma_start3A_4477 = arith.constant 0 : i32
    %dma_start3A_4478 = arith.constant 0 : i32
    %dma_start3A_4479 = tpu.memref_slice %arg2[%select_n3A_4457, %select_n3A_4472, %select_n3A_4433, %dma_start3A_4477, %dma_start3A_4478] : memref<8x32x3x224x224xf32, #tpu.memory_space<hbm>> -> memref<1x1x1x224x224xf32, #tpu.memory_space<hbm>>
    %dma_start3A_4480 = tpu.memref_squeeze %dma_start3A_4479 : memref<1x1x1x224x224xf32, #tpu.memory_space<hbm>> -> memref<224x224xf32, #tpu.memory_space<hbm>>
    tpu.enqueue_dma source(%dma_start3A_4480 : memref<224x224xf32, #tpu.memory_space<hbm>>) target(%arg5 : memref<224x224xf32, #tpu.memory_space<vmem>>) target_semaphore(%arg7 : memref<!tpu.dma_semaphore, #tpu.memory_space<semaphore_mem>>)
    %dma_wait3A_4481 = arith.constant 0 : i32
    %dma_wait3A_4482 = arith.constant 0 : i32
    %dma_wait3A_4483 = tpu.memref_slice %arg2[%select_n3A_4261, %select_n3A_4276, %select_n3A_4237, %dma_wait3A_4481, %dma_wait3A_4482] : memref<8x32x3x224x224xf32, #tpu.memory_space<hbm>> -> memref<1x1x1x224x224xf32, #tpu.memory_space<hbm>>
    %dma_wait3A_4484 = tpu.memref_squeeze %dma_wait3A_4483 : memref<1x1x1x224x224xf32, #tpu.memory_space<hbm>> -> memref<224x224xf32, #tpu.memory_space<hbm>>
    %dma_wait3A_4485 = arith.constant 0 : i32
    %dma_wait3A_4486 = arith.constant 0 : i32
    %dma_wait3A_4487 = tpu.memref_slice %arg2[%select_n3A_4261, %select_n3A_4276, %select_n3A_4237, %dma_wait3A_4485, %dma_wait3A_4486] : memref<8x32x3x224x224xf32, #tpu.memory_space<hbm>> -> memref<1x1x1x224x224xf32, #tpu.memory_space<hbm>>
    %dma_wait3A_4488 = tpu.memref_squeeze %dma_wait3A_4487 : memref<1x1x1x224x224xf32, #tpu.memory_space<hbm>> -> memref<224x224xf32, #tpu.memory_space<hbm>>
    tpu.wait_dma2 semaphore(%arg6 : memref<!tpu.dma_semaphore, #tpu.memory_space<semaphore_mem>>) src(%dma_wait3A_4488 : memref<224x224xf32, #tpu.memory_space<hbm>>) dst(%arg4 : memref<224x224xf32, #tpu.memory_space<vmem>>)
    %mul3A_4489 = arith.constant 24 : i32
    %mul3A_4490 = arith.muli %add3A, %mul3A_4489 : i32
    %add3A_4491 = arith.constant 22 : i32
    %add3A_4492 = arith.addi %mul3A_4490, %add3A_4491 : i32
    %jit3A_4493 = arith.constant 3 : i32
    %div3A_4494 = arith.divsi %add3A_4492, %jit3A_4493 : i32
    %sign3A_4495 = arith.constant 0 : i32
    %sign3A_4496 = arith.cmpi sgt, %add3A_4492, %sign3A_4495 : i32
    %sign3A_4497 = arith.extui %sign3A_4496 : i1 to i32
    %sign3A_4498 = arith.constant 0 : i32
    %sign3A_4499 = arith.cmpi slt, %add3A_4492, %sign3A_4498 : i32
    %sign3A_4500 = arith.extui %sign3A_4499 : i1 to i32
    %sign3A_4501 = arith.subi %sign3A_4497, %sign3A_4500 : i32
    %sign3A_4502 = arith.constant 0 : i32
    %sign3A_4503 = arith.cmpi sgt, %jit3A_4493, %sign3A_4502 : i32
    %sign3A_4504 = arith.extui %sign3A_4503 : i1 to i32
    %sign3A_4505 = arith.constant 0 : i32
    %sign3A_4506 = arith.cmpi slt, %jit3A_4493, %sign3A_4505 : i32
    %sign3A_4507 = arith.extui %sign3A_4506 : i1 to i32
    %sign3A_4508 = arith.subi %sign3A_4504, %sign3A_4507 : i32
    %ne3A_4509 = arith.cmpi ne, %sign3A_4501, %sign3A_4508 : i32
    %rem3A_4510 = arith.remsi %add3A_4492, %jit3A_4493 : i32
    %ne3A_4511 = arith.constant 0 : i32
    %ne3A_4512 = arith.cmpi ne, %rem3A_4510, %ne3A_4511 : i32
    %and3A_4513 = arith.andi %ne3A_4509, %ne3A_4512 : i1
    %sub3A_4514 = arith.constant 1 : i32
    %sub3A_4515 = arith.subi %div3A_4494, %sub3A_4514 : i32
    %select_n3A_4516 = arith.select %and3A_4513, %sub3A_4515, %div3A_4494 : i32
    %eq3A_4517 = arith.constant 0 : i32
    %eq3A_4518 = arith.cmpi eq, %jit3A_4493, %eq3A_4517 : i32
    %jit3A_4519 = arith.constant 1 : i32
    %select_n3A_4520 = arith.select %eq3A_4518, %jit3A_4519, %jit3A_4493 : i32
    %rem3A_4521 = arith.remsi %add3A_4492, %select_n3A_4520 : i32
    %ne3A_4522 = arith.constant 0 : i32
    %ne3A_4523 = arith.cmpi ne, %rem3A_4521, %ne3A_4522 : i32
    %lt3A_4524 = arith.constant 0 : i32
    %lt3A_4525 = arith.cmpi slt, %rem3A_4521, %lt3A_4524 : i32
    %lt3A_4526 = arith.constant 0 : i32
    %lt3A_4527 = arith.cmpi slt, %select_n3A_4520, %lt3A_4526 : i32
    %ne3A_4528 = arith.xori %lt3A_4525, %lt3A_4527 : i1
    %and3A_4529 = arith.andi %ne3A_4528, %ne3A_4523 : i1
    %add3A_4530 = arith.addi %rem3A_4521, %select_n3A_4520 : i32
    %select_n3A_4531 = arith.select %and3A_4529, %add3A_4530, %rem3A_4521 : i32
    %jit3A_4532 = arith.constant 32 : i32
    %div3A_4533 = arith.divsi %select_n3A_4516, %jit3A_4532 : i32
    %sign3A_4534 = arith.constant 0 : i32
    %sign3A_4535 = arith.cmpi sgt, %select_n3A_4516, %sign3A_4534 : i32
    %sign3A_4536 = arith.extui %sign3A_4535 : i1 to i32
    %sign3A_4537 = arith.constant 0 : i32
    %sign3A_4538 = arith.cmpi slt, %select_n3A_4516, %sign3A_4537 : i32
    %sign3A_4539 = arith.extui %sign3A_4538 : i1 to i32
    %sign3A_4540 = arith.subi %sign3A_4536, %sign3A_4539 : i32
    %sign3A_4541 = arith.constant 0 : i32
    %sign3A_4542 = arith.cmpi sgt, %jit3A_4532, %sign3A_4541 : i32
    %sign3A_4543 = arith.extui %sign3A_4542 : i1 to i32
    %sign3A_4544 = arith.constant 0 : i32
    %sign3A_4545 = arith.cmpi slt, %jit3A_4532, %sign3A_4544 : i32
    %sign3A_4546 = arith.extui %sign3A_4545 : i1 to i32
    %sign3A_4547 = arith.subi %sign3A_4543, %sign3A_4546 : i32
    %ne3A_4548 = arith.cmpi ne, %sign3A_4540, %sign3A_4547 : i32
    %rem3A_4549 = arith.remsi %select_n3A_4516, %jit3A_4532 : i32
    %ne3A_4550 = arith.constant 0 : i32
    %ne3A_4551 = arith.cmpi ne, %rem3A_4549, %ne3A_4550 : i32
    %and3A_4552 = arith.andi %ne3A_4548, %ne3A_4551 : i1
    %sub3A_4553 = arith.constant 1 : i32
    %sub3A_4554 = arith.subi %div3A_4533, %sub3A_4553 : i32
    %select_n3A_4555 = arith.select %and3A_4552, %sub3A_4554, %div3A_4533 : i32
    %eq3A_4556 = arith.constant 0 : i32
    %eq3A_4557 = arith.cmpi eq, %jit3A_4532, %eq3A_4556 : i32
    %jit3A_4558 = arith.constant 1 : i32
    %select_n3A_4559 = arith.select %eq3A_4557, %jit3A_4558, %jit3A_4532 : i32
    %rem3A_4560 = arith.remsi %select_n3A_4516, %select_n3A_4559 : i32
    %ne3A_4561 = arith.constant 0 : i32
    %ne3A_4562 = arith.cmpi ne, %rem3A_4560, %ne3A_4561 : i32
    %lt3A_4563 = arith.constant 0 : i32
    %lt3A_4564 = arith.cmpi slt, %rem3A_4560, %lt3A_4563 : i32
    %lt3A_4565 = arith.constant 0 : i32
    %lt3A_4566 = arith.cmpi slt, %select_n3A_4559, %lt3A_4565 : i32
    %ne3A_4567 = arith.xori %lt3A_4564, %lt3A_4566 : i1
    %and3A_4568 = arith.andi %ne3A_4567, %ne3A_4562 : i1
    %add3A_4569 = arith.addi %rem3A_4560, %select_n3A_4559 : i32
    %select_n3A_4570 = arith.select %and3A_4568, %add3A_4569, %rem3A_4560 : i32
    %dma_start3A_4571 = arith.constant 0 : i32
    %dma_start3A_4572 = arith.constant 0 : i32
    %dma_start3A_4573 = tpu.memref_slice %arg3[%select_n3A_4555, %select_n3A_4570, %select_n3A_4531, %dma_start3A_4571, %dma_start3A_4572] : memref<8x32x3x224x224xf32, #tpu.memory_space<hbm>> -> memref<1x1x1x224x224xf32, #tpu.memory_space<hbm>>
    %dma_start3A_4574 = tpu.memref_squeeze %dma_start3A_4573 : memref<1x1x1x224x224xf32, #tpu.memory_space<hbm>> -> memref<224x224xf32, #tpu.memory_space<hbm>>
    %dma_start3A_4575 = arith.constant 0 : i32
    %dma_start3A_4576 = arith.constant 0 : i32
    %dma_start3A_4577 = tpu.memref_slice %arg3[%select_n3A_4555, %select_n3A_4570, %select_n3A_4531, %dma_start3A_4575, %dma_start3A_4576] : memref<8x32x3x224x224xf32, #tpu.memory_space<hbm>> -> memref<1x1x1x224x224xf32, #tpu.memory_space<hbm>>
    %dma_start3A_4578 = tpu.memref_squeeze %dma_start3A_4577 : memref<1x1x1x224x224xf32, #tpu.memory_space<hbm>> -> memref<224x224xf32, #tpu.memory_space<hbm>>
    tpu.enqueue_dma source(%arg4 : memref<224x224xf32, #tpu.memory_space<vmem>>) target(%dma_start3A_4578 : memref<224x224xf32, #tpu.memory_space<hbm>>) target_semaphore(%arg8 : memref<!tpu.dma_semaphore, #tpu.memory_space<semaphore_mem>>)
    %dma_wait3A_4579 = arith.constant 0 : i32
    %dma_wait3A_4580 = arith.constant 0 : i32
    %dma_wait3A_4581 = tpu.memref_slice %arg2[%select_n3A_4457, %select_n3A_4472, %select_n3A_4433, %dma_wait3A_4579, %dma_wait3A_4580] : memref<8x32x3x224x224xf32, #tpu.memory_space<hbm>> -> memref<1x1x1x224x224xf32, #tpu.memory_space<hbm>>
    %dma_wait3A_4582 = tpu.memref_squeeze %dma_wait3A_4581 : memref<1x1x1x224x224xf32, #tpu.memory_space<hbm>> -> memref<224x224xf32, #tpu.memory_space<hbm>>
    %dma_wait3A_4583 = arith.constant 0 : i32
    %dma_wait3A_4584 = arith.constant 0 : i32
    %dma_wait3A_4585 = tpu.memref_slice %arg2[%select_n3A_4457, %select_n3A_4472, %select_n3A_4433, %dma_wait3A_4583, %dma_wait3A_4584] : memref<8x32x3x224x224xf32, #tpu.memory_space<hbm>> -> memref<1x1x1x224x224xf32, #tpu.memory_space<hbm>>
    %dma_wait3A_4586 = tpu.memref_squeeze %dma_wait3A_4585 : memref<1x1x1x224x224xf32, #tpu.memory_space<hbm>> -> memref<224x224xf32, #tpu.memory_space<hbm>>
    tpu.wait_dma2 semaphore(%arg7 : memref<!tpu.dma_semaphore, #tpu.memory_space<semaphore_mem>>) src(%dma_wait3A_4586 : memref<224x224xf32, #tpu.memory_space<hbm>>) dst(%arg5 : memref<224x224xf32, #tpu.memory_space<vmem>>)
    %mul3A_4587 = arith.constant 24 : i32
    %mul3A_4588 = arith.muli %add3A, %mul3A_4587 : i32
    %add3A_4589 = arith.constant 23 : i32
    %add3A_4590 = arith.addi %mul3A_4588, %add3A_4589 : i32
    %jit3A_4591 = arith.constant 3 : i32
    %div3A_4592 = arith.divsi %add3A_4590, %jit3A_4591 : i32
    %sign3A_4593 = arith.constant 0 : i32
    %sign3A_4594 = arith.cmpi sgt, %add3A_4590, %sign3A_4593 : i32
    %sign3A_4595 = arith.extui %sign3A_4594 : i1 to i32
    %sign3A_4596 = arith.constant 0 : i32
    %sign3A_4597 = arith.cmpi slt, %add3A_4590, %sign3A_4596 : i32
    %sign3A_4598 = arith.extui %sign3A_4597 : i1 to i32
    %sign3A_4599 = arith.subi %sign3A_4595, %sign3A_4598 : i32
    %sign3A_4600 = arith.constant 0 : i32
    %sign3A_4601 = arith.cmpi sgt, %jit3A_4591, %sign3A_4600 : i32
    %sign3A_4602 = arith.extui %sign3A_4601 : i1 to i32
    %sign3A_4603 = arith.constant 0 : i32
    %sign3A_4604 = arith.cmpi slt, %jit3A_4591, %sign3A_4603 : i32
    %sign3A_4605 = arith.extui %sign3A_4604 : i1 to i32
    %sign3A_4606 = arith.subi %sign3A_4602, %sign3A_4605 : i32
    %ne3A_4607 = arith.cmpi ne, %sign3A_4599, %sign3A_4606 : i32
    %rem3A_4608 = arith.remsi %add3A_4590, %jit3A_4591 : i32
    %ne3A_4609 = arith.constant 0 : i32
    %ne3A_4610 = arith.cmpi ne, %rem3A_4608, %ne3A_4609 : i32
    %and3A_4611 = arith.andi %ne3A_4607, %ne3A_4610 : i1
    %sub3A_4612 = arith.constant 1 : i32
    %sub3A_4613 = arith.subi %div3A_4592, %sub3A_4612 : i32
    %select_n3A_4614 = arith.select %and3A_4611, %sub3A_4613, %div3A_4592 : i32
    %eq3A_4615 = arith.constant 0 : i32
    %eq3A_4616 = arith.cmpi eq, %jit3A_4591, %eq3A_4615 : i32
    %jit3A_4617 = arith.constant 1 : i32
    %select_n3A_4618 = arith.select %eq3A_4616, %jit3A_4617, %jit3A_4591 : i32
    %rem3A_4619 = arith.remsi %add3A_4590, %select_n3A_4618 : i32
    %ne3A_4620 = arith.constant 0 : i32
    %ne3A_4621 = arith.cmpi ne, %rem3A_4619, %ne3A_4620 : i32
    %lt3A_4622 = arith.constant 0 : i32
    %lt3A_4623 = arith.cmpi slt, %rem3A_4619, %lt3A_4622 : i32
    %lt3A_4624 = arith.constant 0 : i32
    %lt3A_4625 = arith.cmpi slt, %select_n3A_4618, %lt3A_4624 : i32
    %ne3A_4626 = arith.xori %lt3A_4623, %lt3A_4625 : i1
    %and3A_4627 = arith.andi %ne3A_4626, %ne3A_4621 : i1
    %add3A_4628 = arith.addi %rem3A_4619, %select_n3A_4618 : i32
    %select_n3A_4629 = arith.select %and3A_4627, %add3A_4628, %rem3A_4619 : i32
    %jit3A_4630 = arith.constant 32 : i32
    %div3A_4631 = arith.divsi %select_n3A_4614, %jit3A_4630 : i32
    %sign3A_4632 = arith.constant 0 : i32
    %sign3A_4633 = arith.cmpi sgt, %select_n3A_4614, %sign3A_4632 : i32
    %sign3A_4634 = arith.extui %sign3A_4633 : i1 to i32
    %sign3A_4635 = arith.constant 0 : i32
    %sign3A_4636 = arith.cmpi slt, %select_n3A_4614, %sign3A_4635 : i32
    %sign3A_4637 = arith.extui %sign3A_4636 : i1 to i32
    %sign3A_4638 = arith.subi %sign3A_4634, %sign3A_4637 : i32
    %sign3A_4639 = arith.constant 0 : i32
    %sign3A_4640 = arith.cmpi sgt, %jit3A_4630, %sign3A_4639 : i32
    %sign3A_4641 = arith.extui %sign3A_4640 : i1 to i32
    %sign3A_4642 = arith.constant 0 : i32
    %sign3A_4643 = arith.cmpi slt, %jit3A_4630, %sign3A_4642 : i32
    %sign3A_4644 = arith.extui %sign3A_4643 : i1 to i32
    %sign3A_4645 = arith.subi %sign3A_4641, %sign3A_4644 : i32
    %ne3A_4646 = arith.cmpi ne, %sign3A_4638, %sign3A_4645 : i32
    %rem3A_4647 = arith.remsi %select_n3A_4614, %jit3A_4630 : i32
    %ne3A_4648 = arith.constant 0 : i32
    %ne3A_4649 = arith.cmpi ne, %rem3A_4647, %ne3A_4648 : i32
    %and3A_4650 = arith.andi %ne3A_4646, %ne3A_4649 : i1
    %sub3A_4651 = arith.constant 1 : i32
    %sub3A_4652 = arith.subi %div3A_4631, %sub3A_4651 : i32
    %select_n3A_4653 = arith.select %and3A_4650, %sub3A_4652, %div3A_4631 : i32
    %eq3A_4654 = arith.constant 0 : i32
    %eq3A_4655 = arith.cmpi eq, %jit3A_4630, %eq3A_4654 : i32
    %jit3A_4656 = arith.constant 1 : i32
    %select_n3A_4657 = arith.select %eq3A_4655, %jit3A_4656, %jit3A_4630 : i32
    %rem3A_4658 = arith.remsi %select_n3A_4614, %select_n3A_4657 : i32
    %ne3A_4659 = arith.constant 0 : i32
    %ne3A_4660 = arith.cmpi ne, %rem3A_4658, %ne3A_4659 : i32
    %lt3A_4661 = arith.constant 0 : i32
    %lt3A_4662 = arith.cmpi slt, %rem3A_4658, %lt3A_4661 : i32
    %lt3A_4663 = arith.constant 0 : i32
    %lt3A_4664 = arith.cmpi slt, %select_n3A_4657, %lt3A_4663 : i32
    %ne3A_4665 = arith.xori %lt3A_4662, %lt3A_4664 : i1
    %and3A_4666 = arith.andi %ne3A_4665, %ne3A_4660 : i1
    %add3A_4667 = arith.addi %rem3A_4658, %select_n3A_4657 : i32
    %select_n3A_4668 = arith.select %and3A_4666, %add3A_4667, %rem3A_4658 : i32
    %dma_start3A_4669 = arith.constant 0 : i32
    %dma_start3A_4670 = arith.constant 0 : i32
    %dma_start3A_4671 = tpu.memref_slice %arg3[%select_n3A_4653, %select_n3A_4668, %select_n3A_4629, %dma_start3A_4669, %dma_start3A_4670] : memref<8x32x3x224x224xf32, #tpu.memory_space<hbm>> -> memref<1x1x1x224x224xf32, #tpu.memory_space<hbm>>
    %dma_start3A_4672 = tpu.memref_squeeze %dma_start3A_4671 : memref<1x1x1x224x224xf32, #tpu.memory_space<hbm>> -> memref<224x224xf32, #tpu.memory_space<hbm>>
    %dma_start3A_4673 = arith.constant 0 : i32
    %dma_start3A_4674 = arith.constant 0 : i32
    %dma_start3A_4675 = tpu.memref_slice %arg3[%select_n3A_4653, %select_n3A_4668, %select_n3A_4629, %dma_start3A_4673, %dma_start3A_4674] : memref<8x32x3x224x224xf32, #tpu.memory_space<hbm>> -> memref<1x1x1x224x224xf32, #tpu.memory_space<hbm>>
    %dma_start3A_4676 = tpu.memref_squeeze %dma_start3A_4675 : memref<1x1x1x224x224xf32, #tpu.memory_space<hbm>> -> memref<224x224xf32, #tpu.memory_space<hbm>>
    tpu.enqueue_dma source(%arg5 : memref<224x224xf32, #tpu.memory_space<vmem>>) target(%dma_start3A_4676 : memref<224x224xf32, #tpu.memory_space<hbm>>) target_semaphore(%arg9 : memref<!tpu.dma_semaphore, #tpu.memory_space<semaphore_mem>>)
    %dma_wait3A_4677 = arith.constant 0 : i32
    %dma_wait3A_4678 = arith.constant 0 : i32
    %dma_wait3A_4679 = tpu.memref_slice %arg3[%select_n3A_4555, %select_n3A_4570, %select_n3A_4531, %dma_wait3A_4677, %dma_wait3A_4678] : memref<8x32x3x224x224xf32, #tpu.memory_space<hbm>> -> memref<1x1x1x224x224xf32, #tpu.memory_space<hbm>>
    %dma_wait3A_4680 = tpu.memref_squeeze %dma_wait3A_4679 : memref<1x1x1x224x224xf32, #tpu.memory_space<hbm>> -> memref<224x224xf32, #tpu.memory_space<hbm>>
    %dma_wait3A_4681 = arith.constant 0 : i32
    %dma_wait3A_4682 = arith.constant 0 : i32
    %dma_wait3A_4683 = tpu.memref_slice %arg3[%select_n3A_4555, %select_n3A_4570, %select_n3A_4531, %dma_wait3A_4681, %dma_wait3A_4682] : memref<8x32x3x224x224xf32, #tpu.memory_space<hbm>> -> memref<1x1x1x224x224xf32, #tpu.memory_space<hbm>>
    %dma_wait3A_4684 = tpu.memref_squeeze %dma_wait3A_4683 : memref<1x1x1x224x224xf32, #tpu.memory_space<hbm>> -> memref<224x224xf32, #tpu.memory_space<hbm>>
    tpu.wait_dma2 semaphore(%arg8 : memref<!tpu.dma_semaphore, #tpu.memory_space<semaphore_mem>>) src(%arg4 : memref<224x224xf32, #tpu.memory_space<vmem>>) dst(%dma_wait3A_4684 : memref<224x224xf32, #tpu.memory_space<hbm>>)
    %dma_wait3A_4685 = arith.constant 0 : i32
    %dma_wait3A_4686 = arith.constant 0 : i32
    %dma_wait3A_4687 = tpu.memref_slice %arg3[%select_n3A_4653, %select_n3A_4668, %select_n3A_4629, %dma_wait3A_4685, %dma_wait3A_4686] : memref<8x32x3x224x224xf32, #tpu.memory_space<hbm>> -> memref<1x1x1x224x224xf32, #tpu.memory_space<hbm>>
    %dma_wait3A_4688 = tpu.memref_squeeze %dma_wait3A_4687 : memref<1x1x1x224x224xf32, #tpu.memory_space<hbm>> -> memref<224x224xf32, #tpu.memory_space<hbm>>
    %dma_wait3A_4689 = arith.constant 0 : i32
    %dma_wait3A_4690 = arith.constant 0 : i32
    %dma_wait3A_4691 = tpu.memref_slice %arg3[%select_n3A_4653, %select_n3A_4668, %select_n3A_4629, %dma_wait3A_4689, %dma_wait3A_4690] : memref<8x32x3x224x224xf32, #tpu.memory_space<hbm>> -> memref<1x1x1x224x224xf32, #tpu.memory_space<hbm>>
    %dma_wait3A_4692 = tpu.memref_squeeze %dma_wait3A_4691 : memref<1x1x1x224x224xf32, #tpu.memory_space<hbm>> -> memref<224x224xf32, #tpu.memory_space<hbm>>
    tpu.wait_dma2 semaphore(%arg9 : memref<!tpu.dma_semaphore, #tpu.memory_space<semaphore_mem>>) src(%arg5 : memref<224x224xf32, #tpu.memory_space<vmem>>) dst(%dma_wait3A_4692 : memref<224x224xf32, #tpu.memory_space<hbm>>)
    return
  }
}

module attributes {stable_mosaic.version = 14 : i64} {
  func.func @gather_body(%arg0: i32, %arg1: i32, %arg2: memref<1x1x3x224x224xf32, #tpu.memory_space<vmem>>, %arg3: memref<1x1x3x224x224xf32, #tpu.memory_space<vmem>>) attributes {dimension_semantics = [#tpu.dimension_semantics<arbitrary>, #tpu.dimension_semantics<arbitrary>], iteration_bounds = array<i64: 8, 8>, scalar_prefetch = 0 : i64, scratch_operands = 0 : i64, tpu.core_type = #tpu.core_type<tc>, window_params = [{transform_indices = @transform_0, window_bounds = array<i64: 1, 1, 3, 224, 224>}, {transform_indices = @transform_1, window_bounds = array<i64: 1, 1, 3, 224, 224>}]} {
    %get3A = arith.constant 0 : index
    %get3A_0 = arith.constant 0 : index
    %get3A_1 = arith.constant 0 : index
    %get3A_2 = arith.constant 0 : index
    %get3A_3 = arith.constant 0 : index
    %get3A_4 = vector.load %arg2[%get3A, %get3A_0, %get3A_1, %get3A_2, %get3A_3] : memref<1x1x3x224x224xf32, #tpu.memory_space<vmem>>, vector<1x1x3x224x224xf32>
    %swap3A = arith.constant 0 : index
    %swap3A_5 = arith.constant 0 : index
    %swap3A_6 = arith.constant 0 : index
    %swap3A_7 = arith.constant 0 : index
    %swap3A_8 = arith.constant 0 : index
    %swap3A_9 = vector.load %arg3[%swap3A, %swap3A_5, %swap3A_6, %swap3A_7, %swap3A_8] : memref<1x1x3x224x224xf32, #tpu.memory_space<vmem>>, vector<1x1x3x224x224xf32>
    tpu.vector_store %arg3[%swap3A, %swap3A_5, %swap3A_6, %swap3A_7, %swap3A_8], %get3A_4 {strides = array<i32>} : memref<1x1x3x224x224xf32, #tpu.memory_space<vmem>>, vector<1x1x3x224x224xf32>,
    return
  }
  func.func @transform_0(%arg0: i32, %arg1: i32) -> (i32, i32, i32, i32, i32) {
    %mul3A = arith.constant 31 : i32
    %mul3A_0 = arith.muli %arg1, %mul3A : i32
    %jit3A = arith.constant 7 : i32
    %div3A = arith.divsi %mul3A_0, %jit3A : i32
    %sign3A = arith.constant 0 : i32
    %sign3A_1 = arith.cmpi sgt, %mul3A_0, %sign3A : i32
    %sign3A_2 = arith.extui %sign3A_1 : i1 to i32
    %sign3A_3 = arith.constant 0 : i32
    %sign3A_4 = arith.cmpi slt, %mul3A_0, %sign3A_3 : i32
    %sign3A_5 = arith.extui %sign3A_4 : i1 to i32
    %sign3A_6 = arith.subi %sign3A_2, %sign3A_5 : i32
    %sign3A_7 = arith.constant 0 : i32
    %sign3A_8 = arith.cmpi sgt, %jit3A, %sign3A_7 : i32
    %sign3A_9 = arith.extui %sign3A_8 : i1 to i32
    %sign3A_10 = arith.constant 0 : i32
    %sign3A_11 = arith.cmpi slt, %jit3A, %sign3A_10 : i32
    %sign3A_12 = arith.extui %sign3A_11 : i1 to i32
    %sign3A_13 = arith.subi %sign3A_9, %sign3A_12 : i32
    %ne3A = arith.cmpi ne, %sign3A_6, %sign3A_13 : i32
    %rem3A = arith.remsi %mul3A_0, %jit3A : i32
    %ne3A_14 = arith.constant 0 : i32
    %ne3A_15 = arith.cmpi ne, %rem3A, %ne3A_14 : i32
    %and3A = arith.andi %ne3A, %ne3A_15 : i1
    %sub3A = arith.constant 1 : i32
    %sub3A_16 = arith.subi %div3A, %sub3A : i32
    %select_n3A = arith.select %and3A, %sub3A_16, %div3A : i32
    %c0_i32 = arith.constant 0 : i32
    %c0_i32_17 = arith.constant 0 : i32
    %c0_i32_18 = arith.constant 0 : i32
    %c0_i32_19 = arith.constant 0 : i32
    return %arg0, %select_n3A, %c0_i32, %c0_i32_17, %c0_i32_18 : i32, i32, i32, i32, i32
  }
  func.func @transform_1(%arg0: i32, %arg1: i32) -> (i32, i32, i32, i32, i32) {
    %c0_i32 = arith.constant 0 : i32
    %c0_i32_0 = arith.constant 0 : i32
    %c0_i32_1 = arith.constant 0 : i32
    %c0_i32_2 = arith.constant 0 : i32
    return %arg0, %arg1, %c0_i32, %c0_i32_0, %c0_i32_1 : i32, i32, i32, i32, i32
  }
}

</mosaic_0001>

<sc_bundles>
// kernel: kernel.4.cloned.1.call-start
scs
__scs_entry_jumppad:
0x0: {  	(pc) =	sbr.rel $0x88, $3  }
0x1: {  	(tag) =	ssettag $0x0;
	lr =	simm.s32 $0x1  }
0x2: {  	[smem:$0x3FA0] =	sst lr;
	_ =	strace $0xD0000000  }
0x3: {  	_ = 	snop  }
0x4: {  	_ = 	snop  }
0x5: {  	_ = 	snop  }
0x6: {  	_ = 	snop  }
0x7: {  	_ = 	snop  }
__scs_overlays_trampoline_lowered:
0x8: {  	[smem:$0x3FAF] =	sst s0  }
0x9: {  	[smem:$0x3FB0] =	sst s1  }
0xa: {  	[smem:$0x3FB1] =	sst s2  }
0xb: {  	[smem:$0x3FB2] =	sst s3  }
0xc: {  	[smem:$0x3FB3] =	sst s4  }
0xd: {  	[smem:$0x3FB4] =	sst s5  }
0xe: {  	[smem:$0x3FB5] =	sst s6  }
0xf: {  	[smem:$0x3FB6] =	sst s7  }
0x10: {  	[smem:$0x3FB7] =	sst s8  }
0x11: {  	[smem:$0x3FB8] =	sst s9;
	s0 =	simm.s32 @!p0 $0x0  }
0x12: {  	s1 =	sld [smem:$0x3F9E];
	s0 =	simm.s32 @p0 $0x1  }
0x13: {  	[smem:$0x3FB9] =	sst s0;
	s0 =	simm.s32 @!p1 $0x0  }
0x14: {  	s2 =	sld [smem:$0x3F9D];
	s0 =	simm.s32 @p1 $0x1  }
0x15: {  	[smem:$0x3FBA] =	sst s0;
	s0 =	simm.s32 @!p2 $0x0  }
0x16: {  	s3 =	sld [smem:$0x3FDB];
	s0 =	simm.s32 @p2 $0x1  }
0x17: {  	s4 =	simm.s32 $0x1BF5;
	[smem:$0x3FBC] =	sst s0  }
0x18: {  	s0 =	sld [smem:$0x3F9F];
	_ =	swait.ge [sflag:s4], $0x0  }
0x19: {  	s7 =	sld [smem:$0x3FA0]  }
0x1a: {  	s8 =	sadd.s32 $0xFFFFE003, lr  }
0x1b: {  	s9 =	sadd.s32 $0xFFFFFEF7, lr;
	s5 =	simm.s32 $0xFFFFFFFF;
	p2 =	slt.u32 s8, $0xFFFFF086  }
0x1c: {  	p1 =	slt.u32 s9, $0xF7A;
	s5 =	simm.s32 @!p2 $0x0  }
0x1d: {  	s5 =	simm.s32 @p1 $0x1;
	p0 =	seq.s32 s7, s2  }
0x1e: {  	s7 =	smul.u32 @!p0 $0xF7A, s2;
	p2 =	seq.s32 @!p0 s5, $0x0  }
0x1f: {  	s9 =	smul.u32 $0xF7A, s1;
	s8 =	simm.s32 @!p0 $0x1BF5;
	p2 =	por !p2, p0  }
0x20: {  	[sflag:s8] =	ssyncset.s32 @!p0 $0xFFFFF086;
	s6 =	sadd.s32 @!p0 s3, s7;
	s7 =	simm.s32 @!p0 $0x108  }
0x21: {  	s3 =	sadd.s32 s3, s9;
	s6 =	sadd.s32 @!p0 $0x88, s6;
	s7 =	simm.s32 @p2 $0x1082  }
0x22: {  	[simem:s7], [sflag:s8] =	dma.local @!p0 [hbm:s6], $0xF7A  }
0x23: {  	s9 =	sor.u32 $0xD0000000, s2;
	s6 =	simm.s32 $0x108;
	_ =	swait.ge @!p0 [sflag:s8], $0x0  }
0x24: {  	s3 =	sadd.s32 $0x88, s3;
	s6 =	simm.s32 @!p1 $0x1082;
	[sflag:s4] =	ssyncset.s32 $0xFFFFF086  }
0x25: {  	[simem:s6], [sflag:s4] =	dma.local [hbm:s3], $0xF7A  }
0x26: {  	[smem:$0x3FA0] =	sst s1;
	(tag) =	ssettag s2;
	_ =	strace s9  }
0x27: {  	s1 =	sld [smem:$0x3FB0]  }
0x28: {  	s2 =	sld [smem:$0x3FB1]  }
0x29: {  	s4 =	sld [smem:$0x3FB3]  }
0x2a: {  	p0 =	seq.s32 s5, $0x0;
	s5 =	sld [smem:$0x3FB4]  }
0x2b: {  	s6 =	sld [smem:$0x3FB5]  }
0x2c: {  	s7 =	sld [smem:$0x3FB6]  }
0x2d: {  	s3 =	simm.s32 $0x108;
	s8 =	sld [smem:$0x3FB7]  }
0x2e: {  	s3 =	simm.s32 @!p0 $0x1082;
	s9 =	sld [smem:$0x3FB8]  }
0x2f: {  	lr =	sadd.s32 s0, s3;
	s0 =	sld [smem:$0x3FAF]  }
0x30: {  	s3 =	sld [smem:$0x3FB2]  }
0x31: {  	[smem:$0x3FBB] =	sst s10  }
0x32: {  	s10 =	sld [smem:$0x3FB9];
	_ =	sdelay $0x3  }
0x33: {  	p0 =	seq.s32 s10, $0x1;
	s10 =	sld [smem:$0x3FBB];
	_ =	sdelay $0x3  }
0x34: {  	[smem:$0x3FBB] =	sst s10  }
0x35: {  	s10 =	sld [smem:$0x3FBA];
	_ =	sdelay $0x3  }
0x36: {  	p1 =	seq.s32 s10, $0x1;
	s10 =	sld [smem:$0x3FBB];
	_ =	sdelay $0x3  }
0x37: {  	[smem:$0x3FBB] =	sst s10  }
0x38: {  	s10 =	sld [smem:$0x3FBC]  }
0x39: {  	_ = 	snop;
	(pc) =	sbr.ind lr, $3  }
0x3a: {  	_ = 	snop  }
0x3b: {  	_ = 	snop  }
0x3c: {  	p2 =	seq.s32 s10, $0x1;
	s10 =	sld [smem:$0x3FBB]  }
0x3d: {  	_ =	shalt  }
0x3e: {  	_ =	shalt  }
0x3f: {  	_ =	shalt  }
0x40: {  	_ =	shalt  }
0x41: {  	_ =	shalt  }
0x42: {  	_ =	shalt  }
0x43: {  	_ =	shalt  }
0x44: {  	_ =	shalt  }
0x45: {  	_ =	shalt  }
0x46: {  	_ =	shalt  }
0x47: {  	_ =	shalt  }
0x48: {  	_ =	shalt  }
0x49: {  	_ =	shalt  }
0x4a: {  	_ =	shalt  }
0x4b: {  	_ =	shalt  }
0x4c: {  	_ =	shalt  }
0x4d: {  	_ =	shalt  }
0x4e: {  	_ =	shalt  }
0x4f: {  	_ =	shalt  }
0x50: {  	_ =	shalt  }
0x51: {  	_ =	shalt  }
0x52: {  	_ =	shalt  }
0x53: {  	_ =	shalt  }
0x54: {  	_ =	shalt  }
0x55: {  	_ =	shalt  }
0x56: {  	_ =	shalt  }
0x57: {  	_ =	shalt  }
0x58: {  	_ =	shalt  }
0x59: {  	_ =	shalt  }
0x5a: {  	_ =	shalt  }
0x5b: {  	_ =	shalt  }
0x5c: {  	_ =	shalt  }
0x5d: {  	_ =	shalt  }
0x5e: {  	_ =	shalt  }
0x5f: {  	_ =	shalt  }
0x60: {  	_ =	shalt  }
0x61: {  	_ =	shalt  }
0x62: {  	_ =	shalt  }
0x63: {  	_ =	shalt  }
0x64: {  	_ =	shalt  }
0x65: {  	_ =	shalt  }
0x66: {  	_ =	shalt  }
0x67: {  	_ =	shalt  }
0x68: {  	_ =	shalt  }
0x69: {  	_ =	shalt  }
0x6a: {  	_ =	shalt  }
0x6b: {  	_ =	shalt  }
0x6c: {  	_ =	shalt  }
0x6d: {  	_ =	shalt  }
0x6e: {  	_ =	shalt  }
0x6f: {  	_ =	shalt  }
0x70: {  	_ =	shalt  }
0x71: {  	_ =	shalt  }
0x72: {  	_ =	shalt  }
0x73: {  	_ =	shalt  }
0x74: {  	_ =	shalt  }
0x75: {  	_ =	shalt  }
0x76: {  	_ =	shalt  }
0x77: {  	_ =	shalt  }
0x78: {  	_ =	shalt  }
0x79: {  	_ =	shalt  }
0x7a: {  	_ =	shalt  }
0x7b: {  	_ =	shalt  }
0x7c: {  	_ =	shalt  }
0x7d: {  	_ =	shalt  }
0x7e: {  	_ =	shalt  }
0x7f: {  	_ =	shalt  }
0x80: {  	_ =	shalt  }
0x81: {  	_ =	shalt  }
0x82: {  	_ =	shalt  }
0x83: {  	_ =	shalt  }
0x84: {  	_ =	shalt  }
0x85: {  	_ =	shalt  }
0x86: {  	_ =	shalt  }
0x87: {  	_ =	shalt  }
.Lfunc_end0:
.L_simem_size_0:
called_computation_lowered:
.L_overlay_start_0:
0x88: {  	s2 =	sld [smem:$0x3FD9]  }
0x89: {  	s3 =	sld [smem:$0x3FFE];
	_ =	sdelay $0x1  }
0x8a: {  	s1 =	srdreg.scid  }
0x8b: {  	s0 =	sand.u32 $0x1, s1  }
0x8c: {  	s15 =	sshll.u32 s0, $0xA;
	s2 =	sadd.s32 s3, s2  }
0x8d: {  	s2 =	sadd.s32 s2, s15  }
0x8e: {  	[smem:$0x3FC7] =	sst s2  }
0x8f: {  	_ = 	snop  }
0x90: {  	s2 =	sld [smem:$0x3FD0];
	_ =	sdelay $0x2  }
0x91: {  	s4 =	simm.s32 $0xA;
	s5 =	simm.s32 $0x10;
	s16 =	sld [smem:$0x3FC9]  }
0x92: {  	[smem:s5], [sflag:s4] =	dma.local [hbm:s2], $0x1  }
0x93: {  	_ =	swait.eq [sflag:s4], $0x1  }
0x94: {  	[sflag:s4] =	ssyncset.done $0x0  }
0x95: {  	[sflag:s4] =	ssyncadd.s32 $0xFFFFFFFF  }
0x96: {  	s17 =	sld [smem:$0x11];
	(tm) =	ssettm $0x1  }
0x97: {  	s18 =	sld [smem:$0x3FFB];
	_ =	sdelay $0x3  }
0x98: {  	_ =	strace s18  }
0x99: {  	s4 =	sld [smem:$0x3FFC];
	_ =	sdelay $0x3  }
0x9a: {  	_ =	strace s4  }
0x9b: {  	s4 =	sld [smem:$0x3FFD];
	_ =	sdelay $0x3  }
0x9c: {  	_ =	strace s4  }
0x9d: {  	_ =	strace $0x8FFFFFFF  }
0x9e: {  	s19 =	sld [smem:$0x3FDB];
	_ =	sdelay $0x1  }
0x9f: {  	s20 =	simm.s32 $_scs_section_size  }
0xa0: {  	s6 =	simm.s32 $_size__tile_overlayer_lowered;
	s7 =	simm.s32 $_tile_overlayer_lowered  }
0xa1: {  	s23 =	simm.s32 $0x1BFF;
	s22 =	sshll.u32 s7, $0x1;
	s4 =	sadd.s32 s20, s19  }
0xa2: {  	s8 =	simm.s32 $0x0;
	s21 =	sshll.u32 s6, $0x1;
	s6 =	sadd.s32 s22, s4  }
0xa3: {  	[timem:s8], [sflag:s23] =	dma.local [hbm:s6], s21  }
0xa4: {  	_ =	swait.ge [sflag:s23], s21  }
0xa5: {  	s5 =	ssub.s32 $0x0, s21;
	[sflag:s23] =	ssyncset.done $0x0  }
0xa6: {  	[sflag:s23] =	ssyncadd.s32 s5;
	_ =	sdelay $0x1  }
0xa7: {  	s24 =	simm.s32 $0x1B8B  }
0xa8: {  	_ =	swait.ge [sflag:s24], $0x1  }
0xa9: {  	[sflag:s24] =	ssyncset.done $0x0  }
0xaa: {  	s25 =	simm.s32 $0x1B8E;
	[sflag:s24] =	ssyncadd.s32 $0xFFFFFFFF  }
0xab: {  	s26 =	simm.s32 $execute0_lowered;
	[smem:$0x3FD2] =	sst s25  }
0xac: {  	s5 =	sshll.u32 s26, $0x1;
	_ =	strace $0x80000046;
	[dreg:$0x1] =	wrdreg $0xFFFFFFFF  }
0xad: {  	s28 =	simm.s32 $_size_execute0_lowered;
	s4 =	sadd.s32 s4, s5;
	[dreg:$0x0] =	wrdreg $0x0  }
0xae: {  	s5 =	sshll.u32 s28, $0x1;
	[dreg:$0x2] =	wrdreg s4  }
0xaf: {  	[dreg:$0x3] =	wrdreg s5  }
0xb0: {  	[dreg:$0x4] =	wrdreg $0xC0  }
0xb1: {  	_ =	task [dreg:s8], $0x5FFFF  }
0xb2: {  	[dreg:$0x1] =	wrdreg $0xFFFFFFFF  }
0xb3: {  	[dreg:$0x0] =	wrdreg $0x60  }
0xb4: {  	[dreg:$0x2] =	wrdreg s16  }
0xb5: {  	[dreg:$0x3] =	wrdreg s17  }
0xb6: {  	[dreg:$0x4] =	wrdreg $0x9  }
0xb7: {  	_ =	task.clear_ibuf [dreg:s8], $0x5FFFF;
	_ =	strace $0x90000046  }
0xb8: {  	s29 =	simm.s32 $0x9;
	_ =	strace $0x80000048  }
0xb9: {  	_ =	swait.ge [sflag:s29], $0x1  }
0xba: {  	[sflag:s29] =	ssyncadd.s32 $0xFFFFFFFF  }
0xbb: {  	_ =	strace $0x90000048  }
0xbc: {  	_ =	sfence  }
0xbd: {  	s30 =	sld [smem:$0x0];
	_ =	sdelay $0x2  }
0xbe: {  	s31 =	sshll.u32 s1, $0xD;
	s1 =	sshrl.u32 s1, $0x2  }
0xbf: {  	s3 =	sand.u32 $0x4000, s31;
	s1 =	sadd.s32 s1, s30  }
0xc0: {  	s0 =	sor.u32 s3, s0;
	s1 =	sshll.u32 s1, $0x11  }
0xc1: {  	s0 =	sor.u32 s1, s0  }
0xc2: {  	s0 =	sadd.s32 $0x8F2B, s0  }
0xc3: {  	[sflag:s0] =	ssyncadd.remote.s32 $0x1  }
0xc4: {  	_ =	sfence.sel $0xFFFF  }
0xc5: {  	[dreg:$0x0] =	wrdreg $0xFFFFFFFF;
	(pc) =	sbr.abs _section_cstart, $3  }
0xc6: {  	[dreg:$0x1] =	wrdreg $0xFFFFFFFF  }
0xc7: {  	_ =	task.clear_ibuf [dreg:s8], $0x2FFFF;
	_ =	strace $0x9FFFFFFF  }
0xc8: {  	(tm) =	ssettm $0x7FFFFFFF  }
0xc9: {  	_ =	shalt  }
tec
execute0_lowered:
.L_overlay_start_1:
0x0: {  	(tag) =	ssettag $0x1  }
0x1: {  	s0 =	srdreg.scid  }
0x2: {  	s2 =	stileid.u32;
	s1 =	rddreg [dreg:$0x0]  }
0x3: {  	s9 =	rddreg [dreg:$0x1];
	s14 =	simm.s32 $0x1;
	s3 =	sand.u32 $0x1, s0  }
0x4: {  	s20 =	sshll.u32 s2, $0x1;
	s6 =	sshrl.u32 s2, $0x1;
	s2 =	simm.s32 $0x0  }
0x5: {  	s4 =	sor.u32 s3, s20;
	s5 =	smul.u32 $0x540000, s6;
	[smem:$0x7FF] =	sst s2  }
0x6: {  	s3 =	ssub.s32 $0x2, s3;
	s10 =	smul.u32 $0x18, s4;
	s7 =	sshll.u32 s4, $0x3  }
0x7: {  	_ =	strace $0x80000047;
	p5 =	seq.s32 s4, $0x0;
	s7 =	sand.u32 $0x18, s7  }
0x8: {  	s21 =	sor.u32 $0x1, s10;
	s7 =	smul.u32 $0x2A000, s7;
	s13 =	sor.u32 $0x2, s10  }
0x9: {  	s26 =	sor.u32 $0x3, s10;
	s19 =	sor.u32 $0x4, s10;
	s8 =	smul.u32 $0x5556, s21  }
0xa: {  	p0 =	slt.u32 s21, $0x3;
	s16 =	smul.u32 $0x5556, s26;
	s7 =	sadd.s32 s5, s7  }
0xb: {  	s22 =	smul.u32 $0x5556, s13;
	s8 =	sshrl.u32 s8, $0x10;
	s7 =	sshrl.u32 s7, $0x3  }
0xc: {  	s17 =	sshrl.u32 s16, $0x10;
	s11 =	sand.u32 $0x1F, s8;
	s8 =	smul.u32 $0x3, s8  }
0xd: {  	s12 =	sadd.s32 s1, s7;
	s7 =	sadd.s32 s9, s7;
	s18 =	smul.u32 $0x3, s17  }
0xe: {  	s20 =	sand.u32 $0x1F, s17;
	p1 =	sne.s32 s11, $0x0;
	[dreg:$0x3] =	wrdreg s12  }
0xf: {  	s11 =	smul.u32 $0x2A000, s11;
	[dreg:$0x5] =	wrdreg s7;
	p0 =	por !p0, !p1  }
0x10: {  	s0 =	ssub.s32 s21, s8;
	s8 =	sshrl.u32 s22, $0x10;
	s21 =	ssub.s32 s26, s18  }
0x11: {  	s22 =	smul.u32 $0x5556, s19;
	s26 =	sor.u32 $0x5, s10;
	p0 =	por !p0, !p0  }
0x12: {  	s0 =	sand.u32 $0xFFFF, s0;
	s24 =	sand.u32 $0x1F, s8;
	s8 =	smul.u32 $0x3, s8  }
0x13: {  	s18 =	sor.u32 $0x6, s10;
	s14 =	simm.s32 @!p0 $0x0;
	s0 =	smul.u32 $0xE000, s0  }
0x14: {  	p6 =	sne.s32 s24, $0x0;
	s25 =	smul.u32 $0x2A000, s24;
	s12 =	sshrl.u32 s22, $0x10  }
0x15: {  	s14 =	ssub.s32 s6, s14;
	p0 =	por !p5, !p6;
	s24 =	smul.u32 $0x3, s12  }
0x16: {  	s8 =	ssub.s32 s13, s8;
	s12 =	sand.u32 $0x1F, s12;
	s23 =	smul.u32 $0x540000, s14  }
0x17: {  	s0 =	sadd.s32 s0, s11;
	p0 =	por !p0, !p0;
	s14 =	smul.u32 $0x5556, s26  }
0x18: {  	s11 =	simm.s32 $0x1;
	s8 =	sand.u32 $0xFFFF, s8;
	s12 =	smul.u32 $0x2A000, s12  }
0x19: {  	s11 =	simm.s32 @!p0 $0x0;
	s8 =	smul.u32 $0xE000, s8;
	s7 =	ssub.s32 s19, s24  }
0x1a: {  	s19 =	smul.u32 $0x5556, s18;
	p0 =	por $0x0, $0x0;
	s6 =	ssub.s32 s6, s11  }
0x1b: {  	s0 =	sadd.s32 s23, s0;
	s11 =	sand.u32 $0xFFFF, s21;
	s6 =	smul.u32 $0x540000, s6  }
0x1c: {  	s7 =	sand.u32 $0xFFFF, s7;
	s0 =	sshrl.u32 s0, $0x3;
	s11 =	smul.u32 $0xE000, s11  }
0x1d: {  	s8 =	sadd.s32 s8, s25;
	s7 =	smul.u32 $0xE000, s7;
	s15 =	sadd.s32 s1, s0  }
0x1e: {  	s0 =	sadd.s32 s9, s0;
	[dreg:$0x4] =	wrdreg s15;
	s6 =	sadd.s32 s6, s8  }
0x1f: {  	s8 =	smul.u32 $0x2A000, s20;
	[dreg:$0x7] =	wrdreg s0;
	s25 =	sor.u32 s5, s11  }
0x20: {  	s11 =	sshrl.u32 s14, $0x10;
	s7 =	sor.u32 s5, s7;
	s6 =	sshrl.u32 s6, $0x3  }
0x21: {  	s16 =	smul.u32 $0x3, s11;
	s17 =	sadd.s32 s12, s7;
	s11 =	sand.u32 $0x1F, s11  }
0x22: {  	s12 =	sshrl.u32 s19, $0x10;
	s23 =	sadd.s32 s1, s6;
	s11 =	smul.u32 $0x2A000, s11  }
0x23: {  	s0 =	sadd.s32 s8, s25;
	s6 =	sadd.s32 s9, s6;
	s21 =	smul.u32 $0x3, s12  }
0x24: {  	s12 =	sand.u32 $0x1F, s12;
	[dreg:$0x6] =	wrdreg s23;
	s0 =	sshrl.u32 s0, $0x3  }
0x25: {  	[dreg:$0x9] =	wrdreg s6;
	s8 =	ssub.s32 s26, s16;
	s6 =	sshrl.u32 s17, $0x3  }
0x26: {  	s23 =	sor.u32 $0x7, s10;
	s12 =	smul.u32 $0x2A000, s12;
	s15 =	sadd.s32 s1, s0  }
0x27: {  	s8 =	sand.u32 $0xFFFF, s8;
	s20 =	sadd.s32 s1, s6;
	s24 =	smul.u32 $0x5556, s23  }
0x28: {  	s0 =	sadd.s32 s9, s0;
	s7 =	ssub.s32 s18, s21;
	s8 =	smul.u32 $0xE000, s8  }
0x29: {  	s6 =	sadd.s32 s9, s6;
	[dreg:$0x8] =	wrdreg s15;
	s7 =	sand.u32 $0xFFFF, s7  }
0x2a: {  	[dreg:$0xa] =	wrdreg s20;
	s7 =	smul.u32 $0xE000, s7;
	s22 =	sor.u32 s5, s8  }
0x2b: {  	[dreg:$0xb] =	wrdreg s0;
	s0 =	sadd.s32 s11, s22;
	s11 =	sshrl.u32 s24, $0x10  }
0x2c: {  	[dreg:$0xd] =	wrdreg s6;
	s7 =	sor.u32 s5, s7;
	s26 =	smul.u32 $0x3, s11  }
0x2d: {  	s7 =	sadd.s32 s12, s7;
	s11 =	sand.u32 $0x1F, s11;
	s12 =	smul.u32 $0x80010, s4  }
0x2e: {  	s0 =	sshrl.u32 s0, $0x3;
	s6 =	sshrl.u32 s7, $0x3;
	s7 =	smul.u32 $0x2A000, s11  }
0x2f: {  	s25 =	sadd.s32 s1, s0;
	s11 =	smul.u32 $0x4008, s4;
	s0 =	sadd.s32 s9, s0  }
0x30: {  	[dreg:$0xc] =	wrdreg s25;
	s8 =	ssub.s32 s23, s26;
	s13 =	sadd.s32 s1, s6  }
0x31: {  	s14 =	sadd.s32 $0x2AAB0, s12;
	[dreg:$0xf] =	wrdreg s0;
	s20 =	sadd.s32 $0x30006, s12  }
0x32: {  	s6 =	sadd.s32 s9, s6;
	s26 =	sadd.s32 $0x3555C, s12;
	s8 =	sand.u32 $0xFFFF, s8  }
0x33: {  	[dreg:$0xe] =	wrdreg s13;
	s15 =	sshrl.u32 s14, $0x10;
	s8 =	smul.u32 $0xE000, s8  }
0x34: {  	s18 =	sadd.s32 $0x1558, s11;
	s14 =	sshrl.u32 s26, $0x10;
	s16 =	smul.u32 $0x3, s15  }
0x35: {  	[dreg:$0x11] =	wrdreg s6;
	s4 =	sand.u32 $0x1F, s15;
	s15 =	smul.u32 $0x3, s14  }
0x36: {  	s23 =	sadd.s32 $0x1803, s11;
	s26 =	sadd.s32 $0x40008, s12;
	s4 =	smul.u32 $0x2A000, s4  }
0x37: {  	s5 =	sor.u32 s5, s8;
	s19 =	ssub.s32 s10, s16;
	s8 =	sshrl.u32 s20, $0x10  }
0x38: {  	s17 =	sadd.s32 s7, s5;
	s5 =	sshrl.u32 s18, $0x10;
	s7 =	sadd.s32 $0x8, s19  }
0x39: {  	s22 =	smul.u32 $0x3, s8;
	s8 =	sand.u32 $0x1F, s8;
	s18 =	sand.u32 $0x1F, s14  }
0x3a: {  	s19 =	sadd.s32 $0x3AAB2, s12;
	s14 =	sshrl.u32 s3, $0x1;
	s5 =	smul.u32 $0x540000, s5  }
0x3b: {  	s0 =	sshrl.u32 s17, $0x3;
	s7 =	sand.u32 $0xFFFF, s7;
	s8 =	smul.u32 $0x2A000, s8  }
0x3c: {  	s17 =	sadd.s32 $0x1AAE, s11;
	s14 =	ssub.s32 s3, s14;
	s7 =	smul.u32 $0xE000, s7  }
0x3d: {  	s21 =	sadd.s32 s1, s0;
	s24 =	ssub.s32 s10, s22;
	s0 =	sadd.s32 s9, s0  }
0x3e: {  	[dreg:$0x10] =	wrdreg s21;
	s6 =	sadd.s32 $0x9, s24;
	s5 =	sor.u32 s5, s7  }
0x3f: {  	s6 =	sand.u32 $0xFFFF, s6;
	s7 =	smul.u32 $0x2A000, s18;
	s4 =	sadd.s32 s4, s5  }
0x40: {  	s5 =	sshrl.u32 s23, $0x10;
	s6 =	smul.u32 $0xE000, s6;
	s4 =	sshrl.u32 s4, $0x3  }
0x41: {  	[dreg:$0x13] =	wrdreg s0;
	s5 =	smul.u32 $0x540000, s5;
	s25 =	sadd.s32 s1, s4  }
0x42: {  	s23 =	sadd.s32 $0x1D59, s11;
	s4 =	sadd.s32 s9, s4;
	[dreg:$0x12] =	wrdreg s25  }
0x43: {  	s5 =	sor.u32 s5, s6;
	s6 =	ssub.s32 s10, s15;
	[dreg:$0x15] =	wrdreg s4  }
0x44: {  	s16 =	sadd.s32 s8, s5;
	s5 =	sshrl.u32 s17, $0x10;
	s6 =	sadd.s32 $0xA, s6  }
0x45: {  	s8 =	sshrl.u32 s19, $0x10;
	s19 =	sadd.s32 $0x2004, s11;
	s5 =	smul.u32 $0x540000, s5  }
0x46: {  	s0 =	sshrl.u32 s16, $0x3;
	s6 =	sand.u32 $0xFFFF, s6;
	s21 =	smul.u32 $0x3, s8  }
0x47: {  	s8 =	sand.u32 $0x1F, s8;
	s16 =	sshrl.u32 s26, $0x10;
	s6 =	smul.u32 $0xE000, s6  }
0x48: {  	s20 =	sadd.s32 s1, s0;
	s15 =	smul.u32 $0x2A000, s8;
	s0 =	sadd.s32 s9, s0  }
0x49: {  	s17 =	smul.u32 $0x3, s16;
	[dreg:$0x14] =	wrdreg s20;
	s24 =	ssub.s32 s10, s21  }
0x4a: {  	s20 =	sand.u32 $0x1F, s16;
	s22 =	sor.u32 s5, s6;
	s5 =	sshrl.u32 s23, $0x10  }
0x4b: {  	s21 =	sadd.s32 $0x4555E, s12;
	s6 =	sadd.s32 $0xB, s24;
	s5 =	smul.u32 $0x540000, s5  }
0x4c: {  	s8 =	sshrl.u32 s21, $0x10;
	s4 =	sadd.s32 s7, s22;
	s7 =	smul.u32 $0x2A000, s20  }
0x4d: {  	s6 =	sand.u32 $0xFFFF, s6;
	s23 =	smul.u32 $0x3, s8;
	s4 =	sshrl.u32 s4, $0x3  }
0x4e: {  	[dreg:$0x17] =	wrdreg s0;
	s6 =	smul.u32 $0xE000, s6;
	s25 =	sadd.s32 s1, s4  }
0x4f: {  	s4 =	sadd.s32 s9, s4;
	s26 =	ssub.s32 s10, s23;
	s23 =	sadd.s32 $0x5000A, s12  }
0x50: {  	s5 =	sor.u32 s5, s6;
	s6 =	ssub.s32 s10, s17;
	s13 =	sadd.s32 $0xD, s26  }
0x51: {  	s17 =	sadd.s32 $0x4AAB4, s12;
	s26 =	sshrl.u32 s23, $0x10;
	s18 =	sadd.s32 s15, s5  }
0x52: {  	s5 =	sshrl.u32 s19, $0x10;
	s19 =	sshrl.u32 s17, $0x10;
	s17 =	smul.u32 $0x3, s26  }
0x53: {  	[dreg:$0x19] =	wrdreg s4;
	s4 =	sand.u32 $0xFFFF, s13;
	s5 =	smul.u32 $0x540000, s5  }
0x54: {  	s16 =	sand.u32 $0x1F, s8;
	s6 =	sadd.s32 $0xC, s6;
	s4 =	smul.u32 $0xE000, s4  }
0x55: {  	s0 =	sshrl.u32 s18, $0x3;
	s6 =	sand.u32 $0xFFFF, s6;
	s18 =	smul.u32 $0x2A000, s16  }
0x56: {  	[dreg:$0x16] =	wrdreg s25;
	s25 =	sadd.s32 $0x22AF, s11;
	s6 =	smul.u32 $0xE000, s6  }
0x57: {  	s20 =	smul.u32 $0x3, s19;
	s22 =	sadd.s32 s1, s0;
	s0 =	sadd.s32 s9, s0  }
0x58: {  	s13 =	ssub.s32 s10, s17;
	[dreg:$0x18] =	wrdreg s22;
	s24 =	sor.u32 s5, s6  }
0x59: {  	[dreg:$0x1b] =	wrdreg s0;
	s3 =	sadd.s32 s7, s24;
	s7 =	sshrl.u32 s25, $0x10  }
0x5a: {  	s22 =	sadd.s32 $0x255A, s11;
	s6 =	sshrl.u32 s3, $0x3;
	s3 =	smul.u32 $0x540000, s7  }
0x5b: {  	s13 =	sadd.s32 $0xF, s13;
	s7 =	sand.u32 $0x1F, s19;
	s15 =	sadd.s32 s1, s6  }
0x5c: {  	s7 =	smul.u32 $0x2A000, s7;
	[dreg:$0x1a] =	wrdreg s15;
	s3 =	sor.u32 s3, s4  }
0x5d: {  	s4 =	ssub.s32 s10, s20;
	s20 =	sand.u32 $0xFFFF, s13;
	s21 =	sadd.s32 s18, s3  }
0x5e: {  	s3 =	sshrl.u32 s22, $0x10;
	s25 =	sadd.s32 $0xE, s4;
	s13 =	smul.u32 $0xE000, s20  }
0x5f: {  	s18 =	sadd.s32 $0x2805, s11;
	s4 =	sand.u32 $0x1F, s26;
	s24 =	smul.u32 $0x540000, s3  }
0x60: {  	s20 =	sadd.s32 $0x5AAB6, s12;
	s16 =	sand.u32 $0xFFFF, s25;
	s22 =	smul.u32 $0x2A000, s4  }
0x61: {  	s0 =	sshrl.u32 s21, $0x3;
	s19 =	sshrl.u32 s18, $0x10;
	s5 =	smul.u32 $0xE000, s16  }
0x62: {  	s25 =	sadd.s32 $0x2AB0, s11;
	s3 =	sadd.s32 s1, s0;
	s8 =	smul.u32 $0x540000, s19  }
0x63: {  	s4 =	sadd.s32 s9, s0;
	s26 =	sshrl.u32 s25, $0x10;
	s5 =	sor.u32 s24, s5  }
0x64: {  	s23 =	sor.u32 s8, s13;
	s24 =	sadd.s32 $0x55560, s12;
	s5 =	sadd.s32 s7, s5  }
0x65: {  	s7 =	sadd.s32 s9, s6;
	s0 =	sadd.s32 s22, s23;
	s16 =	sshrl.u32 s24, $0x10  }
0x66: {  	s22 =	sadd.s32 $0x3006, s11;
	s23 =	sadd.s32 $0x65562, s12;
	s17 =	smul.u32 $0x3, s16  }
0x67: {  	s13 =	sshrl.u32 s0, $0x3;
	s0 =	smul.u32 $0x540000, s26;
	s18 =	sand.u32 $0x1F, s16  }
0x68: {  	s21 =	sshrl.u32 s5, $0x3;
	s22 =	sshrl.u32 s22, $0x10;
	s15 =	smul.u32 $0x2A000, s18  }
0x69: {  	s24 =	sshrl.u32 s23, $0x10;
	s23 =	sadd.s32 $0x355C, s11;
	s22 =	smul.u32 $0x540000, s22  }
0x6a: {  	s5 =	sadd.s32 s1, s21;
	s18 =	sadd.s32 $0x2D5B, s11;
	s26 =	smul.u32 $0x3, s24  }
0x6b: {  	s19 =	ssub.s32 s10, s17;
	s17 =	sshrl.u32 s20, $0x10;
	s18 =	sshrl.u32 s18, $0x10  }
0x6c: {  	s20 =	sadd.s32 $0x6000C, s12;
	s16 =	sadd.s32 $0x10, s19;
	s19 =	smul.u32 $0x3, s17  }
0x6d: {  	s6 =	sadd.s32 s9, s21;
	s18 =	smul.u32 $0x540000, s18;
	s20 =	sshrl.u32 s20, $0x10  }
0x6e: {  	s17 =	sand.u32 $0x1F, s17;
	s16 =	sand.u32 $0xFFFF, s16;
	s21 =	smul.u32 $0x3, s20  }
0x6f: {  	s17 =	smul.u32 $0x2A000, s17;
	s20 =	sand.u32 $0x1F, s20;
	s19 =	ssub.s32 s10, s19  }
0x70: {  	s16 =	smul.u32 $0xE000, s16;
	s19 =	sadd.s32 $0x11, s19;
	s21 =	ssub.s32 s10, s21  }
0x71: {  	s20 =	smul.u32 $0x2A000, s20;
	s19 =	sand.u32 $0xFFFF, s19;
	s21 =	sadd.s32 $0x12, s21  }
0x72: {  	s0 =	sor.u32 s0, s16;
	s19 =	smul.u32 $0xE000, s19;
	s21 =	sand.u32 $0xFFFF, s21  }
0x73: {  	s8 =	sadd.s32 s1, s13;
	s0 =	sadd.s32 s15, s0;
	s21 =	smul.u32 $0xE000, s21  }
0x74: {  	s0 =	sshrl.u32 s0, $0x3;
	s25 =	sor.u32 s18, s19;
	s19 =	sadd.s32 $0x32B1, s11  }
0x75: {  	s18 =	ssub.s32 s10, s26;
	s17 =	sadd.s32 s17, s25;
	s16 =	sor.u32 s22, s21  }
0x76: {  	s21 =	sand.u32 $0x1F, s24;
	s18 =	sadd.s32 $0x13, s18;
	s22 =	sadd.s32 $0x6AAB8, s12  }
0x77: {  	s24 =	sadd.s32 $0x7000E, s12;
	s12 =	sadd.s32 $0x75564, s12;
	s15 =	sadd.s32 s20, s16  }
0x78: {  	s16 =	sshrl.u32 s19, $0x10;
	s19 =	smul.u32 $0x2A000, s21;
	s18 =	sand.u32 $0xFFFF, s18  }
0x79: {  	s20 =	sshrl.u32 s22, $0x10;
	s21 =	sshrl.u32 s23, $0x10;
	s16 =	smul.u32 $0x540000, s16  }
0x7a: {  	s26 =	sshrl.u32 s24, $0x10;
	s24 =	sadd.s32 $0x3807, s11;
	s18 =	smul.u32 $0xE000, s18  }
0x7b: {  	s12 =	sshrl.u32 s12, $0x10;
	s11 =	sadd.s32 $0x3AB2, s11;
	s22 =	smul.u32 $0x3, s20  }
0x7c: {  	s17 =	sshrl.u32 s17, $0x3;
	s25 =	smul.u32 $0x540000, s21;
	s20 =	sand.u32 $0x1F, s20  }
0x7d: {  	s23 =	smul.u32 $0x3, s26;
	s11 =	sshrl.u32 s11, $0x10;
	s30 =	sadd.s32 s1, s17  }
0x7e: {  	s28 =	sadd.s32 s9, s17;
	s11 =	smul.u32 $0x540000, s11;
	s22 =	ssub.s32 s10, s22  }
0x7f: {  	s16 =	sor.u32 s16, s18;
	s23 =	ssub.s32 s10, s23;
	s22 =	sadd.s32 $0x14, s22  }
0x80: {  	s16 =	sadd.s32 s19, s16;
	s19 =	smul.u32 $0x2A000, s20;
	s20 =	sand.u32 $0xFFFF, s22  }
0x81: {  	s23 =	sadd.s32 $0x15, s23;
	s22 =	sshrl.u32 s24, $0x10;
	s20 =	smul.u32 $0xE000, s20  }
0x82: {  	s17 =	smax.u32 s14, $0x1;
	s23 =	sand.u32 $0xFFFF, s23;
	s22 =	smul.u32 $0x540000, s22  }
0x83: {  	s14 =	simm.s32 $0xE000;
	p1 =	sne.s32 s17, $0x1;
	s23 =	smul.u32 $0xE000, s23  }
0x84: {  	s18 =	sor.u32 s25, s20;
	s25 =	sand.u32 $0x1F, s26;
	s26 =	smul.u32 $0x3, s12  }
0x85: {  	s12 =	sand.u32 $0x1F, s12;
	s18 =	sadd.s32 s19, s18;
	s20 =	smul.u32 $0x2A000, s25  }
0x86: {  	s25 =	sor.u32 s22, s23;
	s23 =	sadd.s32 s1, s0;
	s22 =	sadd.s32 s9, s13  }
0x87: {  	s12 =	smul.u32 $0x2A000, s12;
	s21 =	ssub.s32 s10, s26;
	s10 =	sadd.s32 $0x17, s10  }
0x88: {  	s21 =	sadd.s32 $0x16, s21;
	s24 =	smul.u32 $0x5556, s10;
	s19 =	sadd.s32 s20, s25  }
0x89: {  	s25 =	smul.u32 $0x2AB, s10;
	s20 =	sshrl.u32 s16, $0x3;
	s21 =	sand.u32 $0xFFFF, s21  }
0x8a: {  	s29 =	sadd.s32 s1, s20;
	s26 =	smul.u32 $0xE000, s21;
	s21 =	sshrl.u32 s24, $0x10  }
0x8b: {  	s20 =	sadd.s32 s9, s20;
	s13 =	sshrl.u32 s25, $0x10;
	s24 =	smul.u32 $0x3, s21  }
0x8c: {  	s16 =	sshrl.u32 s19, $0x3;
	s25 =	smul.u32 $0x540000, s13;
	s11 =	sor.u32 s11, s26  }
0x8d: {  	s26 =	sadd.s32 s9, s0;
	s10 =	ssub.s32 s10, s24;
	s24 =	sshrl.u32 s15, $0x3  }
0x8e: {  	s11 =	sadd.s32 s12, s11;
	s15 =	sand.u32 $0x1F, s21;
	s21 =	sshrl.u32 s18, $0x3  }
0x8f: {  	s12 =	simm.s32 $0x3;
	s10 =	sand.u32 $0xFFFF, s10;
	s13 =	smul.u32 $0x2A000, s15  }
0x90: {  	s31 =	sadd.s32 s1, s24;
	s11 =	sshrl.u32 s11, $0x3;
	s10 =	smul.u32 $0xE000, s10  }
0x91: {  	s18 =	sadd.s32 s9, s21;
	s15 =	sadd.s32 s9, s16;
	s19 =	sadd.s32 s1, s11  }
.Ltmp0:
0x92: {  	s10 =	sor.u32 s25, s10;
	s25 =	sadd.s32 s9, s24;
	(pc) =	sbr.rel @!p1 .LBB2_3-.Ltmp0, $4  }
0x93: {  	s24 =	sadd.s32 s1, s21;
	s21 =	sadd.s32 s1, s16;
	s13 =	sadd.s32 s13, s10  }
0x94: {  	s16 =	simm.s32 $0x2;
	s10 =	sadd.s32 s9, s11;
	s0 =	sshrl.u32 s13, $0x3  }
0x95: {  	s11 =	simm.s32 $0x4;
	s13 =	sadd.s32 s1, s0;
	s9 =	sadd.s32 s9, s0  }
0x96: {  	s1 =	sadd.s32 $0xFFFFFFFF, s17;
	s17 =	simm.s32 $0x1;
	s0 =	rddreg [dreg:$0x3]  }
0x97: {  	[dreg:$0x1c] =	wrdreg s1  }
0x98: {  	[tilespmem:s2], [sflag:$0x1] =	stream.linear.gather [hbm4b:s0+s2], $0xE000, $0x38;
	[tilespmem:$0x1C000] =	vst v63  }
0x99: {  	s1 =	rddreg [dreg:$0x4]  }
0x9a: {  	[tilespmem:s14], [sflag:$0x2] =	stream.linear.gather [hbm4b:s1+s2], $0xE000, $0x38;
	[tilespmem:$0x1C000] =	vst v63  }
0x9b: {  	_ =	swait.ge [sflag:s17], $0xE000  }
0x9c: {  	[sflag:s17] =	ssyncset.done $0x0  }
0x9d: {  	s1 =	rddreg [dreg:$0x5];
	[sflag:s17] =	ssyncadd.s32 $0xFFFF2000  }
0x9e: {  	[hbm4b:s1+s2] =	stream.linear.scatter [tilespmem:s2], [sflag:$0x3], $0xE000, $0x38;
	[tilespmem:$0x1C000] =	vst v63  }
0x9f: {  	_ =	swait.ge [sflag:s12], $0xE000  }
0xa0: {  	[sflag:s12] =	ssyncset.done $0x0  }
0xa1: {  	s1 =	rddreg [dreg:$0x6];
	[sflag:s12] =	ssyncadd.s32 $0xFFFF2000  }
0xa2: {  	[tilespmem:s2], [sflag:$0x1] =	stream.linear.gather [hbm4b:s1+s2], $0xE000, $0x38;
	[tilespmem:$0x1C000] =	vst v63  }
0xa3: {  	_ =	swait.ge [sflag:s16], $0xE000  }
0xa4: {  	[sflag:s16] =	ssyncset.done $0x0  }
0xa5: {  	s1 =	rddreg [dreg:$0x7];
	[sflag:s16] =	ssyncadd.s32 $0xFFFF2000  }
0xa6: {  	[hbm4b:s1+s2] =	stream.linear.scatter [tilespmem:s14], [sflag:$0x4], $0xE000, $0x38;
	[tilespmem:$0x1C000] =	vst v63  }
0xa7: {  	_ =	swait.ge [sflag:s11], $0xE000  }
0xa8: {  	[sflag:s11] =	ssyncset.done $0x0  }
0xa9: {  	s1 =	rddreg [dreg:$0x8];
	[sflag:s11] =	ssyncadd.s32 $0xFFFF2000  }
0xaa: {  	[tilespmem:s14], [sflag:$0x2] =	stream.linear.gather [hbm4b:s1+s2], $0xE000, $0x38;
	[tilespmem:$0x1C000] =	vst v63  }
0xab: {  	_ =	swait.ge [sflag:s17], $0xE000  }
0xac: {  	[sflag:s17] =	ssyncset.done $0x0  }
0xad: {  	s1 =	rddreg [dreg:$0x9];
	[sflag:s17] =	ssyncadd.s32 $0xFFFF2000  }
0xae: {  	[hbm4b:s1+s2] =	stream.linear.scatter [tilespmem:s2], [sflag:$0x3], $0xE000, $0x38;
	[tilespmem:$0x1C000] =	vst v63  }
0xaf: {  	_ =	swait.ge [sflag:s12], $0xE000  }
0xb0: {  	[sflag:s12] =	ssyncset.done $0x0  }
0xb1: {  	s1 =	rddreg [dreg:$0xa];
	[sflag:s12] =	ssyncadd.s32 $0xFFFF2000  }
0xb2: {  	[tilespmem:s2], [sflag:$0x1] =	stream.linear.gather [hbm4b:s1+s2], $0xE000, $0x38;
	[tilespmem:$0x1C000] =	vst v63  }
0xb3: {  	_ =	swait.ge [sflag:s16], $0xE000  }
0xb4: {  	[sflag:s16] =	ssyncset.done $0x0  }
0xb5: {  	s1 =	rddreg [dreg:$0xb];
	[sflag:s16] =	ssyncadd.s32 $0xFFFF2000  }
0xb6: {  	[hbm4b:s1+s2] =	stream.linear.scatter [tilespmem:s14], [sflag:$0x4], $0xE000, $0x38;
	[tilespmem:$0x1C000] =	vst v63  }
0xb7: {  	_ =	swait.ge [sflag:s11], $0xE000  }
0xb8: {  	[sflag:s11] =	ssyncset.done $0x0  }
0xb9: {  	s1 =	rddreg [dreg:$0xc];
	[sflag:s11] =	ssyncadd.s32 $0xFFFF2000  }
0xba: {  	[tilespmem:s14], [sflag:$0x2] =	stream.linear.gather [hbm4b:s1+s2], $0xE000, $0x38;
	[tilespmem:$0x1C000] =	vst v63  }
0xbb: {  	_ =	swait.ge [sflag:s17], $0xE000  }
0xbc: {  	[sflag:s17] =	ssyncset.done $0x0  }
0xbd: {  	s1 =	rddreg [dreg:$0xd];
	[sflag:s17] =	ssyncadd.s32 $0xFFFF2000  }
0xbe: {  	[hbm4b:s1+s2] =	stream.linear.scatter [tilespmem:s2], [sflag:$0x3], $0xE000, $0x38;
	[tilespmem:$0x1C000] =	vst v63  }
0xbf: {  	_ =	swait.ge [sflag:s12], $0xE000  }
0xc0: {  	[sflag:s12] =	ssyncset.done $0x0  }
0xc1: {  	s1 =	rddreg [dreg:$0xe];
	[sflag:s12] =	ssyncadd.s32 $0xFFFF2000  }
0xc2: {  	[tilespmem:s2], [sflag:$0x1] =	stream.linear.gather [hbm4b:s1+s2], $0xE000, $0x38;
	[tilespmem:$0x1C000] =	vst v63  }
0xc3: {  	_ =	swait.ge [sflag:s16], $0xE000  }
0xc4: {  	[sflag:s16] =	ssyncset.done $0x0  }
0xc5: {  	s1 =	rddreg [dreg:$0xf];
	[sflag:s16] =	ssyncadd.s32 $0xFFFF2000  }
0xc6: {  	[hbm4b:s1+s2] =	stream.linear.scatter [tilespmem:s14], [sflag:$0x4], $0xE000, $0x38;
	[tilespmem:$0x1C000] =	vst v63  }
0xc7: {  	_ =	swait.ge [sflag:s11], $0xE000  }
0xc8: {  	[sflag:s11] =	ssyncset.done $0x0  }
0xc9: {  	s1 =	rddreg [dreg:$0x10];
	[sflag:s11] =	ssyncadd.s32 $0xFFFF2000  }
0xca: {  	[tilespmem:s14], [sflag:$0x2] =	stream.linear.gather [hbm4b:s1+s2], $0xE000, $0x38;
	[tilespmem:$0x1C000] =	vst v63  }
0xcb: {  	_ =	swait.ge [sflag:s17], $0xE000  }
0xcc: {  	[sflag:s17] =	ssyncset.done $0x0  }
0xcd: {  	s1 =	rddreg [dreg:$0x11];
	[sflag:s17] =	ssyncadd.s32 $0xFFFF2000  }
0xce: {  	[hbm4b:s1+s2] =	stream.linear.scatter [tilespmem:s2], [sflag:$0x3], $0xE000, $0x38;
	[tilespmem:$0x1C000] =	vst v63  }
0xcf: {  	_ =	swait.ge [sflag:s12], $0xE000  }
0xd0: {  	[sflag:s12] =	ssyncset.done $0x0  }
0xd1: {  	s1 =	rddreg [dreg:$0x12];
	[sflag:s12] =	ssyncadd.s32 $0xFFFF2000  }
0xd2: {  	[tilespmem:s2], [sflag:$0x1] =	stream.linear.gather [hbm4b:s1+s2], $0xE000, $0x38;
	[tilespmem:$0x1C000] =	vst v63  }
0xd3: {  	_ =	swait.ge [sflag:s16], $0xE000  }
0xd4: {  	[sflag:s16] =	ssyncset.done $0x0  }
0xd5: {  	s1 =	rddreg [dreg:$0x13];
	[sflag:s16] =	ssyncadd.s32 $0xFFFF2000  }
0xd6: {  	[hbm4b:s1+s2] =	stream.linear.scatter [tilespmem:s14], [sflag:$0x4], $0xE000, $0x38;
	[tilespmem:$0x1C000] =	vst v63  }
0xd7: {  	_ =	swait.ge [sflag:s11], $0xE000  }
0xd8: {  	[sflag:s11] =	ssyncset.done $0x0  }
0xd9: {  	s1 =	rddreg [dreg:$0x14];
	[sflag:s11] =	ssyncadd.s32 $0xFFFF2000  }
0xda: {  	[tilespmem:s14], [sflag:$0x2] =	stream.linear.gather [hbm4b:s1+s2], $0xE000, $0x38;
	[tilespmem:$0x1C000] =	vst v63  }
0xdb: {  	_ =	swait.ge [sflag:s17], $0xE000  }
0xdc: {  	[sflag:s17] =	ssyncset.done $0x0  }
0xdd: {  	s1 =	rddreg [dreg:$0x15];
	[sflag:s17] =	ssyncadd.s32 $0xFFFF2000  }
0xde: {  	[hbm4b:s1+s2] =	stream.linear.scatter [tilespmem:s2], [sflag:$0x3], $0xE000, $0x38;
	[tilespmem:$0x1C000] =	vst v63  }
0xdf: {  	_ =	swait.ge [sflag:s12], $0xE000  }
0xe0: {  	[sflag:s12] =	ssyncset.done $0x0  }
0xe1: {  	s1 =	rddreg [dreg:$0x16];
	[sflag:s12] =	ssyncadd.s32 $0xFFFF2000  }
0xe2: {  	[tilespmem:s2], [sflag:$0x1] =	stream.linear.gather [hbm4b:s1+s2], $0xE000, $0x38;
	[tilespmem:$0x1C000] =	vst v63  }
0xe3: {  	_ =	swait.ge [sflag:s16], $0xE000  }
0xe4: {  	[sflag:s16] =	ssyncset.done $0x0  }
0xe5: {  	s1 =	rddreg [dreg:$0x17];
	[sflag:s16] =	ssyncadd.s32 $0xFFFF2000  }
0xe6: {  	[hbm4b:s1+s2] =	stream.linear.scatter [tilespmem:s14], [sflag:$0x4], $0xE000, $0x38;
	[tilespmem:$0x1C000] =	vst v63  }
0xe7: {  	_ =	swait.ge [sflag:s11], $0xE000  }
0xe8: {  	[sflag:s11] =	ssyncset.done $0x0  }
0xe9: {  	s1 =	rddreg [dreg:$0x18];
	[sflag:s11] =	ssyncadd.s32 $0xFFFF2000  }
0xea: {  	[tilespmem:s14], [sflag:$0x2] =	stream.linear.gather [hbm4b:s1+s2], $0xE000, $0x38;
	[tilespmem:$0x1C000] =	vst v63  }
0xeb: {  	_ =	swait.ge [sflag:s17], $0xE000  }
0xec: {  	[sflag:s17] =	ssyncset.done $0x0  }
0xed: {  	s1 =	rddreg [dreg:$0x19];
	[sflag:s17] =	ssyncadd.s32 $0xFFFF2000  }
0xee: {  	[hbm4b:s1+s2] =	stream.linear.scatter [tilespmem:s2], [sflag:$0x3], $0xE000, $0x38;
	[tilespmem:$0x1C000] =	vst v63  }
0xef: {  	_ =	swait.ge [sflag:s12], $0xE000  }
0xf0: {  	[sflag:s12] =	ssyncset.done $0x0  }
0xf1: {  	s1 =	rddreg [dreg:$0x1a];
	[sflag:s12] =	ssyncadd.s32 $0xFFFF2000  }
0xf2: {  	[tilespmem:s2], [sflag:$0x1] =	stream.linear.gather [hbm4b:s1+s2], $0xE000, $0x38;
	[tilespmem:$0x1C000] =	vst v63  }
0xf3: {  	_ =	swait.ge [sflag:s16], $0xE000  }
0xf4: {  	[sflag:s16] =	ssyncset.done $0x0  }
0xf5: {  	s1 =	rddreg [dreg:$0x1b];
	[sflag:s16] =	ssyncadd.s32 $0xFFFF2000  }
0xf6: {  	[hbm4b:s1+s2] =	stream.linear.scatter [tilespmem:s14], [sflag:$0x4], $0xE000, $0x38;
	[tilespmem:$0x1C000] =	vst v63  }
0xf7: {  	_ =	swait.ge [sflag:s11], $0xE000  }
0xf8: {  	[sflag:s11] =	ssyncset.done $0x0  }
0xf9: {  	[sflag:s11] =	ssyncadd.s32 $0xFFFF2000  }
0xfa: {  	[tilespmem:s14], [sflag:$0x2] =	stream.linear.gather [hbm4b:s3+s2], $0xE000, $0x38;
	[tilespmem:$0x1C000] =	vst v63  }
0xfb: {  	_ =	swait.ge [sflag:s17], $0xE000  }
0xfc: {  	[sflag:s17] =	ssyncset.done $0x0  }
0xfd: {  	[sflag:s17] =	ssyncadd.s32 $0xFFFF2000  }
0xfe: {  	[hbm4b:s7+s2] =	stream.linear.scatter [tilespmem:s2], [sflag:$0x3], $0xE000, $0x38;
	[tilespmem:$0x1C000] =	vst v63  }
0xff: {  	_ =	swait.ge [sflag:s12], $0xE000  }
0x100: {  	[sflag:s12] =	ssyncset.done $0x0  }
0x101: {  	[sflag:s12] =	ssyncadd.s32 $0xFFFF2000  }
0x102: {  	[tilespmem:s2], [sflag:$0x1] =	stream.linear.gather [hbm4b:s5+s2], $0xE000, $0x38;
	[tilespmem:$0x1C000] =	vst v63  }
0x103: {  	_ =	swait.ge [sflag:s16], $0xE000  }
0x104: {  	[sflag:s16] =	ssyncset.done $0x0  }
0x105: {  	[sflag:s16] =	ssyncadd.s32 $0xFFFF2000  }
0x106: {  	[hbm4b:s4+s2] =	stream.linear.scatter [tilespmem:s14], [sflag:$0x4], $0xE000, $0x38;
	[tilespmem:$0x1C000] =	vst v63  }
0x107: {  	_ =	swait.ge [sflag:s11], $0xE000  }
0x108: {  	[sflag:s11] =	ssyncset.done $0x0  }
0x109: {  	[sflag:s11] =	ssyncadd.s32 $0xFFFF2000  }
0x10a: {  	[tilespmem:s14], [sflag:$0x2] =	stream.linear.gather [hbm4b:s8+s2], $0xE000, $0x38;
	[tilespmem:$0x1C000] =	vst v63  }
0x10b: {  	_ =	swait.ge [sflag:s17], $0xE000  }
0x10c: {  	[sflag:s17] =	ssyncset.done $0x0  }
0x10d: {  	[sflag:s17] =	ssyncadd.s32 $0xFFFF2000  }
0x10e: {  	[hbm4b:s6+s2] =	stream.linear.scatter [tilespmem:s2], [sflag:$0x3], $0xE000, $0x38;
	[tilespmem:$0x1C000] =	vst v63  }
0x10f: {  	_ =	swait.ge [sflag:s12], $0xE000  }
0x110: {  	[sflag:s12] =	ssyncset.done $0x0  }
0x111: {  	[sflag:s12] =	ssyncadd.s32 $0xFFFF2000  }
0x112: {  	[tilespmem:s2], [sflag:$0x1] =	stream.linear.gather [hbm4b:s23+s2], $0xE000, $0x38;
	[tilespmem:$0x1C000] =	vst v63  }
0x113: {  	_ =	swait.ge [sflag:s16], $0xE000  }
0x114: {  	[sflag:s16] =	ssyncset.done $0x0  }
0x115: {  	[sflag:s16] =	ssyncadd.s32 $0xFFFF2000  }
0x116: {  	[hbm4b:s22+s2] =	stream.linear.scatter [tilespmem:s14], [sflag:$0x4], $0xE000, $0x38;
	[tilespmem:$0x1C000] =	vst v63  }
0x117: {  	_ =	swait.ge [sflag:s11], $0xE000  }
0x118: {  	[sflag:s11] =	ssyncset.done $0x0  }
0x119: {  	[sflag:s11] =	ssyncadd.s32 $0xFFFF2000  }
0x11a: {  	[tilespmem:s14], [sflag:$0x2] =	stream.linear.gather [hbm4b:s30+s2], $0xE000, $0x38;
	[tilespmem:$0x1C000] =	vst v63  }
0x11b: {  	_ =	swait.ge [sflag:s17], $0xE000  }
0x11c: {  	[sflag:s17] =	ssyncset.done $0x0  }
0x11d: {  	[sflag:s17] =	ssyncadd.s32 $0xFFFF2000  }
0x11e: {  	[hbm4b:s26+s2] =	stream.linear.scatter [tilespmem:s2], [sflag:$0x3], $0xE000, $0x38;
	[tilespmem:$0x1C000] =	vst v63  }
0x11f: {  	_ =	swait.ge [sflag:s12], $0xE000  }
0x120: {  	[sflag:s12] =	ssyncset.done $0x0  }
0x121: {  	[sflag:s12] =	ssyncadd.s32 $0xFFFF2000  }
0x122: {  	[tilespmem:s2], [sflag:$0x1] =	stream.linear.gather [hbm4b:s31+s2], $0xE000, $0x38;
	[tilespmem:$0x1C000] =	vst v63  }
0x123: {  	_ =	swait.ge [sflag:s16], $0xE000  }
0x124: {  	[sflag:s16] =	ssyncset.done $0x0  }
0x125: {  	[sflag:s16] =	ssyncadd.s32 $0xFFFF2000  }
0x126: {  	[hbm4b:s28+s2] =	stream.linear.scatter [tilespmem:s14], [sflag:$0x4], $0xE000, $0x38;
	[tilespmem:$0x1C000] =	vst v63  }
0x127: {  	_ =	swait.ge [sflag:s11], $0xE000  }
0x128: {  	[sflag:s11] =	ssyncset.done $0x0  }
0x129: {  	[sflag:s11] =	ssyncadd.s32 $0xFFFF2000  }
0x12a: {  	[tilespmem:s14], [sflag:$0x2] =	stream.linear.gather [hbm4b:s29+s2], $0xE000, $0x38;
	[tilespmem:$0x1C000] =	vst v63  }
0x12b: {  	_ =	swait.ge [sflag:s17], $0xE000  }
0x12c: {  	[sflag:s17] =	ssyncset.done $0x0  }
0x12d: {  	[sflag:s17] =	ssyncadd.s32 $0xFFFF2000  }
0x12e: {  	[hbm4b:s25+s2] =	stream.linear.scatter [tilespmem:s2], [sflag:$0x3], $0xE000, $0x38;
	[tilespmem:$0x1C000] =	vst v63  }
0x12f: {  	_ =	swait.ge [sflag:s12], $0xE000  }
0x130: {  	[sflag:s12] =	ssyncset.done $0x0  }
0x131: {  	[sflag:s12] =	ssyncadd.s32 $0xFFFF2000  }
0x132: {  	[tilespmem:s2], [sflag:$0x1] =	stream.linear.gather [hbm4b:s24+s2], $0xE000, $0x38;
	[tilespmem:$0x1C000] =	vst v63  }
0x133: {  	_ =	swait.ge [sflag:s16], $0xE000  }
0x134: {  	[sflag:s16] =	ssyncset.done $0x0  }
0x135: {  	[sflag:s16] =	ssyncadd.s32 $0xFFFF2000  }
0x136: {  	[hbm4b:s20+s2] =	stream.linear.scatter [tilespmem:s14], [sflag:$0x4], $0xE000, $0x38;
	[tilespmem:$0x1C000] =	vst v63  }
0x137: {  	_ =	swait.ge [sflag:s11], $0xE000  }
0x138: {  	[sflag:s11] =	ssyncset.done $0x0  }
0x139: {  	[sflag:s11] =	ssyncadd.s32 $0xFFFF2000  }
0x13a: {  	[tilespmem:s14], [sflag:$0x2] =	stream.linear.gather [hbm4b:s21+s2], $0xE000, $0x38;
	[tilespmem:$0x1C000] =	vst v63  }
0x13b: {  	_ =	swait.ge [sflag:s17], $0xE000  }
0x13c: {  	[sflag:s17] =	ssyncset.done $0x0  }
0x13d: {  	[sflag:s17] =	ssyncadd.s32 $0xFFFF2000  }
0x13e: {  	[hbm4b:s18+s2] =	stream.linear.scatter [tilespmem:s2], [sflag:$0x3], $0xE000, $0x38;
	[tilespmem:$0x1C000] =	vst v63  }
0x13f: {  	_ =	swait.ge [sflag:s12], $0xE000  }
0x140: {  	[sflag:s12] =	ssyncset.done $0x0  }
0x141: {  	[sflag:s12] =	ssyncadd.s32 $0xFFFF2000  }
0x142: {  	[tilespmem:s2], [sflag:$0x1] =	stream.linear.gather [hbm4b:s19+s2], $0xE000, $0x38;
	[tilespmem:$0x1C000] =	vst v63  }
0x143: {  	_ =	swait.ge [sflag:s16], $0xE000  }
0x144: {  	[sflag:s16] =	ssyncset.done $0x0  }
0x145: {  	[sflag:s16] =	ssyncadd.s32 $0xFFFF2000  }
0x146: {  	[hbm4b:s15+s2] =	stream.linear.scatter [tilespmem:s14], [sflag:$0x4], $0xE000, $0x38;
	[tilespmem:$0x1C000] =	vst v63  }
0x147: {  	_ =	swait.ge [sflag:s11], $0xE000  }
0x148: {  	[sflag:s11] =	ssyncset.done $0x0  }
0x149: {  	[sflag:s11] =	ssyncadd.s32 $0xFFFF2000  }
0x14a: {  	[tilespmem:s14], [sflag:$0x2] =	stream.linear.gather [hbm4b:s13+s2], $0xE000, $0x38;
	[tilespmem:$0x1C000] =	vst v63  }
0x14b: {  	_ =	swait.ge [sflag:s17], $0xE000  }
0x14c: {  	[sflag:s17] =	ssyncset.done $0x0  }
0x14d: {  	[sflag:s17] =	ssyncadd.s32 $0xFFFF2000  }
0x14e: {  	[hbm4b:s10+s2] =	stream.linear.scatter [tilespmem:s2], [sflag:$0x3], $0xE000, $0x38;
	[tilespmem:$0x1C000] =	vst v63  }
0x14f: {  	_ =	swait.ge [sflag:s16], $0xE000  }
0x150: {  	[sflag:s16] =	ssyncset.done $0x0  }
0x151: {  	[sflag:s16] =	ssyncadd.s32 $0xFFFF2000  }
0x152: {  	[hbm4b:s9+s2] =	stream.linear.scatter [tilespmem:s14], [sflag:$0x4], $0xE000, $0x38;
	[tilespmem:$0x1C000] =	vst v63  }
0x153: {  	_ =	swait.ge [sflag:s12], $0xE000  }
0x154: {  	s1 =	rddreg [dreg:$0x1c]  }
0x155: {  	p1 =	sne.s32 s1, $0x1  }
.Ltmp1:
0x156: {  	_ = 	snop;
	(pc) =	sbr.rel @!p1 .LBB2_3-.Ltmp1, $4  }
0x157: {  	[sflag:s12] =	ssyncset.done $0x0  }
0x158: {  	[sflag:s12] =	ssyncadd.s32 $0xFFFF2000  }
0x159: {  	p0 =	por $0x1, $0x1;
	_ =	swait.ge [sflag:s11], $0xE000  }
0x15a: {  	s1 =	sadd.s32 $0xFFFFFFFF, s1;
	s0 =	rddreg [dreg:$0x3];
	[sflag:s11] =	ssyncset.done $0x0  }
.LBB2_2:
0x15b: {  	[sflag:s11] =	ssyncadd.s32 $0xFFFF2000;
	s11 =	simm.s32 $0x0;
	s2 =	simm.s32 $0xE000  }
0x15c: {  	s14 =	smov.u32 s31;
	s31 =	smov.u32 s30;
	s30 =	smov.u32 s29  }
0x15d: {  	s29 =	smov.u32 s28;
	s28 =	smov.u32 s26;
	s26 =	smov.u32 s25  }
0x15e: {  	s25 =	smov.u32 s24;
	s24 =	smov.u32 s23;
	s23 =	smov.u32 s22  }
0x15f: {  	s22 =	smov.u32 s21;
	s21 =	smov.u32 s20;
	s20 =	smov.u32 s19  }
0x160: {  	s19 =	smov.u32 s18;
	s18 =	smov.u32 s15;
	s15 =	smov.u32 s13  }
0x161: {  	s13 =	smov.u32 s10;
	s10 =	smov.u32 s9;
	s9 =	smov.u32 s8  }
0x162: {  	s8 =	smov.u32 s7;
	s7 =	smov.u32 s6;
	s6 =	smov.u32 s5  }
0x163: {  	[tilespmem:s11], [sflag:$0x1] =	stream.linear.gather [hbm4b:s0+s11], $0xE000, $0x38;
	[tilespmem:$0x1C000] =	vst v63  }
0x164: {  	s5 =	smov.u32 s4;
	s4 =	smov.u32 s3;
	s3 =	rddreg [dreg:$0x4]  }
0x165: {  	[tilespmem:s2], [sflag:$0x2] =	stream.linear.gather [hbm4b:s3+s11], $0xE000, $0x38;
	[tilespmem:$0x1C000] =	vst v63  }
0x166: {  	s11 =	simm.s32 $0x4;
	s2 =	simm.s32 $0x0  }
0x167: {  	s3 =	smov.u32 s4;
	s4 =	smov.u32 s5;
	s5 =	smov.u32 s6  }
0x168: {  	s6 =	smov.u32 s7;
	s7 =	smov.u32 s8;
	s8 =	smov.u32 s9  }
0x169: {  	s9 =	smov.u32 s10;
	s10 =	smov.u32 s13;
	s13 =	smov.u32 s15  }
0x16a: {  	s15 =	smov.u32 s18;
	s18 =	smov.u32 s19;
	_ =	swait.ge [sflag:s17], $0xE000  }
0x16b: {  	s19 =	smov.u32 s20;
	s20 =	smov.u32 s21;
	[sflag:s17] =	ssyncset.done $0x0  }
0x16c: {  	s21 =	smov.u32 s22;
	s0 =	rddreg [dreg:$0x5];
	[sflag:s17] =	ssyncadd.s32 $0xFFFF2000  }
0x16d: {  	[hbm4b:s0+s2] =	stream.linear.scatter [tilespmem:s2], [sflag:$0x3], $0xE000, $0x38;
	[tilespmem:$0x1C000] =	vst v63  }
0x16e: {  	s22 =	smov.u32 s23;
	s23 =	smov.u32 s24;
	_ =	swait.ge [sflag:s12], $0xE000  }
0x16f: {  	s24 =	smov.u32 s25;
	s25 =	smov.u32 s26;
	[sflag:s12] =	ssyncset.done $0x0  }
0x170: {  	s26 =	smov.u32 s28;
	s0 =	rddreg [dreg:$0x6];
	[sflag:s12] =	ssyncadd.s32 $0xFFFF2000  }
0x171: {  	[tilespmem:s2], [sflag:$0x1] =	stream.linear.gather [hbm4b:s0+s2], $0xE000, $0x38;
	[tilespmem:$0x1C000] =	vst v63  }
0x172: {  	s28 =	smov.u32 s29;
	s29 =	smov.u32 s30;
	_ =	swait.ge [sflag:s16], $0xE000  }
0x173: {  	s30 =	smov.u32 s31;
	s31 =	smov.u32 s14;
	[sflag:s16] =	ssyncset.done $0x0  }
0x174: {  	s14 =	simm.s32 $0xE000;
	s0 =	rddreg [dreg:$0x7];
	[sflag:s16] =	ssyncadd.s32 $0xFFFF2000  }
0x175: {  	[hbm4b:s0+s2] =	stream.linear.scatter [tilespmem:s14], [sflag:$0x4], $0xE000, $0x38;
	[tilespmem:$0x1C000] =	vst v63  }
0x176: {  	_ =	swait.ge [sflag:s11], $0xE000  }
0x177: {  	[sflag:s11] =	ssyncset.done $0x0  }
0x178: {  	s0 =	rddreg [dreg:$0x8];
	[sflag:s11] =	ssyncadd.s32 $0xFFFF2000  }
0x179: {  	[tilespmem:s14], [sflag:$0x2] =	stream.linear.gather [hbm4b:s0+s2], $0xE000, $0x38;
	[tilespmem:$0x1C000] =	vst v63  }
0x17a: {  	_ =	swait.ge [sflag:s17], $0xE000  }
0x17b: {  	[sflag:s17] =	ssyncset.done $0x0  }
0x17c: {  	s0 =	rddreg [dreg:$0x9];
	[sflag:s17] =	ssyncadd.s32 $0xFFFF2000  }
0x17d: {  	[hbm4b:s0+s2] =	stream.linear.scatter [tilespmem:s2], [sflag:$0x3], $0xE000, $0x38;
	[tilespmem:$0x1C000] =	vst v63  }
0x17e: {  	_ =	swait.ge [sflag:s12], $0xE000  }
0x17f: {  	[sflag:s12] =	ssyncset.done $0x0  }
0x180: {  	s0 =	rddreg [dreg:$0xa];
	[sflag:s12] =	ssyncadd.s32 $0xFFFF2000  }
0x181: {  	[tilespmem:s2], [sflag:$0x1] =	stream.linear.gather [hbm4b:s0+s2], $0xE000, $0x38;
	[tilespmem:$0x1C000] =	vst v63  }
0x182: {  	_ =	swait.ge [sflag:s16], $0xE000  }
0x183: {  	[sflag:s16] =	ssyncset.done $0x0  }
0x184: {  	s0 =	rddreg [dreg:$0xb];
	[sflag:s16] =	ssyncadd.s32 $0xFFFF2000  }
0x185: {  	[hbm4b:s0+s2] =	stream.linear.scatter [tilespmem:s14], [sflag:$0x4], $0xE000, $0x38;
	[tilespmem:$0x1C000] =	vst v63  }
0x186: {  	_ =	swait.ge [sflag:s11], $0xE000  }
0x187: {  	[sflag:s11] =	ssyncset.done $0x0  }
0x188: {  	s0 =	rddreg [dreg:$0xc];
	[sflag:s11] =	ssyncadd.s32 $0xFFFF2000  }
0x189: {  	[tilespmem:s14], [sflag:$0x2] =	stream.linear.gather [hbm4b:s0+s2], $0xE000, $0x38;
	[tilespmem:$0x1C000] =	vst v63  }
0x18a: {  	_ =	swait.ge [sflag:s17], $0xE000  }
0x18b: {  	[sflag:s17] =	ssyncset.done $0x0  }
0x18c: {  	s0 =	rddreg [dreg:$0xd];
	[sflag:s17] =	ssyncadd.s32 $0xFFFF2000  }
0x18d: {  	[hbm4b:s0+s2] =	stream.linear.scatter [tilespmem:s2], [sflag:$0x3], $0xE000, $0x38;
	[tilespmem:$0x1C000] =	vst v63  }
0x18e: {  	_ =	swait.ge [sflag:s12], $0xE000  }
0x18f: {  	[sflag:s12] =	ssyncset.done $0x0  }
0x190: {  	s0 =	rddreg [dreg:$0xe];
	[sflag:s12] =	ssyncadd.s32 $0xFFFF2000  }
0x191: {  	[tilespmem:s2], [sflag:$0x1] =	stream.linear.gather [hbm4b:s0+s2], $0xE000, $0x38;
	[tilespmem:$0x1C000] =	vst v63  }
0x192: {  	_ =	swait.ge [sflag:s16], $0xE000  }
0x193: {  	[sflag:s16] =	ssyncset.done $0x0  }
0x194: {  	s0 =	rddreg [dreg:$0xf];
	[sflag:s16] =	ssyncadd.s32 $0xFFFF2000  }
0x195: {  	[hbm4b:s0+s2] =	stream.linear.scatter [tilespmem:s14], [sflag:$0x4], $0xE000, $0x38;
	[tilespmem:$0x1C000] =	vst v63  }
0x196: {  	_ =	swait.ge [sflag:s11], $0xE000  }
0x197: {  	[sflag:s11] =	ssyncset.done $0x0  }
0x198: {  	s0 =	rddreg [dreg:$0x10];
	[sflag:s11] =	ssyncadd.s32 $0xFFFF2000  }
0x199: {  	[tilespmem:s14], [sflag:$0x2] =	stream.linear.gather [hbm4b:s0+s2], $0xE000, $0x38;
	[tilespmem:$0x1C000] =	vst v63  }
0x19a: {  	_ =	swait.ge [sflag:s17], $0xE000  }
0x19b: {  	[sflag:s17] =	ssyncset.done $0x0  }
0x19c: {  	s0 =	rddreg [dreg:$0x11];
	[sflag:s17] =	ssyncadd.s32 $0xFFFF2000  }
0x19d: {  	[hbm4b:s0+s2] =	stream.linear.scatter [tilespmem:s2], [sflag:$0x3], $0xE000, $0x38;
	[tilespmem:$0x1C000] =	vst v63  }
0x19e: {  	_ =	swait.ge [sflag:s12], $0xE000  }
0x19f: {  	[sflag:s12] =	ssyncset.done $0x0  }
0x1a0: {  	s0 =	rddreg [dreg:$0x12];
	[sflag:s12] =	ssyncadd.s32 $0xFFFF2000  }
0x1a1: {  	[tilespmem:s2], [sflag:$0x1] =	stream.linear.gather [hbm4b:s0+s2], $0xE000, $0x38;
	[tilespmem:$0x1C000] =	vst v63  }
0x1a2: {  	_ =	swait.ge [sflag:s16], $0xE000  }
0x1a3: {  	[sflag:s16] =	ssyncset.done $0x0  }
0x1a4: {  	s0 =	rddreg [dreg:$0x13];
	[sflag:s16] =	ssyncadd.s32 $0xFFFF2000  }
0x1a5: {  	[hbm4b:s0+s2] =	stream.linear.scatter [tilespmem:s14], [sflag:$0x4], $0xE000, $0x38;
	[tilespmem:$0x1C000] =	vst v63  }
0x1a6: {  	_ =	swait.ge [sflag:s11], $0xE000  }
0x1a7: {  	[sflag:s11] =	ssyncset.done $0x0  }
0x1a8: {  	s0 =	rddreg [dreg:$0x14];
	[sflag:s11] =	ssyncadd.s32 $0xFFFF2000  }
0x1a9: {  	[tilespmem:s14], [sflag:$0x2] =	stream.linear.gather [hbm4b:s0+s2], $0xE000, $0x38;
	[tilespmem:$0x1C000] =	vst v63  }
0x1aa: {  	_ =	swait.ge [sflag:s17], $0xE000  }
0x1ab: {  	[sflag:s17] =	ssyncset.done $0x0  }
0x1ac: {  	s0 =	rddreg [dreg:$0x15];
	[sflag:s17] =	ssyncadd.s32 $0xFFFF2000  }
0x1ad: {  	[hbm4b:s0+s2] =	stream.linear.scatter [tilespmem:s2], [sflag:$0x3], $0xE000, $0x38;
	[tilespmem:$0x1C000] =	vst v63  }
0x1ae: {  	_ =	swait.ge [sflag:s12], $0xE000  }
0x1af: {  	[sflag:s12] =	ssyncset.done $0x0  }
0x1b0: {  	s0 =	rddreg [dreg:$0x16];
	[sflag:s12] =	ssyncadd.s32 $0xFFFF2000  }
0x1b1: {  	[tilespmem:s2], [sflag:$0x1] =	stream.linear.gather [hbm4b:s0+s2], $0xE000, $0x38;
	[tilespmem:$0x1C000] =	vst v63  }
0x1b2: {  	_ =	swait.ge [sflag:s16], $0xE000  }
0x1b3: {  	[sflag:s16] =	ssyncset.done $0x0  }
0x1b4: {  	s0 =	rddreg [dreg:$0x17];
	[sflag:s16] =	ssyncadd.s32 $0xFFFF2000  }
0x1b5: {  	[hbm4b:s0+s2] =	stream.linear.scatter [tilespmem:s14], [sflag:$0x4], $0xE000, $0x38;
	[tilespmem:$0x1C000] =	vst v63  }
0x1b6: {  	_ =	swait.ge [sflag:s11], $0xE000  }
0x1b7: {  	[sflag:s11] =	ssyncset.done $0x0  }
0x1b8: {  	s0 =	rddreg [dreg:$0x18];
	[sflag:s11] =	ssyncadd.s32 $0xFFFF2000  }
0x1b9: {  	[tilespmem:s14], [sflag:$0x2] =	stream.linear.gather [hbm4b:s0+s2], $0xE000, $0x38;
	[tilespmem:$0x1C000] =	vst v63  }
0x1ba: {  	_ =	swait.ge [sflag:s17], $0xE000  }
0x1bb: {  	[sflag:s17] =	ssyncset.done $0x0  }
0x1bc: {  	s0 =	rddreg [dreg:$0x19];
	[sflag:s17] =	ssyncadd.s32 $0xFFFF2000  }
0x1bd: {  	[hbm4b:s0+s2] =	stream.linear.scatter [tilespmem:s2], [sflag:$0x3], $0xE000, $0x38;
	[tilespmem:$0x1C000] =	vst v63  }
0x1be: {  	_ =	swait.ge [sflag:s12], $0xE000  }
0x1bf: {  	[sflag:s12] =	ssyncset.done $0x0  }
0x1c0: {  	s0 =	rddreg [dreg:$0x1a];
	[sflag:s12] =	ssyncadd.s32 $0xFFFF2000  }
0x1c1: {  	[tilespmem:s2], [sflag:$0x1] =	stream.linear.gather [hbm4b:s0+s2], $0xE000, $0x38;
	[tilespmem:$0x1C000] =	vst v63  }
0x1c2: {  	_ =	swait.ge [sflag:s16], $0xE000  }
0x1c3: {  	[sflag:s16] =	ssyncset.done $0x0  }
0x1c4: {  	s0 =	rddreg [dreg:$0x1b];
	[sflag:s16] =	ssyncadd.s32 $0xFFFF2000  }
0x1c5: {  	[hbm4b:s0+s2] =	stream.linear.scatter [tilespmem:s14], [sflag:$0x4], $0xE000, $0x38;
	[tilespmem:$0x1C000] =	vst v63  }
0x1c6: {  	_ =	swait.ge [sflag:s11], $0xE000  }
0x1c7: {  	[sflag:s11] =	ssyncset.done $0x0  }
0x1c8: {  	[sflag:s11] =	ssyncadd.s32 $0xFFFF2000  }
0x1c9: {  	[tilespmem:s14], [sflag:$0x2] =	stream.linear.gather [hbm4b:s3+s2], $0xE000, $0x38;
	[tilespmem:$0x1C000] =	vst v63  }
0x1ca: {  	_ =	swait.ge [sflag:s17], $0xE000  }
0x1cb: {  	[sflag:s17] =	ssyncset.done $0x0  }
0x1cc: {  	[sflag:s17] =	ssyncadd.s32 $0xFFFF2000  }
0x1cd: {  	[hbm4b:s7+s2] =	stream.linear.scatter [tilespmem:s2], [sflag:$0x3], $0xE000, $0x38;
	[tilespmem:$0x1C000] =	vst v63  }
0x1ce: {  	_ =	swait.ge [sflag:s12], $0xE000  }
0x1cf: {  	[sflag:s12] =	ssyncset.done $0x0  }
0x1d0: {  	[sflag:s12] =	ssyncadd.s32 $0xFFFF2000  }
0x1d1: {  	[tilespmem:s2], [sflag:$0x1] =	stream.linear.gather [hbm4b:s5+s2], $0xE000, $0x38;
	[tilespmem:$0x1C000] =	vst v63  }
0x1d2: {  	_ =	swait.ge [sflag:s16], $0xE000  }
0x1d3: {  	[sflag:s16] =	ssyncset.done $0x0  }
0x1d4: {  	[sflag:s16] =	ssyncadd.s32 $0xFFFF2000  }
0x1d5: {  	[hbm4b:s4+s2] =	stream.linear.scatter [tilespmem:s14], [sflag:$0x4], $0xE000, $0x38;
	[tilespmem:$0x1C000] =	vst v63  }
0x1d6: {  	_ =	swait.ge [sflag:s11], $0xE000  }
0x1d7: {  	[sflag:s11] =	ssyncset.done $0x0  }
0x1d8: {  	[sflag:s11] =	ssyncadd.s32 $0xFFFF2000  }
0x1d9: {  	[tilespmem:s14], [sflag:$0x2] =	stream.linear.gather [hbm4b:s8+s2], $0xE000, $0x38;
	[tilespmem:$0x1C000] =	vst v63  }
0x1da: {  	_ =	swait.ge [sflag:s17], $0xE000  }
0x1db: {  	[sflag:s17] =	ssyncset.done $0x0  }
0x1dc: {  	[sflag:s17] =	ssyncadd.s32 $0xFFFF2000  }
0x1dd: {  	[hbm4b:s6+s2] =	stream.linear.scatter [tilespmem:s2], [sflag:$0x3], $0xE000, $0x38;
	[tilespmem:$0x1C000] =	vst v63  }
0x1de: {  	_ =	swait.ge [sflag:s12], $0xE000  }
0x1df: {  	[sflag:s12] =	ssyncset.done $0x0  }
0x1e0: {  	[sflag:s12] =	ssyncadd.s32 $0xFFFF2000  }
0x1e1: {  	[tilespmem:s2], [sflag:$0x1] =	stream.linear.gather [hbm4b:s23+s2], $0xE000, $0x38;
	[tilespmem:$0x1C000] =	vst v63  }
0x1e2: {  	_ =	swait.ge [sflag:s16], $0xE000  }
0x1e3: {  	[sflag:s16] =	ssyncset.done $0x0  }
0x1e4: {  	[sflag:s16] =	ssyncadd.s32 $0xFFFF2000  }
0x1e5: {  	[hbm4b:s22+s2] =	stream.linear.scatter [tilespmem:s14], [sflag:$0x4], $0xE000, $0x38;
	[tilespmem:$0x1C000] =	vst v63  }
0x1e6: {  	_ =	swait.ge [sflag:s11], $0xE000  }
0x1e7: {  	[sflag:s11] =	ssyncset.done $0x0  }
0x1e8: {  	[sflag:s11] =	ssyncadd.s32 $0xFFFF2000  }
0x1e9: {  	[tilespmem:s14], [sflag:$0x2] =	stream.linear.gather [hbm4b:s30+s2], $0xE000, $0x38;
	[tilespmem:$0x1C000] =	vst v63  }
0x1ea: {  	_ =	swait.ge [sflag:s17], $0xE000  }
0x1eb: {  	[sflag:s17] =	ssyncset.done $0x0  }
0x1ec: {  	[sflag:s17] =	ssyncadd.s32 $0xFFFF2000  }
0x1ed: {  	[hbm4b:s26+s2] =	stream.linear.scatter [tilespmem:s2], [sflag:$0x3], $0xE000, $0x38;
	[tilespmem:$0x1C000] =	vst v63  }
0x1ee: {  	_ =	swait.ge [sflag:s12], $0xE000  }
0x1ef: {  	[sflag:s12] =	ssyncset.done $0x0  }
0x1f0: {  	[sflag:s12] =	ssyncadd.s32 $0xFFFF2000  }
0x1f1: {  	[tilespmem:s2], [sflag:$0x1] =	stream.linear.gather [hbm4b:s31+s2], $0xE000, $0x38;
	[tilespmem:$0x1C000] =	vst v63  }
0x1f2: {  	_ =	swait.ge [sflag:s16], $0xE000  }
0x1f3: {  	[sflag:s16] =	ssyncset.done $0x0  }
0x1f4: {  	[sflag:s16] =	ssyncadd.s32 $0xFFFF2000  }
0x1f5: {  	[hbm4b:s28+s2] =	stream.linear.scatter [tilespmem:s14], [sflag:$0x4], $0xE000, $0x38;
	[tilespmem:$0x1C000] =	vst v63  }
0x1f6: {  	_ =	swait.ge [sflag:s11], $0xE000  }
0x1f7: {  	[sflag:s11] =	ssyncset.done $0x0  }
0x1f8: {  	[sflag:s11] =	ssyncadd.s32 $0xFFFF2000  }
0x1f9: {  	[tilespmem:s14], [sflag:$0x2] =	stream.linear.gather [hbm4b:s29+s2], $0xE000, $0x38;
	[tilespmem:$0x1C000] =	vst v63  }
0x1fa: {  	_ =	swait.ge [sflag:s17], $0xE000  }
0x1fb: {  	[sflag:s17] =	ssyncset.done $0x0  }
0x1fc: {  	[sflag:s17] =	ssyncadd.s32 $0xFFFF2000  }
0x1fd: {  	[hbm4b:s25+s2] =	stream.linear.scatter [tilespmem:s2], [sflag:$0x3], $0xE000, $0x38;
	[tilespmem:$0x1C000] =	vst v63  }
0x1fe: {  	_ =	swait.ge [sflag:s12], $0xE000  }
0x1ff: {  	[sflag:s12] =	ssyncset.done $0x0  }
0x200: {  	[sflag:s12] =	ssyncadd.s32 $0xFFFF2000  }
0x201: {  	[tilespmem:s2], [sflag:$0x1] =	stream.linear.gather [hbm4b:s24+s2], $0xE000, $0x38;
	[tilespmem:$0x1C000] =	vst v63  }
0x202: {  	_ =	swait.ge [sflag:s16], $0xE000  }
0x203: {  	[sflag:s16] =	ssyncset.done $0x0  }
0x204: {  	[sflag:s16] =	ssyncadd.s32 $0xFFFF2000  }
0x205: {  	[hbm4b:s20+s2] =	stream.linear.scatter [tilespmem:s14], [sflag:$0x4], $0xE000, $0x38;
	[tilespmem:$0x1C000] =	vst v63  }
0x206: {  	_ =	swait.ge [sflag:s11], $0xE000  }
0x207: {  	[sflag:s11] =	ssyncset.done $0x0  }
0x208: {  	[sflag:s11] =	ssyncadd.s32 $0xFFFF2000  }
0x209: {  	[tilespmem:s14], [sflag:$0x2] =	stream.linear.gather [hbm4b:s21+s2], $0xE000, $0x38;
	[tilespmem:$0x1C000] =	vst v63  }
0x20a: {  	_ =	swait.ge [sflag:s17], $0xE000  }
0x20b: {  	[sflag:s17] =	ssyncset.done $0x0  }
0x20c: {  	[sflag:s17] =	ssyncadd.s32 $0xFFFF2000  }
0x20d: {  	[hbm4b:s18+s2] =	stream.linear.scatter [tilespmem:s2], [sflag:$0x3], $0xE000, $0x38;
	[tilespmem:$0x1C000] =	vst v63  }
0x20e: {  	_ =	swait.ge [sflag:s12], $0xE000  }
0x20f: {  	[sflag:s12] =	ssyncset.done $0x0  }
0x210: {  	[sflag:s12] =	ssyncadd.s32 $0xFFFF2000  }
0x211: {  	[tilespmem:s2], [sflag:$0x1] =	stream.linear.gather [hbm4b:s19+s2], $0xE000, $0x38;
	[tilespmem:$0x1C000] =	vst v63  }
0x212: {  	_ =	swait.ge [sflag:s16], $0xE000  }
0x213: {  	[sflag:s16] =	ssyncset.done $0x0  }
0x214: {  	[sflag:s16] =	ssyncadd.s32 $0xFFFF2000  }
0x215: {  	[hbm4b:s15+s2] =	stream.linear.scatter [tilespmem:s14], [sflag:$0x4], $0xE000, $0x38;
	[tilespmem:$0x1C000] =	vst v63  }
0x216: {  	_ =	swait.ge [sflag:s11], $0xE000  }
0x217: {  	[sflag:s11] =	ssyncset.done $0x0  }
0x218: {  	[sflag:s11] =	ssyncadd.s32 $0xFFFF2000  }
0x219: {  	[tilespmem:s14], [sflag:$0x2] =	stream.linear.gather [hbm4b:s13+s2], $0xE000, $0x38;
	[tilespmem:$0x1C000] =	vst v63  }
0x21a: {  	_ =	swait.ge [sflag:s17], $0xE000  }
0x21b: {  	[sflag:s17] =	ssyncset.done $0x0  }
0x21c: {  	[sflag:s17] =	ssyncadd.s32 $0xFFFF2000  }
0x21d: {  	[hbm4b:s10+s2] =	stream.linear.scatter [tilespmem:s2], [sflag:$0x3], $0xE000, $0x38;
	[tilespmem:$0x1C000] =	vst v63  }
0x21e: {  	_ =	swait.ge [sflag:s16], $0xE000  }
0x21f: {  	[sflag:s16] =	ssyncset.done $0x0  }
0x220: {  	p1 =	sne.s32 s1, $0x1;
	[sflag:s16] =	ssyncadd.s32 $0xFFFF2000  }
0x221: {  	[hbm4b:s9+s2] =	stream.linear.scatter [tilespmem:s14], [sflag:$0x4], $0xE000, $0x38;
	[tilespmem:$0x1C000] =	vst v63  }
.Ltmp2:
0x222: {  	_ =	swait.ge [sflag:s12], $0xE000;
	(pc) =	sbr.rel @p1 .LBB2_2-.Ltmp2, $4  }
0x223: {  	[sflag:s12] =	ssyncset.done $0x0  }
0x224: {  	[sflag:s12] =	ssyncadd.s32 $0xFFFF2000  }
0x225: {  	_ =	swait.ge [sflag:s11], $0xE000  }
0x226: {  	s1 =	sadd.s32 $0xFFFFFFFF, s1;
	s0 =	rddreg [dreg:$0x3];
	[sflag:s11] =	ssyncset.done $0x0  }
.LBB2_3:
0x227: {  	[sflag:s11] =	ssyncadd.s32 @p0 $0xFFFF2000  }
0x228: {  	[tilespmem:s2], [sflag:$0x1] =	stream.linear.gather [hbm4b:s0+s2], $0xE000, $0x38;
	[tilespmem:$0x1C000] =	vst v63  }
0x229: {  	s1 =	rddreg [dreg:$0x4]  }
0x22a: {  	[tilespmem:s14], [sflag:$0x2] =	stream.linear.gather [hbm4b:s1+s2], $0xE000, $0x38;
	[tilespmem:$0x1C000] =	vst v63  }
0x22b: {  	_ =	swait.ge [sflag:s17], $0xE000  }
0x22c: {  	[sflag:s17] =	ssyncset.done $0x0  }
0x22d: {  	s1 =	rddreg [dreg:$0x5];
	[sflag:s17] =	ssyncadd.s32 $0xFFFF2000  }
0x22e: {  	[hbm4b:s1+s2] =	stream.linear.scatter [tilespmem:s2], [sflag:$0x3], $0xE000, $0x38;
	[tilespmem:$0x1C000] =	vst v63  }
0x22f: {  	_ =	swait.ge [sflag:s12], $0xE000  }
0x230: {  	[sflag:s12] =	ssyncset.done $0x0  }
0x231: {  	s1 =	rddreg [dreg:$0x6];
	[sflag:s12] =	ssyncadd.s32 $0xFFFF2000  }
0x232: {  	[tilespmem:s2], [sflag:$0x1] =	stream.linear.gather [hbm4b:s1+s2], $0xE000, $0x38;
	[tilespmem:$0x1C000] =	vst v63  }
0x233: {  	_ =	swait.ge [sflag:s16], $0xE000  }
0x234: {  	[sflag:s16] =	ssyncset.done $0x0  }
0x235: {  	s1 =	rddreg [dreg:$0x7];
	[sflag:s16] =	ssyncadd.s32 $0xFFFF2000  }
0x236: {  	[hbm4b:s1+s2] =	stream.linear.scatter [tilespmem:s14], [sflag:$0x4], $0xE000, $0x38;
	[tilespmem:$0x1C000] =	vst v63  }
0x237: {  	_ =	swait.ge [sflag:s11], $0xE000  }
0x238: {  	[sflag:s11] =	ssyncset.done $0x0  }
0x239: {  	s1 =	rddreg [dreg:$0x8];
	[sflag:s11] =	ssyncadd.s32 $0xFFFF2000  }
0x23a: {  	[tilespmem:s14], [sflag:$0x2] =	stream.linear.gather [hbm4b:s1+s2], $0xE000, $0x38;
	[tilespmem:$0x1C000] =	vst v63  }
0x23b: {  	_ =	swait.ge [sflag:s17], $0xE000  }
0x23c: {  	[sflag:s17] =	ssyncset.done $0x0  }
0x23d: {  	s1 =	rddreg [dreg:$0x9];
	[sflag:s17] =	ssyncadd.s32 $0xFFFF2000  }
0x23e: {  	[hbm4b:s1+s2] =	stream.linear.scatter [tilespmem:s2], [sflag:$0x3], $0xE000, $0x38;
	[tilespmem:$0x1C000] =	vst v63  }
0x23f: {  	_ =	swait.ge [sflag:s12], $0xE000  }
0x240: {  	[sflag:s12] =	ssyncset.done $0x0  }
0x241: {  	s1 =	rddreg [dreg:$0xa];
	[sflag:s12] =	ssyncadd.s32 $0xFFFF2000  }
0x242: {  	[tilespmem:s2], [sflag:$0x1] =	stream.linear.gather [hbm4b:s1+s2], $0xE000, $0x38;
	[tilespmem:$0x1C000] =	vst v63  }
0x243: {  	_ =	swait.ge [sflag:s16], $0xE000  }
0x244: {  	[sflag:s16] =	ssyncset.done $0x0  }
0x245: {  	s1 =	rddreg [dreg:$0xb];
	[sflag:s16] =	ssyncadd.s32 $0xFFFF2000  }
0x246: {  	[hbm4b:s1+s2] =	stream.linear.scatter [tilespmem:s14], [sflag:$0x4], $0xE000, $0x38;
	[tilespmem:$0x1C000] =	vst v63  }
0x247: {  	_ =	swait.ge [sflag:s11], $0xE000  }
0x248: {  	[sflag:s11] =	ssyncset.done $0x0  }
0x249: {  	s1 =	rddreg [dreg:$0xc];
	[sflag:s11] =	ssyncadd.s32 $0xFFFF2000  }
0x24a: {  	[tilespmem:s14], [sflag:$0x2] =	stream.linear.gather [hbm4b:s1+s2], $0xE000, $0x38;
	[tilespmem:$0x1C000] =	vst v63  }
0x24b: {  	_ =	swait.ge [sflag:s17], $0xE000  }
0x24c: {  	[sflag:s17] =	ssyncset.done $0x0  }
0x24d: {  	s1 =	rddreg [dreg:$0xd];
	[sflag:s17] =	ssyncadd.s32 $0xFFFF2000  }
0x24e: {  	[hbm4b:s1+s2] =	stream.linear.scatter [tilespmem:s2], [sflag:$0x3], $0xE000, $0x38;
	[tilespmem:$0x1C000] =	vst v63  }
0x24f: {  	_ =	swait.ge [sflag:s12], $0xE000  }
0x250: {  	[sflag:s12] =	ssyncset.done $0x0  }
0x251: {  	s1 =	rddreg [dreg:$0xe];
	[sflag:s12] =	ssyncadd.s32 $0xFFFF2000  }
0x252: {  	[tilespmem:s2], [sflag:$0x1] =	stream.linear.gather [hbm4b:s1+s2], $0xE000, $0x38;
	[tilespmem:$0x1C000] =	vst v63  }
0x253: {  	_ =	swait.ge [sflag:s16], $0xE000  }
0x254: {  	[sflag:s16] =	ssyncset.done $0x0  }
0x255: {  	s1 =	rddreg [dreg:$0xf];
	[sflag:s16] =	ssyncadd.s32 $0xFFFF2000  }
0x256: {  	[hbm4b:s1+s2] =	stream.linear.scatter [tilespmem:s14], [sflag:$0x4], $0xE000, $0x38;
	[tilespmem:$0x1C000] =	vst v63  }
0x257: {  	_ =	swait.ge [sflag:s11], $0xE000  }
0x258: {  	[sflag:s11] =	ssyncset.done $0x0  }
0x259: {  	s1 =	rddreg [dreg:$0x10];
	[sflag:s11] =	ssyncadd.s32 $0xFFFF2000  }
0x25a: {  	[tilespmem:s14], [sflag:$0x2] =	stream.linear.gather [hbm4b:s1+s2], $0xE000, $0x38;
	[tilespmem:$0x1C000] =	vst v63  }
0x25b: {  	_ =	swait.ge [sflag:s17], $0xE000  }
0x25c: {  	[sflag:s17] =	ssyncset.done $0x0  }
0x25d: {  	s1 =	rddreg [dreg:$0x11];
	[sflag:s17] =	ssyncadd.s32 $0xFFFF2000  }
0x25e: {  	[hbm4b:s1+s2] =	stream.linear.scatter [tilespmem:s2], [sflag:$0x3], $0xE000, $0x38;
	[tilespmem:$0x1C000] =	vst v63  }
0x25f: {  	_ =	swait.ge [sflag:s12], $0xE000  }
0x260: {  	[sflag:s12] =	ssyncset.done $0x0  }
0x261: {  	s1 =	rddreg [dreg:$0x12];
	[sflag:s12] =	ssyncadd.s32 $0xFFFF2000  }
0x262: {  	[tilespmem:s2], [sflag:$0x1] =	stream.linear.gather [hbm4b:s1+s2], $0xE000, $0x38;
	[tilespmem:$0x1C000] =	vst v63  }
0x263: {  	_ =	swait.ge [sflag:s16], $0xE000  }
0x264: {  	[sflag:s16] =	ssyncset.done $0x0  }
0x265: {  	s1 =	rddreg [dreg:$0x13];
	[sflag:s16] =	ssyncadd.s32 $0xFFFF2000  }
0x266: {  	[hbm4b:s1+s2] =	stream.linear.scatter [tilespmem:s14], [sflag:$0x4], $0xE000, $0x38;
	[tilespmem:$0x1C000] =	vst v63  }
0x267: {  	_ =	swait.ge [sflag:s11], $0xE000  }
0x268: {  	[sflag:s11] =	ssyncset.done $0x0  }
0x269: {  	s1 =	rddreg [dreg:$0x14];
	[sflag:s11] =	ssyncadd.s32 $0xFFFF2000  }
0x26a: {  	[tilespmem:s14], [sflag:$0x2] =	stream.linear.gather [hbm4b:s1+s2], $0xE000, $0x38;
	[tilespmem:$0x1C000] =	vst v63  }
0x26b: {  	_ =	swait.ge [sflag:s17], $0xE000  }
0x26c: {  	[sflag:s17] =	ssyncset.done $0x0  }
0x26d: {  	s1 =	rddreg [dreg:$0x15];
	[sflag:s17] =	ssyncadd.s32 $0xFFFF2000  }
0x26e: {  	[hbm4b:s1+s2] =	stream.linear.scatter [tilespmem:s2], [sflag:$0x3], $0xE000, $0x38;
	[tilespmem:$0x1C000] =	vst v63  }
0x26f: {  	_ =	swait.ge [sflag:s12], $0xE000  }
0x270: {  	[sflag:s12] =	ssyncset.done $0x0  }
0x271: {  	s1 =	rddreg [dreg:$0x16];
	[sflag:s12] =	ssyncadd.s32 $0xFFFF2000  }
0x272: {  	[tilespmem:s2], [sflag:$0x1] =	stream.linear.gather [hbm4b:s1+s2], $0xE000, $0x38;
	[tilespmem:$0x1C000] =	vst v63  }
0x273: {  	_ =	swait.ge [sflag:s16], $0xE000  }
0x274: {  	[sflag:s16] =	ssyncset.done $0x0  }
0x275: {  	s1 =	rddreg [dreg:$0x17];
	[sflag:s16] =	ssyncadd.s32 $0xFFFF2000  }
0x276: {  	[hbm4b:s1+s2] =	stream.linear.scatter [tilespmem:s14], [sflag:$0x4], $0xE000, $0x38;
	[tilespmem:$0x1C000] =	vst v63  }
0x277: {  	_ =	swait.ge [sflag:s11], $0xE000  }
0x278: {  	[sflag:s11] =	ssyncset.done $0x0  }
0x279: {  	s1 =	rddreg [dreg:$0x18];
	[sflag:s11] =	ssyncadd.s32 $0xFFFF2000  }
0x27a: {  	[tilespmem:s14], [sflag:$0x2] =	stream.linear.gather [hbm4b:s1+s2], $0xE000, $0x38;
	[tilespmem:$0x1C000] =	vst v63  }
0x27b: {  	_ =	swait.ge [sflag:s17], $0xE000  }
0x27c: {  	[sflag:s17] =	ssyncset.done $0x0  }
0x27d: {  	s1 =	rddreg [dreg:$0x19];
	[sflag:s17] =	ssyncadd.s32 $0xFFFF2000  }
0x27e: {  	[hbm4b:s1+s2] =	stream.linear.scatter [tilespmem:s2], [sflag:$0x3], $0xE000, $0x38;
	[tilespmem:$0x1C000] =	vst v63  }
0x27f: {  	_ =	swait.ge [sflag:s12], $0xE000  }
0x280: {  	[sflag:s12] =	ssyncset.done $0x0  }
0x281: {  	s1 =	rddreg [dreg:$0x1a];
	[sflag:s12] =	ssyncadd.s32 $0xFFFF2000  }
0x282: {  	[tilespmem:s2], [sflag:$0x1] =	stream.linear.gather [hbm4b:s1+s2], $0xE000, $0x38;
	[tilespmem:$0x1C000] =	vst v63  }
0x283: {  	_ =	swait.ge [sflag:s16], $0xE000  }
0x284: {  	[sflag:s16] =	ssyncset.done $0x0  }
0x285: {  	s1 =	rddreg [dreg:$0x1b];
	[sflag:s16] =	ssyncadd.s32 $0xFFFF2000  }
0x286: {  	[hbm4b:s1+s2] =	stream.linear.scatter [tilespmem:s14], [sflag:$0x4], $0xE000, $0x38;
	[tilespmem:$0x1C000] =	vst v63  }
0x287: {  	_ =	swait.ge [sflag:s11], $0xE000  }
0x288: {  	[sflag:s11] =	ssyncset.done $0x0  }
0x289: {  	[sflag:s11] =	ssyncadd.s32 $0xFFFF2000  }
0x28a: {  	[tilespmem:s14], [sflag:$0x2] =	stream.linear.gather [hbm4b:s3+s2], $0xE000, $0x38;
	[tilespmem:$0x1C000] =	vst v63  }
0x28b: {  	_ =	swait.ge [sflag:s17], $0xE000  }
0x28c: {  	[sflag:s17] =	ssyncset.done $0x0  }
0x28d: {  	[sflag:s17] =	ssyncadd.s32 $0xFFFF2000  }
0x28e: {  	[hbm4b:s7+s2] =	stream.linear.scatter [tilespmem:s2], [sflag:$0x3], $0xE000, $0x38;
	[tilespmem:$0x1C000] =	vst v63  }
0x28f: {  	_ =	swait.ge [sflag:s12], $0xE000  }
0x290: {  	[sflag:s12] =	ssyncset.done $0x0  }
0x291: {  	[sflag:s12] =	ssyncadd.s32 $0xFFFF2000  }
0x292: {  	[tilespmem:s2], [sflag:$0x1] =	stream.linear.gather [hbm4b:s5+s2], $0xE000, $0x38;
	[tilespmem:$0x1C000] =	vst v63  }
0x293: {  	_ =	swait.ge [sflag:s16], $0xE000  }
0x294: {  	[sflag:s16] =	ssyncset.done $0x0  }
0x295: {  	[sflag:s16] =	ssyncadd.s32 $0xFFFF2000  }
0x296: {  	[hbm4b:s4+s2] =	stream.linear.scatter [tilespmem:s14], [sflag:$0x4], $0xE000, $0x38;
	[tilespmem:$0x1C000] =	vst v63  }
0x297: {  	_ =	swait.ge [sflag:s11], $0xE000  }
0x298: {  	[sflag:s11] =	ssyncset.done $0x0  }
0x299: {  	[sflag:s11] =	ssyncadd.s32 $0xFFFF2000  }
0x29a: {  	[tilespmem:s14], [sflag:$0x2] =	stream.linear.gather [hbm4b:s8+s2], $0xE000, $0x38;
	[tilespmem:$0x1C000] =	vst v63  }
0x29b: {  	_ =	swait.ge [sflag:s17], $0xE000  }
0x29c: {  	[sflag:s17] =	ssyncset.done $0x0  }
0x29d: {  	[sflag:s17] =	ssyncadd.s32 $0xFFFF2000  }
0x29e: {  	[hbm4b:s6+s2] =	stream.linear.scatter [tilespmem:s2], [sflag:$0x3], $0xE000, $0x38;
	[tilespmem:$0x1C000] =	vst v63  }
0x29f: {  	_ =	swait.ge [sflag:s12], $0xE000  }
0x2a0: {  	[sflag:s12] =	ssyncset.done $0x0  }
0x2a1: {  	[sflag:s12] =	ssyncadd.s32 $0xFFFF2000  }
0x2a2: {  	[tilespmem:s2], [sflag:$0x1] =	stream.linear.gather [hbm4b:s23+s2], $0xE000, $0x38;
	[tilespmem:$0x1C000] =	vst v63  }
0x2a3: {  	_ =	swait.ge [sflag:s16], $0xE000  }
0x2a4: {  	[sflag:s16] =	ssyncset.done $0x0  }
0x2a5: {  	[sflag:s16] =	ssyncadd.s32 $0xFFFF2000  }
0x2a6: {  	[hbm4b:s22+s2] =	stream.linear.scatter [tilespmem:s14], [sflag:$0x4], $0xE000, $0x38;
	[tilespmem:$0x1C000] =	vst v63  }
0x2a7: {  	_ =	swait.ge [sflag:s11], $0xE000  }
0x2a8: {  	[sflag:s11] =	ssyncset.done $0x0  }
0x2a9: {  	[sflag:s11] =	ssyncadd.s32 $0xFFFF2000  }
0x2aa: {  	[tilespmem:s14], [sflag:$0x2] =	stream.linear.gather [hbm4b:s30+s2], $0xE000, $0x38;
	[tilespmem:$0x1C000] =	vst v63  }
0x2ab: {  	_ =	swait.ge [sflag:s17], $0xE000  }
0x2ac: {  	[sflag:s17] =	ssyncset.done $0x0  }
0x2ad: {  	[sflag:s17] =	ssyncadd.s32 $0xFFFF2000  }
0x2ae: {  	[hbm4b:s26+s2] =	stream.linear.scatter [tilespmem:s2], [sflag:$0x3], $0xE000, $0x38;
	[tilespmem:$0x1C000] =	vst v63  }
0x2af: {  	_ =	swait.ge [sflag:s12], $0xE000  }
0x2b0: {  	[sflag:s12] =	ssyncset.done $0x0  }
0x2b1: {  	[sflag:s12] =	ssyncadd.s32 $0xFFFF2000  }
0x2b2: {  	[tilespmem:s2], [sflag:$0x1] =	stream.linear.gather [hbm4b:s31+s2], $0xE000, $0x38;
	[tilespmem:$0x1C000] =	vst v63  }
0x2b3: {  	_ =	swait.ge [sflag:s16], $0xE000  }
0x2b4: {  	[sflag:s16] =	ssyncset.done $0x0  }
0x2b5: {  	[sflag:s16] =	ssyncadd.s32 $0xFFFF2000  }
0x2b6: {  	[hbm4b:s28+s2] =	stream.linear.scatter [tilespmem:s14], [sflag:$0x4], $0xE000, $0x38;
	[tilespmem:$0x1C000] =	vst v63  }
0x2b7: {  	_ =	swait.ge [sflag:s11], $0xE000  }
0x2b8: {  	[sflag:s11] =	ssyncset.done $0x0  }
0x2b9: {  	[sflag:s11] =	ssyncadd.s32 $0xFFFF2000  }
0x2ba: {  	[tilespmem:s14], [sflag:$0x2] =	stream.linear.gather [hbm4b:s29+s2], $0xE000, $0x38;
	[tilespmem:$0x1C000] =	vst v63  }
0x2bb: {  	_ =	swait.ge [sflag:s17], $0xE000  }
0x2bc: {  	[sflag:s17] =	ssyncset.done $0x0  }
0x2bd: {  	[sflag:s17] =	ssyncadd.s32 $0xFFFF2000  }
0x2be: {  	[hbm4b:s25+s2] =	stream.linear.scatter [tilespmem:s2], [sflag:$0x3], $0xE000, $0x38;
	[tilespmem:$0x1C000] =	vst v63  }
0x2bf: {  	_ =	swait.ge [sflag:s12], $0xE000  }
0x2c0: {  	[sflag:s12] =	ssyncset.done $0x0  }
0x2c1: {  	[sflag:s12] =	ssyncadd.s32 $0xFFFF2000  }
0x2c2: {  	[tilespmem:s2], [sflag:$0x1] =	stream.linear.gather [hbm4b:s24+s2], $0xE000, $0x38;
	[tilespmem:$0x1C000] =	vst v63  }
0x2c3: {  	_ =	swait.ge [sflag:s16], $0xE000  }
0x2c4: {  	[sflag:s16] =	ssyncset.done $0x0  }
0x2c5: {  	[sflag:s16] =	ssyncadd.s32 $0xFFFF2000  }
0x2c6: {  	[hbm4b:s20+s2] =	stream.linear.scatter [tilespmem:s14], [sflag:$0x4], $0xE000, $0x38;
	[tilespmem:$0x1C000] =	vst v63  }
0x2c7: {  	_ =	swait.ge [sflag:s11], $0xE000  }
0x2c8: {  	[sflag:s11] =	ssyncset.done $0x0  }
0x2c9: {  	[sflag:s11] =	ssyncadd.s32 $0xFFFF2000  }
0x2ca: {  	[tilespmem:s14], [sflag:$0x2] =	stream.linear.gather [hbm4b:s21+s2], $0xE000, $0x38;
	[tilespmem:$0x1C000] =	vst v63  }
0x2cb: {  	_ =	swait.ge [sflag:s17], $0xE000  }
0x2cc: {  	[sflag:s17] =	ssyncset.done $0x0  }
0x2cd: {  	[sflag:s17] =	ssyncadd.s32 $0xFFFF2000  }
0x2ce: {  	[hbm4b:s18+s2] =	stream.linear.scatter [tilespmem:s2], [sflag:$0x3], $0xE000, $0x38;
	[tilespmem:$0x1C000] =	vst v63  }
0x2cf: {  	_ =	swait.ge [sflag:s12], $0xE000  }
0x2d0: {  	[sflag:s12] =	ssyncset.done $0x0  }
0x2d1: {  	[sflag:s12] =	ssyncadd.s32 $0xFFFF2000  }
0x2d2: {  	[tilespmem:s2], [sflag:$0x1] =	stream.linear.gather [hbm4b:s19+s2], $0xE000, $0x38;
	[tilespmem:$0x1C000] =	vst v63  }
0x2d3: {  	_ =	swait.ge [sflag:s16], $0xE000  }
0x2d4: {  	[sflag:s16] =	ssyncset.done $0x0  }
0x2d5: {  	[sflag:s16] =	ssyncadd.s32 $0xFFFF2000  }
0x2d6: {  	[hbm4b:s15+s2] =	stream.linear.scatter [tilespmem:s14], [sflag:$0x4], $0xE000, $0x38;
	[tilespmem:$0x1C000] =	vst v63  }
0x2d7: {  	_ =	swait.ge [sflag:s11], $0xE000  }
0x2d8: {  	[sflag:s11] =	ssyncset.done $0x0  }
0x2d9: {  	[sflag:s11] =	ssyncadd.s32 $0xFFFF2000  }
0x2da: {  	[tilespmem:s14], [sflag:$0x2] =	stream.linear.gather [hbm4b:s13+s2], $0xE000, $0x38;
	[tilespmem:$0x1C000] =	vst v63  }
0x2db: {  	_ =	swait.ge [sflag:s17], $0xE000  }
0x2dc: {  	[sflag:s17] =	ssyncset.done $0x0  }
0x2dd: {  	[sflag:s17] =	ssyncadd.s32 $0xFFFF2000  }
0x2de: {  	[hbm4b:s10+s2] =	stream.linear.scatter [tilespmem:s2], [sflag:$0x3], $0xE000, $0x38;
	[tilespmem:$0x1C000] =	vst v63  }
0x2df: {  	_ =	swait.ge [sflag:s16], $0xE000  }
0x2e0: {  	[sflag:s16] =	ssyncset.done $0x0  }
0x2e1: {  	[sflag:s16] =	ssyncadd.s32 $0xFFFF2000  }
0x2e2: {  	[hbm4b:s9+s2] =	stream.linear.scatter [tilespmem:s14], [sflag:$0x4], $0xE000, $0x38;
	[tilespmem:$0x1C000] =	vst v63  }
0x2e3: {  	_ =	swait.ge [sflag:s12], $0xE000  }
0x2e4: {  	[sflag:s12] =	ssyncset.done $0x0  }
0x2e5: {  	[sflag:s12] =	ssyncadd.s32 $0xFFFF2000  }
0x2e6: {  	_ =	swait.ge [sflag:s11], $0xE000  }
0x2e7: {  	[sflag:s11] =	ssyncset.done $0x0  }
0x2e8: {  	[sflag:s11] =	ssyncadd.s32 $0xFFFF2000  }
0x2e9: {  	_ =	sfence.sel $0x180000  }
0x2ea: {  	[bflag:$0x0] =	sbarrier.arrive $0xFFFF  }
0x2eb: {  	_ =	strace $0x90000047  }
0x2ec: {  	s31 =	stileid.u32;
	[bflag:$0x2] =	sbarrier.arrive $0xFFFF  }
0x2ed: {  	p0 =	sne.s32 s31, $0x0;
	s0 =	rddreg [dreg:$0x2]  }
0x2ee: {  	s0 =	sadd.s32 @!p0 $0x100000, s0  }
0x2ef: {  	[sflag:s0] =	ssyncadd.tile.s32 @!p0 $0x1;
	_ =	shalt  }
.Lfunc_end2:
_tile_overlayer_lowered:
.L_overlay_start_2:
0x2f0: {  	(tag) =	ssettag $0x2  }
0x2f1: {  	s0 =	rddreg [dreg:$0x0];
	s2 =	stileid.u32  }
0x2f2: {  	s1 =	rddreg [dreg:$0x1];
	p0 =	sne.s32 s2, $0x0  }
0x2f3: {  	s3 =	rddreg [dreg:$0x2];
	[bflag:$0x3] =	sbarrier.arrive $0xFFFF;
	s2 =	simm.s32 @!p0 $0x1C05  }
0x2f4: {  	[timem:s3], [sflag:s2] =	dma.local @!p0 [hbm:s0], s1  }
0x2f5: {  	s0 =	simm.s32 @!p0 $0x5  }
0x2f6: {  	_ =	swait.ge @!p0 [sflag:s0], s1  }
0x2f7: {  	s1 =	ssub.s32 @!p0 $0x0, s1;
	[sflag:s0] =	ssyncset.done @!p0 $0x0  }
0x2f8: {  	[sflag:s0] =	ssyncadd.s32 @!p0 s1  }
0x2f9: {  	[bflag:$0x3] =	sbarrier.arrive $0xFFFF  }
0x2fa: {  	_ =	shalt  }

</sc_bundles>
